<compile_context>
chip_gen: v7x
topology: tpu7x:2x2x1
jax: 0.10.2.dev20260603
libtpu: 0.0.44.dev20260713+nightly
codegen_flags: <defaults>
</compile_context>

<pallas_src>
import jax
import jax.numpy as jnp
from jax import lax
from jax.experimental import pallas as pl
from jax.experimental.pallas import tpu as pltpu
from jax.experimental.pallas import tpu_sc as plsc

VOCAB = 100000
DIM = 100
B = 1024
L = 200

NC = 2
NS = 16
LANES = 16
NW = NC * NS
ROWS_PER_W = B // NW
HALF = 104
T_PAD = 2 * HALF
NEG_BIG = -1e30
DIM_PAD = 128

OFFS = (0, 16, 32, 48, 64, 80, 84)
NCHUNK = len(OFFS)
IDX_OFFS = (0, 16, 32, 48, 64, 80, 88)


def _pad_table(table):
    eye = (jnp.arange(DIM)[:, None] == jnp.arange(DIM_PAD)[None, :])
    return lax.dot(table, eye.astype(jnp.float32))


def _sc_body(packed_ref, order_ref, embed_ref, weight_ref, bias_ref,
             out_ref, order_v, idx_v, d_lo, d_hi, emb_buf, w_buf, p_buf,
             bias_v, out_buf, sem_d, sem_g):
    wid = lax.axis_index("s") * NC + lax.axis_index("c")
    base = wid * ROWS_PER_W

    pltpu.sync_copy(order_ref.at[pl.ds(base, ROWS_PER_W)],
                    order_v.at[pl.ds(0, ROWS_PER_W)])
    pltpu.sync_copy(bias_ref, bias_v)

    lane = lax.iota(jnp.int32, LANES)
    bias_chunks = [bias_v[pl.ds(off, LANES)] for off in OFFS]
    last_row = ROWS_PER_W - 1

    def build_idx_issue_d(r, par):
        ob = order_v[pl.ds(r, LANES)][0]
        for off in IDX_OFFS:
            t_lo = lane + off
            t_hi = jnp.minimum(t_lo + HALF, L - 1)
            idx_v[2 * par, pl.ds(off, LANES)] = ob + B * t_lo
            idx_v[2 * par + 1, pl.ds(off, LANES)] = ob + B * t_hi
        pltpu.async_copy(packed_ref.at[idx_v.at[2 * par]], d_lo.at[par],
                         sem_d.at[par])
        pltpu.async_copy(packed_ref.at[idx_v.at[2 * par + 1]], d_hi.at[par],
                         sem_d.at[par])

    def wait_d(par):
        pltpu.make_async_copy(packed_ref.at[idx_v.at[2 * par]],
                              d_lo.at[par], sem_d.at[par]).wait()
        pltpu.make_async_copy(packed_ref.at[idx_v.at[2 * par + 1]],
                              d_hi.at[par], sem_d.at[par]).wait()

    def issue_gathers(par):
        pltpu.async_copy(weight_ref.at[d_lo.at[par]],
                         w_buf.at[par, pl.ds(0, HALF)], sem_g.at[par])
        pltpu.async_copy(weight_ref.at[d_hi.at[par]],
                         w_buf.at[par, pl.ds(HALF, HALF)], sem_g.at[par])
        pltpu.async_copy(embed_ref.at[d_lo.at[par]],
                         emb_buf.at[par, pl.ds(0, HALF)], sem_g.at[par])
        pltpu.async_copy(embed_ref.at[d_hi.at[par]],
                         emb_buf.at[par, pl.ds(HALF, HALF)], sem_g.at[par])

    def wait_gathers(par):
        pltpu.make_async_copy(weight_ref.at[d_lo.at[par]],
                              w_buf.at[par, pl.ds(0, HALF)],
                              sem_g.at[par]).wait()
        pltpu.make_async_copy(weight_ref.at[d_hi.at[par]],
                              w_buf.at[par, pl.ds(HALF, HALF)],
                              sem_g.at[par]).wait()
        pltpu.make_async_copy(embed_ref.at[d_lo.at[par]],
                              emb_buf.at[par, pl.ds(0, HALF)],
                              sem_g.at[par]).wait()
        pltpu.make_async_copy(embed_ref.at[d_hi.at[par]],
                              emb_buf.at[par, pl.ds(HALF, HALF)],
                              sem_g.at[par]).wait()

    def compute_row(r, par):
        w_vecs = []
        for j in range(T_PAD // LANES):
            wv = w_buf[par, pl.ds(j * LANES, LANES)]
            tv = lane + (j * LANES)
            w_vecs.append(jnp.where(tv < L, wv, NEG_BIG))
        m_vec = w_vecs[0]
        for wv in w_vecs[1:]:
            m_vec = jnp.maximum(m_vec, wv)
        m = jnp.max(m_vec)
        s_vec = jnp.zeros((LANES,), jnp.float32)
        for j, wv in enumerate(w_vecs):
            ev = jnp.exp(wv - m)
            p_buf[pl.ds(j * LANES, LANES)] = ev
            s_vec = s_vec + ev
        s = jnp.sum(s_vec)

        def acc_step(g, accs):
            t0 = g * LANES
            p_vec = p_buf[pl.ds(t0, LANES)]
            accs = list(accs)
            for i in range(LANES):
                pt = p_vec[i]
                for j, off in enumerate(OFFS):
                    accs[j] = accs[j] + pt * emb_buf[par, t0 + i,
                                                     pl.ds(off, LANES)]
            return tuple(accs)

        zero = jnp.zeros((LANES,), jnp.float32)
        accs = lax.fori_loop(0, T_PAD // LANES, acc_step, (zero,) * NCHUNK)

        nsq_vec = jnp.zeros((LANES,), jnp.float32)
        for j in range(NCHUNK - 1):
            nsq_vec = nsq_vec + accs[j] * accs[j]
        tail_sq = jnp.where(lane >= 12, accs[-1] * accs[-1], 0.0)
        nsq_vec = nsq_vec + tail_sq
        nsq = jnp.maximum(jnp.sum(nsq_vec), 1e-30)
        bits = lax.bitcast_convert_type(nsq, jnp.int32)
        y = lax.bitcast_convert_type(0x5F3759DF - (bits >> 1), jnp.float32)
        for _ in range(4):
            y = y * (1.5 - 0.5 * nsq * y * y)
        norm = nsq * y
        den_vec = jnp.full((LANES,), norm + 1e-4 * s, jnp.float32)
        inv_vec = 1.0 / den_vec
        for j, off in enumerate(OFFS):
            out_buf[r, pl.ds(off, LANES)] = (accs[j] * inv_vec
                                             + bias_chunks[j])

    build_idx_issue_d(0, 0)
    wait_d(0)
    issue_gathers(0)
    build_idx_issue_d(jnp.minimum(1, last_row), 1)

    def process(r, par):
        nxt = 1 - par
        wait_d(nxt)
        issue_gathers(nxt)
        wait_gathers(par)
        build_idx_issue_d(jnp.minimum(r + 2, last_row), par)
        compute_row(r, par)

    def pair_step(i, carry):
        process(2 * i, 0)
        process(2 * i + 1, 1)
        return carry

    lax.fori_loop(0, ROWS_PER_W // 2, pair_step, 0)
    wait_d(1)
    wait_gathers(0)
    pltpu.sync_copy(out_buf, out_ref.at[pl.ds(base, ROWS_PER_W)])


@jax.jit
def _encode(packed_i32, order_i32, embed_pad, weight_flat, bias):
    mesh = plsc.VectorSubcoreMesh(core_axis_name="c", subcore_axis_name="s")
    run = pl.kernel(
        _sc_body,
        out_type=jax.ShapeDtypeStruct((B, DIM_PAD), jnp.float32),
        mesh=mesh,
        scratch_types=[
            pltpu.VMEM((ROWS_PER_W + LANES,), jnp.int32),
            pltpu.VMEM((4, HALF), jnp.int32),
            pltpu.VMEM((2, HALF), jnp.int32),
            pltpu.VMEM((2, HALF), jnp.int32),
            pltpu.VMEM((2, T_PAD, DIM_PAD), jnp.float32),
            pltpu.VMEM((2, T_PAD), jnp.float32),
            pltpu.VMEM((T_PAD,), jnp.float32),
            pltpu.VMEM((DIM,), jnp.float32),
            pltpu.VMEM((ROWS_PER_W, DIM_PAD), jnp.float32),
            pltpu.SemaphoreType.DMA((2,)),
            pltpu.SemaphoreType.DMA((2,)),
        ],
        compiler_params=pltpu.CompilerParams(
            needs_layout_passes=False, use_tc_tiling_on_sc=False),
    )
    return run(packed_i32, order_i32, embed_pad, weight_flat, bias)[:, :DIM]


def kernel(packed_data, batch_sizes, order, embed_table, weight_table, bias):
    del batch_sizes
    packed_i32 = packed_data.astype(jnp.int32)
    order_i32 = order.astype(jnp.int32)
    weight_flat = weight_table.reshape((VOCAB,))
    embed_pad = _pad_table(embed_table)
    return _encode(packed_i32, order_i32, embed_pad, weight_flat,
                   bias.astype(jnp.float32))

# --- scband reference (transcript-rebuilt; emitter-appended) ---
"""Pipeline reference for scband-document-encoder-47682726921024 (READ-ONLY COPY).

The authoritative reference and input builder live on the scoring server;
editing this copy changes nothing except your own understanding.
"""

import jax, jax.numpy as jnp
import numpy as np

VOCAB = 100000
DIM = 100
B = 1024
L = 200


def setup_inputs(seed: int = 0) -> dict:
    key = jax.random.key(seed)
    k1, k2, k3, k4, k5 = jax.random.split(key, 5)
    packed_data = jax.random.randint(k1, (B * L,), 0, VOCAB)
    batch_sizes = jnp.full((L,), B, dtype=jnp.int32)
    order = jax.random.permutation(k2, B)
    embed_table = jax.random.normal(k3, (VOCAB, DIM), dtype=jnp.float32) * 0.02
    weight_table = jax.random.normal(k4, (VOCAB, 1), dtype=jnp.float32) * 0.02
    bias = jax.random.normal(k5, (DIM,), dtype=jnp.float32)
    return {
        "packed_data": packed_data,
        "batch_sizes": batch_sizes,
        "order": order,
        "embed_table": embed_table,
        "weight_table": weight_table,
        "bias": bias,
    }


def _pad_packed(packed_data, batch_sizes, padding_value=1):
    # Emulates torch pad_packed_sequence(batch_first=True).
    # packed_data is time-major: timestep t holds batch_sizes[t] entries.
    max_t = batch_sizes.shape[0]
    max_b = packed_data.shape[0] // max_t
    bs = batch_sizes.astype(jnp.int32)
    offsets = jnp.concatenate([jnp.zeros((1,), dtype=jnp.int32), jnp.cumsum(bs)[:-1]])
    rows = jnp.arange(max_b, dtype=jnp.int32)
    idx = offsets[None, :] + rows[:, None]                 # [max_b, max_t]
    valid = rows[:, None] < bs[None, :]                    # [max_b, max_t]
    safe_idx = jnp.clip(idx, 0, packed_data.shape[0] - 1)
    gathered = packed_data[safe_idx]
    padded = jnp.where(
        valid,
        gathered,
        jnp.asarray(padding_value, dtype=packed_data.dtype),
    )
    return padded


def reference(packed_data, batch_sizes, order, embed_table, weight_table, bias):
    # _weighted_forward of DocumentEncoder (doc_encoder=None branch)
    padded = _pad_packed(packed_data, batch_sizes, padding_value=1)
    document = padded[order]                         # [B, L] int
    document_tokens = jnp.take(embed_table, document, axis=0)   # [B, L, DIM]
    token_weights = jnp.take(weight_table, document, axis=0)    # [B, L, 1]
    normalized_weights = jax.nn.softmax(token_weights, axis=1)  # softmax over seq dim
    doc_vecs = jnp.sum(normalized_weights * document_tokens, axis=1)  # [B, DIM]
    norm = jnp.linalg.norm(doc_vecs, ord=2, axis=1, keepdims=True)
    encoded = doc_vecs / (norm + 0.0001)
    return encoded + bias

if __name__ == "__main__":
    import jax
    _d = setup_inputs()
    print(jax.jit(kernel)(*tuple(_d.values())))

</pallas_src>

<mosaic_0001>
#map = affine_map<(d0, d1) -> (0)>
#map1 = affine_map<(d0, d1) -> (0, 0)>
module attributes {stable_mosaic.version = 14 : i64} {
  func.func @_sc_body(%arg0: i32, %arg1: i32, %arg2: memref<204800xi32, #tpu.memory_space<hbm>>, %arg3: memref<1024xi32, #tpu.memory_space<hbm>>, %arg4: memref<100000x128xf32, #tpu.memory_space<hbm>>, %arg5: memref<100000xf32, #tpu.memory_space<hbm>>, %arg6: memref<100xf32, #tpu.memory_space<hbm>>, %arg7: memref<1024x128xf32, #tpu.memory_space<hbm>>, %arg8: memref<48xi32, #tpu.memory_space<vmem>>, %arg9: memref<4x104xi32, #tpu.memory_space<vmem>>, %arg10: memref<2x104xi32, #tpu.memory_space<vmem>>, %arg11: memref<2x104xi32, #tpu.memory_space<vmem>>, %arg12: memref<2x208x128xf32, #tpu.memory_space<vmem>>, %arg13: memref<2x208xf32, #tpu.memory_space<vmem>>, %arg14: memref<208xf32, #tpu.memory_space<vmem>>, %arg15: memref<100xf32, #tpu.memory_space<vmem>>, %arg16: memref<32x128xf32, #tpu.memory_space<vmem>>, %arg17: memref<2x!tpu.dma_semaphore, #tpu.memory_space<semaphore_mem>>, %arg18: memref<2x!tpu.dma_semaphore, #tpu.memory_space<semaphore_mem>>) attributes {dimension_semantics = [#tpu.dimension_semantics<core_parallel>, #tpu.dimension_semantics<subcore_parallel>], iteration_bounds = array<i64: 2, 16>, scalar_prefetch = 0 : i64, scratch_operands = 11 : i64, tpu.core_type = #tpu.core_type<sc_vector_subcore>, window_params = [{transform_indices = #map}, {transform_indices = #map}, {transform_indices = #map1}, {transform_indices = #map}, {transform_indices = #map}, {transform_indices = #map1}]} {
    %mul3A = arith.constant 2 : i32
    %mul3A_0 = arith.muli %arg1, %mul3A : i32
    %add3A = arith.addi %mul3A_0, %arg0 : i32
    %mul3A_1 = arith.constant 32 : i32
    %mul3A_2 = arith.muli %add3A, %mul3A_1 : i32
    "tpu.region"() ({
      %run_scoped3A = tpu.sem_alloc : memref<!tpu.dma_semaphore, #tpu.memory_space<semaphore_mem>>
      %dma_start3A_620 = arith.constant 0 : i32
      %dma_start3A_621 = tpu.memref_slice %arg8[%dma_start3A_620] : memref<48xi32, #tpu.memory_space<vmem>> -> memref<32xi32, #tpu.memory_space<vmem>>
      %dma_start3A_622 = tpu.memref_slice %arg3[%mul3A_2] : memref<1024xi32, #tpu.memory_space<hbm>> -> memref<32xi32, #tpu.memory_space<hbm>>
      %dma_start3A_623 = arith.constant 0 : i32
      %dma_start3A_624 = tpu.memref_slice %arg8[%dma_start3A_623] : memref<48xi32, #tpu.memory_space<vmem>> -> memref<32xi32, #tpu.memory_space<vmem>>
      %dma_start3A_625 = tpu.memref_slice %arg3[%mul3A_2] : memref<1024xi32, #tpu.memory_space<hbm>> -> memref<32xi32, #tpu.memory_space<hbm>>
      tpu.enqueue_dma source(%dma_start3A_625 : memref<32xi32, #tpu.memory_space<hbm>>) target(%dma_start3A_624 : memref<32xi32, #tpu.memory_space<vmem>>) target_semaphore(%run_scoped3A : memref<!tpu.dma_semaphore, #tpu.memory_space<semaphore_mem>>)
      %dma_wait3A_626 = arith.constant 0 : i32
      %dma_wait3A_627 = tpu.memref_slice %arg8[%dma_wait3A_626] : memref<48xi32, #tpu.memory_space<vmem>> -> memref<32xi32, #tpu.memory_space<vmem>>
      %dma_wait3A_628 = tpu.memref_slice %arg3[%mul3A_2] : memref<1024xi32, #tpu.memory_space<hbm>> -> memref<32xi32, #tpu.memory_space<hbm>>
      %dma_wait3A_629 = arith.constant 0 : i32
      %dma_wait3A_630 = tpu.memref_slice %arg8[%dma_wait3A_629] : memref<48xi32, #tpu.memory_space<vmem>> -> memref<32xi32, #tpu.memory_space<vmem>>
      %dma_wait3A_631 = tpu.memref_slice %arg3[%mul3A_2] : memref<1024xi32, #tpu.memory_space<hbm>> -> memref<32xi32, #tpu.memory_space<hbm>>
      tpu.wait_dma2 semaphore(%run_scoped3A : memref<!tpu.dma_semaphore, #tpu.memory_space<semaphore_mem>>) src(%dma_wait3A_631 : memref<32xi32, #tpu.memory_space<hbm>>) dst(%dma_wait3A_630 : memref<32xi32, #tpu.memory_space<vmem>>)
      tpu.yield
    }) : () -> ()
    "tpu.region"() ({
      %run_scoped3A = tpu.sem_alloc : memref<!tpu.dma_semaphore, #tpu.memory_space<semaphore_mem>>
      tpu.enqueue_dma source(%arg6 : memref<100xf32, #tpu.memory_space<hbm>>) target(%arg15 : memref<100xf32, #tpu.memory_space<vmem>>) target_semaphore(%run_scoped3A : memref<!tpu.dma_semaphore, #tpu.memory_space<semaphore_mem>>)
      tpu.wait_dma2 semaphore(%run_scoped3A : memref<!tpu.dma_semaphore, #tpu.memory_space<semaphore_mem>>) src(%arg6 : memref<100xf32, #tpu.memory_space<hbm>>) dst(%arg15 : memref<100xf32, #tpu.memory_space<vmem>>)
      tpu.yield
    }) : () -> ()
    %iota3A = tpu.iota {dimensions = array<i32: 0>} : vector<16xi32>
    %get3A = arith.constant 0 : index
    %get3A_3 = tpu.vector_load %arg15[%get3A] {strides = array<i32>} : memref<100xf32, #tpu.memory_space<vmem>>, vector<16xf32>,
    %get3A_4 = arith.constant 16 : index
    %get3A_5 = tpu.vector_load %arg15[%get3A_4] {strides = array<i32>} : memref<100xf32, #tpu.memory_space<vmem>>, vector<16xf32>,
    %get3A_6 = arith.constant 32 : index
    %get3A_7 = tpu.vector_load %arg15[%get3A_6] {strides = array<i32>} : memref<100xf32, #tpu.memory_space<vmem>>, vector<16xf32>,
    %get3A_8 = arith.constant 48 : index
    %get3A_9 = tpu.vector_load %arg15[%get3A_8] {strides = array<i32>} : memref<100xf32, #tpu.memory_space<vmem>>, vector<16xf32>,
    %get3A_10 = arith.constant 64 : index
    %get3A_11 = tpu.vector_load %arg15[%get3A_10] {strides = array<i32>} : memref<100xf32, #tpu.memory_space<vmem>>, vector<16xf32>,
    %get3A_12 = arith.constant 80 : index
    %get3A_13 = tpu.vector_load %arg15[%get3A_12] {strides = array<i32>} : memref<100xf32, #tpu.memory_space<vmem>>, vector<16xf32>,
    %get3A_14 = arith.constant 84 : index
    %get3A_15 = tpu.vector_load %arg15[%get3A_14] {strides = array<i32>} : memref<100xf32, #tpu.memory_space<vmem>>, vector<16xf32>,
    %get3A_16 = arith.constant 0 : index
    %get3A_17 = tpu.vector_load %arg8[%get3A_16] {strides = array<i32>} : memref<48xi32, #tpu.memory_space<vmem>>, vector<16xi32>,
    %slice3A = vector.extract_strided_slice %get3A_17 {offsets = [0], sizes = [1], strides = [1]} : vector<16xi32> to vector<1xi32>
    %squeeze3A = vector.extract %slice3A[0] : i32 from vector<1xi32>
    %add3A_18 = arith.constant 0 : i32
    %add3A_19 = vector.broadcast %add3A_18 : i32 to vector<16xi32>
    %add3A_20 = arith.addi %iota3A, %add3A_19 : vector<16xi32>
    %add3A_21 = arith.constant 104 : i32
    %add3A_22 = vector.broadcast %add3A_21 : i32 to vector<16xi32>
    %add3A_23 = arith.addi %add3A_20, %add3A_22 : vector<16xi32>
    %min3A = arith.constant 199 : i32
    %min3A_24 = vector.broadcast %min3A : i32 to vector<16xi32>
    %min3A_25 = arith.minsi %add3A_23, %min3A_24 : vector<16xi32>
    %mul3A_26 = arith.constant 1024 : i32
    %mul3A_27 = vector.broadcast %mul3A_26 : i32 to vector<16xi32>
    %mul3A_28 = arith.muli %mul3A_27, %add3A_20 : vector<16xi32>
    %add3A_29 = vector.broadcast %squeeze3A : i32 to vector<16xi32>
    %add3A_30 = arith.addi %add3A_29, %mul3A_28 : vector<16xi32>
    %swap3A = arith.constant 0 : i32
    %swap3A_31 = arith.index_cast %swap3A : i32 to index
    %swap3A_32 = arith.constant 0 : index
    %swap3A_33 = tpu.vector_load %arg9[%swap3A_31, %swap3A_32] {strides = array<i32>} : memref<4x104xi32, #tpu.memory_space<vmem>>, vector<16xi32>,
    tpu.vector_store %arg9[%swap3A_31, %swap3A_32], %add3A_30 {strides = array<i32>} : memref<4x104xi32, #tpu.memory_space<vmem>>, vector<16xi32>,
    %mul3A_34 = arith.constant 1024 : i32
    %mul3A_35 = vector.broadcast %mul3A_34 : i32 to vector<16xi32>
    %mul3A_36 = arith.muli %mul3A_35, %min3A_25 : vector<16xi32>
    %add3A_37 = vector.broadcast %squeeze3A : i32 to vector<16xi32>
    %add3A_38 = arith.addi %add3A_37, %mul3A_36 : vector<16xi32>
    %swap3A_39 = arith.constant 1 : i32
    %swap3A_40 = arith.index_cast %swap3A_39 : i32 to index
    %swap3A_41 = arith.constant 0 : index
    %swap3A_42 = tpu.vector_load %arg9[%swap3A_40, %swap3A_41] {strides = array<i32>} : memref<4x104xi32, #tpu.memory_space<vmem>>, vector<16xi32>,
    tpu.vector_store %arg9[%swap3A_40, %swap3A_41], %add3A_38 {strides = array<i32>} : memref<4x104xi32, #tpu.memory_space<vmem>>, vector<16xi32>,
    %add3A_43 = arith.constant 16 : i32
    %add3A_44 = vector.broadcast %add3A_43 : i32 to vector<16xi32>
    %add3A_45 = arith.addi %iota3A, %add3A_44 : vector<16xi32>
    %add3A_46 = arith.constant 104 : i32
    %add3A_47 = vector.broadcast %add3A_46 : i32 to vector<16xi32>
    %add3A_48 = arith.addi %add3A_45, %add3A_47 : vector<16xi32>
    %min3A_49 = arith.constant 199 : i32
    %min3A_50 = vector.broadcast %min3A_49 : i32 to vector<16xi32>
    %min3A_51 = arith.minsi %add3A_48, %min3A_50 : vector<16xi32>
    %mul3A_52 = arith.constant 1024 : i32
    %mul3A_53 = vector.broadcast %mul3A_52 : i32 to vector<16xi32>
    %mul3A_54 = arith.muli %mul3A_53, %add3A_45 : vector<16xi32>
    %add3A_55 = vector.broadcast %squeeze3A : i32 to vector<16xi32>
    %add3A_56 = arith.addi %add3A_55, %mul3A_54 : vector<16xi32>
    %swap3A_57 = arith.constant 0 : i32
    %swap3A_58 = arith.index_cast %swap3A_57 : i32 to index
    %swap3A_59 = arith.constant 16 : index
    %swap3A_60 = tpu.vector_load %arg9[%swap3A_58, %swap3A_59] {strides = array<i32>} : memref<4x104xi32, #tpu.memory_space<vmem>>, vector<16xi32>,
    tpu.vector_store %arg9[%swap3A_58, %swap3A_59], %add3A_56 {strides = array<i32>} : memref<4x104xi32, #tpu.memory_space<vmem>>, vector<16xi32>,
    %mul3A_61 = arith.constant 1024 : i32
    %mul3A_62 = vector.broadcast %mul3A_61 : i32 to vector<16xi32>
    %mul3A_63 = arith.muli %mul3A_62, %min3A_51 : vector<16xi32>
    %add3A_64 = vector.broadcast %squeeze3A : i32 to vector<16xi32>
    %add3A_65 = arith.addi %add3A_64, %mul3A_63 : vector<16xi32>
    %swap3A_66 = arith.constant 1 : i32
    %swap3A_67 = arith.index_cast %swap3A_66 : i32 to index
    %swap3A_68 = arith.constant 16 : index
    %swap3A_69 = tpu.vector_load %arg9[%swap3A_67, %swap3A_68] {strides = array<i32>} : memref<4x104xi32, #tpu.memory_space<vmem>>, vector<16xi32>,
    tpu.vector_store %arg9[%swap3A_67, %swap3A_68], %add3A_65 {strides = array<i32>} : memref<4x104xi32, #tpu.memory_space<vmem>>, vector<16xi32>,
    %add3A_70 = arith.constant 32 : i32
    %add3A_71 = vector.broadcast %add3A_70 : i32 to vector<16xi32>
    %add3A_72 = arith.addi %iota3A, %add3A_71 : vector<16xi32>
    %add3A_73 = arith.constant 104 : i32
    %add3A_74 = vector.broadcast %add3A_73 : i32 to vector<16xi32>
    %add3A_75 = arith.addi %add3A_72, %add3A_74 : vector<16xi32>
    %min3A_76 = arith.constant 199 : i32
    %min3A_77 = vector.broadcast %min3A_76 : i32 to vector<16xi32>
    %min3A_78 = arith.minsi %add3A_75, %min3A_77 : vector<16xi32>
    %mul3A_79 = arith.constant 1024 : i32
    %mul3A_80 = vector.broadcast %mul3A_79 : i32 to vector<16xi32>
    %mul3A_81 = arith.muli %mul3A_80, %add3A_72 : vector<16xi32>
    %add3A_82 = vector.broadcast %squeeze3A : i32 to vector<16xi32>
    %add3A_83 = arith.addi %add3A_82, %mul3A_81 : vector<16xi32>
    %swap3A_84 = arith.constant 0 : i32
    %swap3A_85 = arith.index_cast %swap3A_84 : i32 to index
    %swap3A_86 = arith.constant 32 : index
    %swap3A_87 = tpu.vector_load %arg9[%swap3A_85, %swap3A_86] {strides = array<i32>} : memref<4x104xi32, #tpu.memory_space<vmem>>, vector<16xi32>,
    tpu.vector_store %arg9[%swap3A_85, %swap3A_86], %add3A_83 {strides = array<i32>} : memref<4x104xi32, #tpu.memory_space<vmem>>, vector<16xi32>,
    %mul3A_88 = arith.constant 1024 : i32
    %mul3A_89 = vector.broadcast %mul3A_88 : i32 to vector<16xi32>
    %mul3A_90 = arith.muli %mul3A_89, %min3A_78 : vector<16xi32>
    %add3A_91 = vector.broadcast %squeeze3A : i32 to vector<16xi32>
    %add3A_92 = arith.addi %add3A_91, %mul3A_90 : vector<16xi32>
    %swap3A_93 = arith.constant 1 : i32
    %swap3A_94 = arith.index_cast %swap3A_93 : i32 to index
    %swap3A_95 = arith.constant 32 : index
    %swap3A_96 = tpu.vector_load %arg9[%swap3A_94, %swap3A_95] {strides = array<i32>} : memref<4x104xi32, #tpu.memory_space<vmem>>, vector<16xi32>,
    tpu.vector_store %arg9[%swap3A_94, %swap3A_95], %add3A_92 {strides = array<i32>} : memref<4x104xi32, #tpu.memory_space<vmem>>, vector<16xi32>,
    %add3A_97 = arith.constant 48 : i32
    %add3A_98 = vector.broadcast %add3A_97 : i32 to vector<16xi32>
    %add3A_99 = arith.addi %iota3A, %add3A_98 : vector<16xi32>
    %add3A_100 = arith.constant 104 : i32
    %add3A_101 = vector.broadcast %add3A_100 : i32 to vector<16xi32>
    %add3A_102 = arith.addi %add3A_99, %add3A_101 : vector<16xi32>
    %min3A_103 = arith.constant 199 : i32
    %min3A_104 = vector.broadcast %min3A_103 : i32 to vector<16xi32>
    %min3A_105 = arith.minsi %add3A_102, %min3A_104 : vector<16xi32>
    %mul3A_106 = arith.constant 1024 : i32
    %mul3A_107 = vector.broadcast %mul3A_106 : i32 to vector<16xi32>
    %mul3A_108 = arith.muli %mul3A_107, %add3A_99 : vector<16xi32>
    %add3A_109 = vector.broadcast %squeeze3A : i32 to vector<16xi32>
    %add3A_110 = arith.addi %add3A_109, %mul3A_108 : vector<16xi32>
    %swap3A_111 = arith.constant 0 : i32
    %swap3A_112 = arith.index_cast %swap3A_111 : i32 to index
    %swap3A_113 = arith.constant 48 : index
    %swap3A_114 = tpu.vector_load %arg9[%swap3A_112, %swap3A_113] {strides = array<i32>} : memref<4x104xi32, #tpu.memory_space<vmem>>, vector<16xi32>,
    tpu.vector_store %arg9[%swap3A_112, %swap3A_113], %add3A_110 {strides = array<i32>} : memref<4x104xi32, #tpu.memory_space<vmem>>, vector<16xi32>,
    %mul3A_115 = arith.constant 1024 : i32
    %mul3A_116 = vector.broadcast %mul3A_115 : i32 to vector<16xi32>
    %mul3A_117 = arith.muli %mul3A_116, %min3A_105 : vector<16xi32>
    %add3A_118 = vector.broadcast %squeeze3A : i32 to vector<16xi32>
    %add3A_119 = arith.addi %add3A_118, %mul3A_117 : vector<16xi32>
    %swap3A_120 = arith.constant 1 : i32
    %swap3A_121 = arith.index_cast %swap3A_120 : i32 to index
    %swap3A_122 = arith.constant 48 : index
    %swap3A_123 = tpu.vector_load %arg9[%swap3A_121, %swap3A_122] {strides = array<i32>} : memref<4x104xi32, #tpu.memory_space<vmem>>, vector<16xi32>,
    tpu.vector_store %arg9[%swap3A_121, %swap3A_122], %add3A_119 {strides = array<i32>} : memref<4x104xi32, #tpu.memory_space<vmem>>, vector<16xi32>,
    %add3A_124 = arith.constant 64 : i32
    %add3A_125 = vector.broadcast %add3A_124 : i32 to vector<16xi32>
    %add3A_126 = arith.addi %iota3A, %add3A_125 : vector<16xi32>
    %add3A_127 = arith.constant 104 : i32
    %add3A_128 = vector.broadcast %add3A_127 : i32 to vector<16xi32>
    %add3A_129 = arith.addi %add3A_126, %add3A_128 : vector<16xi32>
    %min3A_130 = arith.constant 199 : i32
    %min3A_131 = vector.broadcast %min3A_130 : i32 to vector<16xi32>
    %min3A_132 = arith.minsi %add3A_129, %min3A_131 : vector<16xi32>
    %mul3A_133 = arith.constant 1024 : i32
    %mul3A_134 = vector.broadcast %mul3A_133 : i32 to vector<16xi32>
    %mul3A_135 = arith.muli %mul3A_134, %add3A_126 : vector<16xi32>
    %add3A_136 = vector.broadcast %squeeze3A : i32 to vector<16xi32>
    %add3A_137 = arith.addi %add3A_136, %mul3A_135 : vector<16xi32>
    %swap3A_138 = arith.constant 0 : i32
    %swap3A_139 = arith.index_cast %swap3A_138 : i32 to index
    %swap3A_140 = arith.constant 64 : index
    %swap3A_141 = tpu.vector_load %arg9[%swap3A_139, %swap3A_140] {strides = array<i32>} : memref<4x104xi32, #tpu.memory_space<vmem>>, vector<16xi32>,
    tpu.vector_store %arg9[%swap3A_139, %swap3A_140], %add3A_137 {strides = array<i32>} : memref<4x104xi32, #tpu.memory_space<vmem>>, vector<16xi32>,
    %mul3A_142 = arith.constant 1024 : i32
    %mul3A_143 = vector.broadcast %mul3A_142 : i32 to vector<16xi32>
    %mul3A_144 = arith.muli %mul3A_143, %min3A_132 : vector<16xi32>
    %add3A_145 = vector.broadcast %squeeze3A : i32 to vector<16xi32>
    %add3A_146 = arith.addi %add3A_145, %mul3A_144 : vector<16xi32>
    %swap3A_147 = arith.constant 1 : i32
    %swap3A_148 = arith.index_cast %swap3A_147 : i32 to index
    %swap3A_149 = arith.constant 64 : index
    %swap3A_150 = tpu.vector_load %arg9[%swap3A_148, %swap3A_149] {strides = array<i32>} : memref<4x104xi32, #tpu.memory_space<vmem>>, vector<16xi32>,
    tpu.vector_store %arg9[%swap3A_148, %swap3A_149], %add3A_146 {strides = array<i32>} : memref<4x104xi32, #tpu.memory_space<vmem>>, vector<16xi32>,
    %add3A_151 = arith.constant 80 : i32
    %add3A_152 = vector.broadcast %add3A_151 : i32 to vector<16xi32>
    %add3A_153 = arith.addi %iota3A, %add3A_152 : vector<16xi32>
    %add3A_154 = arith.constant 104 : i32
    %add3A_155 = vector.broadcast %add3A_154 : i32 to vector<16xi32>
    %add3A_156 = arith.addi %add3A_153, %add3A_155 : vector<16xi32>
    %min3A_157 = arith.constant 199 : i32
    %min3A_158 = vector.broadcast %min3A_157 : i32 to vector<16xi32>
    %min3A_159 = arith.minsi %add3A_156, %min3A_158 : vector<16xi32>
    %mul3A_160 = arith.constant 1024 : i32
    %mul3A_161 = vector.broadcast %mul3A_160 : i32 to vector<16xi32>
    %mul3A_162 = arith.muli %mul3A_161, %add3A_153 : vector<16xi32>
    %add3A_163 = vector.broadcast %squeeze3A : i32 to vector<16xi32>
    %add3A_164 = arith.addi %add3A_163, %mul3A_162 : vector<16xi32>
    %swap3A_165 = arith.constant 0 : i32
    %swap3A_166 = arith.index_cast %swap3A_165 : i32 to index
    %swap3A_167 = arith.constant 80 : index
    %swap3A_168 = tpu.vector_load %arg9[%swap3A_166, %swap3A_167] {strides = array<i32>} : memref<4x104xi32, #tpu.memory_space<vmem>>, vector<16xi32>,
    tpu.vector_store %arg9[%swap3A_166, %swap3A_167], %add3A_164 {strides = array<i32>} : memref<4x104xi32, #tpu.memory_space<vmem>>, vector<16xi32>,
    %mul3A_169 = arith.constant 1024 : i32
    %mul3A_170 = vector.broadcast %mul3A_169 : i32 to vector<16xi32>
    %mul3A_171 = arith.muli %mul3A_170, %min3A_159 : vector<16xi32>
    %add3A_172 = vector.broadcast %squeeze3A : i32 to vector<16xi32>
    %add3A_173 = arith.addi %add3A_172, %mul3A_171 : vector<16xi32>
    %swap3A_174 = arith.constant 1 : i32
    %swap3A_175 = arith.index_cast %swap3A_174 : i32 to index
    %swap3A_176 = arith.constant 80 : index
    %swap3A_177 = tpu.vector_load %arg9[%swap3A_175, %swap3A_176] {strides = array<i32>} : memref<4x104xi32, #tpu.memory_space<vmem>>, vector<16xi32>,
    tpu.vector_store %arg9[%swap3A_175, %swap3A_176], %add3A_173 {strides = array<i32>} : memref<4x104xi32, #tpu.memory_space<vmem>>, vector<16xi32>,
    %add3A_178 = arith.constant 88 : i32
    %add3A_179 = vector.broadcast %add3A_178 : i32 to vector<16xi32>
    %add3A_180 = arith.addi %iota3A, %add3A_179 : vector<16xi32>
    %add3A_181 = arith.constant 104 : i32
    %add3A_182 = vector.broadcast %add3A_181 : i32 to vector<16xi32>
    %add3A_183 = arith.addi %add3A_180, %add3A_182 : vector<16xi32>
    %min3A_184 = arith.constant 199 : i32
    %min3A_185 = vector.broadcast %min3A_184 : i32 to vector<16xi32>
    %min3A_186 = arith.minsi %add3A_183, %min3A_185 : vector<16xi32>
    %mul3A_187 = arith.constant 1024 : i32
    %mul3A_188 = vector.broadcast %mul3A_187 : i32 to vector<16xi32>
    %mul3A_189 = arith.muli %mul3A_188, %add3A_180 : vector<16xi32>
    %add3A_190 = vector.broadcast %squeeze3A : i32 to vector<16xi32>
    %add3A_191 = arith.addi %add3A_190, %mul3A_189 : vector<16xi32>
    %swap3A_192 = arith.constant 0 : i32
    %swap3A_193 = arith.index_cast %swap3A_192 : i32 to index
    %swap3A_194 = arith.constant 88 : index
    %swap3A_195 = tpu.vector_load %arg9[%swap3A_193, %swap3A_194] {strides = array<i32>} : memref<4x104xi32, #tpu.memory_space<vmem>>, vector<16xi32>,
    tpu.vector_store %arg9[%swap3A_193, %swap3A_194], %add3A_191 {strides = array<i32>} : memref<4x104xi32, #tpu.memory_space<vmem>>, vector<16xi32>,
    %mul3A_196 = arith.constant 1024 : i32
    %mul3A_197 = vector.broadcast %mul3A_196 : i32 to vector<16xi32>
    %mul3A_198 = arith.muli %mul3A_197, %min3A_186 : vector<16xi32>
    %add3A_199 = vector.broadcast %squeeze3A : i32 to vector<16xi32>
    %add3A_200 = arith.addi %add3A_199, %mul3A_198 : vector<16xi32>
    %swap3A_201 = arith.constant 1 : i32
    %swap3A_202 = arith.index_cast %swap3A_201 : i32 to index
    %swap3A_203 = arith.constant 88 : index
    %swap3A_204 = tpu.vector_load %arg9[%swap3A_202, %swap3A_203] {strides = array<i32>} : memref<4x104xi32, #tpu.memory_space<vmem>>, vector<16xi32>,
    tpu.vector_store %arg9[%swap3A_202, %swap3A_203], %add3A_200 {strides = array<i32>} : memref<4x104xi32, #tpu.memory_space<vmem>>, vector<16xi32>,
    %dma_start3A = arith.constant 0 : i32
    %dma_start3A_205 = arith.constant 0 : i32
    %dma_start3A_206 = arith.constant 0 : i32
    %dma_start3A_207 = arith.constant 0 : i32
    %dma_start3A_208 = tpu.memref_slice %arg10[%dma_start3A_205, %dma_start3A_207] : memref<2x104xi32, #tpu.memory_space<vmem>> -> memref<1x104xi32, #tpu.memory_space<vmem>>
    %dma_start3A_209 = tpu.memref_squeeze %dma_start3A_208 : memref<1x104xi32, #tpu.memory_space<vmem>> -> memref<104xi32, #tpu.memory_space<vmem>>
    %dma_start3A_210 = arith.constant 0 : i32
    %dma_start3A_211 = tpu.memref_slice %arg9[%dma_start3A, %dma_start3A_210] : memref<4x104xi32, #tpu.memory_space<vmem>> -> memref<1x104xi32, #tpu.memory_space<vmem>>
    %dma_start3A_212 = tpu.memref_squeeze %dma_start3A_211 : memref<1x104xi32, #tpu.memory_space<vmem>> -> memref<104xi32, #tpu.memory_space<vmem>>
    %dma_start3A_213 = arith.constant 0 : i32
    %dma_start3A_214 = tpu.memref_slice %arg2[%dma_start3A_213] : memref<204800xi32, #tpu.memory_space<hbm>> -> memref<204800xi32, #tpu.memory_space<hbm>>
    %dma_start3A_215 = tpu.memref_slice %arg17[%dma_start3A_206] : memref<2x!tpu.dma_semaphore, #tpu.memory_space<semaphore_mem>> -> memref<1x!tpu.dma_semaphore, #tpu.memory_space<semaphore_mem>>
    %dma_start3A_216 = tpu.memref_squeeze %dma_start3A_215 : memref<1x!tpu.dma_semaphore, #tpu.memory_space<semaphore_mem>> -> memref<!tpu.dma_semaphore, #tpu.memory_space<semaphore_mem>>
    tpu.enqueue_indirect_dma source(%dma_start3A_214 : memref<204800xi32, #tpu.memory_space<hbm>>) target(%dma_start3A_209 : memref<104xi32, #tpu.memory_space<vmem>>) offsets(%dma_start3A_212 : memref<104xi32, #tpu.memory_space<vmem>>) semaphore(%dma_start3A_216 : memref<!tpu.dma_semaphore, #tpu.memory_space<semaphore_mem>>)
    %dma_start3A_217 = arith.constant 1 : i32
    %dma_start3A_218 = arith.constant 0 : i32
    %dma_start3A_219 = arith.constant 0 : i32
    %dma_start3A_220 = arith.constant 0 : i32
    %dma_start3A_221 = tpu.memref_slice %arg11[%dma_start3A_218, %dma_start3A_220] : memref<2x104xi32, #tpu.memory_space<vmem>> -> memref<1x104xi32, #tpu.memory_space<vmem>>
    %dma_start3A_222 = tpu.memref_squeeze %dma_start3A_221 : memref<1x104xi32, #tpu.memory_space<vmem>> -> memref<104xi32, #tpu.memory_space<vmem>>
    %dma_start3A_223 = arith.constant 0 : i32
    %dma_start3A_224 = tpu.memref_slice %arg9[%dma_start3A_217, %dma_start3A_223] : memref<4x104xi32, #tpu.memory_space<vmem>> -> memref<1x104xi32, #tpu.memory_space<vmem>>
    %dma_start3A_225 = tpu.memref_squeeze %dma_start3A_224 : memref<1x104xi32, #tpu.memory_space<vmem>> -> memref<104xi32, #tpu.memory_space<vmem>>
    %dma_start3A_226 = arith.constant 0 : i32
    %dma_start3A_227 = tpu.memref_slice %arg2[%dma_start3A_226] : memref<204800xi32, #tpu.memory_space<hbm>> -> memref<204800xi32, #tpu.memory_space<hbm>>
    %dma_start3A_228 = tpu.memref_slice %arg17[%dma_start3A_219] : memref<2x!tpu.dma_semaphore, #tpu.memory_space<semaphore_mem>> -> memref<1x!tpu.dma_semaphore, #tpu.memory_space<semaphore_mem>>
    %dma_start3A_229 = tpu.memref_squeeze %dma_start3A_228 : memref<1x!tpu.dma_semaphore, #tpu.memory_space<semaphore_mem>> -> memref<!tpu.dma_semaphore, #tpu.memory_space<semaphore_mem>>
    tpu.enqueue_indirect_dma source(%dma_start3A_227 : memref<204800xi32, #tpu.memory_space<hbm>>) target(%dma_start3A_222 : memref<104xi32, #tpu.memory_space<vmem>>) offsets(%dma_start3A_225 : memref<104xi32, #tpu.memory_space<vmem>>) semaphore(%dma_start3A_229 : memref<!tpu.dma_semaphore, #tpu.memory_space<semaphore_mem>>)
    %dma_wait3A = arith.constant 0 : i32
    %dma_wait3A_230 = arith.constant 0 : i32
    %dma_wait3A_231 = arith.constant 0 : i32
    %dma_wait3A_232 = arith.constant 0 : i32
    %dma_wait3A_233 = tpu.memref_slice %arg10[%dma_wait3A_230, %dma_wait3A_232] : memref<2x104xi32, #tpu.memory_space<vmem>> -> memref<1x104xi32, #tpu.memory_space<vmem>>
    %dma_wait3A_234 = tpu.memref_squeeze %dma_wait3A_233 : memref<1x104xi32, #tpu.memory_space<vmem>> -> memref<104xi32, #tpu.memory_space<vmem>>
    %dma_wait3A_235 = arith.constant 0 : i32
    %dma_wait3A_236 = tpu.memref_slice %arg9[%dma_wait3A, %dma_wait3A_235] : memref<4x104xi32, #tpu.memory_space<vmem>> -> memref<1x104xi32, #tpu.memory_space<vmem>>
    %dma_wait3A_237 = tpu.memref_squeeze %dma_wait3A_236 : memref<1x104xi32, #tpu.memory_space<vmem>> -> memref<104xi32, #tpu.memory_space<vmem>>
    %dma_wait3A_238 = arith.constant 0 : i32
    %dma_wait3A_239 = tpu.memref_slice %arg2[%dma_wait3A_238] : memref<204800xi32, #tpu.memory_space<hbm>> -> memref<204800xi32, #tpu.memory_space<hbm>>
    %dma_wait3A_240 = tpu.memref_slice %arg17[%dma_wait3A_231] : memref<2x!tpu.dma_semaphore, #tpu.memory_space<semaphore_mem>> -> memref<1x!tpu.dma_semaphore, #tpu.memory_space<semaphore_mem>>
    %dma_wait3A_241 = tpu.memref_squeeze %dma_wait3A_240 : memref<1x!tpu.dma_semaphore, #tpu.memory_space<semaphore_mem>> -> memref<!tpu.dma_semaphore, #tpu.memory_space<semaphore_mem>>
    tpu.wait_indirect_dma semaphore(%dma_wait3A_241 : memref<!tpu.dma_semaphore, #tpu.memory_space<semaphore_mem>>) src(%dma_wait3A_239 : memref<204800xi32, #tpu.memory_space<hbm>>) dst(%dma_wait3A_234 : memref<104xi32, #tpu.memory_space<vmem>>)
    %dma_wait3A_242 = arith.constant 1 : i32
    %dma_wait3A_243 = arith.constant 0 : i32
    %dma_wait3A_244 = arith.constant 0 : i32
    %dma_wait3A_245 = arith.constant 0 : i32
    %dma_wait3A_246 = tpu.memref_slice %arg11[%dma_wait3A_243, %dma_wait3A_245] : memref<2x104xi32, #tpu.memory_space<vmem>> -> memref<1x104xi32, #tpu.memory_space<vmem>>
    %dma_wait3A_247 = tpu.memref_squeeze %dma_wait3A_246 : memref<1x104xi32, #tpu.memory_space<vmem>> -> memref<104xi32, #tpu.memory_space<vmem>>
    %dma_wait3A_248 = arith.constant 0 : i32
    %dma_wait3A_249 = tpu.memref_slice %arg9[%dma_wait3A_242, %dma_wait3A_248] : memref<4x104xi32, #tpu.memory_space<vmem>> -> memref<1x104xi32, #tpu.memory_space<vmem>>
    %dma_wait3A_250 = tpu.memref_squeeze %dma_wait3A_249 : memref<1x104xi32, #tpu.memory_space<vmem>> -> memref<104xi32, #tpu.memory_space<vmem>>
    %dma_wait3A_251 = arith.constant 0 : i32
    %dma_wait3A_252 = tpu.memref_slice %arg2[%dma_wait3A_251] : memref<204800xi32, #tpu.memory_space<hbm>> -> memref<204800xi32, #tpu.memory_space<hbm>>
    %dma_wait3A_253 = tpu.memref_slice %arg17[%dma_wait3A_244] : memref<2x!tpu.dma_semaphore, #tpu.memory_space<semaphore_mem>> -> memref<1x!tpu.dma_semaphore, #tpu.memory_space<semaphore_mem>>
    %dma_wait3A_254 = tpu.memref_squeeze %dma_wait3A_253 : memref<1x!tpu.dma_semaphore, #tpu.memory_space<semaphore_mem>> -> memref<!tpu.dma_semaphore, #tpu.memory_space<semaphore_mem>>
    tpu.wait_indirect_dma semaphore(%dma_wait3A_254 : memref<!tpu.dma_semaphore, #tpu.memory_space<semaphore_mem>>) src(%dma_wait3A_252 : memref<204800xi32, #tpu.memory_space<hbm>>) dst(%dma_wait3A_247 : memref<104xi32, #tpu.memory_space<vmem>>)
    %dma_start3A_255 = arith.constant 0 : i32
    %dma_start3A_256 = arith.constant 0 : i32
    %dma_start3A_257 = arith.constant 0 : i32
    %dma_start3A_258 = arith.constant 0 : i32
    %dma_start3A_259 = tpu.memref_slice %arg13[%dma_start3A_256, %dma_start3A_258] : memref<2x208xf32, #tpu.memory_space<vmem>> -> memref<1x104xf32, #tpu.memory_space<vmem>>
    %dma_start3A_260 = tpu.memref_squeeze %dma_start3A_259 : memref<1x104xf32, #tpu.memory_space<vmem>> -> memref<104xf32, #tpu.memory_space<vmem>>
    %dma_start3A_261 = arith.constant 0 : i32
    %dma_start3A_262 = tpu.memref_slice %arg10[%dma_start3A_255, %dma_start3A_261] : memref<2x104xi32, #tpu.memory_space<vmem>> -> memref<1x104xi32, #tpu.memory_space<vmem>>
    %dma_start3A_263 = tpu.memref_squeeze %dma_start3A_262 : memref<1x104xi32, #tpu.memory_space<vmem>> -> memref<104xi32, #tpu.memory_space<vmem>>
    %dma_start3A_264 = arith.constant 0 : i32
    %dma_start3A_265 = tpu.memref_slice %arg5[%dma_start3A_264] : memref<100000xf32, #tpu.memory_space<hbm>> -> memref<100000xf32, #tpu.memory_space<hbm>>
    %dma_start3A_266 = tpu.memref_slice %arg18[%dma_start3A_257] : memref<2x!tpu.dma_semaphore, #tpu.memory_space<semaphore_mem>> -> memref<1x!tpu.dma_semaphore, #tpu.memory_space<semaphore_mem>>
    %dma_start3A_267 = tpu.memref_squeeze %dma_start3A_266 : memref<1x!tpu.dma_semaphore, #tpu.memory_space<semaphore_mem>> -> memref<!tpu.dma_semaphore, #tpu.memory_space<semaphore_mem>>
    tpu.enqueue_indirect_dma source(%dma_start3A_265 : memref<100000xf32, #tpu.memory_space<hbm>>) target(%dma_start3A_260 : memref<104xf32, #tpu.memory_space<vmem>>) offsets(%dma_start3A_263 : memref<104xi32, #tpu.memory_space<vmem>>) semaphore(%dma_start3A_267 : memref<!tpu.dma_semaphore, #tpu.memory_space<semaphore_mem>>)
    %dma_start3A_268 = arith.constant 0 : i32
    %dma_start3A_269 = arith.constant 0 : i32
    %dma_start3A_270 = arith.constant 0 : i32
    %dma_start3A_271 = arith.constant 104 : i32
    %dma_start3A_272 = tpu.memref_slice %arg13[%dma_start3A_269, %dma_start3A_271] : memref<2x208xf32, #tpu.memory_space<vmem>> -> memref<1x104xf32, #tpu.memory_space<vmem>>
    %dma_start3A_273 = tpu.memref_squeeze %dma_start3A_272 : memref<1x104xf32, #tpu.memory_space<vmem>> -> memref<104xf32, #tpu.memory_space<vmem>>
    %dma_start3A_274 = arith.constant 0 : i32
    %dma_start3A_275 = tpu.memref_slice %arg11[%dma_start3A_268, %dma_start3A_274] : memref<2x104xi32, #tpu.memory_space<vmem>> -> memref<1x104xi32, #tpu.memory_space<vmem>>
    %dma_start3A_276 = tpu.memref_squeeze %dma_start3A_275 : memref<1x104xi32, #tpu.memory_space<vmem>> -> memref<104xi32, #tpu.memory_space<vmem>>
    %dma_start3A_277 = arith.constant 0 : i32
    %dma_start3A_278 = tpu.memref_slice %arg5[%dma_start3A_277] : memref<100000xf32, #tpu.memory_space<hbm>> -> memref<100000xf32, #tpu.memory_space<hbm>>
    %dma_start3A_279 = tpu.memref_slice %arg18[%dma_start3A_270] : memref<2x!tpu.dma_semaphore, #tpu.memory_space<semaphore_mem>> -> memref<1x!tpu.dma_semaphore, #tpu.memory_space<semaphore_mem>>
    %dma_start3A_280 = tpu.memref_squeeze %dma_start3A_279 : memref<1x!tpu.dma_semaphore, #tpu.memory_space<semaphore_mem>> -> memref<!tpu.dma_semaphore, #tpu.memory_space<semaphore_mem>>
    tpu.enqueue_indirect_dma source(%dma_start3A_278 : memref<100000xf32, #tpu.memory_space<hbm>>) target(%dma_start3A_273 : memref<104xf32, #tpu.memory_space<vmem>>) offsets(%dma_start3A_276 : memref<104xi32, #tpu.memory_space<vmem>>) semaphore(%dma_start3A_280 : memref<!tpu.dma_semaphore, #tpu.memory_space<semaphore_mem>>)
    %dma_start3A_281 = arith.constant 0 : i32
    %dma_start3A_282 = arith.constant 0 : i32
    %dma_start3A_283 = arith.constant 0 : i32
    %dma_start3A_284 = arith.constant 0 : i32
    %dma_start3A_285 = arith.constant 0 : i32
    %dma_start3A_286 = tpu.memref_slice %arg12[%dma_start3A_282, %dma_start3A_284, %dma_start3A_285] : memref<2x208x128xf32, #tpu.memory_space<vmem>> -> memref<1x104x128xf32, #tpu.memory_space<vmem>>
    %dma_start3A_287 = tpu.memref_squeeze %dma_start3A_286 : memref<1x104x128xf32, #tpu.memory_space<vmem>> -> memref<104x128xf32, #tpu.memory_space<vmem>>
    %dma_start3A_288 = arith.constant 0 : i32
    %dma_start3A_289 = tpu.memref_slice %arg10[%dma_start3A_281, %dma_start3A_288] : memref<2x104xi32, #tpu.memory_space<vmem>> -> memref<1x104xi32, #tpu.memory_space<vmem>>
    %dma_start3A_290 = tpu.memref_squeeze %dma_start3A_289 : memref<1x104xi32, #tpu.memory_space<vmem>> -> memref<104xi32, #tpu.memory_space<vmem>>
    %dma_start3A_291 = arith.constant 0 : i32
    %dma_start3A_292 = arith.constant 0 : i32
    %dma_start3A_293 = tpu.memref_slice %arg4[%dma_start3A_291, %dma_start3A_292] : memref<100000x128xf32, #tpu.memory_space<hbm>> -> memref<100000x128xf32, #tpu.memory_space<hbm>>
    %dma_start3A_294 = tpu.memref_slice %arg18[%dma_start3A_283] : memref<2x!tpu.dma_semaphore, #tpu.memory_space<semaphore_mem>> -> memref<1x!tpu.dma_semaphore, #tpu.memory_space<semaphore_mem>>
    %dma_start3A_295 = tpu.memref_squeeze %dma_start3A_294 : memref<1x!tpu.dma_semaphore, #tpu.memory_space<semaphore_mem>> -> memref<!tpu.dma_semaphore, #tpu.memory_space<semaphore_mem>>
    tpu.enqueue_indirect_dma source(%dma_start3A_293 : memref<100000x128xf32, #tpu.memory_space<hbm>>) target(%dma_start3A_287 : memref<104x128xf32, #tpu.memory_space<vmem>>) offsets(%dma_start3A_290 : memref<104xi32, #tpu.memory_space<vmem>>) semaphore(%dma_start3A_295 : memref<!tpu.dma_semaphore, #tpu.memory_space<semaphore_mem>>)
    %dma_start3A_296 = arith.constant 0 : i32
    %dma_start3A_297 = arith.constant 0 : i32
    %dma_start3A_298 = arith.constant 0 : i32
    %dma_start3A_299 = arith.constant 104 : i32
    %dma_start3A_300 = arith.constant 0 : i32
    %dma_start3A_301 = tpu.memref_slice %arg12[%dma_start3A_297, %dma_start3A_299, %dma_start3A_300] : memref<2x208x128xf32, #tpu.memory_space<vmem>> -> memref<1x104x128xf32, #tpu.memory_space<vmem>>
    %dma_start3A_302 = tpu.memref_squeeze %dma_start3A_301 : memref<1x104x128xf32, #tpu.memory_space<vmem>> -> memref<104x128xf32, #tpu.memory_space<vmem>>
    %dma_start3A_303 = arith.constant 0 : i32
    %dma_start3A_304 = tpu.memref_slice %arg11[%dma_start3A_296, %dma_start3A_303] : memref<2x104xi32, #tpu.memory_space<vmem>> -> memref<1x104xi32, #tpu.memory_space<vmem>>
    %dma_start3A_305 = tpu.memref_squeeze %dma_start3A_304 : memref<1x104xi32, #tpu.memory_space<vmem>> -> memref<104xi32, #tpu.memory_space<vmem>>
    %dma_start3A_306 = arith.constant 0 : i32
    %dma_start3A_307 = arith.constant 0 : i32
    %dma_start3A_308 = tpu.memref_slice %arg4[%dma_start3A_306, %dma_start3A_307] : memref<100000x128xf32, #tpu.memory_space<hbm>> -> memref<100000x128xf32, #tpu.memory_space<hbm>>
    %dma_start3A_309 = tpu.memref_slice %arg18[%dma_start3A_298] : memref<2x!tpu.dma_semaphore, #tpu.memory_space<semaphore_mem>> -> memref<1x!tpu.dma_semaphore, #tpu.memory_space<semaphore_mem>>
    %dma_start3A_310 = tpu.memref_squeeze %dma_start3A_309 : memref<1x!tpu.dma_semaphore, #tpu.memory_space<semaphore_mem>> -> memref<!tpu.dma_semaphore, #tpu.memory_space<semaphore_mem>>
    tpu.enqueue_indirect_dma source(%dma_start3A_308 : memref<100000x128xf32, #tpu.memory_space<hbm>>) target(%dma_start3A_302 : memref<104x128xf32, #tpu.memory_space<vmem>>) offsets(%dma_start3A_305 : memref<104xi32, #tpu.memory_space<vmem>>) semaphore(%dma_start3A_310 : memref<!tpu.dma_semaphore, #tpu.memory_space<semaphore_mem>>)
    %min3A_311 = arith.constant 1 : i32
    %min3A_312 = arith.constant 31 : i32
    %min3A_313 = arith.minsi %min3A_311, %min3A_312 : i32
    %get3A_314 = arith.index_cast %min3A_313 : i32 to index
    %get3A_315 = tpu.vector_load %arg8[%get3A_314] {strides = array<i32>} : memref<48xi32, #tpu.memory_space<vmem>>, vector<16xi32>,
    %slice3A_316 = vector.extract_strided_slice %get3A_315 {offsets = [0], sizes = [1], strides = [1]} : vector<16xi32> to vector<1xi32>
    %squeeze3A_317 = vector.extract %slice3A_316[0] : i32 from vector<1xi32>
    %add3A_318 = arith.constant 0 : i32
    %add3A_319 = vector.broadcast %add3A_318 : i32 to vector<16xi32>
    %add3A_320 = arith.addi %iota3A, %add3A_319 : vector<16xi32>
    %add3A_321 = arith.constant 104 : i32
    %add3A_322 = vector.broadcast %add3A_321 : i32 to vector<16xi32>
    %add3A_323 = arith.addi %add3A_320, %add3A_322 : vector<16xi32>
    %min3A_324 = arith.constant 199 : i32
    %min3A_325 = vector.broadcast %min3A_324 : i32 to vector<16xi32>
    %min3A_326 = arith.minsi %add3A_323, %min3A_325 : vector<16xi32>
    %mul3A_327 = arith.constant 1024 : i32
    %mul3A_328 = vector.broadcast %mul3A_327 : i32 to vector<16xi32>
    %mul3A_329 = arith.muli %mul3A_328, %add3A_320 : vector<16xi32>
    %add3A_330 = vector.broadcast %squeeze3A_317 : i32 to vector<16xi32>
    %add3A_331 = arith.addi %add3A_330, %mul3A_329 : vector<16xi32>
    %swap3A_332 = arith.constant 2 : i32
    %swap3A_333 = arith.index_cast %swap3A_332 : i32 to index
    %swap3A_334 = arith.constant 0 : index
    %swap3A_335 = tpu.vector_load %arg9[%swap3A_333, %swap3A_334] {strides = array<i32>} : memref<4x104xi32, #tpu.memory_space<vmem>>, vector<16xi32>,
    tpu.vector_store %arg9[%swap3A_333, %swap3A_334], %add3A_331 {strides = array<i32>} : memref<4x104xi32, #tpu.memory_space<vmem>>, vector<16xi32>,
    %mul3A_336 = arith.constant 1024 : i32
    %mul3A_337 = vector.broadcast %mul3A_336 : i32 to vector<16xi32>
    %mul3A_338 = arith.muli %mul3A_337, %min3A_326 : vector<16xi32>
    %add3A_339 = vector.broadcast %squeeze3A_317 : i32 to vector<16xi32>
    %add3A_340 = arith.addi %add3A_339, %mul3A_338 : vector<16xi32>
    %swap3A_341 = arith.constant 3 : i32
    %swap3A_342 = arith.index_cast %swap3A_341 : i32 to index
    %swap3A_343 = arith.constant 0 : index
    %swap3A_344 = tpu.vector_load %arg9[%swap3A_342, %swap3A_343] {strides = array<i32>} : memref<4x104xi32, #tpu.memory_space<vmem>>, vector<16xi32>,
    tpu.vector_store %arg9[%swap3A_342, %swap3A_343], %add3A_340 {strides = array<i32>} : memref<4x104xi32, #tpu.memory_space<vmem>>, vector<16xi32>,
    %add3A_345 = arith.constant 16 : i32
    %add3A_346 = vector.broadcast %add3A_345 : i32 to vector<16xi32>
    %add3A_347 = arith.addi %iota3A, %add3A_346 : vector<16xi32>
    %add3A_348 = arith.constant 104 : i32
    %add3A_349 = vector.broadcast %add3A_348 : i32 to vector<16xi32>
    %add3A_350 = arith.addi %add3A_347, %add3A_349 : vector<16xi32>
    %min3A_351 = arith.constant 199 : i32
    %min3A_352 = vector.broadcast %min3A_351 : i32 to vector<16xi32>
    %min3A_353 = arith.minsi %add3A_350, %min3A_352 : vector<16xi32>
    %mul3A_354 = arith.constant 1024 : i32
    %mul3A_355 = vector.broadcast %mul3A_354 : i32 to vector<16xi32>
    %mul3A_356 = arith.muli %mul3A_355, %add3A_347 : vector<16xi32>
    %add3A_357 = vector.broadcast %squeeze3A_317 : i32 to vector<16xi32>
    %add3A_358 = arith.addi %add3A_357, %mul3A_356 : vector<16xi32>
    %swap3A_359 = arith.constant 2 : i32
    %swap3A_360 = arith.index_cast %swap3A_359 : i32 to index
    %swap3A_361 = arith.constant 16 : index
    %swap3A_362 = tpu.vector_load %arg9[%swap3A_360, %swap3A_361] {strides = array<i32>} : memref<4x104xi32, #tpu.memory_space<vmem>>, vector<16xi32>,
    tpu.vector_store %arg9[%swap3A_360, %swap3A_361], %add3A_358 {strides = array<i32>} : memref<4x104xi32, #tpu.memory_space<vmem>>, vector<16xi32>,
    %mul3A_363 = arith.constant 1024 : i32
    %mul3A_364 = vector.broadcast %mul3A_363 : i32 to vector<16xi32>
    %mul3A_365 = arith.muli %mul3A_364, %min3A_353 : vector<16xi32>
    %add3A_366 = vector.broadcast %squeeze3A_317 : i32 to vector<16xi32>
    %add3A_367 = arith.addi %add3A_366, %mul3A_365 : vector<16xi32>
    %swap3A_368 = arith.constant 3 : i32
    %swap3A_369 = arith.index_cast %swap3A_368 : i32 to index
    %swap3A_370 = arith.constant 16 : index
    %swap3A_371 = tpu.vector_load %arg9[%swap3A_369, %swap3A_370] {strides = array<i32>} : memref<4x104xi32, #tpu.memory_space<vmem>>, vector<16xi32>,
    tpu.vector_store %arg9[%swap3A_369, %swap3A_370], %add3A_367 {strides = array<i32>} : memref<4x104xi32, #tpu.memory_space<vmem>>, vector<16xi32>,
    %add3A_372 = arith.constant 32 : i32
    %add3A_373 = vector.broadcast %add3A_372 : i32 to vector<16xi32>
    %add3A_374 = arith.addi %iota3A, %add3A_373 : vector<16xi32>
    %add3A_375 = arith.constant 104 : i32
    %add3A_376 = vector.broadcast %add3A_375 : i32 to vector<16xi32>
    %add3A_377 = arith.addi %add3A_374, %add3A_376 : vector<16xi32>
    %min3A_378 = arith.constant 199 : i32
    %min3A_379 = vector.broadcast %min3A_378 : i32 to vector<16xi32>
    %min3A_380 = arith.minsi %add3A_377, %min3A_379 : vector<16xi32>
    %mul3A_381 = arith.constant 1024 : i32
    %mul3A_382 = vector.broadcast %mul3A_381 : i32 to vector<16xi32>
    %mul3A_383 = arith.muli %mul3A_382, %add3A_374 : vector<16xi32>
    %add3A_384 = vector.broadcast %squeeze3A_317 : i32 to vector<16xi32>
    %add3A_385 = arith.addi %add3A_384, %mul3A_383 : vector<16xi32>
    %swap3A_386 = arith.constant 2 : i32
    %swap3A_387 = arith.index_cast %swap3A_386 : i32 to index
    %swap3A_388 = arith.constant 32 : index
    %swap3A_389 = tpu.vector_load %arg9[%swap3A_387, %swap3A_388] {strides = array<i32>} : memref<4x104xi32, #tpu.memory_space<vmem>>, vector<16xi32>,
    tpu.vector_store %arg9[%swap3A_387, %swap3A_388], %add3A_385 {strides = array<i32>} : memref<4x104xi32, #tpu.memory_space<vmem>>, vector<16xi32>,
    %mul3A_390 = arith.constant 1024 : i32
    %mul3A_391 = vector.broadcast %mul3A_390 : i32 to vector<16xi32>
    %mul3A_392 = arith.muli %mul3A_391, %min3A_380 : vector<16xi32>
    %add3A_393 = vector.broadcast %squeeze3A_317 : i32 to vector<16xi32>
    %add3A_394 = arith.addi %add3A_393, %mul3A_392 : vector<16xi32>
    %swap3A_395 = arith.constant 3 : i32
    %swap3A_396 = arith.index_cast %swap3A_395 : i32 to index
    %swap3A_397 = arith.constant 32 : index
    %swap3A_398 = tpu.vector_load %arg9[%swap3A_396, %swap3A_397] {strides = array<i32>} : memref<4x104xi32, #tpu.memory_space<vmem>>, vector<16xi32>,
    tpu.vector_store %arg9[%swap3A_396, %swap3A_397], %add3A_394 {strides = array<i32>} : memref<4x104xi32, #tpu.memory_space<vmem>>, vector<16xi32>,
    %add3A_399 = arith.constant 48 : i32
    %add3A_400 = vector.broadcast %add3A_399 : i32 to vector<16xi32>
    %add3A_401 = arith.addi %iota3A, %add3A_400 : vector<16xi32>
    %add3A_402 = arith.constant 104 : i32
    %add3A_403 = vector.broadcast %add3A_402 : i32 to vector<16xi32>
    %add3A_404 = arith.addi %add3A_401, %add3A_403 : vector<16xi32>
    %min3A_405 = arith.constant 199 : i32
    %min3A_406 = vector.broadcast %min3A_405 : i32 to vector<16xi32>
    %min3A_407 = arith.minsi %add3A_404, %min3A_406 : vector<16xi32>
    %mul3A_408 = arith.constant 1024 : i32
    %mul3A_409 = vector.broadcast %mul3A_408 : i32 to vector<16xi32>
    %mul3A_410 = arith.muli %mul3A_409, %add3A_401 : vector<16xi32>
    %add3A_411 = vector.broadcast %squeeze3A_317 : i32 to vector<16xi32>
    %add3A_412 = arith.addi %add3A_411, %mul3A_410 : vector<16xi32>
    %swap3A_413 = arith.constant 2 : i32
    %swap3A_414 = arith.index_cast %swap3A_413 : i32 to index
    %swap3A_415 = arith.constant 48 : index
    %swap3A_416 = tpu.vector_load %arg9[%swap3A_414, %swap3A_415] {strides = array<i32>} : memref<4x104xi32, #tpu.memory_space<vmem>>, vector<16xi32>,
    tpu.vector_store %arg9[%swap3A_414, %swap3A_415], %add3A_412 {strides = array<i32>} : memref<4x104xi32, #tpu.memory_space<vmem>>, vector<16xi32>,
    %mul3A_417 = arith.constant 1024 : i32
    %mul3A_418 = vector.broadcast %mul3A_417 : i32 to vector<16xi32>
    %mul3A_419 = arith.muli %mul3A_418, %min3A_407 : vector<16xi32>
    %add3A_420 = vector.broadcast %squeeze3A_317 : i32 to vector<16xi32>
    %add3A_421 = arith.addi %add3A_420, %mul3A_419 : vector<16xi32>
    %swap3A_422 = arith.constant 3 : i32
    %swap3A_423 = arith.index_cast %swap3A_422 : i32 to index
    %swap3A_424 = arith.constant 48 : index
    %swap3A_425 = tpu.vector_load %arg9[%swap3A_423, %swap3A_424] {strides = array<i32>} : memref<4x104xi32, #tpu.memory_space<vmem>>, vector<16xi32>,
    tpu.vector_store %arg9[%swap3A_423, %swap3A_424], %add3A_421 {strides = array<i32>} : memref<4x104xi32, #tpu.memory_space<vmem>>, vector<16xi32>,
    %add3A_426 = arith.constant 64 : i32
    %add3A_427 = vector.broadcast %add3A_426 : i32 to vector<16xi32>
    %add3A_428 = arith.addi %iota3A, %add3A_427 : vector<16xi32>
    %add3A_429 = arith.constant 104 : i32
    %add3A_430 = vector.broadcast %add3A_429 : i32 to vector<16xi32>
    %add3A_431 = arith.addi %add3A_428, %add3A_430 : vector<16xi32>
    %min3A_432 = arith.constant 199 : i32
    %min3A_433 = vector.broadcast %min3A_432 : i32 to vector<16xi32>
    %min3A_434 = arith.minsi %add3A_431, %min3A_433 : vector<16xi32>
    %mul3A_435 = arith.constant 1024 : i32
    %mul3A_436 = vector.broadcast %mul3A_435 : i32 to vector<16xi32>
    %mul3A_437 = arith.muli %mul3A_436, %add3A_428 : vector<16xi32>
    %add3A_438 = vector.broadcast %squeeze3A_317 : i32 to vector<16xi32>
    %add3A_439 = arith.addi %add3A_438, %mul3A_437 : vector<16xi32>
    %swap3A_440 = arith.constant 2 : i32
    %swap3A_441 = arith.index_cast %swap3A_440 : i32 to index
    %swap3A_442 = arith.constant 64 : index
    %swap3A_443 = tpu.vector_load %arg9[%swap3A_441, %swap3A_442] {strides = array<i32>} : memref<4x104xi32, #tpu.memory_space<vmem>>, vector<16xi32>,
    tpu.vector_store %arg9[%swap3A_441, %swap3A_442], %add3A_439 {strides = array<i32>} : memref<4x104xi32, #tpu.memory_space<vmem>>, vector<16xi32>,
    %mul3A_444 = arith.constant 1024 : i32
    %mul3A_445 = vector.broadcast %mul3A_444 : i32 to vector<16xi32>
    %mul3A_446 = arith.muli %mul3A_445, %min3A_434 : vector<16xi32>
    %add3A_447 = vector.broadcast %squeeze3A_317 : i32 to vector<16xi32>
    %add3A_448 = arith.addi %add3A_447, %mul3A_446 : vector<16xi32>
    %swap3A_449 = arith.constant 3 : i32
    %swap3A_450 = arith.index_cast %swap3A_449 : i32 to index
    %swap3A_451 = arith.constant 64 : index
    %swap3A_452 = tpu.vector_load %arg9[%swap3A_450, %swap3A_451] {strides = array<i32>} : memref<4x104xi32, #tpu.memory_space<vmem>>, vector<16xi32>,
    tpu.vector_store %arg9[%swap3A_450, %swap3A_451], %add3A_448 {strides = array<i32>} : memref<4x104xi32, #tpu.memory_space<vmem>>, vector<16xi32>,
    %add3A_453 = arith.constant 80 : i32
    %add3A_454 = vector.broadcast %add3A_453 : i32 to vector<16xi32>
    %add3A_455 = arith.addi %iota3A, %add3A_454 : vector<16xi32>
    %add3A_456 = arith.constant 104 : i32
    %add3A_457 = vector.broadcast %add3A_456 : i32 to vector<16xi32>
    %add3A_458 = arith.addi %add3A_455, %add3A_457 : vector<16xi32>
    %min3A_459 = arith.constant 199 : i32
    %min3A_460 = vector.broadcast %min3A_459 : i32 to vector<16xi32>
    %min3A_461 = arith.minsi %add3A_458, %min3A_460 : vector<16xi32>
    %mul3A_462 = arith.constant 1024 : i32
    %mul3A_463 = vector.broadcast %mul3A_462 : i32 to vector<16xi32>
    %mul3A_464 = arith.muli %mul3A_463, %add3A_455 : vector<16xi32>
    %add3A_465 = vector.broadcast %squeeze3A_317 : i32 to vector<16xi32>
    %add3A_466 = arith.addi %add3A_465, %mul3A_464 : vector<16xi32>
    %swap3A_467 = arith.constant 2 : i32
    %swap3A_468 = arith.index_cast %swap3A_467 : i32 to index
    %swap3A_469 = arith.constant 80 : index
    %swap3A_470 = tpu.vector_load %arg9[%swap3A_468, %swap3A_469] {strides = array<i32>} : memref<4x104xi32, #tpu.memory_space<vmem>>, vector<16xi32>,
    tpu.vector_store %arg9[%swap3A_468, %swap3A_469], %add3A_466 {strides = array<i32>} : memref<4x104xi32, #tpu.memory_space<vmem>>, vector<16xi32>,
    %mul3A_471 = arith.constant 1024 : i32
    %mul3A_472 = vector.broadcast %mul3A_471 : i32 to vector<16xi32>
    %mul3A_473 = arith.muli %mul3A_472, %min3A_461 : vector<16xi32>
    %add3A_474 = vector.broadcast %squeeze3A_317 : i32 to vector<16xi32>
    %add3A_475 = arith.addi %add3A_474, %mul3A_473 : vector<16xi32>
    %swap3A_476 = arith.constant 3 : i32
    %swap3A_477 = arith.index_cast %swap3A_476 : i32 to index
    %swap3A_478 = arith.constant 80 : index
    %swap3A_479 = tpu.vector_load %arg9[%swap3A_477, %swap3A_478] {strides = array<i32>} : memref<4x104xi32, #tpu.memory_space<vmem>>, vector<16xi32>,
    tpu.vector_store %arg9[%swap3A_477, %swap3A_478], %add3A_475 {strides = array<i32>} : memref<4x104xi32, #tpu.memory_space<vmem>>, vector<16xi32>,
    %add3A_480 = arith.constant 88 : i32
    %add3A_481 = vector.broadcast %add3A_480 : i32 to vector<16xi32>
    %add3A_482 = arith.addi %iota3A, %add3A_481 : vector<16xi32>
    %add3A_483 = arith.constant 104 : i32
    %add3A_484 = vector.broadcast %add3A_483 : i32 to vector<16xi32>
    %add3A_485 = arith.addi %add3A_482, %add3A_484 : vector<16xi32>
    %min3A_486 = arith.constant 199 : i32
    %min3A_487 = vector.broadcast %min3A_486 : i32 to vector<16xi32>
    %min3A_488 = arith.minsi %add3A_485, %min3A_487 : vector<16xi32>
    %mul3A_489 = arith.constant 1024 : i32
    %mul3A_490 = vector.broadcast %mul3A_489 : i32 to vector<16xi32>
    %mul3A_491 = arith.muli %mul3A_490, %add3A_482 : vector<16xi32>
    %add3A_492 = vector.broadcast %squeeze3A_317 : i32 to vector<16xi32>
    %add3A_493 = arith.addi %add3A_492, %mul3A_491 : vector<16xi32>
    %swap3A_494 = arith.constant 2 : i32
    %swap3A_495 = arith.index_cast %swap3A_494 : i32 to index
    %swap3A_496 = arith.constant 88 : index
    %swap3A_497 = tpu.vector_load %arg9[%swap3A_495, %swap3A_496] {strides = array<i32>} : memref<4x104xi32, #tpu.memory_space<vmem>>, vector<16xi32>,
    tpu.vector_store %arg9[%swap3A_495, %swap3A_496], %add3A_493 {strides = array<i32>} : memref<4x104xi32, #tpu.memory_space<vmem>>, vector<16xi32>,
    %mul3A_498 = arith.constant 1024 : i32
    %mul3A_499 = vector.broadcast %mul3A_498 : i32 to vector<16xi32>
    %mul3A_500 = arith.muli %mul3A_499, %min3A_488 : vector<16xi32>
    %add3A_501 = vector.broadcast %squeeze3A_317 : i32 to vector<16xi32>
    %add3A_502 = arith.addi %add3A_501, %mul3A_500 : vector<16xi32>
    %swap3A_503 = arith.constant 3 : i32
    %swap3A_504 = arith.index_cast %swap3A_503 : i32 to index
    %swap3A_505 = arith.constant 88 : index
    %swap3A_506 = tpu.vector_load %arg9[%swap3A_504, %swap3A_505] {strides = array<i32>} : memref<4x104xi32, #tpu.memory_space<vmem>>, vector<16xi32>,
    tpu.vector_store %arg9[%swap3A_504, %swap3A_505], %add3A_502 {strides = array<i32>} : memref<4x104xi32, #tpu.memory_space<vmem>>, vector<16xi32>,
    %dma_start3A_507 = arith.constant 2 : i32
    %dma_start3A_508 = arith.constant 1 : i32
    %dma_start3A_509 = arith.constant 1 : i32
    %dma_start3A_510 = arith.constant 0 : i32
    %dma_start3A_511 = tpu.memref_slice %arg10[%dma_start3A_508, %dma_start3A_510] : memref<2x104xi32, #tpu.memory_space<vmem>> -> memref<1x104xi32, #tpu.memory_space<vmem>>
    %dma_start3A_512 = tpu.memref_squeeze %dma_start3A_511 : memref<1x104xi32, #tpu.memory_space<vmem>> -> memref<104xi32, #tpu.memory_space<vmem>>
    %dma_start3A_513 = arith.constant 0 : i32
    %dma_start3A_514 = tpu.memref_slice %arg9[%dma_start3A_507, %dma_start3A_513] : memref<4x104xi32, #tpu.memory_space<vmem>> -> memref<1x104xi32, #tpu.memory_space<vmem>>
    %dma_start3A_515 = tpu.memref_squeeze %dma_start3A_514 : memref<1x104xi32, #tpu.memory_space<vmem>> -> memref<104xi32, #tpu.memory_space<vmem>>
    %dma_start3A_516 = arith.constant 0 : i32
    %dma_start3A_517 = tpu.memref_slice %arg2[%dma_start3A_516] : memref<204800xi32, #tpu.memory_space<hbm>> -> memref<204800xi32, #tpu.memory_space<hbm>>
    %dma_start3A_518 = tpu.memref_slice %arg17[%dma_start3A_509] : memref<2x!tpu.dma_semaphore, #tpu.memory_space<semaphore_mem>> -> memref<1x!tpu.dma_semaphore, #tpu.memory_space<semaphore_mem>>
    %dma_start3A_519 = tpu.memref_squeeze %dma_start3A_518 : memref<1x!tpu.dma_semaphore, #tpu.memory_space<semaphore_mem>> -> memref<!tpu.dma_semaphore, #tpu.memory_space<semaphore_mem>>
    tpu.enqueue_indirect_dma source(%dma_start3A_517 : memref<204800xi32, #tpu.memory_space<hbm>>) target(%dma_start3A_512 : memref<104xi32, #tpu.memory_space<vmem>>) offsets(%dma_start3A_515 : memref<104xi32, #tpu.memory_space<vmem>>) semaphore(%dma_start3A_519 : memref<!tpu.dma_semaphore, #tpu.memory_space<semaphore_mem>>)
    %dma_start3A_520 = arith.constant 3 : i32
    %dma_start3A_521 = arith.constant 1 : i32
    %dma_start3A_522 = arith.constant 1 : i32
    %dma_start3A_523 = arith.constant 0 : i32
    %dma_start3A_524 = tpu.memref_slice %arg11[%dma_start3A_521, %dma_start3A_523] : memref<2x104xi32, #tpu.memory_space<vmem>> -> memref<1x104xi32, #tpu.memory_space<vmem>>
    %dma_start3A_525 = tpu.memref_squeeze %dma_start3A_524 : memref<1x104xi32, #tpu.memory_space<vmem>> -> memref<104xi32, #tpu.memory_space<vmem>>
    %dma_start3A_526 = arith.constant 0 : i32
    %dma_start3A_527 = tpu.memref_slice %arg9[%dma_start3A_520, %dma_start3A_526] : memref<4x104xi32, #tpu.memory_space<vmem>> -> memref<1x104xi32, #tpu.memory_space<vmem>>
    %dma_start3A_528 = tpu.memref_squeeze %dma_start3A_527 : memref<1x104xi32, #tpu.memory_space<vmem>> -> memref<104xi32, #tpu.memory_space<vmem>>
    %dma_start3A_529 = arith.constant 0 : i32
    %dma_start3A_530 = tpu.memref_slice %arg2[%dma_start3A_529] : memref<204800xi32, #tpu.memory_space<hbm>> -> memref<204800xi32, #tpu.memory_space<hbm>>
    %dma_start3A_531 = tpu.memref_slice %arg17[%dma_start3A_522] : memref<2x!tpu.dma_semaphore, #tpu.memory_space<semaphore_mem>> -> memref<1x!tpu.dma_semaphore, #tpu.memory_space<semaphore_mem>>
    %dma_start3A_532 = tpu.memref_squeeze %dma_start3A_531 : memref<1x!tpu.dma_semaphore, #tpu.memory_space<semaphore_mem>> -> memref<!tpu.dma_semaphore, #tpu.memory_space<semaphore_mem>>
    tpu.enqueue_indirect_dma source(%dma_start3A_530 : memref<204800xi32, #tpu.memory_space<hbm>>) target(%dma_start3A_525 : memref<104xi32, #tpu.memory_space<vmem>>) offsets(%dma_start3A_528 : memref<104xi32, #tpu.memory_space<vmem>>) semaphore(%dma_start3A_532 : memref<!tpu.dma_semaphore, #tpu.memory_space<semaphore_mem>>)
    %scan3A = arith.constant 0 : i32
    %scan3A_533 = arith.constant 0 : i32
    %scan3A_534 = arith.constant 16 : i32
    %scan3A_535 = arith.addi %scan3A_533, %scan3A_534 : i32
    %scan3A_536 = arith.constant 1 : i32
    scf.for %scan3A_620 = %scan3A_533 to %scan3A_535 step %scan3A_536  : i32 {
      %mul3A_621 = arith.constant 2 : i32
      %mul3A_622 = arith.muli %mul3A_621, %scan3A_620 : i32
      %dma_wait3A_623 = arith.constant 2 : i32
      %dma_wait3A_624 = arith.constant 1 : i32
      %dma_wait3A_625 = arith.constant 1 : i32
      %dma_wait3A_626 = arith.constant 0 : i32
      %dma_wait3A_627 = tpu.memref_slice %arg10[%dma_wait3A_624, %dma_wait3A_626] : memref<2x104xi32, #tpu.memory_space<vmem>> -> memref<1x104xi32, #tpu.memory_space<vmem>>
      %dma_wait3A_628 = tpu.memref_squeeze %dma_wait3A_627 : memref<1x104xi32, #tpu.memory_space<vmem>> -> memref<104xi32, #tpu.memory_space<vmem>>
      %dma_wait3A_629 = arith.constant 0 : i32
      %dma_wait3A_630 = tpu.memref_slice %arg9[%dma_wait3A_623, %dma_wait3A_629] : memref<4x104xi32, #tpu.memory_space<vmem>> -> memref<1x104xi32, #tpu.memory_space<vmem>>
      %dma_wait3A_631 = tpu.memref_squeeze %dma_wait3A_630 : memref<1x104xi32, #tpu.memory_space<vmem>> -> memref<104xi32, #tpu.memory_space<vmem>>
      %dma_wait3A_632 = arith.constant 0 : i32
      %dma_wait3A_633 = tpu.memref_slice %arg2[%dma_wait3A_632] : memref<204800xi32, #tpu.memory_space<hbm>> -> memref<204800xi32, #tpu.memory_space<hbm>>
      %dma_wait3A_634 = tpu.memref_slice %arg17[%dma_wait3A_625] : memref<2x!tpu.dma_semaphore, #tpu.memory_space<semaphore_mem>> -> memref<1x!tpu.dma_semaphore, #tpu.memory_space<semaphore_mem>>
      %dma_wait3A_635 = tpu.memref_squeeze %dma_wait3A_634 : memref<1x!tpu.dma_semaphore, #tpu.memory_space<semaphore_mem>> -> memref<!tpu.dma_semaphore, #tpu.memory_space<semaphore_mem>>
      tpu.wait_indirect_dma semaphore(%dma_wait3A_635 : memref<!tpu.dma_semaphore, #tpu.memory_space<semaphore_mem>>) src(%dma_wait3A_633 : memref<204800xi32, #tpu.memory_space<hbm>>) dst(%dma_wait3A_628 : memref<104xi32, #tpu.memory_space<vmem>>)
      %dma_wait3A_636 = arith.constant 3 : i32
      %dma_wait3A_637 = arith.constant 1 : i32
      %dma_wait3A_638 = arith.constant 1 : i32
      %dma_wait3A_639 = arith.constant 0 : i32
      %dma_wait3A_640 = tpu.memref_slice %arg11[%dma_wait3A_637, %dma_wait3A_639] : memref<2x104xi32, #tpu.memory_space<vmem>> -> memref<1x104xi32, #tpu.memory_space<vmem>>
      %dma_wait3A_641 = tpu.memref_squeeze %dma_wait3A_640 : memref<1x104xi32, #tpu.memory_space<vmem>> -> memref<104xi32, #tpu.memory_space<vmem>>
      %dma_wait3A_642 = arith.constant 0 : i32
      %dma_wait3A_643 = tpu.memref_slice %arg9[%dma_wait3A_636, %dma_wait3A_642] : memref<4x104xi32, #tpu.memory_space<vmem>> -> memref<1x104xi32, #tpu.memory_space<vmem>>
      %dma_wait3A_644 = tpu.memref_squeeze %dma_wait3A_643 : memref<1x104xi32, #tpu.memory_space<vmem>> -> memref<104xi32, #tpu.memory_space<vmem>>
      %dma_wait3A_645 = arith.constant 0 : i32
      %dma_wait3A_646 = tpu.memref_slice %arg2[%dma_wait3A_645] : memref<204800xi32, #tpu.memory_space<hbm>> -> memref<204800xi32, #tpu.memory_space<hbm>>
      %dma_wait3A_647 = tpu.memref_slice %arg17[%dma_wait3A_638] : memref<2x!tpu.dma_semaphore, #tpu.memory_space<semaphore_mem>> -> memref<1x!tpu.dma_semaphore, #tpu.memory_space<semaphore_mem>>
      %dma_wait3A_648 = tpu.memref_squeeze %dma_wait3A_647 : memref<1x!tpu.dma_semaphore, #tpu.memory_space<semaphore_mem>> -> memref<!tpu.dma_semaphore, #tpu.memory_space<semaphore_mem>>
      tpu.wait_indirect_dma semaphore(%dma_wait3A_648 : memref<!tpu.dma_semaphore, #tpu.memory_space<semaphore_mem>>) src(%dma_wait3A_646 : memref<204800xi32, #tpu.memory_space<hbm>>) dst(%dma_wait3A_641 : memref<104xi32, #tpu.memory_space<vmem>>)
      %dma_start3A_649 = arith.constant 1 : i32
      %dma_start3A_650 = arith.constant 1 : i32
      %dma_start3A_651 = arith.constant 1 : i32
      %dma_start3A_652 = arith.constant 0 : i32
      %dma_start3A_653 = tpu.memref_slice %arg13[%dma_start3A_650, %dma_start3A_652] : memref<2x208xf32, #tpu.memory_space<vmem>> -> memref<1x104xf32, #tpu.memory_space<vmem>>
      %dma_start3A_654 = tpu.memref_squeeze %dma_start3A_653 : memref<1x104xf32, #tpu.memory_space<vmem>> -> memref<104xf32, #tpu.memory_space<vmem>>
      %dma_start3A_655 = arith.constant 0 : i32
      %dma_start3A_656 = tpu.memref_slice %arg10[%dma_start3A_649, %dma_start3A_655] : memref<2x104xi32, #tpu.memory_space<vmem>> -> memref<1x104xi32, #tpu.memory_space<vmem>>
      %dma_start3A_657 = tpu.memref_squeeze %dma_start3A_656 : memref<1x104xi32, #tpu.memory_space<vmem>> -> memref<104xi32, #tpu.memory_space<vmem>>
      %dma_start3A_658 = arith.constant 0 : i32
      %dma_start3A_659 = tpu.memref_slice %arg5[%dma_start3A_658] : memref<100000xf32, #tpu.memory_space<hbm>> -> memref<100000xf32, #tpu.memory_space<hbm>>
      %dma_start3A_660 = tpu.memref_slice %arg18[%dma_start3A_651] : memref<2x!tpu.dma_semaphore, #tpu.memory_space<semaphore_mem>> -> memref<1x!tpu.dma_semaphore, #tpu.memory_space<semaphore_mem>>
      %dma_start3A_661 = tpu.memref_squeeze %dma_start3A_660 : memref<1x!tpu.dma_semaphore, #tpu.memory_space<semaphore_mem>> -> memref<!tpu.dma_semaphore, #tpu.memory_space<semaphore_mem>>
      tpu.enqueue_indirect_dma source(%dma_start3A_659 : memref<100000xf32, #tpu.memory_space<hbm>>) target(%dma_start3A_654 : memref<104xf32, #tpu.memory_space<vmem>>) offsets(%dma_start3A_657 : memref<104xi32, #tpu.memory_space<vmem>>) semaphore(%dma_start3A_661 : memref<!tpu.dma_semaphore, #tpu.memory_space<semaphore_mem>>)
      %dma_start3A_662 = arith.constant 1 : i32
      %dma_start3A_663 = arith.constant 1 : i32
      %dma_start3A_664 = arith.constant 1 : i32
      %dma_start3A_665 = arith.constant 104 : i32
      %dma_start3A_666 = tpu.memref_slice %arg13[%dma_start3A_663, %dma_start3A_665] : memref<2x208xf32, #tpu.memory_space<vmem>> -> memref<1x104xf32, #tpu.memory_space<vmem>>
      %dma_start3A_667 = tpu.memref_squeeze %dma_start3A_666 : memref<1x104xf32, #tpu.memory_space<vmem>> -> memref<104xf32, #tpu.memory_space<vmem>>
      %dma_start3A_668 = arith.constant 0 : i32
      %dma_start3A_669 = tpu.memref_slice %arg11[%dma_start3A_662, %dma_start3A_668] : memref<2x104xi32, #tpu.memory_space<vmem>> -> memref<1x104xi32, #tpu.memory_space<vmem>>
      %dma_start3A_670 = tpu.memref_squeeze %dma_start3A_669 : memref<1x104xi32, #tpu.memory_space<vmem>> -> memref<104xi32, #tpu.memory_space<vmem>>
      %dma_start3A_671 = arith.constant 0 : i32
      %dma_start3A_672 = tpu.memref_slice %arg5[%dma_start3A_671] : memref<100000xf32, #tpu.memory_space<hbm>> -> memref<100000xf32, #tpu.memory_space<hbm>>
      %dma_start3A_673 = tpu.memref_slice %arg18[%dma_start3A_664] : memref<2x!tpu.dma_semaphore, #tpu.memory_space<semaphore_mem>> -> memref<1x!tpu.dma_semaphore, #tpu.memory_space<semaphore_mem>>
      %dma_start3A_674 = tpu.memref_squeeze %dma_start3A_673 : memref<1x!tpu.dma_semaphore, #tpu.memory_space<semaphore_mem>> -> memref<!tpu.dma_semaphore, #tpu.memory_space<semaphore_mem>>
      tpu.enqueue_indirect_dma source(%dma_start3A_672 : memref<100000xf32, #tpu.memory_space<hbm>>) target(%dma_start3A_667 : memref<104xf32, #tpu.memory_space<vmem>>) offsets(%dma_start3A_670 : memref<104xi32, #tpu.memory_space<vmem>>) semaphore(%dma_start3A_674 : memref<!tpu.dma_semaphore, #tpu.memory_space<semaphore_mem>>)
      %dma_start3A_675 = arith.constant 1 : i32
      %dma_start3A_676 = arith.constant 1 : i32
      %dma_start3A_677 = arith.constant 1 : i32
      %dma_start3A_678 = arith.constant 0 : i32
      %dma_start3A_679 = arith.constant 0 : i32
      %dma_start3A_680 = tpu.memref_slice %arg12[%dma_start3A_676, %dma_start3A_678, %dma_start3A_679] : memref<2x208x128xf32, #tpu.memory_space<vmem>> -> memref<1x104x128xf32, #tpu.memory_space<vmem>>
      %dma_start3A_681 = tpu.memref_squeeze %dma_start3A_680 : memref<1x104x128xf32, #tpu.memory_space<vmem>> -> memref<104x128xf32, #tpu.memory_space<vmem>>
      %dma_start3A_682 = arith.constant 0 : i32
      %dma_start3A_683 = tpu.memref_slice %arg10[%dma_start3A_675, %dma_start3A_682] : memref<2x104xi32, #tpu.memory_space<vmem>> -> memref<1x104xi32, #tpu.memory_space<vmem>>
      %dma_start3A_684 = tpu.memref_squeeze %dma_start3A_683 : memref<1x104xi32, #tpu.memory_space<vmem>> -> memref<104xi32, #tpu.memory_space<vmem>>
      %dma_start3A_685 = arith.constant 0 : i32
      %dma_start3A_686 = arith.constant 0 : i32
      %dma_start3A_687 = tpu.memref_slice %arg4[%dma_start3A_685, %dma_start3A_686] : memref<100000x128xf32, #tpu.memory_space<hbm>> -> memref<100000x128xf32, #tpu.memory_space<hbm>>
      %dma_start3A_688 = tpu.memref_slice %arg18[%dma_start3A_677] : memref<2x!tpu.dma_semaphore, #tpu.memory_space<semaphore_mem>> -> memref<1x!tpu.dma_semaphore, #tpu.memory_space<semaphore_mem>>
      %dma_start3A_689 = tpu.memref_squeeze %dma_start3A_688 : memref<1x!tpu.dma_semaphore, #tpu.memory_space<semaphore_mem>> -> memref<!tpu.dma_semaphore, #tpu.memory_space<semaphore_mem>>
      tpu.enqueue_indirect_dma source(%dma_start3A_687 : memref<100000x128xf32, #tpu.memory_space<hbm>>) target(%dma_start3A_681 : memref<104x128xf32, #tpu.memory_space<vmem>>) offsets(%dma_start3A_684 : memref<104xi32, #tpu.memory_space<vmem>>) semaphore(%dma_start3A_689 : memref<!tpu.dma_semaphore, #tpu.memory_space<semaphore_mem>>)
      %dma_start3A_690 = arith.constant 1 : i32
      %dma_start3A_691 = arith.constant 1 : i32
      %dma_start3A_692 = arith.constant 1 : i32
      %dma_start3A_693 = arith.constant 104 : i32
      %dma_start3A_694 = arith.constant 0 : i32
      %dma_start3A_695 = tpu.memref_slice %arg12[%dma_start3A_691, %dma_start3A_693, %dma_start3A_694] : memref<2x208x128xf32, #tpu.memory_space<vmem>> -> memref<1x104x128xf32, #tpu.memory_space<vmem>>
      %dma_start3A_696 = tpu.memref_squeeze %dma_start3A_695 : memref<1x104x128xf32, #tpu.memory_space<vmem>> -> memref<104x128xf32, #tpu.memory_space<vmem>>
      %dma_start3A_697 = arith.constant 0 : i32
      %dma_start3A_698 = tpu.memref_slice %arg11[%dma_start3A_690, %dma_start3A_697] : memref<2x104xi32, #tpu.memory_space<vmem>> -> memref<1x104xi32, #tpu.memory_space<vmem>>
      %dma_start3A_699 = tpu.memref_squeeze %dma_start3A_698 : memref<1x104xi32, #tpu.memory_space<vmem>> -> memref<104xi32, #tpu.memory_space<vmem>>
      %dma_start3A_700 = arith.constant 0 : i32
      %dma_start3A_701 = arith.constant 0 : i32
      %dma_start3A_702 = tpu.memref_slice %arg4[%dma_start3A_700, %dma_start3A_701] : memref<100000x128xf32, #tpu.memory_space<hbm>> -> memref<100000x128xf32, #tpu.memory_space<hbm>>
      %dma_start3A_703 = tpu.memref_slice %arg18[%dma_start3A_692] : memref<2x!tpu.dma_semaphore, #tpu.memory_space<semaphore_mem>> -> memref<1x!tpu.dma_semaphore, #tpu.memory_space<semaphore_mem>>
      %dma_start3A_704 = tpu.memref_squeeze %dma_start3A_703 : memref<1x!tpu.dma_semaphore, #tpu.memory_space<semaphore_mem>> -> memref<!tpu.dma_semaphore, #tpu.memory_space<semaphore_mem>>
      tpu.enqueue_indirect_dma source(%dma_start3A_702 : memref<100000x128xf32, #tpu.memory_space<hbm>>) target(%dma_start3A_696 : memref<104x128xf32, #tpu.memory_space<vmem>>) offsets(%dma_start3A_699 : memref<104xi32, #tpu.memory_space<vmem>>) semaphore(%dma_start3A_704 : memref<!tpu.dma_semaphore, #tpu.memory_space<semaphore_mem>>)
      %dma_wait3A_705 = arith.constant 0 : i32
      %dma_wait3A_706 = arith.constant 0 : i32
      %dma_wait3A_707 = arith.constant 0 : i32
      %dma_wait3A_708 = arith.constant 0 : i32
      %dma_wait3A_709 = tpu.memref_slice %arg13[%dma_wait3A_706, %dma_wait3A_708] : memref<2x208xf32, #tpu.memory_space<vmem>> -> memref<1x104xf32, #tpu.memory_space<vmem>>
      %dma_wait3A_710 = tpu.memref_squeeze %dma_wait3A_709 : memref<1x104xf32, #tpu.memory_space<vmem>> -> memref<104xf32, #tpu.memory_space<vmem>>
      %dma_wait3A_711 = arith.constant 0 : i32
      %dma_wait3A_712 = tpu.memref_slice %arg10[%dma_wait3A_705, %dma_wait3A_711] : memref<2x104xi32, #tpu.memory_space<vmem>> -> memref<1x104xi32, #tpu.memory_space<vmem>>
      %dma_wait3A_713 = tpu.memref_squeeze %dma_wait3A_712 : memref<1x104xi32, #tpu.memory_space<vmem>> -> memref<104xi32, #tpu.memory_space<vmem>>
      %dma_wait3A_714 = arith.constant 0 : i32
      %dma_wait3A_715 = tpu.memref_slice %arg5[%dma_wait3A_714] : memref<100000xf32, #tpu.memory_space<hbm>> -> memref<100000xf32, #tpu.memory_space<hbm>>
      %dma_wait3A_716 = tpu.memref_slice %arg18[%dma_wait3A_707] : memref<2x!tpu.dma_semaphore, #tpu.memory_space<semaphore_mem>> -> memref<1x!tpu.dma_semaphore, #tpu.memory_space<semaphore_mem>>
      %dma_wait3A_717 = tpu.memref_squeeze %dma_wait3A_716 : memref<1x!tpu.dma_semaphore, #tpu.memory_space<semaphore_mem>> -> memref<!tpu.dma_semaphore, #tpu.memory_space<semaphore_mem>>
      tpu.wait_indirect_dma semaphore(%dma_wait3A_717 : memref<!tpu.dma_semaphore, #tpu.memory_space<semaphore_mem>>) src(%dma_wait3A_715 : memref<100000xf32, #tpu.memory_space<hbm>>) dst(%dma_wait3A_710 : memref<104xf32, #tpu.memory_space<vmem>>)
      %dma_wait3A_718 = arith.constant 0 : i32
      %dma_wait3A_719 = arith.constant 0 : i32
      %dma_wait3A_720 = arith.constant 0 : i32
      %dma_wait3A_721 = arith.constant 104 : i32
      %dma_wait3A_722 = tpu.memref_slice %arg13[%dma_wait3A_719, %dma_wait3A_721] : memref<2x208xf32, #tpu.memory_space<vmem>> -> memref<1x104xf32, #tpu.memory_space<vmem>>
      %dma_wait3A_723 = tpu.memref_squeeze %dma_wait3A_722 : memref<1x104xf32, #tpu.memory_space<vmem>> -> memref<104xf32, #tpu.memory_space<vmem>>
      %dma_wait3A_724 = arith.constant 0 : i32
      %dma_wait3A_725 = tpu.memref_slice %arg11[%dma_wait3A_718, %dma_wait3A_724] : memref<2x104xi32, #tpu.memory_space<vmem>> -> memref<1x104xi32, #tpu.memory_space<vmem>>
      %dma_wait3A_726 = tpu.memref_squeeze %dma_wait3A_725 : memref<1x104xi32, #tpu.memory_space<vmem>> -> memref<104xi32, #tpu.memory_space<vmem>>
      %dma_wait3A_727 = arith.constant 0 : i32
      %dma_wait3A_728 = tpu.memref_slice %arg5[%dma_wait3A_727] : memref<100000xf32, #tpu.memory_space<hbm>> -> memref<100000xf32, #tpu.memory_space<hbm>>
      %dma_wait3A_729 = tpu.memref_slice %arg18[%dma_wait3A_720] : memref<2x!tpu.dma_semaphore, #tpu.memory_space<semaphore_mem>> -> memref<1x!tpu.dma_semaphore, #tpu.memory_space<semaphore_mem>>
      %dma_wait3A_730 = tpu.memref_squeeze %dma_wait3A_729 : memref<1x!tpu.dma_semaphore, #tpu.memory_space<semaphore_mem>> -> memref<!tpu.dma_semaphore, #tpu.memory_space<semaphore_mem>>
      tpu.wait_indirect_dma semaphore(%dma_wait3A_730 : memref<!tpu.dma_semaphore, #tpu.memory_space<semaphore_mem>>) src(%dma_wait3A_728 : memref<100000xf32, #tpu.memory_space<hbm>>) dst(%dma_wait3A_723 : memref<104xf32, #tpu.memory_space<vmem>>)
      %dma_wait3A_731 = arith.constant 0 : i32
      %dma_wait3A_732 = arith.constant 0 : i32
      %dma_wait3A_733 = arith.constant 0 : i32
      %dma_wait3A_734 = arith.constant 0 : i32
      %dma_wait3A_735 = arith.constant 0 : i32
      %dma_wait3A_736 = tpu.memref_slice %arg12[%dma_wait3A_732, %dma_wait3A_734, %dma_wait3A_735] : memref<2x208x128xf32, #tpu.memory_space<vmem>> -> memref<1x104x128xf32, #tpu.memory_space<vmem>>
      %dma_wait3A_737 = tpu.memref_squeeze %dma_wait3A_736 : memref<1x104x128xf32, #tpu.memory_space<vmem>> -> memref<104x128xf32, #tpu.memory_space<vmem>>
      %dma_wait3A_738 = arith.constant 0 : i32
      %dma_wait3A_739 = tpu.memref_slice %arg10[%dma_wait3A_731, %dma_wait3A_738] : memref<2x104xi32, #tpu.memory_space<vmem>> -> memref<1x104xi32, #tpu.memory_space<vmem>>
      %dma_wait3A_740 = tpu.memref_squeeze %dma_wait3A_739 : memref<1x104xi32, #tpu.memory_space<vmem>> -> memref<104xi32, #tpu.memory_space<vmem>>
      %dma_wait3A_741 = arith.constant 0 : i32
      %dma_wait3A_742 = arith.constant 0 : i32
      %dma_wait3A_743 = tpu.memref_slice %arg4[%dma_wait3A_741, %dma_wait3A_742] : memref<100000x128xf32, #tpu.memory_space<hbm>> -> memref<100000x128xf32, #tpu.memory_space<hbm>>
      %dma_wait3A_744 = tpu.memref_slice %arg18[%dma_wait3A_733] : memref<2x!tpu.dma_semaphore, #tpu.memory_space<semaphore_mem>> -> memref<1x!tpu.dma_semaphore, #tpu.memory_space<semaphore_mem>>
      %dma_wait3A_745 = tpu.memref_squeeze %dma_wait3A_744 : memref<1x!tpu.dma_semaphore, #tpu.memory_space<semaphore_mem>> -> memref<!tpu.dma_semaphore, #tpu.memory_space<semaphore_mem>>
      tpu.wait_indirect_dma semaphore(%dma_wait3A_745 : memref<!tpu.dma_semaphore, #tpu.memory_space<semaphore_mem>>) src(%dma_wait3A_743 : memref<100000x128xf32, #tpu.memory_space<hbm>>) dst(%dma_wait3A_737 : memref<104x128xf32, #tpu.memory_space<vmem>>)
      %dma_wait3A_746 = arith.constant 0 : i32
      %dma_wait3A_747 = arith.constant 0 : i32
      %dma_wait3A_748 = arith.constant 0 : i32
      %dma_wait3A_749 = arith.constant 104 : i32
      %dma_wait3A_750 = arith.constant 0 : i32
      %dma_wait3A_751 = tpu.memref_slice %arg12[%dma_wait3A_747, %dma_wait3A_749, %dma_wait3A_750] : memref<2x208x128xf32, #tpu.memory_space<vmem>> -> memref<1x104x128xf32, #tpu.memory_space<vmem>>
      %dma_wait3A_752 = tpu.memref_squeeze %dma_wait3A_751 : memref<1x104x128xf32, #tpu.memory_space<vmem>> -> memref<104x128xf32, #tpu.memory_space<vmem>>
      %dma_wait3A_753 = arith.constant 0 : i32
      %dma_wait3A_754 = tpu.memref_slice %arg11[%dma_wait3A_746, %dma_wait3A_753] : memref<2x104xi32, #tpu.memory_space<vmem>> -> memref<1x104xi32, #tpu.memory_space<vmem>>
      %dma_wait3A_755 = tpu.memref_squeeze %dma_wait3A_754 : memref<1x104xi32, #tpu.memory_space<vmem>> -> memref<104xi32, #tpu.memory_space<vmem>>
      %dma_wait3A_756 = arith.constant 0 : i32
      %dma_wait3A_757 = arith.constant 0 : i32
      %dma_wait3A_758 = tpu.memref_slice %arg4[%dma_wait3A_756, %dma_wait3A_757] : memref<100000x128xf32, #tpu.memory_space<hbm>> -> memref<100000x128xf32, #tpu.memory_space<hbm>>
      %dma_wait3A_759 = tpu.memref_slice %arg18[%dma_wait3A_748] : memref<2x!tpu.dma_semaphore, #tpu.memory_space<semaphore_mem>> -> memref<1x!tpu.dma_semaphore, #tpu.memory_space<semaphore_mem>>
      %dma_wait3A_760 = tpu.memref_squeeze %dma_wait3A_759 : memref<1x!tpu.dma_semaphore, #tpu.memory_space<semaphore_mem>> -> memref<!tpu.dma_semaphore, #tpu.memory_space<semaphore_mem>>
      tpu.wait_indirect_dma semaphore(%dma_wait3A_760 : memref<!tpu.dma_semaphore, #tpu.memory_space<semaphore_mem>>) src(%dma_wait3A_758 : memref<100000x128xf32, #tpu.memory_space<hbm>>) dst(%dma_wait3A_752 : memref<104x128xf32, #tpu.memory_space<vmem>>)
      %add3A_761 = arith.constant 2 : i32
      %add3A_762 = arith.addi %mul3A_622, %add3A_761 : i32
      %min3A_763 = arith.constant 31 : i32
      %min3A_764 = arith.minsi %add3A_762, %min3A_763 : i32
      %get3A_765 = arith.index_cast %min3A_764 : i32 to index
      %get3A_766 = tpu.vector_load %arg8[%get3A_765] {strides = array<i32>} : memref<48xi32, #tpu.memory_space<vmem>>, vector<16xi32>,
      %slice3A_767 = vector.extract_strided_slice %get3A_766 {offsets = [0], sizes = [1], strides = [1]} : vector<16xi32> to vector<1xi32>
      %squeeze3A_768 = vector.extract %slice3A_767[0] : i32 from vector<1xi32>
      %add3A_769 = arith.constant 0 : i32
      %add3A_770 = vector.broadcast %add3A_769 : i32 to vector<16xi32>
      %add3A_771 = arith.addi %iota3A, %add3A_770 : vector<16xi32>
      %add3A_772 = arith.constant 104 : i32
      %add3A_773 = vector.broadcast %add3A_772 : i32 to vector<16xi32>
      %add3A_774 = arith.addi %add3A_771, %add3A_773 : vector<16xi32>
      %min3A_775 = arith.constant 199 : i32
      %min3A_776 = vector.broadcast %min3A_775 : i32 to vector<16xi32>
      %min3A_777 = arith.minsi %add3A_774, %min3A_776 : vector<16xi32>
      %mul3A_778 = arith.constant 1024 : i32
      %mul3A_779 = vector.broadcast %mul3A_778 : i32 to vector<16xi32>
      %mul3A_780 = arith.muli %mul3A_779, %add3A_771 : vector<16xi32>
      %add3A_781 = vector.broadcast %squeeze3A_768 : i32 to vector<16xi32>
      %add3A_782 = arith.addi %add3A_781, %mul3A_780 : vector<16xi32>
      %swap3A_783 = arith.constant 0 : i32
      %swap3A_784 = arith.index_cast %swap3A_783 : i32 to index
      %swap3A_785 = arith.constant 0 : index
      %swap3A_786 = tpu.vector_load %arg9[%swap3A_784, %swap3A_785] {strides = array<i32>} : memref<4x104xi32, #tpu.memory_space<vmem>>, vector<16xi32>,
      tpu.vector_store %arg9[%swap3A_784, %swap3A_785], %add3A_782 {strides = array<i32>} : memref<4x104xi32, #tpu.memory_space<vmem>>, vector<16xi32>,
      %mul3A_787 = arith.constant 1024 : i32
      %mul3A_788 = vector.broadcast %mul3A_787 : i32 to vector<16xi32>
      %mul3A_789 = arith.muli %mul3A_788, %min3A_777 : vector<16xi32>
      %add3A_790 = vector.broadcast %squeeze3A_768 : i32 to vector<16xi32>
      %add3A_791 = arith.addi %add3A_790, %mul3A_789 : vector<16xi32>
      %swap3A_792 = arith.constant 1 : i32
      %swap3A_793 = arith.index_cast %swap3A_792 : i32 to index
      %swap3A_794 = arith.constant 0 : index
      %swap3A_795 = tpu.vector_load %arg9[%swap3A_793, %swap3A_794] {strides = array<i32>} : memref<4x104xi32, #tpu.memory_space<vmem>>, vector<16xi32>,
      tpu.vector_store %arg9[%swap3A_793, %swap3A_794], %add3A_791 {strides = array<i32>} : memref<4x104xi32, #tpu.memory_space<vmem>>, vector<16xi32>,
      %add3A_796 = arith.constant 16 : i32
      %add3A_797 = vector.broadcast %add3A_796 : i32 to vector<16xi32>
      %add3A_798 = arith.addi %iota3A, %add3A_797 : vector<16xi32>
      %add3A_799 = arith.constant 104 : i32
      %add3A_800 = vector.broadcast %add3A_799 : i32 to vector<16xi32>
      %add3A_801 = arith.addi %add3A_798, %add3A_800 : vector<16xi32>
      %min3A_802 = arith.constant 199 : i32
      %min3A_803 = vector.broadcast %min3A_802 : i32 to vector<16xi32>
      %min3A_804 = arith.minsi %add3A_801, %min3A_803 : vector<16xi32>
      %mul3A_805 = arith.constant 1024 : i32
      %mul3A_806 = vector.broadcast %mul3A_805 : i32 to vector<16xi32>
      %mul3A_807 = arith.muli %mul3A_806, %add3A_798 : vector<16xi32>
      %add3A_808 = vector.broadcast %squeeze3A_768 : i32 to vector<16xi32>
      %add3A_809 = arith.addi %add3A_808, %mul3A_807 : vector<16xi32>
      %swap3A_810 = arith.constant 0 : i32
      %swap3A_811 = arith.index_cast %swap3A_810 : i32 to index
      %swap3A_812 = arith.constant 16 : index
      %swap3A_813 = tpu.vector_load %arg9[%swap3A_811, %swap3A_812] {strides = array<i32>} : memref<4x104xi32, #tpu.memory_space<vmem>>, vector<16xi32>,
      tpu.vector_store %arg9[%swap3A_811, %swap3A_812], %add3A_809 {strides = array<i32>} : memref<4x104xi32, #tpu.memory_space<vmem>>, vector<16xi32>,
      %mul3A_814 = arith.constant 1024 : i32
      %mul3A_815 = vector.broadcast %mul3A_814 : i32 to vector<16xi32>
      %mul3A_816 = arith.muli %mul3A_815, %min3A_804 : vector<16xi32>
      %add3A_817 = vector.broadcast %squeeze3A_768 : i32 to vector<16xi32>
      %add3A_818 = arith.addi %add3A_817, %mul3A_816 : vector<16xi32>
      %swap3A_819 = arith.constant 1 : i32
      %swap3A_820 = arith.index_cast %swap3A_819 : i32 to index
      %swap3A_821 = arith.constant 16 : index
      %swap3A_822 = tpu.vector_load %arg9[%swap3A_820, %swap3A_821] {strides = array<i32>} : memref<4x104xi32, #tpu.memory_space<vmem>>, vector<16xi32>,
      tpu.vector_store %arg9[%swap3A_820, %swap3A_821], %add3A_818 {strides = array<i32>} : memref<4x104xi32, #tpu.memory_space<vmem>>, vector<16xi32>,
      %add3A_823 = arith.constant 32 : i32
      %add3A_824 = vector.broadcast %add3A_823 : i32 to vector<16xi32>
      %add3A_825 = arith.addi %iota3A, %add3A_824 : vector<16xi32>
      %add3A_826 = arith.constant 104 : i32
      %add3A_827 = vector.broadcast %add3A_826 : i32 to vector<16xi32>
      %add3A_828 = arith.addi %add3A_825, %add3A_827 : vector<16xi32>
      %min3A_829 = arith.constant 199 : i32
      %min3A_830 = vector.broadcast %min3A_829 : i32 to vector<16xi32>
      %min3A_831 = arith.minsi %add3A_828, %min3A_830 : vector<16xi32>
      %mul3A_832 = arith.constant 1024 : i32
      %mul3A_833 = vector.broadcast %mul3A_832 : i32 to vector<16xi32>
      %mul3A_834 = arith.muli %mul3A_833, %add3A_825 : vector<16xi32>
      %add3A_835 = vector.broadcast %squeeze3A_768 : i32 to vector<16xi32>
      %add3A_836 = arith.addi %add3A_835, %mul3A_834 : vector<16xi32>
      %swap3A_837 = arith.constant 0 : i32
      %swap3A_838 = arith.index_cast %swap3A_837 : i32 to index
      %swap3A_839 = arith.constant 32 : index
      %swap3A_840 = tpu.vector_load %arg9[%swap3A_838, %swap3A_839] {strides = array<i32>} : memref<4x104xi32, #tpu.memory_space<vmem>>, vector<16xi32>,
      tpu.vector_store %arg9[%swap3A_838, %swap3A_839], %add3A_836 {strides = array<i32>} : memref<4x104xi32, #tpu.memory_space<vmem>>, vector<16xi32>,
      %mul3A_841 = arith.constant 1024 : i32
      %mul3A_842 = vector.broadcast %mul3A_841 : i32 to vector<16xi32>
      %mul3A_843 = arith.muli %mul3A_842, %min3A_831 : vector<16xi32>
      %add3A_844 = vector.broadcast %squeeze3A_768 : i32 to vector<16xi32>
      %add3A_845 = arith.addi %add3A_844, %mul3A_843 : vector<16xi32>
      %swap3A_846 = arith.constant 1 : i32
      %swap3A_847 = arith.index_cast %swap3A_846 : i32 to index
      %swap3A_848 = arith.constant 32 : index
      %swap3A_849 = tpu.vector_load %arg9[%swap3A_847, %swap3A_848] {strides = array<i32>} : memref<4x104xi32, #tpu.memory_space<vmem>>, vector<16xi32>,
      tpu.vector_store %arg9[%swap3A_847, %swap3A_848], %add3A_845 {strides = array<i32>} : memref<4x104xi32, #tpu.memory_space<vmem>>, vector<16xi32>,
      %add3A_850 = arith.constant 48 : i32
      %add3A_851 = vector.broadcast %add3A_850 : i32 to vector<16xi32>
      %add3A_852 = arith.addi %iota3A, %add3A_851 : vector<16xi32>
      %add3A_853 = arith.constant 104 : i32
      %add3A_854 = vector.broadcast %add3A_853 : i32 to vector<16xi32>
      %add3A_855 = arith.addi %add3A_852, %add3A_854 : vector<16xi32>
      %min3A_856 = arith.constant 199 : i32
      %min3A_857 = vector.broadcast %min3A_856 : i32 to vector<16xi32>
      %min3A_858 = arith.minsi %add3A_855, %min3A_857 : vector<16xi32>
      %mul3A_859 = arith.constant 1024 : i32
      %mul3A_860 = vector.broadcast %mul3A_859 : i32 to vector<16xi32>
      %mul3A_861 = arith.muli %mul3A_860, %add3A_852 : vector<16xi32>
      %add3A_862 = vector.broadcast %squeeze3A_768 : i32 to vector<16xi32>
      %add3A_863 = arith.addi %add3A_862, %mul3A_861 : vector<16xi32>
      %swap3A_864 = arith.constant 0 : i32
      %swap3A_865 = arith.index_cast %swap3A_864 : i32 to index
      %swap3A_866 = arith.constant 48 : index
      %swap3A_867 = tpu.vector_load %arg9[%swap3A_865, %swap3A_866] {strides = array<i32>} : memref<4x104xi32, #tpu.memory_space<vmem>>, vector<16xi32>,
      tpu.vector_store %arg9[%swap3A_865, %swap3A_866], %add3A_863 {strides = array<i32>} : memref<4x104xi32, #tpu.memory_space<vmem>>, vector<16xi32>,
      %mul3A_868 = arith.constant 1024 : i32
      %mul3A_869 = vector.broadcast %mul3A_868 : i32 to vector<16xi32>
      %mul3A_870 = arith.muli %mul3A_869, %min3A_858 : vector<16xi32>
      %add3A_871 = vector.broadcast %squeeze3A_768 : i32 to vector<16xi32>
      %add3A_872 = arith.addi %add3A_871, %mul3A_870 : vector<16xi32>
      %swap3A_873 = arith.constant 1 : i32
      %swap3A_874 = arith.index_cast %swap3A_873 : i32 to index
      %swap3A_875 = arith.constant 48 : index
      %swap3A_876 = tpu.vector_load %arg9[%swap3A_874, %swap3A_875] {strides = array<i32>} : memref<4x104xi32, #tpu.memory_space<vmem>>, vector<16xi32>,
      tpu.vector_store %arg9[%swap3A_874, %swap3A_875], %add3A_872 {strides = array<i32>} : memref<4x104xi32, #tpu.memory_space<vmem>>, vector<16xi32>,
      %add3A_877 = arith.constant 64 : i32
      %add3A_878 = vector.broadcast %add3A_877 : i32 to vector<16xi32>
      %add3A_879 = arith.addi %iota3A, %add3A_878 : vector<16xi32>
      %add3A_880 = arith.constant 104 : i32
      %add3A_881 = vector.broadcast %add3A_880 : i32 to vector<16xi32>
      %add3A_882 = arith.addi %add3A_879, %add3A_881 : vector<16xi32>
      %min3A_883 = arith.constant 199 : i32
      %min3A_884 = vector.broadcast %min3A_883 : i32 to vector<16xi32>
      %min3A_885 = arith.minsi %add3A_882, %min3A_884 : vector<16xi32>
      %mul3A_886 = arith.constant 1024 : i32
      %mul3A_887 = vector.broadcast %mul3A_886 : i32 to vector<16xi32>
      %mul3A_888 = arith.muli %mul3A_887, %add3A_879 : vector<16xi32>
      %add3A_889 = vector.broadcast %squeeze3A_768 : i32 to vector<16xi32>
      %add3A_890 = arith.addi %add3A_889, %mul3A_888 : vector<16xi32>
      %swap3A_891 = arith.constant 0 : i32
      %swap3A_892 = arith.index_cast %swap3A_891 : i32 to index
      %swap3A_893 = arith.constant 64 : index
      %swap3A_894 = tpu.vector_load %arg9[%swap3A_892, %swap3A_893] {strides = array<i32>} : memref<4x104xi32, #tpu.memory_space<vmem>>, vector<16xi32>,
      tpu.vector_store %arg9[%swap3A_892, %swap3A_893], %add3A_890 {strides = array<i32>} : memref<4x104xi32, #tpu.memory_space<vmem>>, vector<16xi32>,
      %mul3A_895 = arith.constant 1024 : i32
      %mul3A_896 = vector.broadcast %mul3A_895 : i32 to vector<16xi32>
      %mul3A_897 = arith.muli %mul3A_896, %min3A_885 : vector<16xi32>
      %add3A_898 = vector.broadcast %squeeze3A_768 : i32 to vector<16xi32>
      %add3A_899 = arith.addi %add3A_898, %mul3A_897 : vector<16xi32>
      %swap3A_900 = arith.constant 1 : i32
      %swap3A_901 = arith.index_cast %swap3A_900 : i32 to index
      %swap3A_902 = arith.constant 64 : index
      %swap3A_903 = tpu.vector_load %arg9[%swap3A_901, %swap3A_902] {strides = array<i32>} : memref<4x104xi32, #tpu.memory_space<vmem>>, vector<16xi32>,
      tpu.vector_store %arg9[%swap3A_901, %swap3A_902], %add3A_899 {strides = array<i32>} : memref<4x104xi32, #tpu.memory_space<vmem>>, vector<16xi32>,
      %add3A_904 = arith.constant 80 : i32
      %add3A_905 = vector.broadcast %add3A_904 : i32 to vector<16xi32>
      %add3A_906 = arith.addi %iota3A, %add3A_905 : vector<16xi32>
      %add3A_907 = arith.constant 104 : i32
      %add3A_908 = vector.broadcast %add3A_907 : i32 to vector<16xi32>
      %add3A_909 = arith.addi %add3A_906, %add3A_908 : vector<16xi32>
      %min3A_910 = arith.constant 199 : i32
      %min3A_911 = vector.broadcast %min3A_910 : i32 to vector<16xi32>
      %min3A_912 = arith.minsi %add3A_909, %min3A_911 : vector<16xi32>
      %mul3A_913 = arith.constant 1024 : i32
      %mul3A_914 = vector.broadcast %mul3A_913 : i32 to vector<16xi32>
      %mul3A_915 = arith.muli %mul3A_914, %add3A_906 : vector<16xi32>
      %add3A_916 = vector.broadcast %squeeze3A_768 : i32 to vector<16xi32>
      %add3A_917 = arith.addi %add3A_916, %mul3A_915 : vector<16xi32>
      %swap3A_918 = arith.constant 0 : i32
      %swap3A_919 = arith.index_cast %swap3A_918 : i32 to index
      %swap3A_920 = arith.constant 80 : index
      %swap3A_921 = tpu.vector_load %arg9[%swap3A_919, %swap3A_920] {strides = array<i32>} : memref<4x104xi32, #tpu.memory_space<vmem>>, vector<16xi32>,
      tpu.vector_store %arg9[%swap3A_919, %swap3A_920], %add3A_917 {strides = array<i32>} : memref<4x104xi32, #tpu.memory_space<vmem>>, vector<16xi32>,
      %mul3A_922 = arith.constant 1024 : i32
      %mul3A_923 = vector.broadcast %mul3A_922 : i32 to vector<16xi32>
      %mul3A_924 = arith.muli %mul3A_923, %min3A_912 : vector<16xi32>
      %add3A_925 = vector.broadcast %squeeze3A_768 : i32 to vector<16xi32>
      %add3A_926 = arith.addi %add3A_925, %mul3A_924 : vector<16xi32>
      %swap3A_927 = arith.constant 1 : i32
      %swap3A_928 = arith.index_cast %swap3A_927 : i32 to index
      %swap3A_929 = arith.constant 80 : index
      %swap3A_930 = tpu.vector_load %arg9[%swap3A_928, %swap3A_929] {strides = array<i32>} : memref<4x104xi32, #tpu.memory_space<vmem>>, vector<16xi32>,
      tpu.vector_store %arg9[%swap3A_928, %swap3A_929], %add3A_926 {strides = array<i32>} : memref<4x104xi32, #tpu.memory_space<vmem>>, vector<16xi32>,
      %add3A_931 = arith.constant 88 : i32
      %add3A_932 = vector.broadcast %add3A_931 : i32 to vector<16xi32>
      %add3A_933 = arith.addi %iota3A, %add3A_932 : vector<16xi32>
      %add3A_934 = arith.constant 104 : i32
      %add3A_935 = vector.broadcast %add3A_934 : i32 to vector<16xi32>
      %add3A_936 = arith.addi %add3A_933, %add3A_935 : vector<16xi32>
      %min3A_937 = arith.constant 199 : i32
      %min3A_938 = vector.broadcast %min3A_937 : i32 to vector<16xi32>
      %min3A_939 = arith.minsi %add3A_936, %min3A_938 : vector<16xi32>
      %mul3A_940 = arith.constant 1024 : i32
      %mul3A_941 = vector.broadcast %mul3A_940 : i32 to vector<16xi32>
      %mul3A_942 = arith.muli %mul3A_941, %add3A_933 : vector<16xi32>
      %add3A_943 = vector.broadcast %squeeze3A_768 : i32 to vector<16xi32>
      %add3A_944 = arith.addi %add3A_943, %mul3A_942 : vector<16xi32>
      %swap3A_945 = arith.constant 0 : i32
      %swap3A_946 = arith.index_cast %swap3A_945 : i32 to index
      %swap3A_947 = arith.constant 88 : index
      %swap3A_948 = tpu.vector_load %arg9[%swap3A_946, %swap3A_947] {strides = array<i32>} : memref<4x104xi32, #tpu.memory_space<vmem>>, vector<16xi32>,
      tpu.vector_store %arg9[%swap3A_946, %swap3A_947], %add3A_944 {strides = array<i32>} : memref<4x104xi32, #tpu.memory_space<vmem>>, vector<16xi32>,
      %mul3A_949 = arith.constant 1024 : i32
      %mul3A_950 = vector.broadcast %mul3A_949 : i32 to vector<16xi32>
      %mul3A_951 = arith.muli %mul3A_950, %min3A_939 : vector<16xi32>
      %add3A_952 = vector.broadcast %squeeze3A_768 : i32 to vector<16xi32>
      %add3A_953 = arith.addi %add3A_952, %mul3A_951 : vector<16xi32>
      %swap3A_954 = arith.constant 1 : i32
      %swap3A_955 = arith.index_cast %swap3A_954 : i32 to index
      %swap3A_956 = arith.constant 88 : index
      %swap3A_957 = tpu.vector_load %arg9[%swap3A_955, %swap3A_956] {strides = array<i32>} : memref<4x104xi32, #tpu.memory_space<vmem>>, vector<16xi32>,
      tpu.vector_store %arg9[%swap3A_955, %swap3A_956], %add3A_953 {strides = array<i32>} : memref<4x104xi32, #tpu.memory_space<vmem>>, vector<16xi32>,
      %dma_start3A_958 = arith.constant 0 : i32
      %dma_start3A_959 = arith.constant 0 : i32
      %dma_start3A_960 = arith.constant 0 : i32
      %dma_start3A_961 = arith.constant 0 : i32
      %dma_start3A_962 = tpu.memref_slice %arg10[%dma_start3A_959, %dma_start3A_961] : memref<2x104xi32, #tpu.memory_space<vmem>> -> memref<1x104xi32, #tpu.memory_space<vmem>>
      %dma_start3A_963 = tpu.memref_squeeze %dma_start3A_962 : memref<1x104xi32, #tpu.memory_space<vmem>> -> memref<104xi32, #tpu.memory_space<vmem>>
      %dma_start3A_964 = arith.constant 0 : i32
      %dma_start3A_965 = tpu.memref_slice %arg9[%dma_start3A_958, %dma_start3A_964] : memref<4x104xi32, #tpu.memory_space<vmem>> -> memref<1x104xi32, #tpu.memory_space<vmem>>
      %dma_start3A_966 = tpu.memref_squeeze %dma_start3A_965 : memref<1x104xi32, #tpu.memory_space<vmem>> -> memref<104xi32, #tpu.memory_space<vmem>>
      %dma_start3A_967 = arith.constant 0 : i32
      %dma_start3A_968 = tpu.memref_slice %arg2[%dma_start3A_967] : memref<204800xi32, #tpu.memory_space<hbm>> -> memref<204800xi32, #tpu.memory_space<hbm>>
      %dma_start3A_969 = tpu.memref_slice %arg17[%dma_start3A_960] : memref<2x!tpu.dma_semaphore, #tpu.memory_space<semaphore_mem>> -> memref<1x!tpu.dma_semaphore, #tpu.memory_space<semaphore_mem>>
      %dma_start3A_970 = tpu.memref_squeeze %dma_start3A_969 : memref<1x!tpu.dma_semaphore, #tpu.memory_space<semaphore_mem>> -> memref<!tpu.dma_semaphore, #tpu.memory_space<semaphore_mem>>
      tpu.enqueue_indirect_dma source(%dma_start3A_968 : memref<204800xi32, #tpu.memory_space<hbm>>) target(%dma_start3A_963 : memref<104xi32, #tpu.memory_space<vmem>>) offsets(%dma_start3A_966 : memref<104xi32, #tpu.memory_space<vmem>>) semaphore(%dma_start3A_970 : memref<!tpu.dma_semaphore, #tpu.memory_space<semaphore_mem>>)
      %dma_start3A_971 = arith.constant 1 : i32
      %dma_start3A_972 = arith.constant 0 : i32
      %dma_start3A_973 = arith.constant 0 : i32
      %dma_start3A_974 = arith.constant 0 : i32
      %dma_start3A_975 = tpu.memref_slice %arg11[%dma_start3A_972, %dma_start3A_974] : memref<2x104xi32, #tpu.memory_space<vmem>> -> memref<1x104xi32, #tpu.memory_space<vmem>>
      %dma_start3A_976 = tpu.memref_squeeze %dma_start3A_975 : memref<1x104xi32, #tpu.memory_space<vmem>> -> memref<104xi32, #tpu.memory_space<vmem>>
      %dma_start3A_977 = arith.constant 0 : i32
      %dma_start3A_978 = tpu.memref_slice %arg9[%dma_start3A_971, %dma_start3A_977] : memref<4x104xi32, #tpu.memory_space<vmem>> -> memref<1x104xi32, #tpu.memory_space<vmem>>
      %dma_start3A_979 = tpu.memref_squeeze %dma_start3A_978 : memref<1x104xi32, #tpu.memory_space<vmem>> -> memref<104xi32, #tpu.memory_space<vmem>>
      %dma_start3A_980 = arith.constant 0 : i32
      %dma_start3A_981 = tpu.memref_slice %arg2[%dma_start3A_980] : memref<204800xi32, #tpu.memory_space<hbm>> -> memref<204800xi32, #tpu.memory_space<hbm>>
      %dma_start3A_982 = tpu.memref_slice %arg17[%dma_start3A_973] : memref<2x!tpu.dma_semaphore, #tpu.memory_space<semaphore_mem>> -> memref<1x!tpu.dma_semaphore, #tpu.memory_space<semaphore_mem>>
      %dma_start3A_983 = tpu.memref_squeeze %dma_start3A_982 : memref<1x!tpu.dma_semaphore, #tpu.memory_space<semaphore_mem>> -> memref<!tpu.dma_semaphore, #tpu.memory_space<semaphore_mem>>
      tpu.enqueue_indirect_dma source(%dma_start3A_981 : memref<204800xi32, #tpu.memory_space<hbm>>) target(%dma_start3A_976 : memref<104xi32, #tpu.memory_space<vmem>>) offsets(%dma_start3A_979 : memref<104xi32, #tpu.memory_space<vmem>>) semaphore(%dma_start3A_983 : memref<!tpu.dma_semaphore, #tpu.memory_space<semaphore_mem>>)
      %get3A_984 = arith.constant 0 : i32
      %get3A_985 = arith.index_cast %get3A_984 : i32 to index
      %get3A_986 = arith.constant 0 : index
      %get3A_987 = tpu.vector_load %arg13[%get3A_985, %get3A_986] {strides = array<i32>} : memref<2x208xf32, #tpu.memory_space<vmem>>, vector<16xf32>,
      %add3A_988 = arith.constant 0 : i32
      %add3A_989 = vector.broadcast %add3A_988 : i32 to vector<16xi32>
      %add3A_990 = arith.addi %iota3A, %add3A_989 : vector<16xi32>
      %lt3A = arith.constant 200 : i32
      %lt3A_991 = vector.broadcast %lt3A : i32 to vector<16xi32>
      %lt3A_992 = arith.cmpi slt, %add3A_990, %lt3A_991 : vector<16xi32>
      %jit3A = arith.constant -1.000000e+30 : f32
      %broadcast_in_dim3A = vector.broadcast %jit3A : f32 to vector<16xf32>
      %select_n3A = arith.select %lt3A_992, %get3A_987, %broadcast_in_dim3A : vector<16xi1>, vector<16xf32>
      %get3A_993 = arith.constant 0 : i32
      %get3A_994 = arith.index_cast %get3A_993 : i32 to index
      %get3A_995 = arith.constant 16 : index
      %get3A_996 = tpu.vector_load %arg13[%get3A_994, %get3A_995] {strides = array<i32>} : memref<2x208xf32, #tpu.memory_space<vmem>>, vector<16xf32>,
      %add3A_997 = arith.constant 16 : i32
      %add3A_998 = vector.broadcast %add3A_997 : i32 to vector<16xi32>
      %add3A_999 = arith.addi %iota3A, %add3A_998 : vector<16xi32>
      %lt3A_1000 = arith.constant 200 : i32
      %lt3A_1001 = vector.broadcast %lt3A_1000 : i32 to vector<16xi32>
      %lt3A_1002 = arith.cmpi slt, %add3A_999, %lt3A_1001 : vector<16xi32>
      %jit3A_1003 = arith.constant -1.000000e+30 : f32
      %broadcast_in_dim3A_1004 = vector.broadcast %jit3A_1003 : f32 to vector<16xf32>
      %select_n3A_1005 = arith.select %lt3A_1002, %get3A_996, %broadcast_in_dim3A_1004 : vector<16xi1>, vector<16xf32>
      %get3A_1006 = arith.constant 0 : i32
      %get3A_1007 = arith.index_cast %get3A_1006 : i32 to index
      %get3A_1008 = arith.constant 32 : index
      %get3A_1009 = tpu.vector_load %arg13[%get3A_1007, %get3A_1008] {strides = array<i32>} : memref<2x208xf32, #tpu.memory_space<vmem>>, vector<16xf32>,
      %add3A_1010 = arith.constant 32 : i32
      %add3A_1011 = vector.broadcast %add3A_1010 : i32 to vector<16xi32>
      %add3A_1012 = arith.addi %iota3A, %add3A_1011 : vector<16xi32>
      %lt3A_1013 = arith.constant 200 : i32
      %lt3A_1014 = vector.broadcast %lt3A_1013 : i32 to vector<16xi32>
      %lt3A_1015 = arith.cmpi slt, %add3A_1012, %lt3A_1014 : vector<16xi32>
      %jit3A_1016 = arith.constant -1.000000e+30 : f32
      %broadcast_in_dim3A_1017 = vector.broadcast %jit3A_1016 : f32 to vector<16xf32>
      %select_n3A_1018 = arith.select %lt3A_1015, %get3A_1009, %broadcast_in_dim3A_1017 : vector<16xi1>, vector<16xf32>
      %get3A_1019 = arith.constant 0 : i32
      %get3A_1020 = arith.index_cast %get3A_1019 : i32 to index
      %get3A_1021 = arith.constant 48 : index
      %get3A_1022 = tpu.vector_load %arg13[%get3A_1020, %get3A_1021] {strides = array<i32>} : memref<2x208xf32, #tpu.memory_space<vmem>>, vector<16xf32>,
      %add3A_1023 = arith.constant 48 : i32
      %add3A_1024 = vector.broadcast %add3A_1023 : i32 to vector<16xi32>
      %add3A_1025 = arith.addi %iota3A, %add3A_1024 : vector<16xi32>
      %lt3A_1026 = arith.constant 200 : i32
      %lt3A_1027 = vector.broadcast %lt3A_1026 : i32 to vector<16xi32>
      %lt3A_1028 = arith.cmpi slt, %add3A_1025, %lt3A_1027 : vector<16xi32>
      %jit3A_1029 = arith.constant -1.000000e+30 : f32
      %broadcast_in_dim3A_1030 = vector.broadcast %jit3A_1029 : f32 to vector<16xf32>
      %select_n3A_1031 = arith.select %lt3A_1028, %get3A_1022, %broadcast_in_dim3A_1030 : vector<16xi1>, vector<16xf32>
      %get3A_1032 = arith.constant 0 : i32
      %get3A_1033 = arith.index_cast %get3A_1032 : i32 to index
      %get3A_1034 = arith.constant 64 : index
      %get3A_1035 = tpu.vector_load %arg13[%get3A_1033, %get3A_1034] {strides = array<i32>} : memref<2x208xf32, #tpu.memory_space<vmem>>, vector<16xf32>,
      %add3A_1036 = arith.constant 64 : i32
      %add3A_1037 = vector.broadcast %add3A_1036 : i32 to vector<16xi32>
      %add3A_1038 = arith.addi %iota3A, %add3A_1037 : vector<16xi32>
      %lt3A_1039 = arith.constant 200 : i32
      %lt3A_1040 = vector.broadcast %lt3A_1039 : i32 to vector<16xi32>
      %lt3A_1041 = arith.cmpi slt, %add3A_1038, %lt3A_1040 : vector<16xi32>
      %jit3A_1042 = arith.constant -1.000000e+30 : f32
      %broadcast_in_dim3A_1043 = vector.broadcast %jit3A_1042 : f32 to vector<16xf32>
      %select_n3A_1044 = arith.select %lt3A_1041, %get3A_1035, %broadcast_in_dim3A_1043 : vector<16xi1>, vector<16xf32>
      %get3A_1045 = arith.constant 0 : i32
      %get3A_1046 = arith.index_cast %get3A_1045 : i32 to index
      %get3A_1047 = arith.constant 80 : index
      %get3A_1048 = tpu.vector_load %arg13[%get3A_1046, %get3A_1047] {strides = array<i32>} : memref<2x208xf32, #tpu.memory_space<vmem>>, vector<16xf32>,
      %add3A_1049 = arith.constant 80 : i32
      %add3A_1050 = vector.broadcast %add3A_1049 : i32 to vector<16xi32>
      %add3A_1051 = arith.addi %iota3A, %add3A_1050 : vector<16xi32>
      %lt3A_1052 = arith.constant 200 : i32
      %lt3A_1053 = vector.broadcast %lt3A_1052 : i32 to vector<16xi32>
      %lt3A_1054 = arith.cmpi slt, %add3A_1051, %lt3A_1053 : vector<16xi32>
      %jit3A_1055 = arith.constant -1.000000e+30 : f32
      %broadcast_in_dim3A_1056 = vector.broadcast %jit3A_1055 : f32 to vector<16xf32>
      %select_n3A_1057 = arith.select %lt3A_1054, %get3A_1048, %broadcast_in_dim3A_1056 : vector<16xi1>, vector<16xf32>
      %get3A_1058 = arith.constant 0 : i32
      %get3A_1059 = arith.index_cast %get3A_1058 : i32 to index
      %get3A_1060 = arith.constant 96 : index
      %get3A_1061 = tpu.vector_load %arg13[%get3A_1059, %get3A_1060] {strides = array<i32>} : memref<2x208xf32, #tpu.memory_space<vmem>>, vector<16xf32>,
      %add3A_1062 = arith.constant 96 : i32
      %add3A_1063 = vector.broadcast %add3A_1062 : i32 to vector<16xi32>
      %add3A_1064 = arith.addi %iota3A, %add3A_1063 : vector<16xi32>
      %lt3A_1065 = arith.constant 200 : i32
      %lt3A_1066 = vector.broadcast %lt3A_1065 : i32 to vector<16xi32>
      %lt3A_1067 = arith.cmpi slt, %add3A_1064, %lt3A_1066 : vector<16xi32>
      %jit3A_1068 = arith.constant -1.000000e+30 : f32
      %broadcast_in_dim3A_1069 = vector.broadcast %jit3A_1068 : f32 to vector<16xf32>
      %select_n3A_1070 = arith.select %lt3A_1067, %get3A_1061, %broadcast_in_dim3A_1069 : vector<16xi1>, vector<16xf32>
      %get3A_1071 = arith.constant 0 : i32
      %get3A_1072 = arith.index_cast %get3A_1071 : i32 to index
      %get3A_1073 = arith.constant 112 : index
      %get3A_1074 = tpu.vector_load %arg13[%get3A_1072, %get3A_1073] {strides = array<i32>} : memref<2x208xf32, #tpu.memory_space<vmem>>, vector<16xf32>,
      %add3A_1075 = arith.constant 112 : i32
      %add3A_1076 = vector.broadcast %add3A_1075 : i32 to vector<16xi32>
      %add3A_1077 = arith.addi %iota3A, %add3A_1076 : vector<16xi32>
      %lt3A_1078 = arith.constant 200 : i32
      %lt3A_1079 = vector.broadcast %lt3A_1078 : i32 to vector<16xi32>
      %lt3A_1080 = arith.cmpi slt, %add3A_1077, %lt3A_1079 : vector<16xi32>
      %jit3A_1081 = arith.constant -1.000000e+30 : f32
      %broadcast_in_dim3A_1082 = vector.broadcast %jit3A_1081 : f32 to vector<16xf32>
      %select_n3A_1083 = arith.select %lt3A_1080, %get3A_1074, %broadcast_in_dim3A_1082 : vector<16xi1>, vector<16xf32>
      %get3A_1084 = arith.constant 0 : i32
      %get3A_1085 = arith.index_cast %get3A_1084 : i32 to index
      %get3A_1086 = arith.constant 128 : index
      %get3A_1087 = tpu.vector_load %arg13[%get3A_1085, %get3A_1086] {strides = array<i32>} : memref<2x208xf32, #tpu.memory_space<vmem>>, vector<16xf32>,
      %add3A_1088 = arith.constant 128 : i32
      %add3A_1089 = vector.broadcast %add3A_1088 : i32 to vector<16xi32>
      %add3A_1090 = arith.addi %iota3A, %add3A_1089 : vector<16xi32>
      %lt3A_1091 = arith.constant 200 : i32
      %lt3A_1092 = vector.broadcast %lt3A_1091 : i32 to vector<16xi32>
      %lt3A_1093 = arith.cmpi slt, %add3A_1090, %lt3A_1092 : vector<16xi32>
      %jit3A_1094 = arith.constant -1.000000e+30 : f32
      %broadcast_in_dim3A_1095 = vector.broadcast %jit3A_1094 : f32 to vector<16xf32>
      %select_n3A_1096 = arith.select %lt3A_1093, %get3A_1087, %broadcast_in_dim3A_1095 : vector<16xi1>, vector<16xf32>
      %get3A_1097 = arith.constant 0 : i32
      %get3A_1098 = arith.index_cast %get3A_1097 : i32 to index
      %get3A_1099 = arith.constant 144 : index
      %get3A_1100 = tpu.vector_load %arg13[%get3A_1098, %get3A_1099] {strides = array<i32>} : memref<2x208xf32, #tpu.memory_space<vmem>>, vector<16xf32>,
      %add3A_1101 = arith.constant 144 : i32
      %add3A_1102 = vector.broadcast %add3A_1101 : i32 to vector<16xi32>
      %add3A_1103 = arith.addi %iota3A, %add3A_1102 : vector<16xi32>
      %lt3A_1104 = arith.constant 200 : i32
      %lt3A_1105 = vector.broadcast %lt3A_1104 : i32 to vector<16xi32>
      %lt3A_1106 = arith.cmpi slt, %add3A_1103, %lt3A_1105 : vector<16xi32>
      %jit3A_1107 = arith.constant -1.000000e+30 : f32
      %broadcast_in_dim3A_1108 = vector.broadcast %jit3A_1107 : f32 to vector<16xf32>
      %select_n3A_1109 = arith.select %lt3A_1106, %get3A_1100, %broadcast_in_dim3A_1108 : vector<16xi1>, vector<16xf32>
      %get3A_1110 = arith.constant 0 : i32
      %get3A_1111 = arith.index_cast %get3A_1110 : i32 to index
      %get3A_1112 = arith.constant 160 : index
      %get3A_1113 = tpu.vector_load %arg13[%get3A_1111, %get3A_1112] {strides = array<i32>} : memref<2x208xf32, #tpu.memory_space<vmem>>, vector<16xf32>,
      %add3A_1114 = arith.constant 160 : i32
      %add3A_1115 = vector.broadcast %add3A_1114 : i32 to vector<16xi32>
      %add3A_1116 = arith.addi %iota3A, %add3A_1115 : vector<16xi32>
      %lt3A_1117 = arith.constant 200 : i32
      %lt3A_1118 = vector.broadcast %lt3A_1117 : i32 to vector<16xi32>
      %lt3A_1119 = arith.cmpi slt, %add3A_1116, %lt3A_1118 : vector<16xi32>
      %jit3A_1120 = arith.constant -1.000000e+30 : f32
      %broadcast_in_dim3A_1121 = vector.broadcast %jit3A_1120 : f32 to vector<16xf32>
      %select_n3A_1122 = arith.select %lt3A_1119, %get3A_1113, %broadcast_in_dim3A_1121 : vector<16xi1>, vector<16xf32>
      %get3A_1123 = arith.constant 0 : i32
      %get3A_1124 = arith.index_cast %get3A_1123 : i32 to index
      %get3A_1125 = arith.constant 176 : index
      %get3A_1126 = tpu.vector_load %arg13[%get3A_1124, %get3A_1125] {strides = array<i32>} : memref<2x208xf32, #tpu.memory_space<vmem>>, vector<16xf32>,
      %add3A_1127 = arith.constant 176 : i32
      %add3A_1128 = vector.broadcast %add3A_1127 : i32 to vector<16xi32>
      %add3A_1129 = arith.addi %iota3A, %add3A_1128 : vector<16xi32>
      %lt3A_1130 = arith.constant 200 : i32
      %lt3A_1131 = vector.broadcast %lt3A_1130 : i32 to vector<16xi32>
      %lt3A_1132 = arith.cmpi slt, %add3A_1129, %lt3A_1131 : vector<16xi32>
      %jit3A_1133 = arith.constant -1.000000e+30 : f32
      %broadcast_in_dim3A_1134 = vector.broadcast %jit3A_1133 : f32 to vector<16xf32>
      %select_n3A_1135 = arith.select %lt3A_1132, %get3A_1126, %broadcast_in_dim3A_1134 : vector<16xi1>, vector<16xf32>
      %get3A_1136 = arith.constant 0 : i32
      %get3A_1137 = arith.index_cast %get3A_1136 : i32 to index
      %get3A_1138 = arith.constant 192 : index
      %get3A_1139 = tpu.vector_load %arg13[%get3A_1137, %get3A_1138] {strides = array<i32>} : memref<2x208xf32, #tpu.memory_space<vmem>>, vector<16xf32>,
      %add3A_1140 = arith.constant 192 : i32
      %add3A_1141 = vector.broadcast %add3A_1140 : i32 to vector<16xi32>
      %add3A_1142 = arith.addi %iota3A, %add3A_1141 : vector<16xi32>
      %lt3A_1143 = arith.constant 200 : i32
      %lt3A_1144 = vector.broadcast %lt3A_1143 : i32 to vector<16xi32>
      %lt3A_1145 = arith.cmpi slt, %add3A_1142, %lt3A_1144 : vector<16xi32>
      %jit3A_1146 = arith.constant -1.000000e+30 : f32
      %broadcast_in_dim3A_1147 = vector.broadcast %jit3A_1146 : f32 to vector<16xf32>
      %select_n3A_1148 = arith.select %lt3A_1145, %get3A_1139, %broadcast_in_dim3A_1147 : vector<16xi1>, vector<16xf32>
      %max3A = arith.maximumf %select_n3A, %select_n3A_1005 : vector<16xf32>
      %max3A_1149 = arith.maximumf %max3A, %select_n3A_1018 : vector<16xf32>
      %max3A_1150 = arith.maximumf %max3A_1149, %select_n3A_1031 : vector<16xf32>
      %max3A_1151 = arith.maximumf %max3A_1150, %select_n3A_1044 : vector<16xf32>
      %max3A_1152 = arith.maximumf %max3A_1151, %select_n3A_1057 : vector<16xf32>
      %max3A_1153 = arith.maximumf %max3A_1152, %select_n3A_1070 : vector<16xf32>
      %max3A_1154 = arith.maximumf %max3A_1153, %select_n3A_1083 : vector<16xf32>
      %max3A_1155 = arith.maximumf %max3A_1154, %select_n3A_1096 : vector<16xf32>
      %max3A_1156 = arith.maximumf %max3A_1155, %select_n3A_1109 : vector<16xf32>
      %max3A_1157 = arith.maximumf %max3A_1156, %select_n3A_1122 : vector<16xf32>
      %max3A_1158 = arith.maximumf %max3A_1157, %select_n3A_1135 : vector<16xf32>
      %max3A_1159 = arith.maximumf %max3A_1158, %select_n3A_1148 : vector<16xf32>
      %reduce_max3A = arith.constant true
      %reduce_max3A_1160 = vector.broadcast %reduce_max3A : i1 to vector<16xi1>
      %reduce_max3A_1161 = tpu.scan <max>, %max3A_1159 masked %reduce_max3A_1160 : vector<16xf32>, vector<16xi1> -> vector<16xf32>
      %reduce_max3A_1162 = vector.extract %reduce_max3A_1161[15] : f32 from vector<16xf32>
      %broadcast_in_dim3A_1163 = arith.constant 0.000000e+00 : f32
      %broadcast_in_dim3A_1164 = vector.broadcast %broadcast_in_dim3A_1163 : f32 to vector<16xf32>
      %sub3A = vector.broadcast %reduce_max3A_1162 : f32 to vector<16xf32>
      %sub3A_1165 = arith.subf %select_n3A, %sub3A : vector<16xf32>
      %exp3A = math.exp %sub3A_1165 : vector<16xf32>
      %swap3A_1166 = arith.constant 0 : index
      %swap3A_1167 = tpu.vector_load %arg14[%swap3A_1166] {strides = array<i32>} : memref<208xf32, #tpu.memory_space<vmem>>, vector<16xf32>,
      tpu.vector_store %arg14[%swap3A_1166], %exp3A {strides = array<i32>} : memref<208xf32, #tpu.memory_space<vmem>>, vector<16xf32>,
      %add3A_1168 = arith.addf %broadcast_in_dim3A_1164, %exp3A : vector<16xf32>
      %sub3A_1169 = vector.broadcast %reduce_max3A_1162 : f32 to vector<16xf32>
      %sub3A_1170 = arith.subf %select_n3A_1005, %sub3A_1169 : vector<16xf32>
      %exp3A_1171 = math.exp %sub3A_1170 : vector<16xf32>
      %swap3A_1172 = arith.constant 16 : index
      %swap3A_1173 = tpu.vector_load %arg14[%swap3A_1172] {strides = array<i32>} : memref<208xf32, #tpu.memory_space<vmem>>, vector<16xf32>,
      tpu.vector_store %arg14[%swap3A_1172], %exp3A_1171 {strides = array<i32>} : memref<208xf32, #tpu.memory_space<vmem>>, vector<16xf32>,
      %add3A_1174 = arith.addf %add3A_1168, %exp3A_1171 : vector<16xf32>
      %sub3A_1175 = vector.broadcast %reduce_max3A_1162 : f32 to vector<16xf32>
      %sub3A_1176 = arith.subf %select_n3A_1018, %sub3A_1175 : vector<16xf32>
      %exp3A_1177 = math.exp %sub3A_1176 : vector<16xf32>
      %swap3A_1178 = arith.constant 32 : index
      %swap3A_1179 = tpu.vector_load %arg14[%swap3A_1178] {strides = array<i32>} : memref<208xf32, #tpu.memory_space<vmem>>, vector<16xf32>,
      tpu.vector_store %arg14[%swap3A_1178], %exp3A_1177 {strides = array<i32>} : memref<208xf32, #tpu.memory_space<vmem>>, vector<16xf32>,
      %add3A_1180 = arith.addf %add3A_1174, %exp3A_1177 : vector<16xf32>
      %sub3A_1181 = vector.broadcast %reduce_max3A_1162 : f32 to vector<16xf32>
      %sub3A_1182 = arith.subf %select_n3A_1031, %sub3A_1181 : vector<16xf32>
      %exp3A_1183 = math.exp %sub3A_1182 : vector<16xf32>
      %swap3A_1184 = arith.constant 48 : index
      %swap3A_1185 = tpu.vector_load %arg14[%swap3A_1184] {strides = array<i32>} : memref<208xf32, #tpu.memory_space<vmem>>, vector<16xf32>,
      tpu.vector_store %arg14[%swap3A_1184], %exp3A_1183 {strides = array<i32>} : memref<208xf32, #tpu.memory_space<vmem>>, vector<16xf32>,
      %add3A_1186 = arith.addf %add3A_1180, %exp3A_1183 : vector<16xf32>
      %sub3A_1187 = vector.broadcast %reduce_max3A_1162 : f32 to vector<16xf32>
      %sub3A_1188 = arith.subf %select_n3A_1044, %sub3A_1187 : vector<16xf32>
      %exp3A_1189 = math.exp %sub3A_1188 : vector<16xf32>
      %swap3A_1190 = arith.constant 64 : index
      %swap3A_1191 = tpu.vector_load %arg14[%swap3A_1190] {strides = array<i32>} : memref<208xf32, #tpu.memory_space<vmem>>, vector<16xf32>,
      tpu.vector_store %arg14[%swap3A_1190], %exp3A_1189 {strides = array<i32>} : memref<208xf32, #tpu.memory_space<vmem>>, vector<16xf32>,
      %add3A_1192 = arith.addf %add3A_1186, %exp3A_1189 : vector<16xf32>
      %sub3A_1193 = vector.broadcast %reduce_max3A_1162 : f32 to vector<16xf32>
      %sub3A_1194 = arith.subf %select_n3A_1057, %sub3A_1193 : vector<16xf32>
      %exp3A_1195 = math.exp %sub3A_1194 : vector<16xf32>
      %swap3A_1196 = arith.constant 80 : index
      %swap3A_1197 = tpu.vector_load %arg14[%swap3A_1196] {strides = array<i32>} : memref<208xf32, #tpu.memory_space<vmem>>, vector<16xf32>,
      tpu.vector_store %arg14[%swap3A_1196], %exp3A_1195 {strides = array<i32>} : memref<208xf32, #tpu.memory_space<vmem>>, vector<16xf32>,
      %add3A_1198 = arith.addf %add3A_1192, %exp3A_1195 : vector<16xf32>
      %sub3A_1199 = vector.broadcast %reduce_max3A_1162 : f32 to vector<16xf32>
      %sub3A_1200 = arith.subf %select_n3A_1070, %sub3A_1199 : vector<16xf32>
      %exp3A_1201 = math.exp %sub3A_1200 : vector<16xf32>
      %swap3A_1202 = arith.constant 96 : index
      %swap3A_1203 = tpu.vector_load %arg14[%swap3A_1202] {strides = array<i32>} : memref<208xf32, #tpu.memory_space<vmem>>, vector<16xf32>,
      tpu.vector_store %arg14[%swap3A_1202], %exp3A_1201 {strides = array<i32>} : memref<208xf32, #tpu.memory_space<vmem>>, vector<16xf32>,
      %add3A_1204 = arith.addf %add3A_1198, %exp3A_1201 : vector<16xf32>
      %sub3A_1205 = vector.broadcast %reduce_max3A_1162 : f32 to vector<16xf32>
      %sub3A_1206 = arith.subf %select_n3A_1083, %sub3A_1205 : vector<16xf32>
      %exp3A_1207 = math.exp %sub3A_1206 : vector<16xf32>
      %swap3A_1208 = arith.constant 112 : index
      %swap3A_1209 = tpu.vector_load %arg14[%swap3A_1208] {strides = array<i32>} : memref<208xf32, #tpu.memory_space<vmem>>, vector<16xf32>,
      tpu.vector_store %arg14[%swap3A_1208], %exp3A_1207 {strides = array<i32>} : memref<208xf32, #tpu.memory_space<vmem>>, vector<16xf32>,
      %add3A_1210 = arith.addf %add3A_1204, %exp3A_1207 : vector<16xf32>
      %sub3A_1211 = vector.broadcast %reduce_max3A_1162 : f32 to vector<16xf32>
      %sub3A_1212 = arith.subf %select_n3A_1096, %sub3A_1211 : vector<16xf32>
      %exp3A_1213 = math.exp %sub3A_1212 : vector<16xf32>
      %swap3A_1214 = arith.constant 128 : index
      %swap3A_1215 = tpu.vector_load %arg14[%swap3A_1214] {strides = array<i32>} : memref<208xf32, #tpu.memory_space<vmem>>, vector<16xf32>,
      tpu.vector_store %arg14[%swap3A_1214], %exp3A_1213 {strides = array<i32>} : memref<208xf32, #tpu.memory_space<vmem>>, vector<16xf32>,
      %add3A_1216 = arith.addf %add3A_1210, %exp3A_1213 : vector<16xf32>
      %sub3A_1217 = vector.broadcast %reduce_max3A_1162 : f32 to vector<16xf32>
      %sub3A_1218 = arith.subf %select_n3A_1109, %sub3A_1217 : vector<16xf32>
      %exp3A_1219 = math.exp %sub3A_1218 : vector<16xf32>
      %swap3A_1220 = arith.constant 144 : index
      %swap3A_1221 = tpu.vector_load %arg14[%swap3A_1220] {strides = array<i32>} : memref<208xf32, #tpu.memory_space<vmem>>, vector<16xf32>,
      tpu.vector_store %arg14[%swap3A_1220], %exp3A_1219 {strides = array<i32>} : memref<208xf32, #tpu.memory_space<vmem>>, vector<16xf32>,
      %add3A_1222 = arith.addf %add3A_1216, %exp3A_1219 : vector<16xf32>
      %sub3A_1223 = vector.broadcast %reduce_max3A_1162 : f32 to vector<16xf32>
      %sub3A_1224 = arith.subf %select_n3A_1122, %sub3A_1223 : vector<16xf32>
      %exp3A_1225 = math.exp %sub3A_1224 : vector<16xf32>
      %swap3A_1226 = arith.constant 160 : index
      %swap3A_1227 = tpu.vector_load %arg14[%swap3A_1226] {strides = array<i32>} : memref<208xf32, #tpu.memory_space<vmem>>, vector<16xf32>,
      tpu.vector_store %arg14[%swap3A_1226], %exp3A_1225 {strides = array<i32>} : memref<208xf32, #tpu.memory_space<vmem>>, vector<16xf32>,
      %add3A_1228 = arith.addf %add3A_1222, %exp3A_1225 : vector<16xf32>
      %sub3A_1229 = vector.broadcast %reduce_max3A_1162 : f32 to vector<16xf32>
      %sub3A_1230 = arith.subf %select_n3A_1135, %sub3A_1229 : vector<16xf32>
      %exp3A_1231 = math.exp %sub3A_1230 : vector<16xf32>
      %swap3A_1232 = arith.constant 176 : index
      %swap3A_1233 = tpu.vector_load %arg14[%swap3A_1232] {strides = array<i32>} : memref<208xf32, #tpu.memory_space<vmem>>, vector<16xf32>,
      tpu.vector_store %arg14[%swap3A_1232], %exp3A_1231 {strides = array<i32>} : memref<208xf32, #tpu.memory_space<vmem>>, vector<16xf32>,
      %add3A_1234 = arith.addf %add3A_1228, %exp3A_1231 : vector<16xf32>
      %sub3A_1235 = vector.broadcast %reduce_max3A_1162 : f32 to vector<16xf32>
      %sub3A_1236 = arith.subf %select_n3A_1148, %sub3A_1235 : vector<16xf32>
      %exp3A_1237 = math.exp %sub3A_1236 : vector<16xf32>
      %swap3A_1238 = arith.constant 192 : index
      %swap3A_1239 = tpu.vector_load %arg14[%swap3A_1238] {strides = array<i32>} : memref<208xf32, #tpu.memory_space<vmem>>, vector<16xf32>,
      tpu.vector_store %arg14[%swap3A_1238], %exp3A_1237 {strides = array<i32>} : memref<208xf32, #tpu.memory_space<vmem>>, vector<16xf32>,
      %add3A_1240 = arith.addf %add3A_1234, %exp3A_1237 : vector<16xf32>
      %reduce_sum3A = arith.constant true
      %reduce_sum3A_1241 = vector.broadcast %reduce_sum3A : i1 to vector<16xi1>
      %reduce_sum3A_1242 = tpu.scan <sum>, %add3A_1240 masked %reduce_sum3A_1241 : vector<16xf32>, vector<16xi1> -> vector<16xf32>
      %reduce_sum3A_1243 = vector.extract %reduce_sum3A_1242[15] : f32 from vector<16xf32>
      %broadcast_in_dim3A_1244 = arith.constant 0.000000e+00 : f32
      %broadcast_in_dim3A_1245 = vector.broadcast %broadcast_in_dim3A_1244 : f32 to vector<16xf32>
      %scan3A_1246 = arith.constant 0 : i32
      %scan3A_1247 = arith.constant 13 : i32
      %scan3A_1248 = arith.addi %scan3A_1246, %scan3A_1247 : i32
      %scan3A_1249 = arith.constant 1 : i32
      %scan3A_1250:7 = scf.for %scan3A_2100 = %scan3A_1246 to %scan3A_1248 step %scan3A_1249 iter_args(%scan3A_2101 = %broadcast_in_dim3A_1245, %scan3A_2102 = %broadcast_in_dim3A_1245, %scan3A_2103 = %broadcast_in_dim3A_1245, %scan3A_2104 = %broadcast_in_dim3A_1245, %scan3A_2105 = %broadcast_in_dim3A_1245, %scan3A_2106 = %broadcast_in_dim3A_1245, %scan3A_2107 = %broadcast_in_dim3A_1245) -> (vector<16xf32>, vector<16xf32>, vector<16xf32>, vector<16xf32>, vector<16xf32>, vector<16xf32>, vector<16xf32>)  : i32 {
        %mul3A_2108 = arith.constant 16 : i32
        %mul3A_2109 = arith.muli %scan3A_2100, %mul3A_2108 : i32
        %get3A_2110 = arith.index_cast %mul3A_2109 : i32 to index
        %get3A_2111 = tpu.vector_load %arg14[%get3A_2110] {strides = array<i32>} : memref<208xf32, #tpu.memory_space<vmem>>, vector<16xf32>,
        %slice3A_2112 = vector.extract_strided_slice %get3A_2111 {offsets = [0], sizes = [1], strides = [1]} : vector<16xf32> to vector<1xf32>
        %squeeze3A_2113 = vector.extract %slice3A_2112[0] : f32 from vector<1xf32>
        %add3A_2114 = arith.constant 0 : i32
        %add3A_2115 = arith.addi %mul3A_2109, %add3A_2114 : i32
        %get3A_2116 = arith.constant 0 : i32
        %get3A_2117 = arith.index_cast %get3A_2116 : i32 to index
        %get3A_2118 = arith.index_cast %add3A_2115 : i32 to index
        %get3A_2119 = arith.constant 0 : index
        %get3A_2120 = tpu.vector_load %arg12[%get3A_2117, %get3A_2118, %get3A_2119] {strides = array<i32>} : memref<2x208x128xf32, #tpu.memory_space<vmem>>, vector<16xf32>,
        %mul3A_2121 = vector.broadcast %squeeze3A_2113 : f32 to vector<16xf32>
        %mul3A_2122 = arith.mulf %mul3A_2121, %get3A_2120 : vector<16xf32>
        %add3A_2123 = arith.addf %scan3A_2101, %mul3A_2122 : vector<16xf32>
        %add3A_2124 = arith.constant 0 : i32
        %add3A_2125 = arith.addi %mul3A_2109, %add3A_2124 : i32
        %get3A_2126 = arith.constant 0 : i32
        %get3A_2127 = arith.index_cast %get3A_2126 : i32 to index
        %get3A_2128 = arith.index_cast %add3A_2125 : i32 to index
        %get3A_2129 = arith.constant 16 : index
        %get3A_2130 = tpu.vector_load %arg12[%get3A_2127, %get3A_2128, %get3A_2129] {strides = array<i32>} : memref<2x208x128xf32, #tpu.memory_space<vmem>>, vector<16xf32>,
        %mul3A_2131 = vector.broadcast %squeeze3A_2113 : f32 to vector<16xf32>
        %mul3A_2132 = arith.mulf %mul3A_2131, %get3A_2130 : vector<16xf32>
        %add3A_2133 = arith.addf %scan3A_2102, %mul3A_2132 : vector<16xf32>
        %add3A_2134 = arith.constant 0 : i32
        %add3A_2135 = arith.addi %mul3A_2109, %add3A_2134 : i32
        %get3A_2136 = arith.constant 0 : i32
        %get3A_2137 = arith.index_cast %get3A_2136 : i32 to index
        %get3A_2138 = arith.index_cast %add3A_2135 : i32 to index
        %get3A_2139 = arith.constant 32 : index
        %get3A_2140 = tpu.vector_load %arg12[%get3A_2137, %get3A_2138, %get3A_2139] {strides = array<i32>} : memref<2x208x128xf32, #tpu.memory_space<vmem>>, vector<16xf32>,
        %mul3A_2141 = vector.broadcast %squeeze3A_2113 : f32 to vector<16xf32>
        %mul3A_2142 = arith.mulf %mul3A_2141, %get3A_2140 : vector<16xf32>
        %add3A_2143 = arith.addf %scan3A_2103, %mul3A_2142 : vector<16xf32>
        %add3A_2144 = arith.constant 0 : i32
        %add3A_2145 = arith.addi %mul3A_2109, %add3A_2144 : i32
        %get3A_2146 = arith.constant 0 : i32
        %get3A_2147 = arith.index_cast %get3A_2146 : i32 to index
        %get3A_2148 = arith.index_cast %add3A_2145 : i32 to index
        %get3A_2149 = arith.constant 48 : index
        %get3A_2150 = tpu.vector_load %arg12[%get3A_2147, %get3A_2148, %get3A_2149] {strides = array<i32>} : memref<2x208x128xf32, #tpu.memory_space<vmem>>, vector<16xf32>,
        %mul3A_2151 = vector.broadcast %squeeze3A_2113 : f32 to vector<16xf32>
        %mul3A_2152 = arith.mulf %mul3A_2151, %get3A_2150 : vector<16xf32>
        %add3A_2153 = arith.addf %scan3A_2104, %mul3A_2152 : vector<16xf32>
        %add3A_2154 = arith.constant 0 : i32
        %add3A_2155 = arith.addi %mul3A_2109, %add3A_2154 : i32
        %get3A_2156 = arith.constant 0 : i32
        %get3A_2157 = arith.index_cast %get3A_2156 : i32 to index
        %get3A_2158 = arith.index_cast %add3A_2155 : i32 to index
        %get3A_2159 = arith.constant 64 : index
        %get3A_2160 = tpu.vector_load %arg12[%get3A_2157, %get3A_2158, %get3A_2159] {strides = array<i32>} : memref<2x208x128xf32, #tpu.memory_space<vmem>>, vector<16xf32>,
        %mul3A_2161 = vector.broadcast %squeeze3A_2113 : f32 to vector<16xf32>
        %mul3A_2162 = arith.mulf %mul3A_2161, %get3A_2160 : vector<16xf32>
        %add3A_2163 = arith.addf %scan3A_2105, %mul3A_2162 : vector<16xf32>
        %add3A_2164 = arith.constant 0 : i32
        %add3A_2165 = arith.addi %mul3A_2109, %add3A_2164 : i32
        %get3A_2166 = arith.constant 0 : i32
        %get3A_2167 = arith.index_cast %get3A_2166 : i32 to index
        %get3A_2168 = arith.index_cast %add3A_2165 : i32 to index
        %get3A_2169 = arith.constant 80 : index
        %get3A_2170 = tpu.vector_load %arg12[%get3A_2167, %get3A_2168, %get3A_2169] {strides = array<i32>} : memref<2x208x128xf32, #tpu.memory_space<vmem>>, vector<16xf32>,
        %mul3A_2171 = vector.broadcast %squeeze3A_2113 : f32 to vector<16xf32>
        %mul3A_2172 = arith.mulf %mul3A_2171, %get3A_2170 : vector<16xf32>
        %add3A_2173 = arith.addf %scan3A_2106, %mul3A_2172 : vector<16xf32>
        %add3A_2174 = arith.constant 0 : i32
        %add3A_2175 = arith.addi %mul3A_2109, %add3A_2174 : i32
        %get3A_2176 = arith.constant 0 : i32
        %get3A_2177 = arith.index_cast %get3A_2176 : i32 to index
        %get3A_2178 = arith.index_cast %add3A_2175 : i32 to index
        %get3A_2179 = arith.constant 84 : index
        %get3A_2180 = tpu.vector_load %arg12[%get3A_2177, %get3A_2178, %get3A_2179] {strides = array<i32>} : memref<2x208x128xf32, #tpu.memory_space<vmem>>, vector<16xf32>,
        %mul3A_2181 = vector.broadcast %squeeze3A_2113 : f32 to vector<16xf32>
        %mul3A_2182 = arith.mulf %mul3A_2181, %get3A_2180 : vector<16xf32>
        %add3A_2183 = arith.addf %scan3A_2107, %mul3A_2182 : vector<16xf32>
        %slice3A_2184 = vector.extract_strided_slice %get3A_2111 {offsets = [1], sizes = [1], strides = [1]} : vector<16xf32> to vector<1xf32>
        %squeeze3A_2185 = vector.extract %slice3A_2184[0] : f32 from vector<1xf32>
        %add3A_2186 = arith.constant 1 : i32
        %add3A_2187 = arith.addi %mul3A_2109, %add3A_2186 : i32
        %get3A_2188 = arith.constant 0 : i32
        %get3A_2189 = arith.index_cast %get3A_2188 : i32 to index
        %get3A_2190 = arith.index_cast %add3A_2187 : i32 to index
        %get3A_2191 = arith.constant 0 : index
        %get3A_2192 = tpu.vector_load %arg12[%get3A_2189, %get3A_2190, %get3A_2191] {strides = array<i32>} : memref<2x208x128xf32, #tpu.memory_space<vmem>>, vector<16xf32>,
        %mul3A_2193 = vector.broadcast %squeeze3A_2185 : f32 to vector<16xf32>
        %mul3A_2194 = arith.mulf %mul3A_2193, %get3A_2192 : vector<16xf32>
        %add3A_2195 = arith.addf %add3A_2123, %mul3A_2194 : vector<16xf32>
        %add3A_2196 = arith.constant 1 : i32
        %add3A_2197 = arith.addi %mul3A_2109, %add3A_2196 : i32
        %get3A_2198 = arith.constant 0 : i32
        %get3A_2199 = arith.index_cast %get3A_2198 : i32 to index
        %get3A_2200 = arith.index_cast %add3A_2197 : i32 to index
        %get3A_2201 = arith.constant 16 : index
        %get3A_2202 = tpu.vector_load %arg12[%get3A_2199, %get3A_2200, %get3A_2201] {strides = array<i32>} : memref<2x208x128xf32, #tpu.memory_space<vmem>>, vector<16xf32>,
        %mul3A_2203 = vector.broadcast %squeeze3A_2185 : f32 to vector<16xf32>
        %mul3A_2204 = arith.mulf %mul3A_2203, %get3A_2202 : vector<16xf32>
        %add3A_2205 = arith.addf %add3A_2133, %mul3A_2204 : vector<16xf32>
        %add3A_2206 = arith.constant 1 : i32
        %add3A_2207 = arith.addi %mul3A_2109, %add3A_2206 : i32
        %get3A_2208 = arith.constant 0 : i32
        %get3A_2209 = arith.index_cast %get3A_2208 : i32 to index
        %get3A_2210 = arith.index_cast %add3A_2207 : i32 to index
        %get3A_2211 = arith.constant 32 : index
        %get3A_2212 = tpu.vector_load %arg12[%get3A_2209, %get3A_2210, %get3A_2211] {strides = array<i32>} : memref<2x208x128xf32, #tpu.memory_space<vmem>>, vector<16xf32>,
        %mul3A_2213 = vector.broadcast %squeeze3A_2185 : f32 to vector<16xf32>
        %mul3A_2214 = arith.mulf %mul3A_2213, %get3A_2212 : vector<16xf32>
        %add3A_2215 = arith.addf %add3A_2143, %mul3A_2214 : vector<16xf32>
        %add3A_2216 = arith.constant 1 : i32
        %add3A_2217 = arith.addi %mul3A_2109, %add3A_2216 : i32
        %get3A_2218 = arith.constant 0 : i32
        %get3A_2219 = arith.index_cast %get3A_2218 : i32 to index
        %get3A_2220 = arith.index_cast %add3A_2217 : i32 to index
        %get3A_2221 = arith.constant 48 : index
        %get3A_2222 = tpu.vector_load %arg12[%get3A_2219, %get3A_2220, %get3A_2221] {strides = array<i32>} : memref<2x208x128xf32, #tpu.memory_space<vmem>>, vector<16xf32>,
        %mul3A_2223 = vector.broadcast %squeeze3A_2185 : f32 to vector<16xf32>
        %mul3A_2224 = arith.mulf %mul3A_2223, %get3A_2222 : vector<16xf32>
        %add3A_2225 = arith.addf %add3A_2153, %mul3A_2224 : vector<16xf32>
        %add3A_2226 = arith.constant 1 : i32
        %add3A_2227 = arith.addi %mul3A_2109, %add3A_2226 : i32
        %get3A_2228 = arith.constant 0 : i32
        %get3A_2229 = arith.index_cast %get3A_2228 : i32 to index
        %get3A_2230 = arith.index_cast %add3A_2227 : i32 to index
        %get3A_2231 = arith.constant 64 : index
        %get3A_2232 = tpu.vector_load %arg12[%get3A_2229, %get3A_2230, %get3A_2231] {strides = array<i32>} : memref<2x208x128xf32, #tpu.memory_space<vmem>>, vector<16xf32>,
        %mul3A_2233 = vector.broadcast %squeeze3A_2185 : f32 to vector<16xf32>
        %mul3A_2234 = arith.mulf %mul3A_2233, %get3A_2232 : vector<16xf32>
        %add3A_2235 = arith.addf %add3A_2163, %mul3A_2234 : vector<16xf32>
        %add3A_2236 = arith.constant 1 : i32
        %add3A_2237 = arith.addi %mul3A_2109, %add3A_2236 : i32
        %get3A_2238 = arith.constant 0 : i32
        %get3A_2239 = arith.index_cast %get3A_2238 : i32 to index
        %get3A_2240 = arith.index_cast %add3A_2237 : i32 to index
        %get3A_2241 = arith.constant 80 : index
        %get3A_2242 = tpu.vector_load %arg12[%get3A_2239, %get3A_2240, %get3A_2241] {strides = array<i32>} : memref<2x208x128xf32, #tpu.memory_space<vmem>>, vector<16xf32>,
        %mul3A_2243 = vector.broadcast %squeeze3A_2185 : f32 to vector<16xf32>
        %mul3A_2244 = arith.mulf %mul3A_2243, %get3A_2242 : vector<16xf32>
        %add3A_2245 = arith.addf %add3A_2173, %mul3A_2244 : vector<16xf32>
        %add3A_2246 = arith.constant 1 : i32
        %add3A_2247 = arith.addi %mul3A_2109, %add3A_2246 : i32
        %get3A_2248 = arith.constant 0 : i32
        %get3A_2249 = arith.index_cast %get3A_2248 : i32 to index
        %get3A_2250 = arith.index_cast %add3A_2247 : i32 to index
        %get3A_2251 = arith.constant 84 : index
        %get3A_2252 = tpu.vector_load %arg12[%get3A_2249, %get3A_2250, %get3A_2251] {strides = array<i32>} : memref<2x208x128xf32, #tpu.memory_space<vmem>>, vector<16xf32>,
        %mul3A_2253 = vector.broadcast %squeeze3A_2185 : f32 to vector<16xf32>
        %mul3A_2254 = arith.mulf %mul3A_2253, %get3A_2252 : vector<16xf32>
        %add3A_2255 = arith.addf %add3A_2183, %mul3A_2254 : vector<16xf32>
        %slice3A_2256 = vector.extract_strided_slice %get3A_2111 {offsets = [2], sizes = [1], strides = [1]} : vector<16xf32> to vector<1xf32>
        %squeeze3A_2257 = vector.extract %slice3A_2256[0] : f32 from vector<1xf32>
        %add3A_2258 = arith.constant 2 : i32
        %add3A_2259 = arith.addi %mul3A_2109, %add3A_2258 : i32
        %get3A_2260 = arith.constant 0 : i32
        %get3A_2261 = arith.index_cast %get3A_2260 : i32 to index
        %get3A_2262 = arith.index_cast %add3A_2259 : i32 to index
        %get3A_2263 = arith.constant 0 : index
        %get3A_2264 = tpu.vector_load %arg12[%get3A_2261, %get3A_2262, %get3A_2263] {strides = array<i32>} : memref<2x208x128xf32, #tpu.memory_space<vmem>>, vector<16xf32>,
        %mul3A_2265 = vector.broadcast %squeeze3A_2257 : f32 to vector<16xf32>
        %mul3A_2266 = arith.mulf %mul3A_2265, %get3A_2264 : vector<16xf32>
        %add3A_2267 = arith.addf %add3A_2195, %mul3A_2266 : vector<16xf32>
        %add3A_2268 = arith.constant 2 : i32
        %add3A_2269 = arith.addi %mul3A_2109, %add3A_2268 : i32
        %get3A_2270 = arith.constant 0 : i32
        %get3A_2271 = arith.index_cast %get3A_2270 : i32 to index
        %get3A_2272 = arith.index_cast %add3A_2269 : i32 to index
        %get3A_2273 = arith.constant 16 : index
        %get3A_2274 = tpu.vector_load %arg12[%get3A_2271, %get3A_2272, %get3A_2273] {strides = array<i32>} : memref<2x208x128xf32, #tpu.memory_space<vmem>>, vector<16xf32>,
        %mul3A_2275 = vector.broadcast %squeeze3A_2257 : f32 to vector<16xf32>
        %mul3A_2276 = arith.mulf %mul3A_2275, %get3A_2274 : vector<16xf32>
        %add3A_2277 = arith.addf %add3A_2205, %mul3A_2276 : vector<16xf32>
        %add3A_2278 = arith.constant 2 : i32
        %add3A_2279 = arith.addi %mul3A_2109, %add3A_2278 : i32
        %get3A_2280 = arith.constant 0 : i32
        %get3A_2281 = arith.index_cast %get3A_2280 : i32 to index
        %get3A_2282 = arith.index_cast %add3A_2279 : i32 to index
        %get3A_2283 = arith.constant 32 : index
        %get3A_2284 = tpu.vector_load %arg12[%get3A_2281, %get3A_2282, %get3A_2283] {strides = array<i32>} : memref<2x208x128xf32, #tpu.memory_space<vmem>>, vector<16xf32>,
        %mul3A_2285 = vector.broadcast %squeeze3A_2257 : f32 to vector<16xf32>
        %mul3A_2286 = arith.mulf %mul3A_2285, %get3A_2284 : vector<16xf32>
        %add3A_2287 = arith.addf %add3A_2215, %mul3A_2286 : vector<16xf32>
        %add3A_2288 = arith.constant 2 : i32
        %add3A_2289 = arith.addi %mul3A_2109, %add3A_2288 : i32
        %get3A_2290 = arith.constant 0 : i32
        %get3A_2291 = arith.index_cast %get3A_2290 : i32 to index
        %get3A_2292 = arith.index_cast %add3A_2289 : i32 to index
        %get3A_2293 = arith.constant 48 : index
        %get3A_2294 = tpu.vector_load %arg12[%get3A_2291, %get3A_2292, %get3A_2293] {strides = array<i32>} : memref<2x208x128xf32, #tpu.memory_space<vmem>>, vector<16xf32>,
        %mul3A_2295 = vector.broadcast %squeeze3A_2257 : f32 to vector<16xf32>
        %mul3A_2296 = arith.mulf %mul3A_2295, %get3A_2294 : vector<16xf32>
        %add3A_2297 = arith.addf %add3A_2225, %mul3A_2296 : vector<16xf32>
        %add3A_2298 = arith.constant 2 : i32
        %add3A_2299 = arith.addi %mul3A_2109, %add3A_2298 : i32
        %get3A_2300 = arith.constant 0 : i32
        %get3A_2301 = arith.index_cast %get3A_2300 : i32 to index
        %get3A_2302 = arith.index_cast %add3A_2299 : i32 to index
        %get3A_2303 = arith.constant 64 : index
        %get3A_2304 = tpu.vector_load %arg12[%get3A_2301, %get3A_2302, %get3A_2303] {strides = array<i32>} : memref<2x208x128xf32, #tpu.memory_space<vmem>>, vector<16xf32>,
        %mul3A_2305 = vector.broadcast %squeeze3A_2257 : f32 to vector<16xf32>
        %mul3A_2306 = arith.mulf %mul3A_2305, %get3A_2304 : vector<16xf32>
        %add3A_2307 = arith.addf %add3A_2235, %mul3A_2306 : vector<16xf32>
        %add3A_2308 = arith.constant 2 : i32
        %add3A_2309 = arith.addi %mul3A_2109, %add3A_2308 : i32
        %get3A_2310 = arith.constant 0 : i32
        %get3A_2311 = arith.index_cast %get3A_2310 : i32 to index
        %get3A_2312 = arith.index_cast %add3A_2309 : i32 to index
        %get3A_2313 = arith.constant 80 : index
        %get3A_2314 = tpu.vector_load %arg12[%get3A_2311, %get3A_2312, %get3A_2313] {strides = array<i32>} : memref<2x208x128xf32, #tpu.memory_space<vmem>>, vector<16xf32>,
        %mul3A_2315 = vector.broadcast %squeeze3A_2257 : f32 to vector<16xf32>
        %mul3A_2316 = arith.mulf %mul3A_2315, %get3A_2314 : vector<16xf32>
        %add3A_2317 = arith.addf %add3A_2245, %mul3A_2316 : vector<16xf32>
        %add3A_2318 = arith.constant 2 : i32
        %add3A_2319 = arith.addi %mul3A_2109, %add3A_2318 : i32
        %get3A_2320 = arith.constant 0 : i32
        %get3A_2321 = arith.index_cast %get3A_2320 : i32 to index
        %get3A_2322 = arith.index_cast %add3A_2319 : i32 to index
        %get3A_2323 = arith.constant 84 : index
        %get3A_2324 = tpu.vector_load %arg12[%get3A_2321, %get3A_2322, %get3A_2323] {strides = array<i32>} : memref<2x208x128xf32, #tpu.memory_space<vmem>>, vector<16xf32>,
        %mul3A_2325 = vector.broadcast %squeeze3A_2257 : f32 to vector<16xf32>
        %mul3A_2326 = arith.mulf %mul3A_2325, %get3A_2324 : vector<16xf32>
        %add3A_2327 = arith.addf %add3A_2255, %mul3A_2326 : vector<16xf32>
        %slice3A_2328 = vector.extract_strided_slice %get3A_2111 {offsets = [3], sizes = [1], strides = [1]} : vector<16xf32> to vector<1xf32>
        %squeeze3A_2329 = vector.extract %slice3A_2328[0] : f32 from vector<1xf32>
        %add3A_2330 = arith.constant 3 : i32
        %add3A_2331 = arith.addi %mul3A_2109, %add3A_2330 : i32
        %get3A_2332 = arith.constant 0 : i32
        %get3A_2333 = arith.index_cast %get3A_2332 : i32 to index
        %get3A_2334 = arith.index_cast %add3A_2331 : i32 to index
        %get3A_2335 = arith.constant 0 : index
        %get3A_2336 = tpu.vector_load %arg12[%get3A_2333, %get3A_2334, %get3A_2335] {strides = array<i32>} : memref<2x208x128xf32, #tpu.memory_space<vmem>>, vector<16xf32>,
        %mul3A_2337 = vector.broadcast %squeeze3A_2329 : f32 to vector<16xf32>
        %mul3A_2338 = arith.mulf %mul3A_2337, %get3A_2336 : vector<16xf32>
        %add3A_2339 = arith.addf %add3A_2267, %mul3A_2338 : vector<16xf32>
        %add3A_2340 = arith.constant 3 : i32
        %add3A_2341 = arith.addi %mul3A_2109, %add3A_2340 : i32
        %get3A_2342 = arith.constant 0 : i32
        %get3A_2343 = arith.index_cast %get3A_2342 : i32 to index
        %get3A_2344 = arith.index_cast %add3A_2341 : i32 to index
        %get3A_2345 = arith.constant 16 : index
        %get3A_2346 = tpu.vector_load %arg12[%get3A_2343, %get3A_2344, %get3A_2345] {strides = array<i32>} : memref<2x208x128xf32, #tpu.memory_space<vmem>>, vector<16xf32>,
        %mul3A_2347 = vector.broadcast %squeeze3A_2329 : f32 to vector<16xf32>
        %mul3A_2348 = arith.mulf %mul3A_2347, %get3A_2346 : vector<16xf32>
        %add3A_2349 = arith.addf %add3A_2277, %mul3A_2348 : vector<16xf32>
        %add3A_2350 = arith.constant 3 : i32
        %add3A_2351 = arith.addi %mul3A_2109, %add3A_2350 : i32
        %get3A_2352 = arith.constant 0 : i32
        %get3A_2353 = arith.index_cast %get3A_2352 : i32 to index
        %get3A_2354 = arith.index_cast %add3A_2351 : i32 to index
        %get3A_2355 = arith.constant 32 : index
        %get3A_2356 = tpu.vector_load %arg12[%get3A_2353, %get3A_2354, %get3A_2355] {strides = array<i32>} : memref<2x208x128xf32, #tpu.memory_space<vmem>>, vector<16xf32>,
        %mul3A_2357 = vector.broadcast %squeeze3A_2329 : f32 to vector<16xf32>
        %mul3A_2358 = arith.mulf %mul3A_2357, %get3A_2356 : vector<16xf32>
        %add3A_2359 = arith.addf %add3A_2287, %mul3A_2358 : vector<16xf32>
        %add3A_2360 = arith.constant 3 : i32
        %add3A_2361 = arith.addi %mul3A_2109, %add3A_2360 : i32
        %get3A_2362 = arith.constant 0 : i32
        %get3A_2363 = arith.index_cast %get3A_2362 : i32 to index
        %get3A_2364 = arith.index_cast %add3A_2361 : i32 to index
        %get3A_2365 = arith.constant 48 : index
        %get3A_2366 = tpu.vector_load %arg12[%get3A_2363, %get3A_2364, %get3A_2365] {strides = array<i32>} : memref<2x208x128xf32, #tpu.memory_space<vmem>>, vector<16xf32>,
        %mul3A_2367 = vector.broadcast %squeeze3A_2329 : f32 to vector<16xf32>
        %mul3A_2368 = arith.mulf %mul3A_2367, %get3A_2366 : vector<16xf32>
        %add3A_2369 = arith.addf %add3A_2297, %mul3A_2368 : vector<16xf32>
        %add3A_2370 = arith.constant 3 : i32
        %add3A_2371 = arith.addi %mul3A_2109, %add3A_2370 : i32
        %get3A_2372 = arith.constant 0 : i32
        %get3A_2373 = arith.index_cast %get3A_2372 : i32 to index
        %get3A_2374 = arith.index_cast %add3A_2371 : i32 to index
        %get3A_2375 = arith.constant 64 : index
        %get3A_2376 = tpu.vector_load %arg12[%get3A_2373, %get3A_2374, %get3A_2375] {strides = array<i32>} : memref<2x208x128xf32, #tpu.memory_space<vmem>>, vector<16xf32>,
        %mul3A_2377 = vector.broadcast %squeeze3A_2329 : f32 to vector<16xf32>
        %mul3A_2378 = arith.mulf %mul3A_2377, %get3A_2376 : vector<16xf32>
        %add3A_2379 = arith.addf %add3A_2307, %mul3A_2378 : vector<16xf32>
        %add3A_2380 = arith.constant 3 : i32
        %add3A_2381 = arith.addi %mul3A_2109, %add3A_2380 : i32
        %get3A_2382 = arith.constant 0 : i32
        %get3A_2383 = arith.index_cast %get3A_2382 : i32 to index
        %get3A_2384 = arith.index_cast %add3A_2381 : i32 to index
        %get3A_2385 = arith.constant 80 : index
        %get3A_2386 = tpu.vector_load %arg12[%get3A_2383, %get3A_2384, %get3A_2385] {strides = array<i32>} : memref<2x208x128xf32, #tpu.memory_space<vmem>>, vector<16xf32>,
        %mul3A_2387 = vector.broadcast %squeeze3A_2329 : f32 to vector<16xf32>
        %mul3A_2388 = arith.mulf %mul3A_2387, %get3A_2386 : vector<16xf32>
        %add3A_2389 = arith.addf %add3A_2317, %mul3A_2388 : vector<16xf32>
        %add3A_2390 = arith.constant 3 : i32
        %add3A_2391 = arith.addi %mul3A_2109, %add3A_2390 : i32
        %get3A_2392 = arith.constant 0 : i32
        %get3A_2393 = arith.index_cast %get3A_2392 : i32 to index
        %get3A_2394 = arith.index_cast %add3A_2391 : i32 to index
        %get3A_2395 = arith.constant 84 : index
        %get3A_2396 = tpu.vector_load %arg12[%get3A_2393, %get3A_2394, %get3A_2395] {strides = array<i32>} : memref<2x208x128xf32, #tpu.memory_space<vmem>>, vector<16xf32>,
        %mul3A_2397 = vector.broadcast %squeeze3A_2329 : f32 to vector<16xf32>
        %mul3A_2398 = arith.mulf %mul3A_2397, %get3A_2396 : vector<16xf32>
        %add3A_2399 = arith.addf %add3A_2327, %mul3A_2398 : vector<16xf32>
        %slice3A_2400 = vector.extract_strided_slice %get3A_2111 {offsets = [4], sizes = [1], strides = [1]} : vector<16xf32> to vector<1xf32>
        %squeeze3A_2401 = vector.extract %slice3A_2400[0] : f32 from vector<1xf32>
        %add3A_2402 = arith.constant 4 : i32
        %add3A_2403 = arith.addi %mul3A_2109, %add3A_2402 : i32
        %get3A_2404 = arith.constant 0 : i32
        %get3A_2405 = arith.index_cast %get3A_2404 : i32 to index
        %get3A_2406 = arith.index_cast %add3A_2403 : i32 to index
        %get3A_2407 = arith.constant 0 : index
        %get3A_2408 = tpu.vector_load %arg12[%get3A_2405, %get3A_2406, %get3A_2407] {strides = array<i32>} : memref<2x208x128xf32, #tpu.memory_space<vmem>>, vector<16xf32>,
        %mul3A_2409 = vector.broadcast %squeeze3A_2401 : f32 to vector<16xf32>
        %mul3A_2410 = arith.mulf %mul3A_2409, %get3A_2408 : vector<16xf32>
        %add3A_2411 = arith.addf %add3A_2339, %mul3A_2410 : vector<16xf32>
        %add3A_2412 = arith.constant 4 : i32
        %add3A_2413 = arith.addi %mul3A_2109, %add3A_2412 : i32
        %get3A_2414 = arith.constant 0 : i32
        %get3A_2415 = arith.index_cast %get3A_2414 : i32 to index
        %get3A_2416 = arith.index_cast %add3A_2413 : i32 to index
        %get3A_2417 = arith.constant 16 : index
        %get3A_2418 = tpu.vector_load %arg12[%get3A_2415, %get3A_2416, %get3A_2417] {strides = array<i32>} : memref<2x208x128xf32, #tpu.memory_space<vmem>>, vector<16xf32>,
        %mul3A_2419 = vector.broadcast %squeeze3A_2401 : f32 to vector<16xf32>
        %mul3A_2420 = arith.mulf %mul3A_2419, %get3A_2418 : vector<16xf32>
        %add3A_2421 = arith.addf %add3A_2349, %mul3A_2420 : vector<16xf32>
        %add3A_2422 = arith.constant 4 : i32
        %add3A_2423 = arith.addi %mul3A_2109, %add3A_2422 : i32
        %get3A_2424 = arith.constant 0 : i32
        %get3A_2425 = arith.index_cast %get3A_2424 : i32 to index
        %get3A_2426 = arith.index_cast %add3A_2423 : i32 to index
        %get3A_2427 = arith.constant 32 : index
        %get3A_2428 = tpu.vector_load %arg12[%get3A_2425, %get3A_2426, %get3A_2427] {strides = array<i32>} : memref<2x208x128xf32, #tpu.memory_space<vmem>>, vector<16xf32>,
        %mul3A_2429 = vector.broadcast %squeeze3A_2401 : f32 to vector<16xf32>
        %mul3A_2430 = arith.mulf %mul3A_2429, %get3A_2428 : vector<16xf32>
        %add3A_2431 = arith.addf %add3A_2359, %mul3A_2430 : vector<16xf32>
        %add3A_2432 = arith.constant 4 : i32
        %add3A_2433 = arith.addi %mul3A_2109, %add3A_2432 : i32
        %get3A_2434 = arith.constant 0 : i32
        %get3A_2435 = arith.index_cast %get3A_2434 : i32 to index
        %get3A_2436 = arith.index_cast %add3A_2433 : i32 to index
        %get3A_2437 = arith.constant 48 : index
        %get3A_2438 = tpu.vector_load %arg12[%get3A_2435, %get3A_2436, %get3A_2437] {strides = array<i32>} : memref<2x208x128xf32, #tpu.memory_space<vmem>>, vector<16xf32>,
        %mul3A_2439 = vector.broadcast %squeeze3A_2401 : f32 to vector<16xf32>
        %mul3A_2440 = arith.mulf %mul3A_2439, %get3A_2438 : vector<16xf32>
        %add3A_2441 = arith.addf %add3A_2369, %mul3A_2440 : vector<16xf32>
        %add3A_2442 = arith.constant 4 : i32
        %add3A_2443 = arith.addi %mul3A_2109, %add3A_2442 : i32
        %get3A_2444 = arith.constant 0 : i32
        %get3A_2445 = arith.index_cast %get3A_2444 : i32 to index
        %get3A_2446 = arith.index_cast %add3A_2443 : i32 to index
        %get3A_2447 = arith.constant 64 : index
        %get3A_2448 = tpu.vector_load %arg12[%get3A_2445, %get3A_2446, %get3A_2447] {strides = array<i32>} : memref<2x208x128xf32, #tpu.memory_space<vmem>>, vector<16xf32>,
        %mul3A_2449 = vector.broadcast %squeeze3A_2401 : f32 to vector<16xf32>
        %mul3A_2450 = arith.mulf %mul3A_2449, %get3A_2448 : vector<16xf32>
        %add3A_2451 = arith.addf %add3A_2379, %mul3A_2450 : vector<16xf32>
        %add3A_2452 = arith.constant 4 : i32
        %add3A_2453 = arith.addi %mul3A_2109, %add3A_2452 : i32
        %get3A_2454 = arith.constant 0 : i32
        %get3A_2455 = arith.index_cast %get3A_2454 : i32 to index
        %get3A_2456 = arith.index_cast %add3A_2453 : i32 to index
        %get3A_2457 = arith.constant 80 : index
        %get3A_2458 = tpu.vector_load %arg12[%get3A_2455, %get3A_2456, %get3A_2457] {strides = array<i32>} : memref<2x208x128xf32, #tpu.memory_space<vmem>>, vector<16xf32>,
        %mul3A_2459 = vector.broadcast %squeeze3A_2401 : f32 to vector<16xf32>
        %mul3A_2460 = arith.mulf %mul3A_2459, %get3A_2458 : vector<16xf32>
        %add3A_2461 = arith.addf %add3A_2389, %mul3A_2460 : vector<16xf32>
        %add3A_2462 = arith.constant 4 : i32
        %add3A_2463 = arith.addi %mul3A_2109, %add3A_2462 : i32
        %get3A_2464 = arith.constant 0 : i32
        %get3A_2465 = arith.index_cast %get3A_2464 : i32 to index
        %get3A_2466 = arith.index_cast %add3A_2463 : i32 to index
        %get3A_2467 = arith.constant 84 : index
        %get3A_2468 = tpu.vector_load %arg12[%get3A_2465, %get3A_2466, %get3A_2467] {strides = array<i32>} : memref<2x208x128xf32, #tpu.memory_space<vmem>>, vector<16xf32>,
        %mul3A_2469 = vector.broadcast %squeeze3A_2401 : f32 to vector<16xf32>
        %mul3A_2470 = arith.mulf %mul3A_2469, %get3A_2468 : vector<16xf32>
        %add3A_2471 = arith.addf %add3A_2399, %mul3A_2470 : vector<16xf32>
        %slice3A_2472 = vector.extract_strided_slice %get3A_2111 {offsets = [5], sizes = [1], strides = [1]} : vector<16xf32> to vector<1xf32>
        %squeeze3A_2473 = vector.extract %slice3A_2472[0] : f32 from vector<1xf32>
        %add3A_2474 = arith.constant 5 : i32
        %add3A_2475 = arith.addi %mul3A_2109, %add3A_2474 : i32
        %get3A_2476 = arith.constant 0 : i32
        %get3A_2477 = arith.index_cast %get3A_2476 : i32 to index
        %get3A_2478 = arith.index_cast %add3A_2475 : i32 to index
        %get3A_2479 = arith.constant 0 : index
        %get3A_2480 = tpu.vector_load %arg12[%get3A_2477, %get3A_2478, %get3A_2479] {strides = array<i32>} : memref<2x208x128xf32, #tpu.memory_space<vmem>>, vector<16xf32>,
        %mul3A_2481 = vector.broadcast %squeeze3A_2473 : f32 to vector<16xf32>
        %mul3A_2482 = arith.mulf %mul3A_2481, %get3A_2480 : vector<16xf32>
        %add3A_2483 = arith.addf %add3A_2411, %mul3A_2482 : vector<16xf32>
        %add3A_2484 = arith.constant 5 : i32
        %add3A_2485 = arith.addi %mul3A_2109, %add3A_2484 : i32
        %get3A_2486 = arith.constant 0 : i32
        %get3A_2487 = arith.index_cast %get3A_2486 : i32 to index
        %get3A_2488 = arith.index_cast %add3A_2485 : i32 to index
        %get3A_2489 = arith.constant 16 : index
        %get3A_2490 = tpu.vector_load %arg12[%get3A_2487, %get3A_2488, %get3A_2489] {strides = array<i32>} : memref<2x208x128xf32, #tpu.memory_space<vmem>>, vector<16xf32>,
        %mul3A_2491 = vector.broadcast %squeeze3A_2473 : f32 to vector<16xf32>
        %mul3A_2492 = arith.mulf %mul3A_2491, %get3A_2490 : vector<16xf32>
        %add3A_2493 = arith.addf %add3A_2421, %mul3A_2492 : vector<16xf32>
        %add3A_2494 = arith.constant 5 : i32
        %add3A_2495 = arith.addi %mul3A_2109, %add3A_2494 : i32
        %get3A_2496 = arith.constant 0 : i32
        %get3A_2497 = arith.index_cast %get3A_2496 : i32 to index
        %get3A_2498 = arith.index_cast %add3A_2495 : i32 to index
        %get3A_2499 = arith.constant 32 : index
        %get3A_2500 = tpu.vector_load %arg12[%get3A_2497, %get3A_2498, %get3A_2499] {strides = array<i32>} : memref<2x208x128xf32, #tpu.memory_space<vmem>>, vector<16xf32>,
        %mul3A_2501 = vector.broadcast %squeeze3A_2473 : f32 to vector<16xf32>
        %mul3A_2502 = arith.mulf %mul3A_2501, %get3A_2500 : vector<16xf32>
        %add3A_2503 = arith.addf %add3A_2431, %mul3A_2502 : vector<16xf32>
        %add3A_2504 = arith.constant 5 : i32
        %add3A_2505 = arith.addi %mul3A_2109, %add3A_2504 : i32
        %get3A_2506 = arith.constant 0 : i32
        %get3A_2507 = arith.index_cast %get3A_2506 : i32 to index
        %get3A_2508 = arith.index_cast %add3A_2505 : i32 to index
        %get3A_2509 = arith.constant 48 : index
        %get3A_2510 = tpu.vector_load %arg12[%get3A_2507, %get3A_2508, %get3A_2509] {strides = array<i32>} : memref<2x208x128xf32, #tpu.memory_space<vmem>>, vector<16xf32>,
        %mul3A_2511 = vector.broadcast %squeeze3A_2473 : f32 to vector<16xf32>
        %mul3A_2512 = arith.mulf %mul3A_2511, %get3A_2510 : vector<16xf32>
        %add3A_2513 = arith.addf %add3A_2441, %mul3A_2512 : vector<16xf32>
        %add3A_2514 = arith.constant 5 : i32
        %add3A_2515 = arith.addi %mul3A_2109, %add3A_2514 : i32
        %get3A_2516 = arith.constant 0 : i32
        %get3A_2517 = arith.index_cast %get3A_2516 : i32 to index
        %get3A_2518 = arith.index_cast %add3A_2515 : i32 to index
        %get3A_2519 = arith.constant 64 : index
        %get3A_2520 = tpu.vector_load %arg12[%get3A_2517, %get3A_2518, %get3A_2519] {strides = array<i32>} : memref<2x208x128xf32, #tpu.memory_space<vmem>>, vector<16xf32>,
        %mul3A_2521 = vector.broadcast %squeeze3A_2473 : f32 to vector<16xf32>
        %mul3A_2522 = arith.mulf %mul3A_2521, %get3A_2520 : vector<16xf32>
        %add3A_2523 = arith.addf %add3A_2451, %mul3A_2522 : vector<16xf32>
        %add3A_2524 = arith.constant 5 : i32
        %add3A_2525 = arith.addi %mul3A_2109, %add3A_2524 : i32
        %get3A_2526 = arith.constant 0 : i32
        %get3A_2527 = arith.index_cast %get3A_2526 : i32 to index
        %get3A_2528 = arith.index_cast %add3A_2525 : i32 to index
        %get3A_2529 = arith.constant 80 : index
        %get3A_2530 = tpu.vector_load %arg12[%get3A_2527, %get3A_2528, %get3A_2529] {strides = array<i32>} : memref<2x208x128xf32, #tpu.memory_space<vmem>>, vector<16xf32>,
        %mul3A_2531 = vector.broadcast %squeeze3A_2473 : f32 to vector<16xf32>
        %mul3A_2532 = arith.mulf %mul3A_2531, %get3A_2530 : vector<16xf32>
        %add3A_2533 = arith.addf %add3A_2461, %mul3A_2532 : vector<16xf32>
        %add3A_2534 = arith.constant 5 : i32
        %add3A_2535 = arith.addi %mul3A_2109, %add3A_2534 : i32
        %get3A_2536 = arith.constant 0 : i32
        %get3A_2537 = arith.index_cast %get3A_2536 : i32 to index
        %get3A_2538 = arith.index_cast %add3A_2535 : i32 to index
        %get3A_2539 = arith.constant 84 : index
        %get3A_2540 = tpu.vector_load %arg12[%get3A_2537, %get3A_2538, %get3A_2539] {strides = array<i32>} : memref<2x208x128xf32, #tpu.memory_space<vmem>>, vector<16xf32>,
        %mul3A_2541 = vector.broadcast %squeeze3A_2473 : f32 to vector<16xf32>
        %mul3A_2542 = arith.mulf %mul3A_2541, %get3A_2540 : vector<16xf32>
        %add3A_2543 = arith.addf %add3A_2471, %mul3A_2542 : vector<16xf32>
        %slice3A_2544 = vector.extract_strided_slice %get3A_2111 {offsets = [6], sizes = [1], strides = [1]} : vector<16xf32> to vector<1xf32>
        %squeeze3A_2545 = vector.extract %slice3A_2544[0] : f32 from vector<1xf32>
        %add3A_2546 = arith.constant 6 : i32
        %add3A_2547 = arith.addi %mul3A_2109, %add3A_2546 : i32
        %get3A_2548 = arith.constant 0 : i32
        %get3A_2549 = arith.index_cast %get3A_2548 : i32 to index
        %get3A_2550 = arith.index_cast %add3A_2547 : i32 to index
        %get3A_2551 = arith.constant 0 : index
        %get3A_2552 = tpu.vector_load %arg12[%get3A_2549, %get3A_2550, %get3A_2551] {strides = array<i32>} : memref<2x208x128xf32, #tpu.memory_space<vmem>>, vector<16xf32>,
        %mul3A_2553 = vector.broadcast %squeeze3A_2545 : f32 to vector<16xf32>
        %mul3A_2554 = arith.mulf %mul3A_2553, %get3A_2552 : vector<16xf32>
        %add3A_2555 = arith.addf %add3A_2483, %mul3A_2554 : vector<16xf32>
        %add3A_2556 = arith.constant 6 : i32
        %add3A_2557 = arith.addi %mul3A_2109, %add3A_2556 : i32
        %get3A_2558 = arith.constant 0 : i32
        %get3A_2559 = arith.index_cast %get3A_2558 : i32 to index
        %get3A_2560 = arith.index_cast %add3A_2557 : i32 to index
        %get3A_2561 = arith.constant 16 : index
        %get3A_2562 = tpu.vector_load %arg12[%get3A_2559, %get3A_2560, %get3A_2561] {strides = array<i32>} : memref<2x208x128xf32, #tpu.memory_space<vmem>>, vector<16xf32>,
        %mul3A_2563 = vector.broadcast %squeeze3A_2545 : f32 to vector<16xf32>
        %mul3A_2564 = arith.mulf %mul3A_2563, %get3A_2562 : vector<16xf32>
        %add3A_2565 = arith.addf %add3A_2493, %mul3A_2564 : vector<16xf32>
        %add3A_2566 = arith.constant 6 : i32
        %add3A_2567 = arith.addi %mul3A_2109, %add3A_2566 : i32
        %get3A_2568 = arith.constant 0 : i32
        %get3A_2569 = arith.index_cast %get3A_2568 : i32 to index
        %get3A_2570 = arith.index_cast %add3A_2567 : i32 to index
        %get3A_2571 = arith.constant 32 : index
        %get3A_2572 = tpu.vector_load %arg12[%get3A_2569, %get3A_2570, %get3A_2571] {strides = array<i32>} : memref<2x208x128xf32, #tpu.memory_space<vmem>>, vector<16xf32>,
        %mul3A_2573 = vector.broadcast %squeeze3A_2545 : f32 to vector<16xf32>
        %mul3A_2574 = arith.mulf %mul3A_2573, %get3A_2572 : vector<16xf32>
        %add3A_2575 = arith.addf %add3A_2503, %mul3A_2574 : vector<16xf32>
        %add3A_2576 = arith.constant 6 : i32
        %add3A_2577 = arith.addi %mul3A_2109, %add3A_2576 : i32
        %get3A_2578 = arith.constant 0 : i32
        %get3A_2579 = arith.index_cast %get3A_2578 : i32 to index
        %get3A_2580 = arith.index_cast %add3A_2577 : i32 to index
        %get3A_2581 = arith.constant 48 : index
        %get3A_2582 = tpu.vector_load %arg12[%get3A_2579, %get3A_2580, %get3A_2581] {strides = array<i32>} : memref<2x208x128xf32, #tpu.memory_space<vmem>>, vector<16xf32>,
        %mul3A_2583 = vector.broadcast %squeeze3A_2545 : f32 to vector<16xf32>
        %mul3A_2584 = arith.mulf %mul3A_2583, %get3A_2582 : vector<16xf32>
        %add3A_2585 = arith.addf %add3A_2513, %mul3A_2584 : vector<16xf32>
        %add3A_2586 = arith.constant 6 : i32
        %add3A_2587 = arith.addi %mul3A_2109, %add3A_2586 : i32
        %get3A_2588 = arith.constant 0 : i32
        %get3A_2589 = arith.index_cast %get3A_2588 : i32 to index
        %get3A_2590 = arith.index_cast %add3A_2587 : i32 to index
        %get3A_2591 = arith.constant 64 : index
        %get3A_2592 = tpu.vector_load %arg12[%get3A_2589, %get3A_2590, %get3A_2591] {strides = array<i32>} : memref<2x208x128xf32, #tpu.memory_space<vmem>>, vector<16xf32>,
        %mul3A_2593 = vector.broadcast %squeeze3A_2545 : f32 to vector<16xf32>
        %mul3A_2594 = arith.mulf %mul3A_2593, %get3A_2592 : vector<16xf32>
        %add3A_2595 = arith.addf %add3A_2523, %mul3A_2594 : vector<16xf32>
        %add3A_2596 = arith.constant 6 : i32
        %add3A_2597 = arith.addi %mul3A_2109, %add3A_2596 : i32
        %get3A_2598 = arith.constant 0 : i32
        %get3A_2599 = arith.index_cast %get3A_2598 : i32 to index
        %get3A_2600 = arith.index_cast %add3A_2597 : i32 to index
        %get3A_2601 = arith.constant 80 : index
        %get3A_2602 = tpu.vector_load %arg12[%get3A_2599, %get3A_2600, %get3A_2601] {strides = array<i32>} : memref<2x208x128xf32, #tpu.memory_space<vmem>>, vector<16xf32>,
        %mul3A_2603 = vector.broadcast %squeeze3A_2545 : f32 to vector<16xf32>
        %mul3A_2604 = arith.mulf %mul3A_2603, %get3A_2602 : vector<16xf32>
        %add3A_2605 = arith.addf %add3A_2533, %mul3A_2604 : vector<16xf32>
        %add3A_2606 = arith.constant 6 : i32
        %add3A_2607 = arith.addi %mul3A_2109, %add3A_2606 : i32
        %get3A_2608 = arith.constant 0 : i32
        %get3A_2609 = arith.index_cast %get3A_2608 : i32 to index
        %get3A_2610 = arith.index_cast %add3A_2607 : i32 to index
        %get3A_2611 = arith.constant 84 : index
        %get3A_2612 = tpu.vector_load %arg12[%get3A_2609, %get3A_2610, %get3A_2611] {strides = array<i32>} : memref<2x208x128xf32, #tpu.memory_space<vmem>>, vector<16xf32>,
        %mul3A_2613 = vector.broadcast %squeeze3A_2545 : f32 to vector<16xf32>
        %mul3A_2614 = arith.mulf %mul3A_2613, %get3A_2612 : vector<16xf32>
        %add3A_2615 = arith.addf %add3A_2543, %mul3A_2614 : vector<16xf32>
        %slice3A_2616 = vector.extract_strided_slice %get3A_2111 {offsets = [7], sizes = [1], strides = [1]} : vector<16xf32> to vector<1xf32>
        %squeeze3A_2617 = vector.extract %slice3A_2616[0] : f32 from vector<1xf32>
        %add3A_2618 = arith.constant 7 : i32
        %add3A_2619 = arith.addi %mul3A_2109, %add3A_2618 : i32
        %get3A_2620 = arith.constant 0 : i32
        %get3A_2621 = arith.index_cast %get3A_2620 : i32 to index
        %get3A_2622 = arith.index_cast %add3A_2619 : i32 to index
        %get3A_2623 = arith.constant 0 : index
        %get3A_2624 = tpu.vector_load %arg12[%get3A_2621, %get3A_2622, %get3A_2623] {strides = array<i32>} : memref<2x208x128xf32, #tpu.memory_space<vmem>>, vector<16xf32>,
        %mul3A_2625 = vector.broadcast %squeeze3A_2617 : f32 to vector<16xf32>
        %mul3A_2626 = arith.mulf %mul3A_2625, %get3A_2624 : vector<16xf32>
        %add3A_2627 = arith.addf %add3A_2555, %mul3A_2626 : vector<16xf32>
        %add3A_2628 = arith.constant 7 : i32
        %add3A_2629 = arith.addi %mul3A_2109, %add3A_2628 : i32
        %get3A_2630 = arith.constant 0 : i32
        %get3A_2631 = arith.index_cast %get3A_2630 : i32 to index
        %get3A_2632 = arith.index_cast %add3A_2629 : i32 to index
        %get3A_2633 = arith.constant 16 : index
        %get3A_2634 = tpu.vector_load %arg12[%get3A_2631, %get3A_2632, %get3A_2633] {strides = array<i32>} : memref<2x208x128xf32, #tpu.memory_space<vmem>>, vector<16xf32>,
        %mul3A_2635 = vector.broadcast %squeeze3A_2617 : f32 to vector<16xf32>
        %mul3A_2636 = arith.mulf %mul3A_2635, %get3A_2634 : vector<16xf32>
        %add3A_2637 = arith.addf %add3A_2565, %mul3A_2636 : vector<16xf32>
        %add3A_2638 = arith.constant 7 : i32
        %add3A_2639 = arith.addi %mul3A_2109, %add3A_2638 : i32
        %get3A_2640 = arith.constant 0 : i32
        %get3A_2641 = arith.index_cast %get3A_2640 : i32 to index
        %get3A_2642 = arith.index_cast %add3A_2639 : i32 to index
        %get3A_2643 = arith.constant 32 : index
        %get3A_2644 = tpu.vector_load %arg12[%get3A_2641, %get3A_2642, %get3A_2643] {strides = array<i32>} : memref<2x208x128xf32, #tpu.memory_space<vmem>>, vector<16xf32>,
        %mul3A_2645 = vector.broadcast %squeeze3A_2617 : f32 to vector<16xf32>
        %mul3A_2646 = arith.mulf %mul3A_2645, %get3A_2644 : vector<16xf32>
        %add3A_2647 = arith.addf %add3A_2575, %mul3A_2646 : vector<16xf32>
        %add3A_2648 = arith.constant 7 : i32
        %add3A_2649 = arith.addi %mul3A_2109, %add3A_2648 : i32
        %get3A_2650 = arith.constant 0 : i32
        %get3A_2651 = arith.index_cast %get3A_2650 : i32 to index
        %get3A_2652 = arith.index_cast %add3A_2649 : i32 to index
        %get3A_2653 = arith.constant 48 : index
        %get3A_2654 = tpu.vector_load %arg12[%get3A_2651, %get3A_2652, %get3A_2653] {strides = array<i32>} : memref<2x208x128xf32, #tpu.memory_space<vmem>>, vector<16xf32>,
        %mul3A_2655 = vector.broadcast %squeeze3A_2617 : f32 to vector<16xf32>
        %mul3A_2656 = arith.mulf %mul3A_2655, %get3A_2654 : vector<16xf32>
        %add3A_2657 = arith.addf %add3A_2585, %mul3A_2656 : vector<16xf32>
        %add3A_2658 = arith.constant 7 : i32
        %add3A_2659 = arith.addi %mul3A_2109, %add3A_2658 : i32
        %get3A_2660 = arith.constant 0 : i32
        %get3A_2661 = arith.index_cast %get3A_2660 : i32 to index
        %get3A_2662 = arith.index_cast %add3A_2659 : i32 to index
        %get3A_2663 = arith.constant 64 : index
        %get3A_2664 = tpu.vector_load %arg12[%get3A_2661, %get3A_2662, %get3A_2663] {strides = array<i32>} : memref<2x208x128xf32, #tpu.memory_space<vmem>>, vector<16xf32>,
        %mul3A_2665 = vector.broadcast %squeeze3A_2617 : f32 to vector<16xf32>
        %mul3A_2666 = arith.mulf %mul3A_2665, %get3A_2664 : vector<16xf32>
        %add3A_2667 = arith.addf %add3A_2595, %mul3A_2666 : vector<16xf32>
        %add3A_2668 = arith.constant 7 : i32
        %add3A_2669 = arith.addi %mul3A_2109, %add3A_2668 : i32
        %get3A_2670 = arith.constant 0 : i32
        %get3A_2671 = arith.index_cast %get3A_2670 : i32 to index
        %get3A_2672 = arith.index_cast %add3A_2669 : i32 to index
        %get3A_2673 = arith.constant 80 : index
        %get3A_2674 = tpu.vector_load %arg12[%get3A_2671, %get3A_2672, %get3A_2673] {strides = array<i32>} : memref<2x208x128xf32, #tpu.memory_space<vmem>>, vector<16xf32>,
        %mul3A_2675 = vector.broadcast %squeeze3A_2617 : f32 to vector<16xf32>
        %mul3A_2676 = arith.mulf %mul3A_2675, %get3A_2674 : vector<16xf32>
        %add3A_2677 = arith.addf %add3A_2605, %mul3A_2676 : vector<16xf32>
        %add3A_2678 = arith.constant 7 : i32
        %add3A_2679 = arith.addi %mul3A_2109, %add3A_2678 : i32
        %get3A_2680 = arith.constant 0 : i32
        %get3A_2681 = arith.index_cast %get3A_2680 : i32 to index
        %get3A_2682 = arith.index_cast %add3A_2679 : i32 to index
        %get3A_2683 = arith.constant 84 : index
        %get3A_2684 = tpu.vector_load %arg12[%get3A_2681, %get3A_2682, %get3A_2683] {strides = array<i32>} : memref<2x208x128xf32, #tpu.memory_space<vmem>>, vector<16xf32>,
        %mul3A_2685 = vector.broadcast %squeeze3A_2617 : f32 to vector<16xf32>
        %mul3A_2686 = arith.mulf %mul3A_2685, %get3A_2684 : vector<16xf32>
        %add3A_2687 = arith.addf %add3A_2615, %mul3A_2686 : vector<16xf32>
        %slice3A_2688 = vector.extract_strided_slice %get3A_2111 {offsets = [8], sizes = [1], strides = [1]} : vector<16xf32> to vector<1xf32>
        %squeeze3A_2689 = vector.extract %slice3A_2688[0] : f32 from vector<1xf32>
        %add3A_2690 = arith.constant 8 : i32
        %add3A_2691 = arith.addi %mul3A_2109, %add3A_2690 : i32
        %get3A_2692 = arith.constant 0 : i32
        %get3A_2693 = arith.index_cast %get3A_2692 : i32 to index
        %get3A_2694 = arith.index_cast %add3A_2691 : i32 to index
        %get3A_2695 = arith.constant 0 : index
        %get3A_2696 = tpu.vector_load %arg12[%get3A_2693, %get3A_2694, %get3A_2695] {strides = array<i32>} : memref<2x208x128xf32, #tpu.memory_space<vmem>>, vector<16xf32>,
        %mul3A_2697 = vector.broadcast %squeeze3A_2689 : f32 to vector<16xf32>
        %mul3A_2698 = arith.mulf %mul3A_2697, %get3A_2696 : vector<16xf32>
        %add3A_2699 = arith.addf %add3A_2627, %mul3A_2698 : vector<16xf32>
        %add3A_2700 = arith.constant 8 : i32
        %add3A_2701 = arith.addi %mul3A_2109, %add3A_2700 : i32
        %get3A_2702 = arith.constant 0 : i32
        %get3A_2703 = arith.index_cast %get3A_2702 : i32 to index
        %get3A_2704 = arith.index_cast %add3A_2701 : i32 to index
        %get3A_2705 = arith.constant 16 : index
        %get3A_2706 = tpu.vector_load %arg12[%get3A_2703, %get3A_2704, %get3A_2705] {strides = array<i32>} : memref<2x208x128xf32, #tpu.memory_space<vmem>>, vector<16xf32>,
        %mul3A_2707 = vector.broadcast %squeeze3A_2689 : f32 to vector<16xf32>
        %mul3A_2708 = arith.mulf %mul3A_2707, %get3A_2706 : vector<16xf32>
        %add3A_2709 = arith.addf %add3A_2637, %mul3A_2708 : vector<16xf32>
        %add3A_2710 = arith.constant 8 : i32
        %add3A_2711 = arith.addi %mul3A_2109, %add3A_2710 : i32
        %get3A_2712 = arith.constant 0 : i32
        %get3A_2713 = arith.index_cast %get3A_2712 : i32 to index
        %get3A_2714 = arith.index_cast %add3A_2711 : i32 to index
        %get3A_2715 = arith.constant 32 : index
        %get3A_2716 = tpu.vector_load %arg12[%get3A_2713, %get3A_2714, %get3A_2715] {strides = array<i32>} : memref<2x208x128xf32, #tpu.memory_space<vmem>>, vector<16xf32>,
        %mul3A_2717 = vector.broadcast %squeeze3A_2689 : f32 to vector<16xf32>
        %mul3A_2718 = arith.mulf %mul3A_2717, %get3A_2716 : vector<16xf32>
        %add3A_2719 = arith.addf %add3A_2647, %mul3A_2718 : vector<16xf32>
        %add3A_2720 = arith.constant 8 : i32
        %add3A_2721 = arith.addi %mul3A_2109, %add3A_2720 : i32
        %get3A_2722 = arith.constant 0 : i32
        %get3A_2723 = arith.index_cast %get3A_2722 : i32 to index
        %get3A_2724 = arith.index_cast %add3A_2721 : i32 to index
        %get3A_2725 = arith.constant 48 : index
        %get3A_2726 = tpu.vector_load %arg12[%get3A_2723, %get3A_2724, %get3A_2725] {strides = array<i32>} : memref<2x208x128xf32, #tpu.memory_space<vmem>>, vector<16xf32>,
        %mul3A_2727 = vector.broadcast %squeeze3A_2689 : f32 to vector<16xf32>
        %mul3A_2728 = arith.mulf %mul3A_2727, %get3A_2726 : vector<16xf32>
        %add3A_2729 = arith.addf %add3A_2657, %mul3A_2728 : vector<16xf32>
        %add3A_2730 = arith.constant 8 : i32
        %add3A_2731 = arith.addi %mul3A_2109, %add3A_2730 : i32
        %get3A_2732 = arith.constant 0 : i32
        %get3A_2733 = arith.index_cast %get3A_2732 : i32 to index
        %get3A_2734 = arith.index_cast %add3A_2731 : i32 to index
        %get3A_2735 = arith.constant 64 : index
        %get3A_2736 = tpu.vector_load %arg12[%get3A_2733, %get3A_2734, %get3A_2735] {strides = array<i32>} : memref<2x208x128xf32, #tpu.memory_space<vmem>>, vector<16xf32>,
        %mul3A_2737 = vector.broadcast %squeeze3A_2689 : f32 to vector<16xf32>
        %mul3A_2738 = arith.mulf %mul3A_2737, %get3A_2736 : vector<16xf32>
        %add3A_2739 = arith.addf %add3A_2667, %mul3A_2738 : vector<16xf32>
        %add3A_2740 = arith.constant 8 : i32
        %add3A_2741 = arith.addi %mul3A_2109, %add3A_2740 : i32
        %get3A_2742 = arith.constant 0 : i32
        %get3A_2743 = arith.index_cast %get3A_2742 : i32 to index
        %get3A_2744 = arith.index_cast %add3A_2741 : i32 to index
        %get3A_2745 = arith.constant 80 : index
        %get3A_2746 = tpu.vector_load %arg12[%get3A_2743, %get3A_2744, %get3A_2745] {strides = array<i32>} : memref<2x208x128xf32, #tpu.memory_space<vmem>>, vector<16xf32>,
        %mul3A_2747 = vector.broadcast %squeeze3A_2689 : f32 to vector<16xf32>
        %mul3A_2748 = arith.mulf %mul3A_2747, %get3A_2746 : vector<16xf32>
        %add3A_2749 = arith.addf %add3A_2677, %mul3A_2748 : vector<16xf32>
        %add3A_2750 = arith.constant 8 : i32
        %add3A_2751 = arith.addi %mul3A_2109, %add3A_2750 : i32
        %get3A_2752 = arith.constant 0 : i32
        %get3A_2753 = arith.index_cast %get3A_2752 : i32 to index
        %get3A_2754 = arith.index_cast %add3A_2751 : i32 to index
        %get3A_2755 = arith.constant 84 : index
        %get3A_2756 = tpu.vector_load %arg12[%get3A_2753, %get3A_2754, %get3A_2755] {strides = array<i32>} : memref<2x208x128xf32, #tpu.memory_space<vmem>>, vector<16xf32>,
        %mul3A_2757 = vector.broadcast %squeeze3A_2689 : f32 to vector<16xf32>
        %mul3A_2758 = arith.mulf %mul3A_2757, %get3A_2756 : vector<16xf32>
        %add3A_2759 = arith.addf %add3A_2687, %mul3A_2758 : vector<16xf32>
        %slice3A_2760 = vector.extract_strided_slice %get3A_2111 {offsets = [9], sizes = [1], strides = [1]} : vector<16xf32> to vector<1xf32>
        %squeeze3A_2761 = vector.extract %slice3A_2760[0] : f32 from vector<1xf32>
        %add3A_2762 = arith.constant 9 : i32
        %add3A_2763 = arith.addi %mul3A_2109, %add3A_2762 : i32
        %get3A_2764 = arith.constant 0 : i32
        %get3A_2765 = arith.index_cast %get3A_2764 : i32 to index
        %get3A_2766 = arith.index_cast %add3A_2763 : i32 to index
        %get3A_2767 = arith.constant 0 : index
        %get3A_2768 = tpu.vector_load %arg12[%get3A_2765, %get3A_2766, %get3A_2767] {strides = array<i32>} : memref<2x208x128xf32, #tpu.memory_space<vmem>>, vector<16xf32>,
        %mul3A_2769 = vector.broadcast %squeeze3A_2761 : f32 to vector<16xf32>
        %mul3A_2770 = arith.mulf %mul3A_2769, %get3A_2768 : vector<16xf32>
        %add3A_2771 = arith.addf %add3A_2699, %mul3A_2770 : vector<16xf32>
        %add3A_2772 = arith.constant 9 : i32
        %add3A_2773 = arith.addi %mul3A_2109, %add3A_2772 : i32
        %get3A_2774 = arith.constant 0 : i32
        %get3A_2775 = arith.index_cast %get3A_2774 : i32 to index
        %get3A_2776 = arith.index_cast %add3A_2773 : i32 to index
        %get3A_2777 = arith.constant 16 : index
        %get3A_2778 = tpu.vector_load %arg12[%get3A_2775, %get3A_2776, %get3A_2777] {strides = array<i32>} : memref<2x208x128xf32, #tpu.memory_space<vmem>>, vector<16xf32>,
        %mul3A_2779 = vector.broadcast %squeeze3A_2761 : f32 to vector<16xf32>
        %mul3A_2780 = arith.mulf %mul3A_2779, %get3A_2778 : vector<16xf32>
        %add3A_2781 = arith.addf %add3A_2709, %mul3A_2780 : vector<16xf32>
        %add3A_2782 = arith.constant 9 : i32
        %add3A_2783 = arith.addi %mul3A_2109, %add3A_2782 : i32
        %get3A_2784 = arith.constant 0 : i32
        %get3A_2785 = arith.index_cast %get3A_2784 : i32 to index
        %get3A_2786 = arith.index_cast %add3A_2783 : i32 to index
        %get3A_2787 = arith.constant 32 : index
        %get3A_2788 = tpu.vector_load %arg12[%get3A_2785, %get3A_2786, %get3A_2787] {strides = array<i32>} : memref<2x208x128xf32, #tpu.memory_space<vmem>>, vector<16xf32>,
        %mul3A_2789 = vector.broadcast %squeeze3A_2761 : f32 to vector<16xf32>
        %mul3A_2790 = arith.mulf %mul3A_2789, %get3A_2788 : vector<16xf32>
        %add3A_2791 = arith.addf %add3A_2719, %mul3A_2790 : vector<16xf32>
        %add3A_2792 = arith.constant 9 : i32
        %add3A_2793 = arith.addi %mul3A_2109, %add3A_2792 : i32
        %get3A_2794 = arith.constant 0 : i32
        %get3A_2795 = arith.index_cast %get3A_2794 : i32 to index
        %get3A_2796 = arith.index_cast %add3A_2793 : i32 to index
        %get3A_2797 = arith.constant 48 : index
        %get3A_2798 = tpu.vector_load %arg12[%get3A_2795, %get3A_2796, %get3A_2797] {strides = array<i32>} : memref<2x208x128xf32, #tpu.memory_space<vmem>>, vector<16xf32>,
        %mul3A_2799 = vector.broadcast %squeeze3A_2761 : f32 to vector<16xf32>
        %mul3A_2800 = arith.mulf %mul3A_2799, %get3A_2798 : vector<16xf32>
        %add3A_2801 = arith.addf %add3A_2729, %mul3A_2800 : vector<16xf32>
        %add3A_2802 = arith.constant 9 : i32
        %add3A_2803 = arith.addi %mul3A_2109, %add3A_2802 : i32
        %get3A_2804 = arith.constant 0 : i32
        %get3A_2805 = arith.index_cast %get3A_2804 : i32 to index
        %get3A_2806 = arith.index_cast %add3A_2803 : i32 to index
        %get3A_2807 = arith.constant 64 : index
        %get3A_2808 = tpu.vector_load %arg12[%get3A_2805, %get3A_2806, %get3A_2807] {strides = array<i32>} : memref<2x208x128xf32, #tpu.memory_space<vmem>>, vector<16xf32>,
        %mul3A_2809 = vector.broadcast %squeeze3A_2761 : f32 to vector<16xf32>
        %mul3A_2810 = arith.mulf %mul3A_2809, %get3A_2808 : vector<16xf32>
        %add3A_2811 = arith.addf %add3A_2739, %mul3A_2810 : vector<16xf32>
        %add3A_2812 = arith.constant 9 : i32
        %add3A_2813 = arith.addi %mul3A_2109, %add3A_2812 : i32
        %get3A_2814 = arith.constant 0 : i32
        %get3A_2815 = arith.index_cast %get3A_2814 : i32 to index
        %get3A_2816 = arith.index_cast %add3A_2813 : i32 to index
        %get3A_2817 = arith.constant 80 : index
        %get3A_2818 = tpu.vector_load %arg12[%get3A_2815, %get3A_2816, %get3A_2817] {strides = array<i32>} : memref<2x208x128xf32, #tpu.memory_space<vmem>>, vector<16xf32>,
        %mul3A_2819 = vector.broadcast %squeeze3A_2761 : f32 to vector<16xf32>
        %mul3A_2820 = arith.mulf %mul3A_2819, %get3A_2818 : vector<16xf32>
        %add3A_2821 = arith.addf %add3A_2749, %mul3A_2820 : vector<16xf32>
        %add3A_2822 = arith.constant 9 : i32
        %add3A_2823 = arith.addi %mul3A_2109, %add3A_2822 : i32
        %get3A_2824 = arith.constant 0 : i32
        %get3A_2825 = arith.index_cast %get3A_2824 : i32 to index
        %get3A_2826 = arith.index_cast %add3A_2823 : i32 to index
        %get3A_2827 = arith.constant 84 : index
        %get3A_2828 = tpu.vector_load %arg12[%get3A_2825, %get3A_2826, %get3A_2827] {strides = array<i32>} : memref<2x208x128xf32, #tpu.memory_space<vmem>>, vector<16xf32>,
        %mul3A_2829 = vector.broadcast %squeeze3A_2761 : f32 to vector<16xf32>
        %mul3A_2830 = arith.mulf %mul3A_2829, %get3A_2828 : vector<16xf32>
        %add3A_2831 = arith.addf %add3A_2759, %mul3A_2830 : vector<16xf32>
        %slice3A_2832 = vector.extract_strided_slice %get3A_2111 {offsets = [10], sizes = [1], strides = [1]} : vector<16xf32> to vector<1xf32>
        %squeeze3A_2833 = vector.extract %slice3A_2832[0] : f32 from vector<1xf32>
        %add3A_2834 = arith.constant 10 : i32
        %add3A_2835 = arith.addi %mul3A_2109, %add3A_2834 : i32
        %get3A_2836 = arith.constant 0 : i32
        %get3A_2837 = arith.index_cast %get3A_2836 : i32 to index
        %get3A_2838 = arith.index_cast %add3A_2835 : i32 to index
        %get3A_2839 = arith.constant 0 : index
        %get3A_2840 = tpu.vector_load %arg12[%get3A_2837, %get3A_2838, %get3A_2839] {strides = array<i32>} : memref<2x208x128xf32, #tpu.memory_space<vmem>>, vector<16xf32>,
        %mul3A_2841 = vector.broadcast %squeeze3A_2833 : f32 to vector<16xf32>
        %mul3A_2842 = arith.mulf %mul3A_2841, %get3A_2840 : vector<16xf32>
        %add3A_2843 = arith.addf %add3A_2771, %mul3A_2842 : vector<16xf32>
        %add3A_2844 = arith.constant 10 : i32
        %add3A_2845 = arith.addi %mul3A_2109, %add3A_2844 : i32
        %get3A_2846 = arith.constant 0 : i32
        %get3A_2847 = arith.index_cast %get3A_2846 : i32 to index
        %get3A_2848 = arith.index_cast %add3A_2845 : i32 to index
        %get3A_2849 = arith.constant 16 : index
        %get3A_2850 = tpu.vector_load %arg12[%get3A_2847, %get3A_2848, %get3A_2849] {strides = array<i32>} : memref<2x208x128xf32, #tpu.memory_space<vmem>>, vector<16xf32>,
        %mul3A_2851 = vector.broadcast %squeeze3A_2833 : f32 to vector<16xf32>
        %mul3A_2852 = arith.mulf %mul3A_2851, %get3A_2850 : vector<16xf32>
        %add3A_2853 = arith.addf %add3A_2781, %mul3A_2852 : vector<16xf32>
        %add3A_2854 = arith.constant 10 : i32
        %add3A_2855 = arith.addi %mul3A_2109, %add3A_2854 : i32
        %get3A_2856 = arith.constant 0 : i32
        %get3A_2857 = arith.index_cast %get3A_2856 : i32 to index
        %get3A_2858 = arith.index_cast %add3A_2855 : i32 to index
        %get3A_2859 = arith.constant 32 : index
        %get3A_2860 = tpu.vector_load %arg12[%get3A_2857, %get3A_2858, %get3A_2859] {strides = array<i32>} : memref<2x208x128xf32, #tpu.memory_space<vmem>>, vector<16xf32>,
        %mul3A_2861 = vector.broadcast %squeeze3A_2833 : f32 to vector<16xf32>
        %mul3A_2862 = arith.mulf %mul3A_2861, %get3A_2860 : vector<16xf32>
        %add3A_2863 = arith.addf %add3A_2791, %mul3A_2862 : vector<16xf32>
        %add3A_2864 = arith.constant 10 : i32
        %add3A_2865 = arith.addi %mul3A_2109, %add3A_2864 : i32
        %get3A_2866 = arith.constant 0 : i32
        %get3A_2867 = arith.index_cast %get3A_2866 : i32 to index
        %get3A_2868 = arith.index_cast %add3A_2865 : i32 to index
        %get3A_2869 = arith.constant 48 : index
        %get3A_2870 = tpu.vector_load %arg12[%get3A_2867, %get3A_2868, %get3A_2869] {strides = array<i32>} : memref<2x208x128xf32, #tpu.memory_space<vmem>>, vector<16xf32>,
        %mul3A_2871 = vector.broadcast %squeeze3A_2833 : f32 to vector<16xf32>
        %mul3A_2872 = arith.mulf %mul3A_2871, %get3A_2870 : vector<16xf32>
        %add3A_2873 = arith.addf %add3A_2801, %mul3A_2872 : vector<16xf32>
        %add3A_2874 = arith.constant 10 : i32
        %add3A_2875 = arith.addi %mul3A_2109, %add3A_2874 : i32
        %get3A_2876 = arith.constant 0 : i32
        %get3A_2877 = arith.index_cast %get3A_2876 : i32 to index
        %get3A_2878 = arith.index_cast %add3A_2875 : i32 to index
        %get3A_2879 = arith.constant 64 : index
        %get3A_2880 = tpu.vector_load %arg12[%get3A_2877, %get3A_2878, %get3A_2879] {strides = array<i32>} : memref<2x208x128xf32, #tpu.memory_space<vmem>>, vector<16xf32>,
        %mul3A_2881 = vector.broadcast %squeeze3A_2833 : f32 to vector<16xf32>
        %mul3A_2882 = arith.mulf %mul3A_2881, %get3A_2880 : vector<16xf32>
        %add3A_2883 = arith.addf %add3A_2811, %mul3A_2882 : vector<16xf32>
        %add3A_2884 = arith.constant 10 : i32
        %add3A_2885 = arith.addi %mul3A_2109, %add3A_2884 : i32
        %get3A_2886 = arith.constant 0 : i32
        %get3A_2887 = arith.index_cast %get3A_2886 : i32 to index
        %get3A_2888 = arith.index_cast %add3A_2885 : i32 to index
        %get3A_2889 = arith.constant 80 : index
        %get3A_2890 = tpu.vector_load %arg12[%get3A_2887, %get3A_2888, %get3A_2889] {strides = array<i32>} : memref<2x208x128xf32, #tpu.memory_space<vmem>>, vector<16xf32>,
        %mul3A_2891 = vector.broadcast %squeeze3A_2833 : f32 to vector<16xf32>
        %mul3A_2892 = arith.mulf %mul3A_2891, %get3A_2890 : vector<16xf32>
        %add3A_2893 = arith.addf %add3A_2821, %mul3A_2892 : vector<16xf32>
        %add3A_2894 = arith.constant 10 : i32
        %add3A_2895 = arith.addi %mul3A_2109, %add3A_2894 : i32
        %get3A_2896 = arith.constant 0 : i32
        %get3A_2897 = arith.index_cast %get3A_2896 : i32 to index
        %get3A_2898 = arith.index_cast %add3A_2895 : i32 to index
        %get3A_2899 = arith.constant 84 : index
        %get3A_2900 = tpu.vector_load %arg12[%get3A_2897, %get3A_2898, %get3A_2899] {strides = array<i32>} : memref<2x208x128xf32, #tpu.memory_space<vmem>>, vector<16xf32>,
        %mul3A_2901 = vector.broadcast %squeeze3A_2833 : f32 to vector<16xf32>
        %mul3A_2902 = arith.mulf %mul3A_2901, %get3A_2900 : vector<16xf32>
        %add3A_2903 = arith.addf %add3A_2831, %mul3A_2902 : vector<16xf32>
        %slice3A_2904 = vector.extract_strided_slice %get3A_2111 {offsets = [11], sizes = [1], strides = [1]} : vector<16xf32> to vector<1xf32>
        %squeeze3A_2905 = vector.extract %slice3A_2904[0] : f32 from vector<1xf32>
        %add3A_2906 = arith.constant 11 : i32
        %add3A_2907 = arith.addi %mul3A_2109, %add3A_2906 : i32
        %get3A_2908 = arith.constant 0 : i32
        %get3A_2909 = arith.index_cast %get3A_2908 : i32 to index
        %get3A_2910 = arith.index_cast %add3A_2907 : i32 to index
        %get3A_2911 = arith.constant 0 : index
        %get3A_2912 = tpu.vector_load %arg12[%get3A_2909, %get3A_2910, %get3A_2911] {strides = array<i32>} : memref<2x208x128xf32, #tpu.memory_space<vmem>>, vector<16xf32>,
        %mul3A_2913 = vector.broadcast %squeeze3A_2905 : f32 to vector<16xf32>
        %mul3A_2914 = arith.mulf %mul3A_2913, %get3A_2912 : vector<16xf32>
        %add3A_2915 = arith.addf %add3A_2843, %mul3A_2914 : vector<16xf32>
        %add3A_2916 = arith.constant 11 : i32
        %add3A_2917 = arith.addi %mul3A_2109, %add3A_2916 : i32
        %get3A_2918 = arith.constant 0 : i32
        %get3A_2919 = arith.index_cast %get3A_2918 : i32 to index
        %get3A_2920 = arith.index_cast %add3A_2917 : i32 to index
        %get3A_2921 = arith.constant 16 : index
        %get3A_2922 = tpu.vector_load %arg12[%get3A_2919, %get3A_2920, %get3A_2921] {strides = array<i32>} : memref<2x208x128xf32, #tpu.memory_space<vmem>>, vector<16xf32>,
        %mul3A_2923 = vector.broadcast %squeeze3A_2905 : f32 to vector<16xf32>
        %mul3A_2924 = arith.mulf %mul3A_2923, %get3A_2922 : vector<16xf32>
        %add3A_2925 = arith.addf %add3A_2853, %mul3A_2924 : vector<16xf32>
        %add3A_2926 = arith.constant 11 : i32
        %add3A_2927 = arith.addi %mul3A_2109, %add3A_2926 : i32
        %get3A_2928 = arith.constant 0 : i32
        %get3A_2929 = arith.index_cast %get3A_2928 : i32 to index
        %get3A_2930 = arith.index_cast %add3A_2927 : i32 to index
        %get3A_2931 = arith.constant 32 : index
        %get3A_2932 = tpu.vector_load %arg12[%get3A_2929, %get3A_2930, %get3A_2931] {strides = array<i32>} : memref<2x208x128xf32, #tpu.memory_space<vmem>>, vector<16xf32>,
        %mul3A_2933 = vector.broadcast %squeeze3A_2905 : f32 to vector<16xf32>
        %mul3A_2934 = arith.mulf %mul3A_2933, %get3A_2932 : vector<16xf32>
        %add3A_2935 = arith.addf %add3A_2863, %mul3A_2934 : vector<16xf32>
        %add3A_2936 = arith.constant 11 : i32
        %add3A_2937 = arith.addi %mul3A_2109, %add3A_2936 : i32
        %get3A_2938 = arith.constant 0 : i32
        %get3A_2939 = arith.index_cast %get3A_2938 : i32 to index
        %get3A_2940 = arith.index_cast %add3A_2937 : i32 to index
        %get3A_2941 = arith.constant 48 : index
        %get3A_2942 = tpu.vector_load %arg12[%get3A_2939, %get3A_2940, %get3A_2941] {strides = array<i32>} : memref<2x208x128xf32, #tpu.memory_space<vmem>>, vector<16xf32>,
        %mul3A_2943 = vector.broadcast %squeeze3A_2905 : f32 to vector<16xf32>
        %mul3A_2944 = arith.mulf %mul3A_2943, %get3A_2942 : vector<16xf32>
        %add3A_2945 = arith.addf %add3A_2873, %mul3A_2944 : vector<16xf32>
        %add3A_2946 = arith.constant 11 : i32
        %add3A_2947 = arith.addi %mul3A_2109, %add3A_2946 : i32
        %get3A_2948 = arith.constant 0 : i32
        %get3A_2949 = arith.index_cast %get3A_2948 : i32 to index
        %get3A_2950 = arith.index_cast %add3A_2947 : i32 to index
        %get3A_2951 = arith.constant 64 : index
        %get3A_2952 = tpu.vector_load %arg12[%get3A_2949, %get3A_2950, %get3A_2951] {strides = array<i32>} : memref<2x208x128xf32, #tpu.memory_space<vmem>>, vector<16xf32>,
        %mul3A_2953 = vector.broadcast %squeeze3A_2905 : f32 to vector<16xf32>
        %mul3A_2954 = arith.mulf %mul3A_2953, %get3A_2952 : vector<16xf32>
        %add3A_2955 = arith.addf %add3A_2883, %mul3A_2954 : vector<16xf32>
        %add3A_2956 = arith.constant 11 : i32
        %add3A_2957 = arith.addi %mul3A_2109, %add3A_2956 : i32
        %get3A_2958 = arith.constant 0 : i32
        %get3A_2959 = arith.index_cast %get3A_2958 : i32 to index
        %get3A_2960 = arith.index_cast %add3A_2957 : i32 to index
        %get3A_2961 = arith.constant 80 : index
        %get3A_2962 = tpu.vector_load %arg12[%get3A_2959, %get3A_2960, %get3A_2961] {strides = array<i32>} : memref<2x208x128xf32, #tpu.memory_space<vmem>>, vector<16xf32>,
        %mul3A_2963 = vector.broadcast %squeeze3A_2905 : f32 to vector<16xf32>
        %mul3A_2964 = arith.mulf %mul3A_2963, %get3A_2962 : vector<16xf32>
        %add3A_2965 = arith.addf %add3A_2893, %mul3A_2964 : vector<16xf32>
        %add3A_2966 = arith.constant 11 : i32
        %add3A_2967 = arith.addi %mul3A_2109, %add3A_2966 : i32
        %get3A_2968 = arith.constant 0 : i32
        %get3A_2969 = arith.index_cast %get3A_2968 : i32 to index
        %get3A_2970 = arith.index_cast %add3A_2967 : i32 to index
        %get3A_2971 = arith.constant 84 : index
        %get3A_2972 = tpu.vector_load %arg12[%get3A_2969, %get3A_2970, %get3A_2971] {strides = array<i32>} : memref<2x208x128xf32, #tpu.memory_space<vmem>>, vector<16xf32>,
        %mul3A_2973 = vector.broadcast %squeeze3A_2905 : f32 to vector<16xf32>
        %mul3A_2974 = arith.mulf %mul3A_2973, %get3A_2972 : vector<16xf32>
        %add3A_2975 = arith.addf %add3A_2903, %mul3A_2974 : vector<16xf32>
        %slice3A_2976 = vector.extract_strided_slice %get3A_2111 {offsets = [12], sizes = [1], strides = [1]} : vector<16xf32> to vector<1xf32>
        %squeeze3A_2977 = vector.extract %slice3A_2976[0] : f32 from vector<1xf32>
        %add3A_2978 = arith.constant 12 : i32
        %add3A_2979 = arith.addi %mul3A_2109, %add3A_2978 : i32
        %get3A_2980 = arith.constant 0 : i32
        %get3A_2981 = arith.index_cast %get3A_2980 : i32 to index
        %get3A_2982 = arith.index_cast %add3A_2979 : i32 to index
        %get3A_2983 = arith.constant 0 : index
        %get3A_2984 = tpu.vector_load %arg12[%get3A_2981, %get3A_2982, %get3A_2983] {strides = array<i32>} : memref<2x208x128xf32, #tpu.memory_space<vmem>>, vector<16xf32>,
        %mul3A_2985 = vector.broadcast %squeeze3A_2977 : f32 to vector<16xf32>
        %mul3A_2986 = arith.mulf %mul3A_2985, %get3A_2984 : vector<16xf32>
        %add3A_2987 = arith.addf %add3A_2915, %mul3A_2986 : vector<16xf32>
        %add3A_2988 = arith.constant 12 : i32
        %add3A_2989 = arith.addi %mul3A_2109, %add3A_2988 : i32
        %get3A_2990 = arith.constant 0 : i32
        %get3A_2991 = arith.index_cast %get3A_2990 : i32 to index
        %get3A_2992 = arith.index_cast %add3A_2989 : i32 to index
        %get3A_2993 = arith.constant 16 : index
        %get3A_2994 = tpu.vector_load %arg12[%get3A_2991, %get3A_2992, %get3A_2993] {strides = array<i32>} : memref<2x208x128xf32, #tpu.memory_space<vmem>>, vector<16xf32>,
        %mul3A_2995 = vector.broadcast %squeeze3A_2977 : f32 to vector<16xf32>
        %mul3A_2996 = arith.mulf %mul3A_2995, %get3A_2994 : vector<16xf32>
        %add3A_2997 = arith.addf %add3A_2925, %mul3A_2996 : vector<16xf32>
        %add3A_2998 = arith.constant 12 : i32
        %add3A_2999 = arith.addi %mul3A_2109, %add3A_2998 : i32
        %get3A_3000 = arith.constant 0 : i32
        %get3A_3001 = arith.index_cast %get3A_3000 : i32 to index
        %get3A_3002 = arith.index_cast %add3A_2999 : i32 to index
        %get3A_3003 = arith.constant 32 : index
        %get3A_3004 = tpu.vector_load %arg12[%get3A_3001, %get3A_3002, %get3A_3003] {strides = array<i32>} : memref<2x208x128xf32, #tpu.memory_space<vmem>>, vector<16xf32>,
        %mul3A_3005 = vector.broadcast %squeeze3A_2977 : f32 to vector<16xf32>
        %mul3A_3006 = arith.mulf %mul3A_3005, %get3A_3004 : vector<16xf32>
        %add3A_3007 = arith.addf %add3A_2935, %mul3A_3006 : vector<16xf32>
        %add3A_3008 = arith.constant 12 : i32
        %add3A_3009 = arith.addi %mul3A_2109, %add3A_3008 : i32
        %get3A_3010 = arith.constant 0 : i32
        %get3A_3011 = arith.index_cast %get3A_3010 : i32 to index
        %get3A_3012 = arith.index_cast %add3A_3009 : i32 to index
        %get3A_3013 = arith.constant 48 : index
        %get3A_3014 = tpu.vector_load %arg12[%get3A_3011, %get3A_3012, %get3A_3013] {strides = array<i32>} : memref<2x208x128xf32, #tpu.memory_space<vmem>>, vector<16xf32>,
        %mul3A_3015 = vector.broadcast %squeeze3A_2977 : f32 to vector<16xf32>
        %mul3A_3016 = arith.mulf %mul3A_3015, %get3A_3014 : vector<16xf32>
        %add3A_3017 = arith.addf %add3A_2945, %mul3A_3016 : vector<16xf32>
        %add3A_3018 = arith.constant 12 : i32
        %add3A_3019 = arith.addi %mul3A_2109, %add3A_3018 : i32
        %get3A_3020 = arith.constant 0 : i32
        %get3A_3021 = arith.index_cast %get3A_3020 : i32 to index
        %get3A_3022 = arith.index_cast %add3A_3019 : i32 to index
        %get3A_3023 = arith.constant 64 : index
        %get3A_3024 = tpu.vector_load %arg12[%get3A_3021, %get3A_3022, %get3A_3023] {strides = array<i32>} : memref<2x208x128xf32, #tpu.memory_space<vmem>>, vector<16xf32>,
        %mul3A_3025 = vector.broadcast %squeeze3A_2977 : f32 to vector<16xf32>
        %mul3A_3026 = arith.mulf %mul3A_3025, %get3A_3024 : vector<16xf32>
        %add3A_3027 = arith.addf %add3A_2955, %mul3A_3026 : vector<16xf32>
        %add3A_3028 = arith.constant 12 : i32
        %add3A_3029 = arith.addi %mul3A_2109, %add3A_3028 : i32
        %get3A_3030 = arith.constant 0 : i32
        %get3A_3031 = arith.index_cast %get3A_3030 : i32 to index
        %get3A_3032 = arith.index_cast %add3A_3029 : i32 to index
        %get3A_3033 = arith.constant 80 : index
        %get3A_3034 = tpu.vector_load %arg12[%get3A_3031, %get3A_3032, %get3A_3033] {strides = array<i32>} : memref<2x208x128xf32, #tpu.memory_space<vmem>>, vector<16xf32>,
        %mul3A_3035 = vector.broadcast %squeeze3A_2977 : f32 to vector<16xf32>
        %mul3A_3036 = arith.mulf %mul3A_3035, %get3A_3034 : vector<16xf32>
        %add3A_3037 = arith.addf %add3A_2965, %mul3A_3036 : vector<16xf32>
        %add3A_3038 = arith.constant 12 : i32
        %add3A_3039 = arith.addi %mul3A_2109, %add3A_3038 : i32
        %get3A_3040 = arith.constant 0 : i32
        %get3A_3041 = arith.index_cast %get3A_3040 : i32 to index
        %get3A_3042 = arith.index_cast %add3A_3039 : i32 to index
        %get3A_3043 = arith.constant 84 : index
        %get3A_3044 = tpu.vector_load %arg12[%get3A_3041, %get3A_3042, %get3A_3043] {strides = array<i32>} : memref<2x208x128xf32, #tpu.memory_space<vmem>>, vector<16xf32>,
        %mul3A_3045 = vector.broadcast %squeeze3A_2977 : f32 to vector<16xf32>
        %mul3A_3046 = arith.mulf %mul3A_3045, %get3A_3044 : vector<16xf32>
        %add3A_3047 = arith.addf %add3A_2975, %mul3A_3046 : vector<16xf32>
        %slice3A_3048 = vector.extract_strided_slice %get3A_2111 {offsets = [13], sizes = [1], strides = [1]} : vector<16xf32> to vector<1xf32>
        %squeeze3A_3049 = vector.extract %slice3A_3048[0] : f32 from vector<1xf32>
        %add3A_3050 = arith.constant 13 : i32
        %add3A_3051 = arith.addi %mul3A_2109, %add3A_3050 : i32
        %get3A_3052 = arith.constant 0 : i32
        %get3A_3053 = arith.index_cast %get3A_3052 : i32 to index
        %get3A_3054 = arith.index_cast %add3A_3051 : i32 to index
        %get3A_3055 = arith.constant 0 : index
        %get3A_3056 = tpu.vector_load %arg12[%get3A_3053, %get3A_3054, %get3A_3055] {strides = array<i32>} : memref<2x208x128xf32, #tpu.memory_space<vmem>>, vector<16xf32>,
        %mul3A_3057 = vector.broadcast %squeeze3A_3049 : f32 to vector<16xf32>
        %mul3A_3058 = arith.mulf %mul3A_3057, %get3A_3056 : vector<16xf32>
        %add3A_3059 = arith.addf %add3A_2987, %mul3A_3058 : vector<16xf32>
        %add3A_3060 = arith.constant 13 : i32
        %add3A_3061 = arith.addi %mul3A_2109, %add3A_3060 : i32
        %get3A_3062 = arith.constant 0 : i32
        %get3A_3063 = arith.index_cast %get3A_3062 : i32 to index
        %get3A_3064 = arith.index_cast %add3A_3061 : i32 to index
        %get3A_3065 = arith.constant 16 : index
        %get3A_3066 = tpu.vector_load %arg12[%get3A_3063, %get3A_3064, %get3A_3065] {strides = array<i32>} : memref<2x208x128xf32, #tpu.memory_space<vmem>>, vector<16xf32>,
        %mul3A_3067 = vector.broadcast %squeeze3A_3049 : f32 to vector<16xf32>
        %mul3A_3068 = arith.mulf %mul3A_3067, %get3A_3066 : vector<16xf32>
        %add3A_3069 = arith.addf %add3A_2997, %mul3A_3068 : vector<16xf32>
        %add3A_3070 = arith.constant 13 : i32
        %add3A_3071 = arith.addi %mul3A_2109, %add3A_3070 : i32
        %get3A_3072 = arith.constant 0 : i32
        %get3A_3073 = arith.index_cast %get3A_3072 : i32 to index
        %get3A_3074 = arith.index_cast %add3A_3071 : i32 to index
        %get3A_3075 = arith.constant 32 : index
        %get3A_3076 = tpu.vector_load %arg12[%get3A_3073, %get3A_3074, %get3A_3075] {strides = array<i32>} : memref<2x208x128xf32, #tpu.memory_space<vmem>>, vector<16xf32>,
        %mul3A_3077 = vector.broadcast %squeeze3A_3049 : f32 to vector<16xf32>
        %mul3A_3078 = arith.mulf %mul3A_3077, %get3A_3076 : vector<16xf32>
        %add3A_3079 = arith.addf %add3A_3007, %mul3A_3078 : vector<16xf32>
        %add3A_3080 = arith.constant 13 : i32
        %add3A_3081 = arith.addi %mul3A_2109, %add3A_3080 : i32
        %get3A_3082 = arith.constant 0 : i32
        %get3A_3083 = arith.index_cast %get3A_3082 : i32 to index
        %get3A_3084 = arith.index_cast %add3A_3081 : i32 to index
        %get3A_3085 = arith.constant 48 : index
        %get3A_3086 = tpu.vector_load %arg12[%get3A_3083, %get3A_3084, %get3A_3085] {strides = array<i32>} : memref<2x208x128xf32, #tpu.memory_space<vmem>>, vector<16xf32>,
        %mul3A_3087 = vector.broadcast %squeeze3A_3049 : f32 to vector<16xf32>
        %mul3A_3088 = arith.mulf %mul3A_3087, %get3A_3086 : vector<16xf32>
        %add3A_3089 = arith.addf %add3A_3017, %mul3A_3088 : vector<16xf32>
        %add3A_3090 = arith.constant 13 : i32
        %add3A_3091 = arith.addi %mul3A_2109, %add3A_3090 : i32
        %get3A_3092 = arith.constant 0 : i32
        %get3A_3093 = arith.index_cast %get3A_3092 : i32 to index
        %get3A_3094 = arith.index_cast %add3A_3091 : i32 to index
        %get3A_3095 = arith.constant 64 : index
        %get3A_3096 = tpu.vector_load %arg12[%get3A_3093, %get3A_3094, %get3A_3095] {strides = array<i32>} : memref<2x208x128xf32, #tpu.memory_space<vmem>>, vector<16xf32>,
        %mul3A_3097 = vector.broadcast %squeeze3A_3049 : f32 to vector<16xf32>
        %mul3A_3098 = arith.mulf %mul3A_3097, %get3A_3096 : vector<16xf32>
        %add3A_3099 = arith.addf %add3A_3027, %mul3A_3098 : vector<16xf32>
        %add3A_3100 = arith.constant 13 : i32
        %add3A_3101 = arith.addi %mul3A_2109, %add3A_3100 : i32
        %get3A_3102 = arith.constant 0 : i32
        %get3A_3103 = arith.index_cast %get3A_3102 : i32 to index
        %get3A_3104 = arith.index_cast %add3A_3101 : i32 to index
        %get3A_3105 = arith.constant 80 : index
        %get3A_3106 = tpu.vector_load %arg12[%get3A_3103, %get3A_3104, %get3A_3105] {strides = array<i32>} : memref<2x208x128xf32, #tpu.memory_space<vmem>>, vector<16xf32>,
        %mul3A_3107 = vector.broadcast %squeeze3A_3049 : f32 to vector<16xf32>
        %mul3A_3108 = arith.mulf %mul3A_3107, %get3A_3106 : vector<16xf32>
        %add3A_3109 = arith.addf %add3A_3037, %mul3A_3108 : vector<16xf32>
        %add3A_3110 = arith.constant 13 : i32
        %add3A_3111 = arith.addi %mul3A_2109, %add3A_3110 : i32
        %get3A_3112 = arith.constant 0 : i32
        %get3A_3113 = arith.index_cast %get3A_3112 : i32 to index
        %get3A_3114 = arith.index_cast %add3A_3111 : i32 to index
        %get3A_3115 = arith.constant 84 : index
        %get3A_3116 = tpu.vector_load %arg12[%get3A_3113, %get3A_3114, %get3A_3115] {strides = array<i32>} : memref<2x208x128xf32, #tpu.memory_space<vmem>>, vector<16xf32>,
        %mul3A_3117 = vector.broadcast %squeeze3A_3049 : f32 to vector<16xf32>
        %mul3A_3118 = arith.mulf %mul3A_3117, %get3A_3116 : vector<16xf32>
        %add3A_3119 = arith.addf %add3A_3047, %mul3A_3118 : vector<16xf32>
        %slice3A_3120 = vector.extract_strided_slice %get3A_2111 {offsets = [14], sizes = [1], strides = [1]} : vector<16xf32> to vector<1xf32>
        %squeeze3A_3121 = vector.extract %slice3A_3120[0] : f32 from vector<1xf32>
        %add3A_3122 = arith.constant 14 : i32
        %add3A_3123 = arith.addi %mul3A_2109, %add3A_3122 : i32
        %get3A_3124 = arith.constant 0 : i32
        %get3A_3125 = arith.index_cast %get3A_3124 : i32 to index
        %get3A_3126 = arith.index_cast %add3A_3123 : i32 to index
        %get3A_3127 = arith.constant 0 : index
        %get3A_3128 = tpu.vector_load %arg12[%get3A_3125, %get3A_3126, %get3A_3127] {strides = array<i32>} : memref<2x208x128xf32, #tpu.memory_space<vmem>>, vector<16xf32>,
        %mul3A_3129 = vector.broadcast %squeeze3A_3121 : f32 to vector<16xf32>
        %mul3A_3130 = arith.mulf %mul3A_3129, %get3A_3128 : vector<16xf32>
        %add3A_3131 = arith.addf %add3A_3059, %mul3A_3130 : vector<16xf32>
        %add3A_3132 = arith.constant 14 : i32
        %add3A_3133 = arith.addi %mul3A_2109, %add3A_3132 : i32
        %get3A_3134 = arith.constant 0 : i32
        %get3A_3135 = arith.index_cast %get3A_3134 : i32 to index
        %get3A_3136 = arith.index_cast %add3A_3133 : i32 to index
        %get3A_3137 = arith.constant 16 : index
        %get3A_3138 = tpu.vector_load %arg12[%get3A_3135, %get3A_3136, %get3A_3137] {strides = array<i32>} : memref<2x208x128xf32, #tpu.memory_space<vmem>>, vector<16xf32>,
        %mul3A_3139 = vector.broadcast %squeeze3A_3121 : f32 to vector<16xf32>
        %mul3A_3140 = arith.mulf %mul3A_3139, %get3A_3138 : vector<16xf32>
        %add3A_3141 = arith.addf %add3A_3069, %mul3A_3140 : vector<16xf32>
        %add3A_3142 = arith.constant 14 : i32
        %add3A_3143 = arith.addi %mul3A_2109, %add3A_3142 : i32
        %get3A_3144 = arith.constant 0 : i32
        %get3A_3145 = arith.index_cast %get3A_3144 : i32 to index
        %get3A_3146 = arith.index_cast %add3A_3143 : i32 to index
        %get3A_3147 = arith.constant 32 : index
        %get3A_3148 = tpu.vector_load %arg12[%get3A_3145, %get3A_3146, %get3A_3147] {strides = array<i32>} : memref<2x208x128xf32, #tpu.memory_space<vmem>>, vector<16xf32>,
        %mul3A_3149 = vector.broadcast %squeeze3A_3121 : f32 to vector<16xf32>
        %mul3A_3150 = arith.mulf %mul3A_3149, %get3A_3148 : vector<16xf32>
        %add3A_3151 = arith.addf %add3A_3079, %mul3A_3150 : vector<16xf32>
        %add3A_3152 = arith.constant 14 : i32
        %add3A_3153 = arith.addi %mul3A_2109, %add3A_3152 : i32
        %get3A_3154 = arith.constant 0 : i32
        %get3A_3155 = arith.index_cast %get3A_3154 : i32 to index
        %get3A_3156 = arith.index_cast %add3A_3153 : i32 to index
        %get3A_3157 = arith.constant 48 : index
        %get3A_3158 = tpu.vector_load %arg12[%get3A_3155, %get3A_3156, %get3A_3157] {strides = array<i32>} : memref<2x208x128xf32, #tpu.memory_space<vmem>>, vector<16xf32>,
        %mul3A_3159 = vector.broadcast %squeeze3A_3121 : f32 to vector<16xf32>
        %mul3A_3160 = arith.mulf %mul3A_3159, %get3A_3158 : vector<16xf32>
        %add3A_3161 = arith.addf %add3A_3089, %mul3A_3160 : vector<16xf32>
        %add3A_3162 = arith.constant 14 : i32
        %add3A_3163 = arith.addi %mul3A_2109, %add3A_3162 : i32
        %get3A_3164 = arith.constant 0 : i32
        %get3A_3165 = arith.index_cast %get3A_3164 : i32 to index
        %get3A_3166 = arith.index_cast %add3A_3163 : i32 to index
        %get3A_3167 = arith.constant 64 : index
        %get3A_3168 = tpu.vector_load %arg12[%get3A_3165, %get3A_3166, %get3A_3167] {strides = array<i32>} : memref<2x208x128xf32, #tpu.memory_space<vmem>>, vector<16xf32>,
        %mul3A_3169 = vector.broadcast %squeeze3A_3121 : f32 to vector<16xf32>
        %mul3A_3170 = arith.mulf %mul3A_3169, %get3A_3168 : vector<16xf32>
        %add3A_3171 = arith.addf %add3A_3099, %mul3A_3170 : vector<16xf32>
        %add3A_3172 = arith.constant 14 : i32
        %add3A_3173 = arith.addi %mul3A_2109, %add3A_3172 : i32
        %get3A_3174 = arith.constant 0 : i32
        %get3A_3175 = arith.index_cast %get3A_3174 : i32 to index
        %get3A_3176 = arith.index_cast %add3A_3173 : i32 to index
        %get3A_3177 = arith.constant 80 : index
        %get3A_3178 = tpu.vector_load %arg12[%get3A_3175, %get3A_3176, %get3A_3177] {strides = array<i32>} : memref<2x208x128xf32, #tpu.memory_space<vmem>>, vector<16xf32>,
        %mul3A_3179 = vector.broadcast %squeeze3A_3121 : f32 to vector<16xf32>
        %mul3A_3180 = arith.mulf %mul3A_3179, %get3A_3178 : vector<16xf32>
        %add3A_3181 = arith.addf %add3A_3109, %mul3A_3180 : vector<16xf32>
        %add3A_3182 = arith.constant 14 : i32
        %add3A_3183 = arith.addi %mul3A_2109, %add3A_3182 : i32
        %get3A_3184 = arith.constant 0 : i32
        %get3A_3185 = arith.index_cast %get3A_3184 : i32 to index
        %get3A_3186 = arith.index_cast %add3A_3183 : i32 to index
        %get3A_3187 = arith.constant 84 : index
        %get3A_3188 = tpu.vector_load %arg12[%get3A_3185, %get3A_3186, %get3A_3187] {strides = array<i32>} : memref<2x208x128xf32, #tpu.memory_space<vmem>>, vector<16xf32>,
        %mul3A_3189 = vector.broadcast %squeeze3A_3121 : f32 to vector<16xf32>
        %mul3A_3190 = arith.mulf %mul3A_3189, %get3A_3188 : vector<16xf32>
        %add3A_3191 = arith.addf %add3A_3119, %mul3A_3190 : vector<16xf32>
        %slice3A_3192 = vector.extract_strided_slice %get3A_2111 {offsets = [15], sizes = [1], strides = [1]} : vector<16xf32> to vector<1xf32>
        %squeeze3A_3193 = vector.extract %slice3A_3192[0] : f32 from vector<1xf32>
        %add3A_3194 = arith.constant 15 : i32
        %add3A_3195 = arith.addi %mul3A_2109, %add3A_3194 : i32
        %get3A_3196 = arith.constant 0 : i32
        %get3A_3197 = arith.index_cast %get3A_3196 : i32 to index
        %get3A_3198 = arith.index_cast %add3A_3195 : i32 to index
        %get3A_3199 = arith.constant 0 : index
        %get3A_3200 = tpu.vector_load %arg12[%get3A_3197, %get3A_3198, %get3A_3199] {strides = array<i32>} : memref<2x208x128xf32, #tpu.memory_space<vmem>>, vector<16xf32>,
        %mul3A_3201 = vector.broadcast %squeeze3A_3193 : f32 to vector<16xf32>
        %mul3A_3202 = arith.mulf %mul3A_3201, %get3A_3200 : vector<16xf32>
        %add3A_3203 = arith.addf %add3A_3131, %mul3A_3202 : vector<16xf32>
        %add3A_3204 = arith.constant 15 : i32
        %add3A_3205 = arith.addi %mul3A_2109, %add3A_3204 : i32
        %get3A_3206 = arith.constant 0 : i32
        %get3A_3207 = arith.index_cast %get3A_3206 : i32 to index
        %get3A_3208 = arith.index_cast %add3A_3205 : i32 to index
        %get3A_3209 = arith.constant 16 : index
        %get3A_3210 = tpu.vector_load %arg12[%get3A_3207, %get3A_3208, %get3A_3209] {strides = array<i32>} : memref<2x208x128xf32, #tpu.memory_space<vmem>>, vector<16xf32>,
        %mul3A_3211 = vector.broadcast %squeeze3A_3193 : f32 to vector<16xf32>
        %mul3A_3212 = arith.mulf %mul3A_3211, %get3A_3210 : vector<16xf32>
        %add3A_3213 = arith.addf %add3A_3141, %mul3A_3212 : vector<16xf32>
        %add3A_3214 = arith.constant 15 : i32
        %add3A_3215 = arith.addi %mul3A_2109, %add3A_3214 : i32
        %get3A_3216 = arith.constant 0 : i32
        %get3A_3217 = arith.index_cast %get3A_3216 : i32 to index
        %get3A_3218 = arith.index_cast %add3A_3215 : i32 to index
        %get3A_3219 = arith.constant 32 : index
        %get3A_3220 = tpu.vector_load %arg12[%get3A_3217, %get3A_3218, %get3A_3219] {strides = array<i32>} : memref<2x208x128xf32, #tpu.memory_space<vmem>>, vector<16xf32>,
        %mul3A_3221 = vector.broadcast %squeeze3A_3193 : f32 to vector<16xf32>
        %mul3A_3222 = arith.mulf %mul3A_3221, %get3A_3220 : vector<16xf32>
        %add3A_3223 = arith.addf %add3A_3151, %mul3A_3222 : vector<16xf32>
        %add3A_3224 = arith.constant 15 : i32
        %add3A_3225 = arith.addi %mul3A_2109, %add3A_3224 : i32
        %get3A_3226 = arith.constant 0 : i32
        %get3A_3227 = arith.index_cast %get3A_3226 : i32 to index
        %get3A_3228 = arith.index_cast %add3A_3225 : i32 to index
        %get3A_3229 = arith.constant 48 : index
        %get3A_3230 = tpu.vector_load %arg12[%get3A_3227, %get3A_3228, %get3A_3229] {strides = array<i32>} : memref<2x208x128xf32, #tpu.memory_space<vmem>>, vector<16xf32>,
        %mul3A_3231 = vector.broadcast %squeeze3A_3193 : f32 to vector<16xf32>
        %mul3A_3232 = arith.mulf %mul3A_3231, %get3A_3230 : vector<16xf32>
        %add3A_3233 = arith.addf %add3A_3161, %mul3A_3232 : vector<16xf32>
        %add3A_3234 = arith.constant 15 : i32
        %add3A_3235 = arith.addi %mul3A_2109, %add3A_3234 : i32
        %get3A_3236 = arith.constant 0 : i32
        %get3A_3237 = arith.index_cast %get3A_3236 : i32 to index
        %get3A_3238 = arith.index_cast %add3A_3235 : i32 to index
        %get3A_3239 = arith.constant 64 : index
        %get3A_3240 = tpu.vector_load %arg12[%get3A_3237, %get3A_3238, %get3A_3239] {strides = array<i32>} : memref<2x208x128xf32, #tpu.memory_space<vmem>>, vector<16xf32>,
        %mul3A_3241 = vector.broadcast %squeeze3A_3193 : f32 to vector<16xf32>
        %mul3A_3242 = arith.mulf %mul3A_3241, %get3A_3240 : vector<16xf32>
        %add3A_3243 = arith.addf %add3A_3171, %mul3A_3242 : vector<16xf32>
        %add3A_3244 = arith.constant 15 : i32
        %add3A_3245 = arith.addi %mul3A_2109, %add3A_3244 : i32
        %get3A_3246 = arith.constant 0 : i32
        %get3A_3247 = arith.index_cast %get3A_3246 : i32 to index
        %get3A_3248 = arith.index_cast %add3A_3245 : i32 to index
        %get3A_3249 = arith.constant 80 : index
        %get3A_3250 = tpu.vector_load %arg12[%get3A_3247, %get3A_3248, %get3A_3249] {strides = array<i32>} : memref<2x208x128xf32, #tpu.memory_space<vmem>>, vector<16xf32>,
        %mul3A_3251 = vector.broadcast %squeeze3A_3193 : f32 to vector<16xf32>
        %mul3A_3252 = arith.mulf %mul3A_3251, %get3A_3250 : vector<16xf32>
        %add3A_3253 = arith.addf %add3A_3181, %mul3A_3252 : vector<16xf32>
        %add3A_3254 = arith.constant 15 : i32
        %add3A_3255 = arith.addi %mul3A_2109, %add3A_3254 : i32
        %get3A_3256 = arith.constant 0 : i32
        %get3A_3257 = arith.index_cast %get3A_3256 : i32 to index
        %get3A_3258 = arith.index_cast %add3A_3255 : i32 to index
        %get3A_3259 = arith.constant 84 : index
        %get3A_3260 = tpu.vector_load %arg12[%get3A_3257, %get3A_3258, %get3A_3259] {strides = array<i32>} : memref<2x208x128xf32, #tpu.memory_space<vmem>>, vector<16xf32>,
        %mul3A_3261 = vector.broadcast %squeeze3A_3193 : f32 to vector<16xf32>
        %mul3A_3262 = arith.mulf %mul3A_3261, %get3A_3260 : vector<16xf32>
        %add3A_3263 = arith.addf %add3A_3191, %mul3A_3262 : vector<16xf32>
        scf.yield %add3A_3203, %add3A_3213, %add3A_3223, %add3A_3233, %add3A_3243, %add3A_3253, %add3A_3263 : vector<16xf32>, vector<16xf32>, vector<16xf32>, vector<16xf32>, vector<16xf32>, vector<16xf32>, vector<16xf32>
      }
      %scan3A_1251 = arith.constant 13 : i32
      %broadcast_in_dim3A_1252 = arith.constant 0.000000e+00 : f32
      %broadcast_in_dim3A_1253 = vector.broadcast %broadcast_in_dim3A_1252 : f32 to vector<16xf32>
      %mul3A_1254 = arith.mulf %scan3A_1250#0, %scan3A_1250#0 : vector<16xf32>
      %add3A_1255 = arith.addf %broadcast_in_dim3A_1253, %mul3A_1254 : vector<16xf32>
      %mul3A_1256 = arith.mulf %scan3A_1250#1, %scan3A_1250#1 : vector<16xf32>
      %add3A_1257 = arith.addf %add3A_1255, %mul3A_1256 : vector<16xf32>
      %mul3A_1258 = arith.mulf %scan3A_1250#2, %scan3A_1250#2 : vector<16xf32>
      %add3A_1259 = arith.addf %add3A_1257, %mul3A_1258 : vector<16xf32>
      %mul3A_1260 = arith.mulf %scan3A_1250#3, %scan3A_1250#3 : vector<16xf32>
      %add3A_1261 = arith.addf %add3A_1259, %mul3A_1260 : vector<16xf32>
      %mul3A_1262 = arith.mulf %scan3A_1250#4, %scan3A_1250#4 : vector<16xf32>
      %add3A_1263 = arith.addf %add3A_1261, %mul3A_1262 : vector<16xf32>
      %mul3A_1264 = arith.mulf %scan3A_1250#5, %scan3A_1250#5 : vector<16xf32>
      %add3A_1265 = arith.addf %add3A_1263, %mul3A_1264 : vector<16xf32>
      %ge3A = arith.constant 12 : i32
      %ge3A_1266 = vector.broadcast %ge3A : i32 to vector<16xi32>
      %ge3A_1267 = arith.cmpi sge, %iota3A, %ge3A_1266 : vector<16xi32>
      %mul3A_1268 = arith.mulf %scan3A_1250#6, %scan3A_1250#6 : vector<16xf32>
      %jit3A_1269 = arith.constant 0.000000e+00 : f32
      %broadcast_in_dim3A_1270 = vector.broadcast %jit3A_1269 : f32 to vector<16xf32>
      %select_n3A_1271 = arith.select %ge3A_1267, %mul3A_1268, %broadcast_in_dim3A_1270 : vector<16xi1>, vector<16xf32>
      %add3A_1272 = arith.addf %add3A_1265, %select_n3A_1271 : vector<16xf32>
      %reduce_sum3A_1273 = arith.constant true
      %reduce_sum3A_1274 = vector.broadcast %reduce_sum3A_1273 : i1 to vector<16xi1>
      %reduce_sum3A_1275 = tpu.scan <sum>, %add3A_1272 masked %reduce_sum3A_1274 : vector<16xf32>, vector<16xi1> -> vector<16xf32>
      %reduce_sum3A_1276 = vector.extract %reduce_sum3A_1275[15] : f32 from vector<16xf32>
      %max3A_1277 = arith.constant 1.000000e-30 : f32
      %max3A_1278 = arith.maximumf %reduce_sum3A_1276, %max3A_1277 : f32
      %bitcast_convert_type3A = arith.bitcast %max3A_1278 : f32 to i32
      %shift_right_arithmetic3A = arith.constant 1 : i32
      %shift_right_arithmetic3A_1279 = arith.shrsi %bitcast_convert_type3A, %shift_right_arithmetic3A : i32
      %sub3A_1280 = arith.constant 1597463007 : i32
      %sub3A_1281 = arith.subi %sub3A_1280, %shift_right_arithmetic3A_1279 : i32
      %bitcast_convert_type3A_1282 = arith.bitcast %sub3A_1281 : i32 to f32
      %mul3A_1283 = arith.constant 5.000000e-01 : f32
      %mul3A_1284 = arith.mulf %mul3A_1283, %max3A_1278 : f32
      %mul3A_1285 = arith.mulf %mul3A_1284, %bitcast_convert_type3A_1282 : f32
      %mul3A_1286 = arith.mulf %mul3A_1285, %bitcast_convert_type3A_1282 : f32
      %sub3A_1287 = arith.constant 1.500000e+00 : f32
      %sub3A_1288 = arith.subf %sub3A_1287, %mul3A_1286 : f32
      %mul3A_1289 = arith.mulf %bitcast_convert_type3A_1282, %sub3A_1288 : f32
      %mul3A_1290 = arith.constant 5.000000e-01 : f32
      %mul3A_1291 = arith.mulf %mul3A_1290, %max3A_1278 : f32
      %mul3A_1292 = arith.mulf %mul3A_1291, %mul3A_1289 : f32
      %mul3A_1293 = arith.mulf %mul3A_1292, %mul3A_1289 : f32
      %sub3A_1294 = arith.constant 1.500000e+00 : f32
      %sub3A_1295 = arith.subf %sub3A_1294, %mul3A_1293 : f32
      %mul3A_1296 = arith.mulf %mul3A_1289, %sub3A_1295 : f32
      %mul3A_1297 = arith.constant 5.000000e-01 : f32
      %mul3A_1298 = arith.mulf %mul3A_1297, %max3A_1278 : f32
      %mul3A_1299 = arith.mulf %mul3A_1298, %mul3A_1296 : f32
      %mul3A_1300 = arith.mulf %mul3A_1299, %mul3A_1296 : f32
      %sub3A_1301 = arith.constant 1.500000e+00 : f32
      %sub3A_1302 = arith.subf %sub3A_1301, %mul3A_1300 : f32
      %mul3A_1303 = arith.mulf %mul3A_1296, %sub3A_1302 : f32
      %mul3A_1304 = arith.constant 5.000000e-01 : f32
      %mul3A_1305 = arith.mulf %mul3A_1304, %max3A_1278 : f32
      %mul3A_1306 = arith.mulf %mul3A_1305, %mul3A_1303 : f32
      %mul3A_1307 = arith.mulf %mul3A_1306, %mul3A_1303 : f32
      %sub3A_1308 = arith.constant 1.500000e+00 : f32
      %sub3A_1309 = arith.subf %sub3A_1308, %mul3A_1307 : f32
      %mul3A_1310 = arith.mulf %mul3A_1303, %sub3A_1309 : f32
      %mul3A_1311 = arith.mulf %max3A_1278, %mul3A_1310 : f32
      %mul3A_1312 = arith.constant 9.99999974E-5 : f32
      %mul3A_1313 = arith.mulf %mul3A_1312, %reduce_sum3A_1243 : f32
      %add3A_1314 = arith.addf %mul3A_1311, %mul3A_1313 : f32
      %broadcast_in_dim3A_1315 = vector.broadcast %add3A_1314 : f32 to vector<16xf32>
      %div3A = arith.constant 1.000000e+00 : f32
      %div3A_1316 = vector.broadcast %div3A : f32 to vector<16xf32>
      %div3A_1317 = arith.divf %div3A_1316, %broadcast_in_dim3A_1315 : vector<16xf32>
      %mul3A_1318 = arith.mulf %scan3A_1250#0, %div3A_1317 : vector<16xf32>
      %add3A_1319 = arith.addf %mul3A_1318, %get3A_3 : vector<16xf32>
      %swap3A_1320 = arith.index_cast %mul3A_622 : i32 to index
      %swap3A_1321 = arith.constant 0 : index
      %swap3A_1322 = tpu.vector_load %arg16[%swap3A_1320, %swap3A_1321] {strides = array<i32>} : memref<32x128xf32, #tpu.memory_space<vmem>>, vector<16xf32>,
      tpu.vector_store %arg16[%swap3A_1320, %swap3A_1321], %add3A_1319 {strides = array<i32>} : memref<32x128xf32, #tpu.memory_space<vmem>>, vector<16xf32>,
      %mul3A_1323 = arith.mulf %scan3A_1250#1, %div3A_1317 : vector<16xf32>
      %add3A_1324 = arith.addf %mul3A_1323, %get3A_5 : vector<16xf32>
      %swap3A_1325 = arith.index_cast %mul3A_622 : i32 to index
      %swap3A_1326 = arith.constant 16 : index
      %swap3A_1327 = tpu.vector_load %arg16[%swap3A_1325, %swap3A_1326] {strides = array<i32>} : memref<32x128xf32, #tpu.memory_space<vmem>>, vector<16xf32>,
      tpu.vector_store %arg16[%swap3A_1325, %swap3A_1326], %add3A_1324 {strides = array<i32>} : memref<32x128xf32, #tpu.memory_space<vmem>>, vector<16xf32>,
      %mul3A_1328 = arith.mulf %scan3A_1250#2, %div3A_1317 : vector<16xf32>
      %add3A_1329 = arith.addf %mul3A_1328, %get3A_7 : vector<16xf32>
      %swap3A_1330 = arith.index_cast %mul3A_622 : i32 to index
      %swap3A_1331 = arith.constant 32 : index
      %swap3A_1332 = tpu.vector_load %arg16[%swap3A_1330, %swap3A_1331] {strides = array<i32>} : memref<32x128xf32, #tpu.memory_space<vmem>>, vector<16xf32>,
      tpu.vector_store %arg16[%swap3A_1330, %swap3A_1331], %add3A_1329 {strides = array<i32>} : memref<32x128xf32, #tpu.memory_space<vmem>>, vector<16xf32>,
      %mul3A_1333 = arith.mulf %scan3A_1250#3, %div3A_1317 : vector<16xf32>
      %add3A_1334 = arith.addf %mul3A_1333, %get3A_9 : vector<16xf32>
      %swap3A_1335 = arith.index_cast %mul3A_622 : i32 to index
      %swap3A_1336 = arith.constant 48 : index
      %swap3A_1337 = tpu.vector_load %arg16[%swap3A_1335, %swap3A_1336] {strides = array<i32>} : memref<32x128xf32, #tpu.memory_space<vmem>>, vector<16xf32>,
      tpu.vector_store %arg16[%swap3A_1335, %swap3A_1336], %add3A_1334 {strides = array<i32>} : memref<32x128xf32, #tpu.memory_space<vmem>>, vector<16xf32>,
      %mul3A_1338 = arith.mulf %scan3A_1250#4, %div3A_1317 : vector<16xf32>
      %add3A_1339 = arith.addf %mul3A_1338, %get3A_11 : vector<16xf32>
      %swap3A_1340 = arith.index_cast %mul3A_622 : i32 to index
      %swap3A_1341 = arith.constant 64 : index
      %swap3A_1342 = tpu.vector_load %arg16[%swap3A_1340, %swap3A_1341] {strides = array<i32>} : memref<32x128xf32, #tpu.memory_space<vmem>>, vector<16xf32>,
      tpu.vector_store %arg16[%swap3A_1340, %swap3A_1341], %add3A_1339 {strides = array<i32>} : memref<32x128xf32, #tpu.memory_space<vmem>>, vector<16xf32>,
      %mul3A_1343 = arith.mulf %scan3A_1250#5, %div3A_1317 : vector<16xf32>
      %add3A_1344 = arith.addf %mul3A_1343, %get3A_13 : vector<16xf32>
      %swap3A_1345 = arith.index_cast %mul3A_622 : i32 to index
      %swap3A_1346 = arith.constant 80 : index
      %swap3A_1347 = tpu.vector_load %arg16[%swap3A_1345, %swap3A_1346] {strides = array<i32>} : memref<32x128xf32, #tpu.memory_space<vmem>>, vector<16xf32>,
      tpu.vector_store %arg16[%swap3A_1345, %swap3A_1346], %add3A_1344 {strides = array<i32>} : memref<32x128xf32, #tpu.memory_space<vmem>>, vector<16xf32>,
      %mul3A_1348 = arith.mulf %scan3A_1250#6, %div3A_1317 : vector<16xf32>
      %add3A_1349 = arith.addf %mul3A_1348, %get3A_15 : vector<16xf32>
      %swap3A_1350 = arith.index_cast %mul3A_622 : i32 to index
      %swap3A_1351 = arith.constant 84 : index
      %swap3A_1352 = tpu.vector_load %arg16[%swap3A_1350, %swap3A_1351] {strides = array<i32>} : memref<32x128xf32, #tpu.memory_space<vmem>>, vector<16xf32>,
      tpu.vector_store %arg16[%swap3A_1350, %swap3A_1351], %add3A_1349 {strides = array<i32>} : memref<32x128xf32, #tpu.memory_space<vmem>>, vector<16xf32>,
      %mul3A_1353 = arith.constant 2 : i32
      %mul3A_1354 = arith.muli %mul3A_1353, %scan3A_620 : i32
      %add3A_1355 = arith.constant 1 : i32
      %add3A_1356 = arith.addi %mul3A_1354, %add3A_1355 : i32
      %dma_wait3A_1357 = arith.constant 0 : i32
      %dma_wait3A_1358 = arith.constant 0 : i32
      %dma_wait3A_1359 = arith.constant 0 : i32
      %dma_wait3A_1360 = arith.constant 0 : i32
      %dma_wait3A_1361 = tpu.memref_slice %arg10[%dma_wait3A_1358, %dma_wait3A_1360] : memref<2x104xi32, #tpu.memory_space<vmem>> -> memref<1x104xi32, #tpu.memory_space<vmem>>
      %dma_wait3A_1362 = tpu.memref_squeeze %dma_wait3A_1361 : memref<1x104xi32, #tpu.memory_space<vmem>> -> memref<104xi32, #tpu.memory_space<vmem>>
      %dma_wait3A_1363 = arith.constant 0 : i32
      %dma_wait3A_1364 = tpu.memref_slice %arg9[%dma_wait3A_1357, %dma_wait3A_1363] : memref<4x104xi32, #tpu.memory_space<vmem>> -> memref<1x104xi32, #tpu.memory_space<vmem>>
      %dma_wait3A_1365 = tpu.memref_squeeze %dma_wait3A_1364 : memref<1x104xi32, #tpu.memory_space<vmem>> -> memref<104xi32, #tpu.memory_space<vmem>>
      %dma_wait3A_1366 = arith.constant 0 : i32
      %dma_wait3A_1367 = tpu.memref_slice %arg2[%dma_wait3A_1366] : memref<204800xi32, #tpu.memory_space<hbm>> -> memref<204800xi32, #tpu.memory_space<hbm>>
      %dma_wait3A_1368 = tpu.memref_slice %arg17[%dma_wait3A_1359] : memref<2x!tpu.dma_semaphore, #tpu.memory_space<semaphore_mem>> -> memref<1x!tpu.dma_semaphore, #tpu.memory_space<semaphore_mem>>
      %dma_wait3A_1369 = tpu.memref_squeeze %dma_wait3A_1368 : memref<1x!tpu.dma_semaphore, #tpu.memory_space<semaphore_mem>> -> memref<!tpu.dma_semaphore, #tpu.memory_space<semaphore_mem>>
      tpu.wait_indirect_dma semaphore(%dma_wait3A_1369 : memref<!tpu.dma_semaphore, #tpu.memory_space<semaphore_mem>>) src(%dma_wait3A_1367 : memref<204800xi32, #tpu.memory_space<hbm>>) dst(%dma_wait3A_1362 : memref<104xi32, #tpu.memory_space<vmem>>)
      %dma_wait3A_1370 = arith.constant 1 : i32
      %dma_wait3A_1371 = arith.constant 0 : i32
      %dma_wait3A_1372 = arith.constant 0 : i32
      %dma_wait3A_1373 = arith.constant 0 : i32
      %dma_wait3A_1374 = tpu.memref_slice %arg11[%dma_wait3A_1371, %dma_wait3A_1373] : memref<2x104xi32, #tpu.memory_space<vmem>> -> memref<1x104xi32, #tpu.memory_space<vmem>>
      %dma_wait3A_1375 = tpu.memref_squeeze %dma_wait3A_1374 : memref<1x104xi32, #tpu.memory_space<vmem>> -> memref<104xi32, #tpu.memory_space<vmem>>
      %dma_wait3A_1376 = arith.constant 0 : i32
      %dma_wait3A_1377 = tpu.memref_slice %arg9[%dma_wait3A_1370, %dma_wait3A_1376] : memref<4x104xi32, #tpu.memory_space<vmem>> -> memref<1x104xi32, #tpu.memory_space<vmem>>
      %dma_wait3A_1378 = tpu.memref_squeeze %dma_wait3A_1377 : memref<1x104xi32, #tpu.memory_space<vmem>> -> memref<104xi32, #tpu.memory_space<vmem>>
      %dma_wait3A_1379 = arith.constant 0 : i32
      %dma_wait3A_1380 = tpu.memref_slice %arg2[%dma_wait3A_1379] : memref<204800xi32, #tpu.memory_space<hbm>> -> memref<204800xi32, #tpu.memory_space<hbm>>
      %dma_wait3A_1381 = tpu.memref_slice %arg17[%dma_wait3A_1372] : memref<2x!tpu.dma_semaphore, #tpu.memory_space<semaphore_mem>> -> memref<1x!tpu.dma_semaphore, #tpu.memory_space<semaphore_mem>>
      %dma_wait3A_1382 = tpu.memref_squeeze %dma_wait3A_1381 : memref<1x!tpu.dma_semaphore, #tpu.memory_space<semaphore_mem>> -> memref<!tpu.dma_semaphore, #tpu.memory_space<semaphore_mem>>
      tpu.wait_indirect_dma semaphore(%dma_wait3A_1382 : memref<!tpu.dma_semaphore, #tpu.memory_space<semaphore_mem>>) src(%dma_wait3A_1380 : memref<204800xi32, #tpu.memory_space<hbm>>) dst(%dma_wait3A_1375 : memref<104xi32, #tpu.memory_space<vmem>>)
      %dma_start3A_1383 = arith.constant 0 : i32
      %dma_start3A_1384 = arith.constant 0 : i32
      %dma_start3A_1385 = arith.constant 0 : i32
      %dma_start3A_1386 = arith.constant 0 : i32
      %dma_start3A_1387 = tpu.memref_slice %arg13[%dma_start3A_1384, %dma_start3A_1386] : memref<2x208xf32, #tpu.memory_space<vmem>> -> memref<1x104xf32, #tpu.memory_space<vmem>>
      %dma_start3A_1388 = tpu.memref_squeeze %dma_start3A_1387 : memref<1x104xf32, #tpu.memory_space<vmem>> -> memref<104xf32, #tpu.memory_space<vmem>>
      %dma_start3A_1389 = arith.constant 0 : i32
      %dma_start3A_1390 = tpu.memref_slice %arg10[%dma_start3A_1383, %dma_start3A_1389] : memref<2x104xi32, #tpu.memory_space<vmem>> -> memref<1x104xi32, #tpu.memory_space<vmem>>
      %dma_start3A_1391 = tpu.memref_squeeze %dma_start3A_1390 : memref<1x104xi32, #tpu.memory_space<vmem>> -> memref<104xi32, #tpu.memory_space<vmem>>
      %dma_start3A_1392 = arith.constant 0 : i32
      %dma_start3A_1393 = tpu.memref_slice %arg5[%dma_start3A_1392] : memref<100000xf32, #tpu.memory_space<hbm>> -> memref<100000xf32, #tpu.memory_space<hbm>>
      %dma_start3A_1394 = tpu.memref_slice %arg18[%dma_start3A_1385] : memref<2x!tpu.dma_semaphore, #tpu.memory_space<semaphore_mem>> -> memref<1x!tpu.dma_semaphore, #tpu.memory_space<semaphore_mem>>
      %dma_start3A_1395 = tpu.memref_squeeze %dma_start3A_1394 : memref<1x!tpu.dma_semaphore, #tpu.memory_space<semaphore_mem>> -> memref<!tpu.dma_semaphore, #tpu.memory_space<semaphore_mem>>
      tpu.enqueue_indirect_dma source(%dma_start3A_1393 : memref<100000xf32, #tpu.memory_space<hbm>>) target(%dma_start3A_1388 : memref<104xf32, #tpu.memory_space<vmem>>) offsets(%dma_start3A_1391 : memref<104xi32, #tpu.memory_space<vmem>>) semaphore(%dma_start3A_1395 : memref<!tpu.dma_semaphore, #tpu.memory_space<semaphore_mem>>)
      %dma_start3A_1396 = arith.constant 0 : i32
      %dma_start3A_1397 = arith.constant 0 : i32
      %dma_start3A_1398 = arith.constant 0 : i32
      %dma_start3A_1399 = arith.constant 104 : i32
      %dma_start3A_1400 = tpu.memref_slice %arg13[%dma_start3A_1397, %dma_start3A_1399] : memref<2x208xf32, #tpu.memory_space<vmem>> -> memref<1x104xf32, #tpu.memory_space<vmem>>
      %dma_start3A_1401 = tpu.memref_squeeze %dma_start3A_1400 : memref<1x104xf32, #tpu.memory_space<vmem>> -> memref<104xf32, #tpu.memory_space<vmem>>
      %dma_start3A_1402 = arith.constant 0 : i32
      %dma_start3A_1403 = tpu.memref_slice %arg11[%dma_start3A_1396, %dma_start3A_1402] : memref<2x104xi32, #tpu.memory_space<vmem>> -> memref<1x104xi32, #tpu.memory_space<vmem>>
      %dma_start3A_1404 = tpu.memref_squeeze %dma_start3A_1403 : memref<1x104xi32, #tpu.memory_space<vmem>> -> memref<104xi32, #tpu.memory_space<vmem>>
      %dma_start3A_1405 = arith.constant 0 : i32
      %dma_start3A_1406 = tpu.memref_slice %arg5[%dma_start3A_1405] : memref<100000xf32, #tpu.memory_space<hbm>> -> memref<100000xf32, #tpu.memory_space<hbm>>
      %dma_start3A_1407 = tpu.memref_slice %arg18[%dma_start3A_1398] : memref<2x!tpu.dma_semaphore, #tpu.memory_space<semaphore_mem>> -> memref<1x!tpu.dma_semaphore, #tpu.memory_space<semaphore_mem>>
      %dma_start3A_1408 = tpu.memref_squeeze %dma_start3A_1407 : memref<1x!tpu.dma_semaphore, #tpu.memory_space<semaphore_mem>> -> memref<!tpu.dma_semaphore, #tpu.memory_space<semaphore_mem>>
      tpu.enqueue_indirect_dma source(%dma_start3A_1406 : memref<100000xf32, #tpu.memory_space<hbm>>) target(%dma_start3A_1401 : memref<104xf32, #tpu.memory_space<vmem>>) offsets(%dma_start3A_1404 : memref<104xi32, #tpu.memory_space<vmem>>) semaphore(%dma_start3A_1408 : memref<!tpu.dma_semaphore, #tpu.memory_space<semaphore_mem>>)
      %dma_start3A_1409 = arith.constant 0 : i32
      %dma_start3A_1410 = arith.constant 0 : i32
      %dma_start3A_1411 = arith.constant 0 : i32
      %dma_start3A_1412 = arith.constant 0 : i32
      %dma_start3A_1413 = arith.constant 0 : i32
      %dma_start3A_1414 = tpu.memref_slice %arg12[%dma_start3A_1410, %dma_start3A_1412, %dma_start3A_1413] : memref<2x208x128xf32, #tpu.memory_space<vmem>> -> memref<1x104x128xf32, #tpu.memory_space<vmem>>
      %dma_start3A_1415 = tpu.memref_squeeze %dma_start3A_1414 : memref<1x104x128xf32, #tpu.memory_space<vmem>> -> memref<104x128xf32, #tpu.memory_space<vmem>>
      %dma_start3A_1416 = arith.constant 0 : i32
      %dma_start3A_1417 = tpu.memref_slice %arg10[%dma_start3A_1409, %dma_start3A_1416] : memref<2x104xi32, #tpu.memory_space<vmem>> -> memref<1x104xi32, #tpu.memory_space<vmem>>
      %dma_start3A_1418 = tpu.memref_squeeze %dma_start3A_1417 : memref<1x104xi32, #tpu.memory_space<vmem>> -> memref<104xi32, #tpu.memory_space<vmem>>
      %dma_start3A_1419 = arith.constant 0 : i32
      %dma_start3A_1420 = arith.constant 0 : i32
      %dma_start3A_1421 = tpu.memref_slice %arg4[%dma_start3A_1419, %dma_start3A_1420] : memref<100000x128xf32, #tpu.memory_space<hbm>> -> memref<100000x128xf32, #tpu.memory_space<hbm>>
      %dma_start3A_1422 = tpu.memref_slice %arg18[%dma_start3A_1411] : memref<2x!tpu.dma_semaphore, #tpu.memory_space<semaphore_mem>> -> memref<1x!tpu.dma_semaphore, #tpu.memory_space<semaphore_mem>>
      %dma_start3A_1423 = tpu.memref_squeeze %dma_start3A_1422 : memref<1x!tpu.dma_semaphore, #tpu.memory_space<semaphore_mem>> -> memref<!tpu.dma_semaphore, #tpu.memory_space<semaphore_mem>>
      tpu.enqueue_indirect_dma source(%dma_start3A_1421 : memref<100000x128xf32, #tpu.memory_space<hbm>>) target(%dma_start3A_1415 : memref<104x128xf32, #tpu.memory_space<vmem>>) offsets(%dma_start3A_1418 : memref<104xi32, #tpu.memory_space<vmem>>) semaphore(%dma_start3A_1423 : memref<!tpu.dma_semaphore, #tpu.memory_space<semaphore_mem>>)
      %dma_start3A_1424 = arith.constant 0 : i32
      %dma_start3A_1425 = arith.constant 0 : i32
      %dma_start3A_1426 = arith.constant 0 : i32
      %dma_start3A_1427 = arith.constant 104 : i32
      %dma_start3A_1428 = arith.constant 0 : i32
      %dma_start3A_1429 = tpu.memref_slice %arg12[%dma_start3A_1425, %dma_start3A_1427, %dma_start3A_1428] : memref<2x208x128xf32, #tpu.memory_space<vmem>> -> memref<1x104x128xf32, #tpu.memory_space<vmem>>
      %dma_start3A_1430 = tpu.memref_squeeze %dma_start3A_1429 : memref<1x104x128xf32, #tpu.memory_space<vmem>> -> memref<104x128xf32, #tpu.memory_space<vmem>>
      %dma_start3A_1431 = arith.constant 0 : i32
      %dma_start3A_1432 = tpu.memref_slice %arg11[%dma_start3A_1424, %dma_start3A_1431] : memref<2x104xi32, #tpu.memory_space<vmem>> -> memref<1x104xi32, #tpu.memory_space<vmem>>
      %dma_start3A_1433 = tpu.memref_squeeze %dma_start3A_1432 : memref<1x104xi32, #tpu.memory_space<vmem>> -> memref<104xi32, #tpu.memory_space<vmem>>
      %dma_start3A_1434 = arith.constant 0 : i32
      %dma_start3A_1435 = arith.constant 0 : i32
      %dma_start3A_1436 = tpu.memref_slice %arg4[%dma_start3A_1434, %dma_start3A_1435] : memref<100000x128xf32, #tpu.memory_space<hbm>> -> memref<100000x128xf32, #tpu.memory_space<hbm>>
      %dma_start3A_1437 = tpu.memref_slice %arg18[%dma_start3A_1426] : memref<2x!tpu.dma_semaphore, #tpu.memory_space<semaphore_mem>> -> memref<1x!tpu.dma_semaphore, #tpu.memory_space<semaphore_mem>>
      %dma_start3A_1438 = tpu.memref_squeeze %dma_start3A_1437 : memref<1x!tpu.dma_semaphore, #tpu.memory_space<semaphore_mem>> -> memref<!tpu.dma_semaphore, #tpu.memory_space<semaphore_mem>>
      tpu.enqueue_indirect_dma source(%dma_start3A_1436 : memref<100000x128xf32, #tpu.memory_space<hbm>>) target(%dma_start3A_1430 : memref<104x128xf32, #tpu.memory_space<vmem>>) offsets(%dma_start3A_1433 : memref<104xi32, #tpu.memory_space<vmem>>) semaphore(%dma_start3A_1438 : memref<!tpu.dma_semaphore, #tpu.memory_space<semaphore_mem>>)
      %dma_wait3A_1439 = arith.constant 1 : i32
      %dma_wait3A_1440 = arith.constant 1 : i32
      %dma_wait3A_1441 = arith.constant 1 : i32
      %dma_wait3A_1442 = arith.constant 0 : i32
      %dma_wait3A_1443 = tpu.memref_slice %arg13[%dma_wait3A_1440, %dma_wait3A_1442] : memref<2x208xf32, #tpu.memory_space<vmem>> -> memref<1x104xf32, #tpu.memory_space<vmem>>
      %dma_wait3A_1444 = tpu.memref_squeeze %dma_wait3A_1443 : memref<1x104xf32, #tpu.memory_space<vmem>> -> memref<104xf32, #tpu.memory_space<vmem>>
      %dma_wait3A_1445 = arith.constant 0 : i32
      %dma_wait3A_1446 = tpu.memref_slice %arg10[%dma_wait3A_1439, %dma_wait3A_1445] : memref<2x104xi32, #tpu.memory_space<vmem>> -> memref<1x104xi32, #tpu.memory_space<vmem>>
      %dma_wait3A_1447 = tpu.memref_squeeze %dma_wait3A_1446 : memref<1x104xi32, #tpu.memory_space<vmem>> -> memref<104xi32, #tpu.memory_space<vmem>>
      %dma_wait3A_1448 = arith.constant 0 : i32
      %dma_wait3A_1449 = tpu.memref_slice %arg5[%dma_wait3A_1448] : memref<100000xf32, #tpu.memory_space<hbm>> -> memref<100000xf32, #tpu.memory_space<hbm>>
      %dma_wait3A_1450 = tpu.memref_slice %arg18[%dma_wait3A_1441] : memref<2x!tpu.dma_semaphore, #tpu.memory_space<semaphore_mem>> -> memref<1x!tpu.dma_semaphore, #tpu.memory_space<semaphore_mem>>
      %dma_wait3A_1451 = tpu.memref_squeeze %dma_wait3A_1450 : memref<1x!tpu.dma_semaphore, #tpu.memory_space<semaphore_mem>> -> memref<!tpu.dma_semaphore, #tpu.memory_space<semaphore_mem>>
      tpu.wait_indirect_dma semaphore(%dma_wait3A_1451 : memref<!tpu.dma_semaphore, #tpu.memory_space<semaphore_mem>>) src(%dma_wait3A_1449 : memref<100000xf32, #tpu.memory_space<hbm>>) dst(%dma_wait3A_1444 : memref<104xf32, #tpu.memory_space<vmem>>)
      %dma_wait3A_1452 = arith.constant 1 : i32
      %dma_wait3A_1453 = arith.constant 1 : i32
      %dma_wait3A_1454 = arith.constant 1 : i32
      %dma_wait3A_1455 = arith.constant 104 : i32
      %dma_wait3A_1456 = tpu.memref_slice %arg13[%dma_wait3A_1453, %dma_wait3A_1455] : memref<2x208xf32, #tpu.memory_space<vmem>> -> memref<1x104xf32, #tpu.memory_space<vmem>>
      %dma_wait3A_1457 = tpu.memref_squeeze %dma_wait3A_1456 : memref<1x104xf32, #tpu.memory_space<vmem>> -> memref<104xf32, #tpu.memory_space<vmem>>
      %dma_wait3A_1458 = arith.constant 0 : i32
      %dma_wait3A_1459 = tpu.memref_slice %arg11[%dma_wait3A_1452, %dma_wait3A_1458] : memref<2x104xi32, #tpu.memory_space<vmem>> -> memref<1x104xi32, #tpu.memory_space<vmem>>
      %dma_wait3A_1460 = tpu.memref_squeeze %dma_wait3A_1459 : memref<1x104xi32, #tpu.memory_space<vmem>> -> memref<104xi32, #tpu.memory_space<vmem>>
      %dma_wait3A_1461 = arith.constant 0 : i32
      %dma_wait3A_1462 = tpu.memref_slice %arg5[%dma_wait3A_1461] : memref<100000xf32, #tpu.memory_space<hbm>> -> memref<100000xf32, #tpu.memory_space<hbm>>
      %dma_wait3A_1463 = tpu.memref_slice %arg18[%dma_wait3A_1454] : memref<2x!tpu.dma_semaphore, #tpu.memory_space<semaphore_mem>> -> memref<1x!tpu.dma_semaphore, #tpu.memory_space<semaphore_mem>>
      %dma_wait3A_1464 = tpu.memref_squeeze %dma_wait3A_1463 : memref<1x!tpu.dma_semaphore, #tpu.memory_space<semaphore_mem>> -> memref<!tpu.dma_semaphore, #tpu.memory_space<semaphore_mem>>
      tpu.wait_indirect_dma semaphore(%dma_wait3A_1464 : memref<!tpu.dma_semaphore, #tpu.memory_space<semaphore_mem>>) src(%dma_wait3A_1462 : memref<100000xf32, #tpu.memory_space<hbm>>) dst(%dma_wait3A_1457 : memref<104xf32, #tpu.memory_space<vmem>>)
      %dma_wait3A_1465 = arith.constant 1 : i32
      %dma_wait3A_1466 = arith.constant 1 : i32
      %dma_wait3A_1467 = arith.constant 1 : i32
      %dma_wait3A_1468 = arith.constant 0 : i32
      %dma_wait3A_1469 = arith.constant 0 : i32
      %dma_wait3A_1470 = tpu.memref_slice %arg12[%dma_wait3A_1466, %dma_wait3A_1468, %dma_wait3A_1469] : memref<2x208x128xf32, #tpu.memory_space<vmem>> -> memref<1x104x128xf32, #tpu.memory_space<vmem>>
      %dma_wait3A_1471 = tpu.memref_squeeze %dma_wait3A_1470 : memref<1x104x128xf32, #tpu.memory_space<vmem>> -> memref<104x128xf32, #tpu.memory_space<vmem>>
      %dma_wait3A_1472 = arith.constant 0 : i32
      %dma_wait3A_1473 = tpu.memref_slice %arg10[%dma_wait3A_1465, %dma_wait3A_1472] : memref<2x104xi32, #tpu.memory_space<vmem>> -> memref<1x104xi32, #tpu.memory_space<vmem>>
      %dma_wait3A_1474 = tpu.memref_squeeze %dma_wait3A_1473 : memref<1x104xi32, #tpu.memory_space<vmem>> -> memref<104xi32, #tpu.memory_space<vmem>>
      %dma_wait3A_1475 = arith.constant 0 : i32
      %dma_wait3A_1476 = arith.constant 0 : i32
      %dma_wait3A_1477 = tpu.memref_slice %arg4[%dma_wait3A_1475, %dma_wait3A_1476] : memref<100000x128xf32, #tpu.memory_space<hbm>> -> memref<100000x128xf32, #tpu.memory_space<hbm>>
      %dma_wait3A_1478 = tpu.memref_slice %arg18[%dma_wait3A_1467] : memref<2x!tpu.dma_semaphore, #tpu.memory_space<semaphore_mem>> -> memref<1x!tpu.dma_semaphore, #tpu.memory_space<semaphore_mem>>
      %dma_wait3A_1479 = tpu.memref_squeeze %dma_wait3A_1478 : memref<1x!tpu.dma_semaphore, #tpu.memory_space<semaphore_mem>> -> memref<!tpu.dma_semaphore, #tpu.memory_space<semaphore_mem>>
      tpu.wait_indirect_dma semaphore(%dma_wait3A_1479 : memref<!tpu.dma_semaphore, #tpu.memory_space<semaphore_mem>>) src(%dma_wait3A_1477 : memref<100000x128xf32, #tpu.memory_space<hbm>>) dst(%dma_wait3A_1471 : memref<104x128xf32, #tpu.memory_space<vmem>>)
      %dma_wait3A_1480 = arith.constant 1 : i32
      %dma_wait3A_1481 = arith.constant 1 : i32
      %dma_wait3A_1482 = arith.constant 1 : i32
      %dma_wait3A_1483 = arith.constant 104 : i32
      %dma_wait3A_1484 = arith.constant 0 : i32
      %dma_wait3A_1485 = tpu.memref_slice %arg12[%dma_wait3A_1481, %dma_wait3A_1483, %dma_wait3A_1484] : memref<2x208x128xf32, #tpu.memory_space<vmem>> -> memref<1x104x128xf32, #tpu.memory_space<vmem>>
      %dma_wait3A_1486 = tpu.memref_squeeze %dma_wait3A_1485 : memref<1x104x128xf32, #tpu.memory_space<vmem>> -> memref<104x128xf32, #tpu.memory_space<vmem>>
      %dma_wait3A_1487 = arith.constant 0 : i32
      %dma_wait3A_1488 = tpu.memref_slice %arg11[%dma_wait3A_1480, %dma_wait3A_1487] : memref<2x104xi32, #tpu.memory_space<vmem>> -> memref<1x104xi32, #tpu.memory_space<vmem>>
      %dma_wait3A_1489 = tpu.memref_squeeze %dma_wait3A_1488 : memref<1x104xi32, #tpu.memory_space<vmem>> -> memref<104xi32, #tpu.memory_space<vmem>>
      %dma_wait3A_1490 = arith.constant 0 : i32
      %dma_wait3A_1491 = arith.constant 0 : i32
      %dma_wait3A_1492 = tpu.memref_slice %arg4[%dma_wait3A_1490, %dma_wait3A_1491] : memref<100000x128xf32, #tpu.memory_space<hbm>> -> memref<100000x128xf32, #tpu.memory_space<hbm>>
      %dma_wait3A_1493 = tpu.memref_slice %arg18[%dma_wait3A_1482] : memref<2x!tpu.dma_semaphore, #tpu.memory_space<semaphore_mem>> -> memref<1x!tpu.dma_semaphore, #tpu.memory_space<semaphore_mem>>
      %dma_wait3A_1494 = tpu.memref_squeeze %dma_wait3A_1493 : memref<1x!tpu.dma_semaphore, #tpu.memory_space<semaphore_mem>> -> memref<!tpu.dma_semaphore, #tpu.memory_space<semaphore_mem>>
      tpu.wait_indirect_dma semaphore(%dma_wait3A_1494 : memref<!tpu.dma_semaphore, #tpu.memory_space<semaphore_mem>>) src(%dma_wait3A_1492 : memref<100000x128xf32, #tpu.memory_space<hbm>>) dst(%dma_wait3A_1486 : memref<104x128xf32, #tpu.memory_space<vmem>>)
      %add3A_1495 = arith.constant 2 : i32
      %add3A_1496 = arith.addi %add3A_1356, %add3A_1495 : i32
      %min3A_1497 = arith.constant 31 : i32
      %min3A_1498 = arith.minsi %add3A_1496, %min3A_1497 : i32
      %get3A_1499 = arith.index_cast %min3A_1498 : i32 to index
      %get3A_1500 = tpu.vector_load %arg8[%get3A_1499] {strides = array<i32>} : memref<48xi32, #tpu.memory_space<vmem>>, vector<16xi32>,
      %slice3A_1501 = vector.extract_strided_slice %get3A_1500 {offsets = [0], sizes = [1], strides = [1]} : vector<16xi32> to vector<1xi32>
      %squeeze3A_1502 = vector.extract %slice3A_1501[0] : i32 from vector<1xi32>
      %add3A_1503 = arith.constant 0 : i32
      %add3A_1504 = vector.broadcast %add3A_1503 : i32 to vector<16xi32>
      %add3A_1505 = arith.addi %iota3A, %add3A_1504 : vector<16xi32>
      %add3A_1506 = arith.constant 104 : i32
      %add3A_1507 = vector.broadcast %add3A_1506 : i32 to vector<16xi32>
      %add3A_1508 = arith.addi %add3A_1505, %add3A_1507 : vector<16xi32>
      %min3A_1509 = arith.constant 199 : i32
      %min3A_1510 = vector.broadcast %min3A_1509 : i32 to vector<16xi32>
      %min3A_1511 = arith.minsi %add3A_1508, %min3A_1510 : vector<16xi32>
      %mul3A_1512 = arith.constant 1024 : i32
      %mul3A_1513 = vector.broadcast %mul3A_1512 : i32 to vector<16xi32>
      %mul3A_1514 = arith.muli %mul3A_1513, %add3A_1505 : vector<16xi32>
      %add3A_1515 = vector.broadcast %squeeze3A_1502 : i32 to vector<16xi32>
      %add3A_1516 = arith.addi %add3A_1515, %mul3A_1514 : vector<16xi32>
      %swap3A_1517 = arith.constant 2 : i32
      %swap3A_1518 = arith.index_cast %swap3A_1517 : i32 to index
      %swap3A_1519 = arith.constant 0 : index
      %swap3A_1520 = tpu.vector_load %arg9[%swap3A_1518, %swap3A_1519] {strides = array<i32>} : memref<4x104xi32, #tpu.memory_space<vmem>>, vector<16xi32>,
      tpu.vector_store %arg9[%swap3A_1518, %swap3A_1519], %add3A_1516 {strides = array<i32>} : memref<4x104xi32, #tpu.memory_space<vmem>>, vector<16xi32>,
      %mul3A_1521 = arith.constant 1024 : i32
      %mul3A_1522 = vector.broadcast %mul3A_1521 : i32 to vector<16xi32>
      %mul3A_1523 = arith.muli %mul3A_1522, %min3A_1511 : vector<16xi32>
      %add3A_1524 = vector.broadcast %squeeze3A_1502 : i32 to vector<16xi32>
      %add3A_1525 = arith.addi %add3A_1524, %mul3A_1523 : vector<16xi32>
      %swap3A_1526 = arith.constant 3 : i32
      %swap3A_1527 = arith.index_cast %swap3A_1526 : i32 to index
      %swap3A_1528 = arith.constant 0 : index
      %swap3A_1529 = tpu.vector_load %arg9[%swap3A_1527, %swap3A_1528] {strides = array<i32>} : memref<4x104xi32, #tpu.memory_space<vmem>>, vector<16xi32>,
      tpu.vector_store %arg9[%swap3A_1527, %swap3A_1528], %add3A_1525 {strides = array<i32>} : memref<4x104xi32, #tpu.memory_space<vmem>>, vector<16xi32>,
      %add3A_1530 = arith.constant 16 : i32
      %add3A_1531 = vector.broadcast %add3A_1530 : i32 to vector<16xi32>
      %add3A_1532 = arith.addi %iota3A, %add3A_1531 : vector<16xi32>
      %add3A_1533 = arith.constant 104 : i32
      %add3A_1534 = vector.broadcast %add3A_1533 : i32 to vector<16xi32>
      %add3A_1535 = arith.addi %add3A_1532, %add3A_1534 : vector<16xi32>
      %min3A_1536 = arith.constant 199 : i32
      %min3A_1537 = vector.broadcast %min3A_1536 : i32 to vector<16xi32>
      %min3A_1538 = arith.minsi %add3A_1535, %min3A_1537 : vector<16xi32>
      %mul3A_1539 = arith.constant 1024 : i32
      %mul3A_1540 = vector.broadcast %mul3A_1539 : i32 to vector<16xi32>
      %mul3A_1541 = arith.muli %mul3A_1540, %add3A_1532 : vector<16xi32>
      %add3A_1542 = vector.broadcast %squeeze3A_1502 : i32 to vector<16xi32>
      %add3A_1543 = arith.addi %add3A_1542, %mul3A_1541 : vector<16xi32>
      %swap3A_1544 = arith.constant 2 : i32
      %swap3A_1545 = arith.index_cast %swap3A_1544 : i32 to index
      %swap3A_1546 = arith.constant 16 : index
      %swap3A_1547 = tpu.vector_load %arg9[%swap3A_1545, %swap3A_1546] {strides = array<i32>} : memref<4x104xi32, #tpu.memory_space<vmem>>, vector<16xi32>,
      tpu.vector_store %arg9[%swap3A_1545, %swap3A_1546], %add3A_1543 {strides = array<i32>} : memref<4x104xi32, #tpu.memory_space<vmem>>, vector<16xi32>,
      %mul3A_1548 = arith.constant 1024 : i32
      %mul3A_1549 = vector.broadcast %mul3A_1548 : i32 to vector<16xi32>
      %mul3A_1550 = arith.muli %mul3A_1549, %min3A_1538 : vector<16xi32>
      %add3A_1551 = vector.broadcast %squeeze3A_1502 : i32 to vector<16xi32>
      %add3A_1552 = arith.addi %add3A_1551, %mul3A_1550 : vector<16xi32>
      %swap3A_1553 = arith.constant 3 : i32
      %swap3A_1554 = arith.index_cast %swap3A_1553 : i32 to index
      %swap3A_1555 = arith.constant 16 : index
      %swap3A_1556 = tpu.vector_load %arg9[%swap3A_1554, %swap3A_1555] {strides = array<i32>} : memref<4x104xi32, #tpu.memory_space<vmem>>, vector<16xi32>,
      tpu.vector_store %arg9[%swap3A_1554, %swap3A_1555], %add3A_1552 {strides = array<i32>} : memref<4x104xi32, #tpu.memory_space<vmem>>, vector<16xi32>,
      %add3A_1557 = arith.constant 32 : i32
      %add3A_1558 = vector.broadcast %add3A_1557 : i32 to vector<16xi32>
      %add3A_1559 = arith.addi %iota3A, %add3A_1558 : vector<16xi32>
      %add3A_1560 = arith.constant 104 : i32
      %add3A_1561 = vector.broadcast %add3A_1560 : i32 to vector<16xi32>
      %add3A_1562 = arith.addi %add3A_1559, %add3A_1561 : vector<16xi32>
      %min3A_1563 = arith.constant 199 : i32
      %min3A_1564 = vector.broadcast %min3A_1563 : i32 to vector<16xi32>
      %min3A_1565 = arith.minsi %add3A_1562, %min3A_1564 : vector<16xi32>
      %mul3A_1566 = arith.constant 1024 : i32
      %mul3A_1567 = vector.broadcast %mul3A_1566 : i32 to vector<16xi32>
      %mul3A_1568 = arith.muli %mul3A_1567, %add3A_1559 : vector<16xi32>
      %add3A_1569 = vector.broadcast %squeeze3A_1502 : i32 to vector<16xi32>
      %add3A_1570 = arith.addi %add3A_1569, %mul3A_1568 : vector<16xi32>
      %swap3A_1571 = arith.constant 2 : i32
      %swap3A_1572 = arith.index_cast %swap3A_1571 : i32 to index
      %swap3A_1573 = arith.constant 32 : index
      %swap3A_1574 = tpu.vector_load %arg9[%swap3A_1572, %swap3A_1573] {strides = array<i32>} : memref<4x104xi32, #tpu.memory_space<vmem>>, vector<16xi32>,
      tpu.vector_store %arg9[%swap3A_1572, %swap3A_1573], %add3A_1570 {strides = array<i32>} : memref<4x104xi32, #tpu.memory_space<vmem>>, vector<16xi32>,
      %mul3A_1575 = arith.constant 1024 : i32
      %mul3A_1576 = vector.broadcast %mul3A_1575 : i32 to vector<16xi32>
      %mul3A_1577 = arith.muli %mul3A_1576, %min3A_1565 : vector<16xi32>
      %add3A_1578 = vector.broadcast %squeeze3A_1502 : i32 to vector<16xi32>
      %add3A_1579 = arith.addi %add3A_1578, %mul3A_1577 : vector<16xi32>
      %swap3A_1580 = arith.constant 3 : i32
      %swap3A_1581 = arith.index_cast %swap3A_1580 : i32 to index
      %swap3A_1582 = arith.constant 32 : index
      %swap3A_1583 = tpu.vector_load %arg9[%swap3A_1581, %swap3A_1582] {strides = array<i32>} : memref<4x104xi32, #tpu.memory_space<vmem>>, vector<16xi32>,
      tpu.vector_store %arg9[%swap3A_1581, %swap3A_1582], %add3A_1579 {strides = array<i32>} : memref<4x104xi32, #tpu.memory_space<vmem>>, vector<16xi32>,
      %add3A_1584 = arith.constant 48 : i32
      %add3A_1585 = vector.broadcast %add3A_1584 : i32 to vector<16xi32>
      %add3A_1586 = arith.addi %iota3A, %add3A_1585 : vector<16xi32>
      %add3A_1587 = arith.constant 104 : i32
      %add3A_1588 = vector.broadcast %add3A_1587 : i32 to vector<16xi32>
      %add3A_1589 = arith.addi %add3A_1586, %add3A_1588 : vector<16xi32>
      %min3A_1590 = arith.constant 199 : i32
      %min3A_1591 = vector.broadcast %min3A_1590 : i32 to vector<16xi32>
      %min3A_1592 = arith.minsi %add3A_1589, %min3A_1591 : vector<16xi32>
      %mul3A_1593 = arith.constant 1024 : i32
      %mul3A_1594 = vector.broadcast %mul3A_1593 : i32 to vector<16xi32>
      %mul3A_1595 = arith.muli %mul3A_1594, %add3A_1586 : vector<16xi32>
      %add3A_1596 = vector.broadcast %squeeze3A_1502 : i32 to vector<16xi32>
      %add3A_1597 = arith.addi %add3A_1596, %mul3A_1595 : vector<16xi32>
      %swap3A_1598 = arith.constant 2 : i32
      %swap3A_1599 = arith.index_cast %swap3A_1598 : i32 to index
      %swap3A_1600 = arith.constant 48 : index
      %swap3A_1601 = tpu.vector_load %arg9[%swap3A_1599, %swap3A_1600] {strides = array<i32>} : memref<4x104xi32, #tpu.memory_space<vmem>>, vector<16xi32>,
      tpu.vector_store %arg9[%swap3A_1599, %swap3A_1600], %add3A_1597 {strides = array<i32>} : memref<4x104xi32, #tpu.memory_space<vmem>>, vector<16xi32>,
      %mul3A_1602 = arith.constant 1024 : i32
      %mul3A_1603 = vector.broadcast %mul3A_1602 : i32 to vector<16xi32>
      %mul3A_1604 = arith.muli %mul3A_1603, %min3A_1592 : vector<16xi32>
      %add3A_1605 = vector.broadcast %squeeze3A_1502 : i32 to vector<16xi32>
      %add3A_1606 = arith.addi %add3A_1605, %mul3A_1604 : vector<16xi32>
      %swap3A_1607 = arith.constant 3 : i32
      %swap3A_1608 = arith.index_cast %swap3A_1607 : i32 to index
      %swap3A_1609 = arith.constant 48 : index
      %swap3A_1610 = tpu.vector_load %arg9[%swap3A_1608, %swap3A_1609] {strides = array<i32>} : memref<4x104xi32, #tpu.memory_space<vmem>>, vector<16xi32>,
      tpu.vector_store %arg9[%swap3A_1608, %swap3A_1609], %add3A_1606 {strides = array<i32>} : memref<4x104xi32, #tpu.memory_space<vmem>>, vector<16xi32>,
      %add3A_1611 = arith.constant 64 : i32
      %add3A_1612 = vector.broadcast %add3A_1611 : i32 to vector<16xi32>
      %add3A_1613 = arith.addi %iota3A, %add3A_1612 : vector<16xi32>
      %add3A_1614 = arith.constant 104 : i32
      %add3A_1615 = vector.broadcast %add3A_1614 : i32 to vector<16xi32>
      %add3A_1616 = arith.addi %add3A_1613, %add3A_1615 : vector<16xi32>
      %min3A_1617 = arith.constant 199 : i32
      %min3A_1618 = vector.broadcast %min3A_1617 : i32 to vector<16xi32>
      %min3A_1619 = arith.minsi %add3A_1616, %min3A_1618 : vector<16xi32>
      %mul3A_1620 = arith.constant 1024 : i32
      %mul3A_1621 = vector.broadcast %mul3A_1620 : i32 to vector<16xi32>
      %mul3A_1622 = arith.muli %mul3A_1621, %add3A_1613 : vector<16xi32>
      %add3A_1623 = vector.broadcast %squeeze3A_1502 : i32 to vector<16xi32>
      %add3A_1624 = arith.addi %add3A_1623, %mul3A_1622 : vector<16xi32>
      %swap3A_1625 = arith.constant 2 : i32
      %swap3A_1626 = arith.index_cast %swap3A_1625 : i32 to index
      %swap3A_1627 = arith.constant 64 : index
      %swap3A_1628 = tpu.vector_load %arg9[%swap3A_1626, %swap3A_1627] {strides = array<i32>} : memref<4x104xi32, #tpu.memory_space<vmem>>, vector<16xi32>,
      tpu.vector_store %arg9[%swap3A_1626, %swap3A_1627], %add3A_1624 {strides = array<i32>} : memref<4x104xi32, #tpu.memory_space<vmem>>, vector<16xi32>,
      %mul3A_1629 = arith.constant 1024 : i32
      %mul3A_1630 = vector.broadcast %mul3A_1629 : i32 to vector<16xi32>
      %mul3A_1631 = arith.muli %mul3A_1630, %min3A_1619 : vector<16xi32>
      %add3A_1632 = vector.broadcast %squeeze3A_1502 : i32 to vector<16xi32>
      %add3A_1633 = arith.addi %add3A_1632, %mul3A_1631 : vector<16xi32>
      %swap3A_1634 = arith.constant 3 : i32
      %swap3A_1635 = arith.index_cast %swap3A_1634 : i32 to index
      %swap3A_1636 = arith.constant 64 : index
      %swap3A_1637 = tpu.vector_load %arg9[%swap3A_1635, %swap3A_1636] {strides = array<i32>} : memref<4x104xi32, #tpu.memory_space<vmem>>, vector<16xi32>,
      tpu.vector_store %arg9[%swap3A_1635, %swap3A_1636], %add3A_1633 {strides = array<i32>} : memref<4x104xi32, #tpu.memory_space<vmem>>, vector<16xi32>,
      %add3A_1638 = arith.constant 80 : i32
      %add3A_1639 = vector.broadcast %add3A_1638 : i32 to vector<16xi32>
      %add3A_1640 = arith.addi %iota3A, %add3A_1639 : vector<16xi32>
      %add3A_1641 = arith.constant 104 : i32
      %add3A_1642 = vector.broadcast %add3A_1641 : i32 to vector<16xi32>
      %add3A_1643 = arith.addi %add3A_1640, %add3A_1642 : vector<16xi32>
      %min3A_1644 = arith.constant 199 : i32
      %min3A_1645 = vector.broadcast %min3A_1644 : i32 to vector<16xi32>
      %min3A_1646 = arith.minsi %add3A_1643, %min3A_1645 : vector<16xi32>
      %mul3A_1647 = arith.constant 1024 : i32
      %mul3A_1648 = vector.broadcast %mul3A_1647 : i32 to vector<16xi32>
      %mul3A_1649 = arith.muli %mul3A_1648, %add3A_1640 : vector<16xi32>
      %add3A_1650 = vector.broadcast %squeeze3A_1502 : i32 to vector<16xi32>
      %add3A_1651 = arith.addi %add3A_1650, %mul3A_1649 : vector<16xi32>
      %swap3A_1652 = arith.constant 2 : i32
      %swap3A_1653 = arith.index_cast %swap3A_1652 : i32 to index
      %swap3A_1654 = arith.constant 80 : index
      %swap3A_1655 = tpu.vector_load %arg9[%swap3A_1653, %swap3A_1654] {strides = array<i32>} : memref<4x104xi32, #tpu.memory_space<vmem>>, vector<16xi32>,
      tpu.vector_store %arg9[%swap3A_1653, %swap3A_1654], %add3A_1651 {strides = array<i32>} : memref<4x104xi32, #tpu.memory_space<vmem>>, vector<16xi32>,
      %mul3A_1656 = arith.constant 1024 : i32
      %mul3A_1657 = vector.broadcast %mul3A_1656 : i32 to vector<16xi32>
      %mul3A_1658 = arith.muli %mul3A_1657, %min3A_1646 : vector<16xi32>
      %add3A_1659 = vector.broadcast %squeeze3A_1502 : i32 to vector<16xi32>
      %add3A_1660 = arith.addi %add3A_1659, %mul3A_1658 : vector<16xi32>
      %swap3A_1661 = arith.constant 3 : i32
      %swap3A_1662 = arith.index_cast %swap3A_1661 : i32 to index
      %swap3A_1663 = arith.constant 80 : index
      %swap3A_1664 = tpu.vector_load %arg9[%swap3A_1662, %swap3A_1663] {strides = array<i32>} : memref<4x104xi32, #tpu.memory_space<vmem>>, vector<16xi32>,
      tpu.vector_store %arg9[%swap3A_1662, %swap3A_1663], %add3A_1660 {strides = array<i32>} : memref<4x104xi32, #tpu.memory_space<vmem>>, vector<16xi32>,
      %add3A_1665 = arith.constant 88 : i32
      %add3A_1666 = vector.broadcast %add3A_1665 : i32 to vector<16xi32>
      %add3A_1667 = arith.addi %iota3A, %add3A_1666 : vector<16xi32>
      %add3A_1668 = arith.constant 104 : i32
      %add3A_1669 = vector.broadcast %add3A_1668 : i32 to vector<16xi32>
      %add3A_1670 = arith.addi %add3A_1667, %add3A_1669 : vector<16xi32>
      %min3A_1671 = arith.constant 199 : i32
      %min3A_1672 = vector.broadcast %min3A_1671 : i32 to vector<16xi32>
      %min3A_1673 = arith.minsi %add3A_1670, %min3A_1672 : vector<16xi32>
      %mul3A_1674 = arith.constant 1024 : i32
      %mul3A_1675 = vector.broadcast %mul3A_1674 : i32 to vector<16xi32>
      %mul3A_1676 = arith.muli %mul3A_1675, %add3A_1667 : vector<16xi32>
      %add3A_1677 = vector.broadcast %squeeze3A_1502 : i32 to vector<16xi32>
      %add3A_1678 = arith.addi %add3A_1677, %mul3A_1676 : vector<16xi32>
      %swap3A_1679 = arith.constant 2 : i32
      %swap3A_1680 = arith.index_cast %swap3A_1679 : i32 to index
      %swap3A_1681 = arith.constant 88 : index
      %swap3A_1682 = tpu.vector_load %arg9[%swap3A_1680, %swap3A_1681] {strides = array<i32>} : memref<4x104xi32, #tpu.memory_space<vmem>>, vector<16xi32>,
      tpu.vector_store %arg9[%swap3A_1680, %swap3A_1681], %add3A_1678 {strides = array<i32>} : memref<4x104xi32, #tpu.memory_space<vmem>>, vector<16xi32>,
      %mul3A_1683 = arith.constant 1024 : i32
      %mul3A_1684 = vector.broadcast %mul3A_1683 : i32 to vector<16xi32>
      %mul3A_1685 = arith.muli %mul3A_1684, %min3A_1673 : vector<16xi32>
      %add3A_1686 = vector.broadcast %squeeze3A_1502 : i32 to vector<16xi32>
      %add3A_1687 = arith.addi %add3A_1686, %mul3A_1685 : vector<16xi32>
      %swap3A_1688 = arith.constant 3 : i32
      %swap3A_1689 = arith.index_cast %swap3A_1688 : i32 to index
      %swap3A_1690 = arith.constant 88 : index
      %swap3A_1691 = tpu.vector_load %arg9[%swap3A_1689, %swap3A_1690] {strides = array<i32>} : memref<4x104xi32, #tpu.memory_space<vmem>>, vector<16xi32>,
      tpu.vector_store %arg9[%swap3A_1689, %swap3A_1690], %add3A_1687 {strides = array<i32>} : memref<4x104xi32, #tpu.memory_space<vmem>>, vector<16xi32>,
      %dma_start3A_1692 = arith.constant 2 : i32
      %dma_start3A_1693 = arith.constant 1 : i32
      %dma_start3A_1694 = arith.constant 1 : i32
      %dma_start3A_1695 = arith.constant 0 : i32
      %dma_start3A_1696 = tpu.memref_slice %arg10[%dma_start3A_1693, %dma_start3A_1695] : memref<2x104xi32, #tpu.memory_space<vmem>> -> memref<1x104xi32, #tpu.memory_space<vmem>>
      %dma_start3A_1697 = tpu.memref_squeeze %dma_start3A_1696 : memref<1x104xi32, #tpu.memory_space<vmem>> -> memref<104xi32, #tpu.memory_space<vmem>>
      %dma_start3A_1698 = arith.constant 0 : i32
      %dma_start3A_1699 = tpu.memref_slice %arg9[%dma_start3A_1692, %dma_start3A_1698] : memref<4x104xi32, #tpu.memory_space<vmem>> -> memref<1x104xi32, #tpu.memory_space<vmem>>
      %dma_start3A_1700 = tpu.memref_squeeze %dma_start3A_1699 : memref<1x104xi32, #tpu.memory_space<vmem>> -> memref<104xi32, #tpu.memory_space<vmem>>
      %dma_start3A_1701 = arith.constant 0 : i32
      %dma_start3A_1702 = tpu.memref_slice %arg2[%dma_start3A_1701] : memref<204800xi32, #tpu.memory_space<hbm>> -> memref<204800xi32, #tpu.memory_space<hbm>>
      %dma_start3A_1703 = tpu.memref_slice %arg17[%dma_start3A_1694] : memref<2x!tpu.dma_semaphore, #tpu.memory_space<semaphore_mem>> -> memref<1x!tpu.dma_semaphore, #tpu.memory_space<semaphore_mem>>
      %dma_start3A_1704 = tpu.memref_squeeze %dma_start3A_1703 : memref<1x!tpu.dma_semaphore, #tpu.memory_space<semaphore_mem>> -> memref<!tpu.dma_semaphore, #tpu.memory_space<semaphore_mem>>
      tpu.enqueue_indirect_dma source(%dma_start3A_1702 : memref<204800xi32, #tpu.memory_space<hbm>>) target(%dma_start3A_1697 : memref<104xi32, #tpu.memory_space<vmem>>) offsets(%dma_start3A_1700 : memref<104xi32, #tpu.memory_space<vmem>>) semaphore(%dma_start3A_1704 : memref<!tpu.dma_semaphore, #tpu.memory_space<semaphore_mem>>)
      %dma_start3A_1705 = arith.constant 3 : i32
      %dma_start3A_1706 = arith.constant 1 : i32
      %dma_start3A_1707 = arith.constant 1 : i32
      %dma_start3A_1708 = arith.constant 0 : i32
      %dma_start3A_1709 = tpu.memref_slice %arg11[%dma_start3A_1706, %dma_start3A_1708] : memref<2x104xi32, #tpu.memory_space<vmem>> -> memref<1x104xi32, #tpu.memory_space<vmem>>
      %dma_start3A_1710 = tpu.memref_squeeze %dma_start3A_1709 : memref<1x104xi32, #tpu.memory_space<vmem>> -> memref<104xi32, #tpu.memory_space<vmem>>
      %dma_start3A_1711 = arith.constant 0 : i32
      %dma_start3A_1712 = tpu.memref_slice %arg9[%dma_start3A_1705, %dma_start3A_1711] : memref<4x104xi32, #tpu.memory_space<vmem>> -> memref<1x104xi32, #tpu.memory_space<vmem>>
      %dma_start3A_1713 = tpu.memref_squeeze %dma_start3A_1712 : memref<1x104xi32, #tpu.memory_space<vmem>> -> memref<104xi32, #tpu.memory_space<vmem>>
      %dma_start3A_1714 = arith.constant 0 : i32
      %dma_start3A_1715 = tpu.memref_slice %arg2[%dma_start3A_1714] : memref<204800xi32, #tpu.memory_space<hbm>> -> memref<204800xi32, #tpu.memory_space<hbm>>
      %dma_start3A_1716 = tpu.memref_slice %arg17[%dma_start3A_1707] : memref<2x!tpu.dma_semaphore, #tpu.memory_space<semaphore_mem>> -> memref<1x!tpu.dma_semaphore, #tpu.memory_space<semaphore_mem>>
      %dma_start3A_1717 = tpu.memref_squeeze %dma_start3A_1716 : memref<1x!tpu.dma_semaphore, #tpu.memory_space<semaphore_mem>> -> memref<!tpu.dma_semaphore, #tpu.memory_space<semaphore_mem>>
      tpu.enqueue_indirect_dma source(%dma_start3A_1715 : memref<204800xi32, #tpu.memory_space<hbm>>) target(%dma_start3A_1710 : memref<104xi32, #tpu.memory_space<vmem>>) offsets(%dma_start3A_1713 : memref<104xi32, #tpu.memory_space<vmem>>) semaphore(%dma_start3A_1717 : memref<!tpu.dma_semaphore, #tpu.memory_space<semaphore_mem>>)
      %get3A_1718 = arith.constant 1 : i32
      %get3A_1719 = arith.index_cast %get3A_1718 : i32 to index
      %get3A_1720 = arith.constant 0 : index
      %get3A_1721 = tpu.vector_load %arg13[%get3A_1719, %get3A_1720] {strides = array<i32>} : memref<2x208xf32, #tpu.memory_space<vmem>>, vector<16xf32>,
      %add3A_1722 = arith.constant 0 : i32
      %add3A_1723 = vector.broadcast %add3A_1722 : i32 to vector<16xi32>
      %add3A_1724 = arith.addi %iota3A, %add3A_1723 : vector<16xi32>
      %lt3A_1725 = arith.constant 200 : i32
      %lt3A_1726 = vector.broadcast %lt3A_1725 : i32 to vector<16xi32>
      %lt3A_1727 = arith.cmpi slt, %add3A_1724, %lt3A_1726 : vector<16xi32>
      %jit3A_1728 = arith.constant -1.000000e+30 : f32
      %broadcast_in_dim3A_1729 = vector.broadcast %jit3A_1728 : f32 to vector<16xf32>
      %select_n3A_1730 = arith.select %lt3A_1727, %get3A_1721, %broadcast_in_dim3A_1729 : vector<16xi1>, vector<16xf32>
      %get3A_1731 = arith.constant 1 : i32
      %get3A_1732 = arith.index_cast %get3A_1731 : i32 to index
      %get3A_1733 = arith.constant 16 : index
      %get3A_1734 = tpu.vector_load %arg13[%get3A_1732, %get3A_1733] {strides = array<i32>} : memref<2x208xf32, #tpu.memory_space<vmem>>, vector<16xf32>,
      %add3A_1735 = arith.constant 16 : i32
      %add3A_1736 = vector.broadcast %add3A_1735 : i32 to vector<16xi32>
      %add3A_1737 = arith.addi %iota3A, %add3A_1736 : vector<16xi32>
      %lt3A_1738 = arith.constant 200 : i32
      %lt3A_1739 = vector.broadcast %lt3A_1738 : i32 to vector<16xi32>
      %lt3A_1740 = arith.cmpi slt, %add3A_1737, %lt3A_1739 : vector<16xi32>
      %jit3A_1741 = arith.constant -1.000000e+30 : f32
      %broadcast_in_dim3A_1742 = vector.broadcast %jit3A_1741 : f32 to vector<16xf32>
      %select_n3A_1743 = arith.select %lt3A_1740, %get3A_1734, %broadcast_in_dim3A_1742 : vector<16xi1>, vector<16xf32>
      %get3A_1744 = arith.constant 1 : i32
      %get3A_1745 = arith.index_cast %get3A_1744 : i32 to index
      %get3A_1746 = arith.constant 32 : index
      %get3A_1747 = tpu.vector_load %arg13[%get3A_1745, %get3A_1746] {strides = array<i32>} : memref<2x208xf32, #tpu.memory_space<vmem>>, vector<16xf32>,
      %add3A_1748 = arith.constant 32 : i32
      %add3A_1749 = vector.broadcast %add3A_1748 : i32 to vector<16xi32>
      %add3A_1750 = arith.addi %iota3A, %add3A_1749 : vector<16xi32>
      %lt3A_1751 = arith.constant 200 : i32
      %lt3A_1752 = vector.broadcast %lt3A_1751 : i32 to vector<16xi32>
      %lt3A_1753 = arith.cmpi slt, %add3A_1750, %lt3A_1752 : vector<16xi32>
      %jit3A_1754 = arith.constant -1.000000e+30 : f32
      %broadcast_in_dim3A_1755 = vector.broadcast %jit3A_1754 : f32 to vector<16xf32>
      %select_n3A_1756 = arith.select %lt3A_1753, %get3A_1747, %broadcast_in_dim3A_1755 : vector<16xi1>, vector<16xf32>
      %get3A_1757 = arith.constant 1 : i32
      %get3A_1758 = arith.index_cast %get3A_1757 : i32 to index
      %get3A_1759 = arith.constant 48 : index
      %get3A_1760 = tpu.vector_load %arg13[%get3A_1758, %get3A_1759] {strides = array<i32>} : memref<2x208xf32, #tpu.memory_space<vmem>>, vector<16xf32>,
      %add3A_1761 = arith.constant 48 : i32
      %add3A_1762 = vector.broadcast %add3A_1761 : i32 to vector<16xi32>
      %add3A_1763 = arith.addi %iota3A, %add3A_1762 : vector<16xi32>
      %lt3A_1764 = arith.constant 200 : i32
      %lt3A_1765 = vector.broadcast %lt3A_1764 : i32 to vector<16xi32>
      %lt3A_1766 = arith.cmpi slt, %add3A_1763, %lt3A_1765 : vector<16xi32>
      %jit3A_1767 = arith.constant -1.000000e+30 : f32
      %broadcast_in_dim3A_1768 = vector.broadcast %jit3A_1767 : f32 to vector<16xf32>
      %select_n3A_1769 = arith.select %lt3A_1766, %get3A_1760, %broadcast_in_dim3A_1768 : vector<16xi1>, vector<16xf32>
      %get3A_1770 = arith.constant 1 : i32
      %get3A_1771 = arith.index_cast %get3A_1770 : i32 to index
      %get3A_1772 = arith.constant 64 : index
      %get3A_1773 = tpu.vector_load %arg13[%get3A_1771, %get3A_1772] {strides = array<i32>} : memref<2x208xf32, #tpu.memory_space<vmem>>, vector<16xf32>,
      %add3A_1774 = arith.constant 64 : i32
      %add3A_1775 = vector.broadcast %add3A_1774 : i32 to vector<16xi32>
      %add3A_1776 = arith.addi %iota3A, %add3A_1775 : vector<16xi32>
      %lt3A_1777 = arith.constant 200 : i32
      %lt3A_1778 = vector.broadcast %lt3A_1777 : i32 to vector<16xi32>
      %lt3A_1779 = arith.cmpi slt, %add3A_1776, %lt3A_1778 : vector<16xi32>
      %jit3A_1780 = arith.constant -1.000000e+30 : f32
      %broadcast_in_dim3A_1781 = vector.broadcast %jit3A_1780 : f32 to vector<16xf32>
      %select_n3A_1782 = arith.select %lt3A_1779, %get3A_1773, %broadcast_in_dim3A_1781 : vector<16xi1>, vector<16xf32>
      %get3A_1783 = arith.constant 1 : i32
      %get3A_1784 = arith.index_cast %get3A_1783 : i32 to index
      %get3A_1785 = arith.constant 80 : index
      %get3A_1786 = tpu.vector_load %arg13[%get3A_1784, %get3A_1785] {strides = array<i32>} : memref<2x208xf32, #tpu.memory_space<vmem>>, vector<16xf32>,
      %add3A_1787 = arith.constant 80 : i32
      %add3A_1788 = vector.broadcast %add3A_1787 : i32 to vector<16xi32>
      %add3A_1789 = arith.addi %iota3A, %add3A_1788 : vector<16xi32>
      %lt3A_1790 = arith.constant 200 : i32
      %lt3A_1791 = vector.broadcast %lt3A_1790 : i32 to vector<16xi32>
      %lt3A_1792 = arith.cmpi slt, %add3A_1789, %lt3A_1791 : vector<16xi32>
      %jit3A_1793 = arith.constant -1.000000e+30 : f32
      %broadcast_in_dim3A_1794 = vector.broadcast %jit3A_1793 : f32 to vector<16xf32>
      %select_n3A_1795 = arith.select %lt3A_1792, %get3A_1786, %broadcast_in_dim3A_1794 : vector<16xi1>, vector<16xf32>
      %get3A_1796 = arith.constant 1 : i32
      %get3A_1797 = arith.index_cast %get3A_1796 : i32 to index
      %get3A_1798 = arith.constant 96 : index
      %get3A_1799 = tpu.vector_load %arg13[%get3A_1797, %get3A_1798] {strides = array<i32>} : memref<2x208xf32, #tpu.memory_space<vmem>>, vector<16xf32>,
      %add3A_1800 = arith.constant 96 : i32
      %add3A_1801 = vector.broadcast %add3A_1800 : i32 to vector<16xi32>
      %add3A_1802 = arith.addi %iota3A, %add3A_1801 : vector<16xi32>
      %lt3A_1803 = arith.constant 200 : i32
      %lt3A_1804 = vector.broadcast %lt3A_1803 : i32 to vector<16xi32>
      %lt3A_1805 = arith.cmpi slt, %add3A_1802, %lt3A_1804 : vector<16xi32>
      %jit3A_1806 = arith.constant -1.000000e+30 : f32
      %broadcast_in_dim3A_1807 = vector.broadcast %jit3A_1806 : f32 to vector<16xf32>
      %select_n3A_1808 = arith.select %lt3A_1805, %get3A_1799, %broadcast_in_dim3A_1807 : vector<16xi1>, vector<16xf32>
      %get3A_1809 = arith.constant 1 : i32
      %get3A_1810 = arith.index_cast %get3A_1809 : i32 to index
      %get3A_1811 = arith.constant 112 : index
      %get3A_1812 = tpu.vector_load %arg13[%get3A_1810, %get3A_1811] {strides = array<i32>} : memref<2x208xf32, #tpu.memory_space<vmem>>, vector<16xf32>,
      %add3A_1813 = arith.constant 112 : i32
      %add3A_1814 = vector.broadcast %add3A_1813 : i32 to vector<16xi32>
      %add3A_1815 = arith.addi %iota3A, %add3A_1814 : vector<16xi32>
      %lt3A_1816 = arith.constant 200 : i32
      %lt3A_1817 = vector.broadcast %lt3A_1816 : i32 to vector<16xi32>
      %lt3A_1818 = arith.cmpi slt, %add3A_1815, %lt3A_1817 : vector<16xi32>
      %jit3A_1819 = arith.constant -1.000000e+30 : f32
      %broadcast_in_dim3A_1820 = vector.broadcast %jit3A_1819 : f32 to vector<16xf32>
      %select_n3A_1821 = arith.select %lt3A_1818, %get3A_1812, %broadcast_in_dim3A_1820 : vector<16xi1>, vector<16xf32>
      %get3A_1822 = arith.constant 1 : i32
      %get3A_1823 = arith.index_cast %get3A_1822 : i32 to index
      %get3A_1824 = arith.constant 128 : index
      %get3A_1825 = tpu.vector_load %arg13[%get3A_1823, %get3A_1824] {strides = array<i32>} : memref<2x208xf32, #tpu.memory_space<vmem>>, vector<16xf32>,
      %add3A_1826 = arith.constant 128 : i32
      %add3A_1827 = vector.broadcast %add3A_1826 : i32 to vector<16xi32>
      %add3A_1828 = arith.addi %iota3A, %add3A_1827 : vector<16xi32>
      %lt3A_1829 = arith.constant 200 : i32
      %lt3A_1830 = vector.broadcast %lt3A_1829 : i32 to vector<16xi32>
      %lt3A_1831 = arith.cmpi slt, %add3A_1828, %lt3A_1830 : vector<16xi32>
      %jit3A_1832 = arith.constant -1.000000e+30 : f32
      %broadcast_in_dim3A_1833 = vector.broadcast %jit3A_1832 : f32 to vector<16xf32>
      %select_n3A_1834 = arith.select %lt3A_1831, %get3A_1825, %broadcast_in_dim3A_1833 : vector<16xi1>, vector<16xf32>
      %get3A_1835 = arith.constant 1 : i32
      %get3A_1836 = arith.index_cast %get3A_1835 : i32 to index
      %get3A_1837 = arith.constant 144 : index
      %get3A_1838 = tpu.vector_load %arg13[%get3A_1836, %get3A_1837] {strides = array<i32>} : memref<2x208xf32, #tpu.memory_space<vmem>>, vector<16xf32>,
      %add3A_1839 = arith.constant 144 : i32
      %add3A_1840 = vector.broadcast %add3A_1839 : i32 to vector<16xi32>
      %add3A_1841 = arith.addi %iota3A, %add3A_1840 : vector<16xi32>
      %lt3A_1842 = arith.constant 200 : i32
      %lt3A_1843 = vector.broadcast %lt3A_1842 : i32 to vector<16xi32>
      %lt3A_1844 = arith.cmpi slt, %add3A_1841, %lt3A_1843 : vector<16xi32>
      %jit3A_1845 = arith.constant -1.000000e+30 : f32
      %broadcast_in_dim3A_1846 = vector.broadcast %jit3A_1845 : f32 to vector<16xf32>
      %select_n3A_1847 = arith.select %lt3A_1844, %get3A_1838, %broadcast_in_dim3A_1846 : vector<16xi1>, vector<16xf32>
      %get3A_1848 = arith.constant 1 : i32
      %get3A_1849 = arith.index_cast %get3A_1848 : i32 to index
      %get3A_1850 = arith.constant 160 : index
      %get3A_1851 = tpu.vector_load %arg13[%get3A_1849, %get3A_1850] {strides = array<i32>} : memref<2x208xf32, #tpu.memory_space<vmem>>, vector<16xf32>,
      %add3A_1852 = arith.constant 160 : i32
      %add3A_1853 = vector.broadcast %add3A_1852 : i32 to vector<16xi32>
      %add3A_1854 = arith.addi %iota3A, %add3A_1853 : vector<16xi32>
      %lt3A_1855 = arith.constant 200 : i32
      %lt3A_1856 = vector.broadcast %lt3A_1855 : i32 to vector<16xi32>
      %lt3A_1857 = arith.cmpi slt, %add3A_1854, %lt3A_1856 : vector<16xi32>
      %jit3A_1858 = arith.constant -1.000000e+30 : f32
      %broadcast_in_dim3A_1859 = vector.broadcast %jit3A_1858 : f32 to vector<16xf32>
      %select_n3A_1860 = arith.select %lt3A_1857, %get3A_1851, %broadcast_in_dim3A_1859 : vector<16xi1>, vector<16xf32>
      %get3A_1861 = arith.constant 1 : i32
      %get3A_1862 = arith.index_cast %get3A_1861 : i32 to index
      %get3A_1863 = arith.constant 176 : index
      %get3A_1864 = tpu.vector_load %arg13[%get3A_1862, %get3A_1863] {strides = array<i32>} : memref<2x208xf32, #tpu.memory_space<vmem>>, vector<16xf32>,
      %add3A_1865 = arith.constant 176 : i32
      %add3A_1866 = vector.broadcast %add3A_1865 : i32 to vector<16xi32>
      %add3A_1867 = arith.addi %iota3A, %add3A_1866 : vector<16xi32>
      %lt3A_1868 = arith.constant 200 : i32
      %lt3A_1869 = vector.broadcast %lt3A_1868 : i32 to vector<16xi32>
      %lt3A_1870 = arith.cmpi slt, %add3A_1867, %lt3A_1869 : vector<16xi32>
      %jit3A_1871 = arith.constant -1.000000e+30 : f32
      %broadcast_in_dim3A_1872 = vector.broadcast %jit3A_1871 : f32 to vector<16xf32>
      %select_n3A_1873 = arith.select %lt3A_1870, %get3A_1864, %broadcast_in_dim3A_1872 : vector<16xi1>, vector<16xf32>
      %get3A_1874 = arith.constant 1 : i32
      %get3A_1875 = arith.index_cast %get3A_1874 : i32 to index
      %get3A_1876 = arith.constant 192 : index
      %get3A_1877 = tpu.vector_load %arg13[%get3A_1875, %get3A_1876] {strides = array<i32>} : memref<2x208xf32, #tpu.memory_space<vmem>>, vector<16xf32>,
      %add3A_1878 = arith.constant 192 : i32
      %add3A_1879 = vector.broadcast %add3A_1878 : i32 to vector<16xi32>
      %add3A_1880 = arith.addi %iota3A, %add3A_1879 : vector<16xi32>
      %lt3A_1881 = arith.constant 200 : i32
      %lt3A_1882 = vector.broadcast %lt3A_1881 : i32 to vector<16xi32>
      %lt3A_1883 = arith.cmpi slt, %add3A_1880, %lt3A_1882 : vector<16xi32>
      %jit3A_1884 = arith.constant -1.000000e+30 : f32
      %broadcast_in_dim3A_1885 = vector.broadcast %jit3A_1884 : f32 to vector<16xf32>
      %select_n3A_1886 = arith.select %lt3A_1883, %get3A_1877, %broadcast_in_dim3A_1885 : vector<16xi1>, vector<16xf32>
      %max3A_1887 = arith.maximumf %select_n3A_1730, %select_n3A_1743 : vector<16xf32>
      %max3A_1888 = arith.maximumf %max3A_1887, %select_n3A_1756 : vector<16xf32>
      %max3A_1889 = arith.maximumf %max3A_1888, %select_n3A_1769 : vector<16xf32>
      %max3A_1890 = arith.maximumf %max3A_1889, %select_n3A_1782 : vector<16xf32>
      %max3A_1891 = arith.maximumf %max3A_1890, %select_n3A_1795 : vector<16xf32>
      %max3A_1892 = arith.maximumf %max3A_1891, %select_n3A_1808 : vector<16xf32>
      %max3A_1893 = arith.maximumf %max3A_1892, %select_n3A_1821 : vector<16xf32>
      %max3A_1894 = arith.maximumf %max3A_1893, %select_n3A_1834 : vector<16xf32>
      %max3A_1895 = arith.maximumf %max3A_1894, %select_n3A_1847 : vector<16xf32>
      %max3A_1896 = arith.maximumf %max3A_1895, %select_n3A_1860 : vector<16xf32>
      %max3A_1897 = arith.maximumf %max3A_1896, %select_n3A_1873 : vector<16xf32>
      %max3A_1898 = arith.maximumf %max3A_1897, %select_n3A_1886 : vector<16xf32>
      %reduce_max3A_1899 = arith.constant true
      %reduce_max3A_1900 = vector.broadcast %reduce_max3A_1899 : i1 to vector<16xi1>
      %reduce_max3A_1901 = tpu.scan <max>, %max3A_1898 masked %reduce_max3A_1900 : vector<16xf32>, vector<16xi1> -> vector<16xf32>
      %reduce_max3A_1902 = vector.extract %reduce_max3A_1901[15] : f32 from vector<16xf32>
      %broadcast_in_dim3A_1903 = arith.constant 0.000000e+00 : f32
      %broadcast_in_dim3A_1904 = vector.broadcast %broadcast_in_dim3A_1903 : f32 to vector<16xf32>
      %sub3A_1905 = vector.broadcast %reduce_max3A_1902 : f32 to vector<16xf32>
      %sub3A_1906 = arith.subf %select_n3A_1730, %sub3A_1905 : vector<16xf32>
      %exp3A_1907 = math.exp %sub3A_1906 : vector<16xf32>
      %swap3A_1908 = arith.constant 0 : index
      %swap3A_1909 = tpu.vector_load %arg14[%swap3A_1908] {strides = array<i32>} : memref<208xf32, #tpu.memory_space<vmem>>, vector<16xf32>,
      tpu.vector_store %arg14[%swap3A_1908], %exp3A_1907 {strides = array<i32>} : memref<208xf32, #tpu.memory_space<vmem>>, vector<16xf32>,
      %add3A_1910 = arith.addf %broadcast_in_dim3A_1904, %exp3A_1907 : vector<16xf32>
      %sub3A_1911 = vector.broadcast %reduce_max3A_1902 : f32 to vector<16xf32>
      %sub3A_1912 = arith.subf %select_n3A_1743, %sub3A_1911 : vector<16xf32>
      %exp3A_1913 = math.exp %sub3A_1912 : vector<16xf32>
      %swap3A_1914 = arith.constant 16 : index
      %swap3A_1915 = tpu.vector_load %arg14[%swap3A_1914] {strides = array<i32>} : memref<208xf32, #tpu.memory_space<vmem>>, vector<16xf32>,
      tpu.vector_store %arg14[%swap3A_1914], %exp3A_1913 {strides = array<i32>} : memref<208xf32, #tpu.memory_space<vmem>>, vector<16xf32>,
      %add3A_1916 = arith.addf %add3A_1910, %exp3A_1913 : vector<16xf32>
      %sub3A_1917 = vector.broadcast %reduce_max3A_1902 : f32 to vector<16xf32>
      %sub3A_1918 = arith.subf %select_n3A_1756, %sub3A_1917 : vector<16xf32>
      %exp3A_1919 = math.exp %sub3A_1918 : vector<16xf32>
      %swap3A_1920 = arith.constant 32 : index
      %swap3A_1921 = tpu.vector_load %arg14[%swap3A_1920] {strides = array<i32>} : memref<208xf32, #tpu.memory_space<vmem>>, vector<16xf32>,
      tpu.vector_store %arg14[%swap3A_1920], %exp3A_1919 {strides = array<i32>} : memref<208xf32, #tpu.memory_space<vmem>>, vector<16xf32>,
      %add3A_1922 = arith.addf %add3A_1916, %exp3A_1919 : vector<16xf32>
      %sub3A_1923 = vector.broadcast %reduce_max3A_1902 : f32 to vector<16xf32>
      %sub3A_1924 = arith.subf %select_n3A_1769, %sub3A_1923 : vector<16xf32>
      %exp3A_1925 = math.exp %sub3A_1924 : vector<16xf32>
      %swap3A_1926 = arith.constant 48 : index
      %swap3A_1927 = tpu.vector_load %arg14[%swap3A_1926] {strides = array<i32>} : memref<208xf32, #tpu.memory_space<vmem>>, vector<16xf32>,
      tpu.vector_store %arg14[%swap3A_1926], %exp3A_1925 {strides = array<i32>} : memref<208xf32, #tpu.memory_space<vmem>>, vector<16xf32>,
      %add3A_1928 = arith.addf %add3A_1922, %exp3A_1925 : vector<16xf32>
      %sub3A_1929 = vector.broadcast %reduce_max3A_1902 : f32 to vector<16xf32>
      %sub3A_1930 = arith.subf %select_n3A_1782, %sub3A_1929 : vector<16xf32>
      %exp3A_1931 = math.exp %sub3A_1930 : vector<16xf32>
      %swap3A_1932 = arith.constant 64 : index
      %swap3A_1933 = tpu.vector_load %arg14[%swap3A_1932] {strides = array<i32>} : memref<208xf32, #tpu.memory_space<vmem>>, vector<16xf32>,
      tpu.vector_store %arg14[%swap3A_1932], %exp3A_1931 {strides = array<i32>} : memref<208xf32, #tpu.memory_space<vmem>>, vector<16xf32>,
      %add3A_1934 = arith.addf %add3A_1928, %exp3A_1931 : vector<16xf32>
      %sub3A_1935 = vector.broadcast %reduce_max3A_1902 : f32 to vector<16xf32>
      %sub3A_1936 = arith.subf %select_n3A_1795, %sub3A_1935 : vector<16xf32>
      %exp3A_1937 = math.exp %sub3A_1936 : vector<16xf32>
      %swap3A_1938 = arith.constant 80 : index
      %swap3A_1939 = tpu.vector_load %arg14[%swap3A_1938] {strides = array<i32>} : memref<208xf32, #tpu.memory_space<vmem>>, vector<16xf32>,
      tpu.vector_store %arg14[%swap3A_1938], %exp3A_1937 {strides = array<i32>} : memref<208xf32, #tpu.memory_space<vmem>>, vector<16xf32>,
      %add3A_1940 = arith.addf %add3A_1934, %exp3A_1937 : vector<16xf32>
      %sub3A_1941 = vector.broadcast %reduce_max3A_1902 : f32 to vector<16xf32>
      %sub3A_1942 = arith.subf %select_n3A_1808, %sub3A_1941 : vector<16xf32>
      %exp3A_1943 = math.exp %sub3A_1942 : vector<16xf32>
      %swap3A_1944 = arith.constant 96 : index
      %swap3A_1945 = tpu.vector_load %arg14[%swap3A_1944] {strides = array<i32>} : memref<208xf32, #tpu.memory_space<vmem>>, vector<16xf32>,
      tpu.vector_store %arg14[%swap3A_1944], %exp3A_1943 {strides = array<i32>} : memref<208xf32, #tpu.memory_space<vmem>>, vector<16xf32>,
      %add3A_1946 = arith.addf %add3A_1940, %exp3A_1943 : vector<16xf32>
      %sub3A_1947 = vector.broadcast %reduce_max3A_1902 : f32 to vector<16xf32>
      %sub3A_1948 = arith.subf %select_n3A_1821, %sub3A_1947 : vector<16xf32>
      %exp3A_1949 = math.exp %sub3A_1948 : vector<16xf32>
      %swap3A_1950 = arith.constant 112 : index
      %swap3A_1951 = tpu.vector_load %arg14[%swap3A_1950] {strides = array<i32>} : memref<208xf32, #tpu.memory_space<vmem>>, vector<16xf32>,
      tpu.vector_store %arg14[%swap3A_1950], %exp3A_1949 {strides = array<i32>} : memref<208xf32, #tpu.memory_space<vmem>>, vector<16xf32>,
      %add3A_1952 = arith.addf %add3A_1946, %exp3A_1949 : vector<16xf32>
      %sub3A_1953 = vector.broadcast %reduce_max3A_1902 : f32 to vector<16xf32>
      %sub3A_1954 = arith.subf %select_n3A_1834, %sub3A_1953 : vector<16xf32>
      %exp3A_1955 = math.exp %sub3A_1954 : vector<16xf32>
      %swap3A_1956 = arith.constant 128 : index
      %swap3A_1957 = tpu.vector_load %arg14[%swap3A_1956] {strides = array<i32>} : memref<208xf32, #tpu.memory_space<vmem>>, vector<16xf32>,
      tpu.vector_store %arg14[%swap3A_1956], %exp3A_1955 {strides = array<i32>} : memref<208xf32, #tpu.memory_space<vmem>>, vector<16xf32>,
      %add3A_1958 = arith.addf %add3A_1952, %exp3A_1955 : vector<16xf32>
      %sub3A_1959 = vector.broadcast %reduce_max3A_1902 : f32 to vector<16xf32>
      %sub3A_1960 = arith.subf %select_n3A_1847, %sub3A_1959 : vector<16xf32>
      %exp3A_1961 = math.exp %sub3A_1960 : vector<16xf32>
      %swap3A_1962 = arith.constant 144 : index
      %swap3A_1963 = tpu.vector_load %arg14[%swap3A_1962] {strides = array<i32>} : memref<208xf32, #tpu.memory_space<vmem>>, vector<16xf32>,
      tpu.vector_store %arg14[%swap3A_1962], %exp3A_1961 {strides = array<i32>} : memref<208xf32, #tpu.memory_space<vmem>>, vector<16xf32>,
      %add3A_1964 = arith.addf %add3A_1958, %exp3A_1961 : vector<16xf32>
      %sub3A_1965 = vector.broadcast %reduce_max3A_1902 : f32 to vector<16xf32>
      %sub3A_1966 = arith.subf %select_n3A_1860, %sub3A_1965 : vector<16xf32>
      %exp3A_1967 = math.exp %sub3A_1966 : vector<16xf32>
      %swap3A_1968 = arith.constant 160 : index
      %swap3A_1969 = tpu.vector_load %arg14[%swap3A_1968] {strides = array<i32>} : memref<208xf32, #tpu.memory_space<vmem>>, vector<16xf32>,
      tpu.vector_store %arg14[%swap3A_1968], %exp3A_1967 {strides = array<i32>} : memref<208xf32, #tpu.memory_space<vmem>>, vector<16xf32>,
      %add3A_1970 = arith.addf %add3A_1964, %exp3A_1967 : vector<16xf32>
      %sub3A_1971 = vector.broadcast %reduce_max3A_1902 : f32 to vector<16xf32>
      %sub3A_1972 = arith.subf %select_n3A_1873, %sub3A_1971 : vector<16xf32>
      %exp3A_1973 = math.exp %sub3A_1972 : vector<16xf32>
      %swap3A_1974 = arith.constant 176 : index
      %swap3A_1975 = tpu.vector_load %arg14[%swap3A_1974] {strides = array<i32>} : memref<208xf32, #tpu.memory_space<vmem>>, vector<16xf32>,
      tpu.vector_store %arg14[%swap3A_1974], %exp3A_1973 {strides = array<i32>} : memref<208xf32, #tpu.memory_space<vmem>>, vector<16xf32>,
      %add3A_1976 = arith.addf %add3A_1970, %exp3A_1973 : vector<16xf32>
      %sub3A_1977 = vector.broadcast %reduce_max3A_1902 : f32 to vector<16xf32>
      %sub3A_1978 = arith.subf %select_n3A_1886, %sub3A_1977 : vector<16xf32>
      %exp3A_1979 = math.exp %sub3A_1978 : vector<16xf32>
      %swap3A_1980 = arith.constant 192 : index
      %swap3A_1981 = tpu.vector_load %arg14[%swap3A_1980] {strides = array<i32>} : memref<208xf32, #tpu.memory_space<vmem>>, vector<16xf32>,
      tpu.vector_store %arg14[%swap3A_1980], %exp3A_1979 {strides = array<i32>} : memref<208xf32, #tpu.memory_space<vmem>>, vector<16xf32>,
      %add3A_1982 = arith.addf %add3A_1976, %exp3A_1979 : vector<16xf32>
      %reduce_sum3A_1983 = arith.constant true
      %reduce_sum3A_1984 = vector.broadcast %reduce_sum3A_1983 : i1 to vector<16xi1>
      %reduce_sum3A_1985 = tpu.scan <sum>, %add3A_1982 masked %reduce_sum3A_1984 : vector<16xf32>, vector<16xi1> -> vector<16xf32>
      %reduce_sum3A_1986 = vector.extract %reduce_sum3A_1985[15] : f32 from vector<16xf32>
      %broadcast_in_dim3A_1987 = arith.constant 0.000000e+00 : f32
      %broadcast_in_dim3A_1988 = vector.broadcast %broadcast_in_dim3A_1987 : f32 to vector<16xf32>
      %scan3A_1989 = arith.constant 0 : i32
      %scan3A_1990 = arith.constant 13 : i32
      %scan3A_1991 = arith.addi %scan3A_1989, %scan3A_1990 : i32
      %scan3A_1992 = arith.constant 1 : i32
      %scan3A_1993:7 = scf.for %scan3A_2100 = %scan3A_1989 to %scan3A_1991 step %scan3A_1992 iter_args(%scan3A_2101 = %broadcast_in_dim3A_1988, %scan3A_2102 = %broadcast_in_dim3A_1988, %scan3A_2103 = %broadcast_in_dim3A_1988, %scan3A_2104 = %broadcast_in_dim3A_1988, %scan3A_2105 = %broadcast_in_dim3A_1988, %scan3A_2106 = %broadcast_in_dim3A_1988, %scan3A_2107 = %broadcast_in_dim3A_1988) -> (vector<16xf32>, vector<16xf32>, vector<16xf32>, vector<16xf32>, vector<16xf32>, vector<16xf32>, vector<16xf32>)  : i32 {
        %mul3A_2108 = arith.constant 16 : i32
        %mul3A_2109 = arith.muli %scan3A_2100, %mul3A_2108 : i32
        %get3A_2110 = arith.index_cast %mul3A_2109 : i32 to index
        %get3A_2111 = tpu.vector_load %arg14[%get3A_2110] {strides = array<i32>} : memref<208xf32, #tpu.memory_space<vmem>>, vector<16xf32>,
        %slice3A_2112 = vector.extract_strided_slice %get3A_2111 {offsets = [0], sizes = [1], strides = [1]} : vector<16xf32> to vector<1xf32>
        %squeeze3A_2113 = vector.extract %slice3A_2112[0] : f32 from vector<1xf32>
        %add3A_2114 = arith.constant 0 : i32
        %add3A_2115 = arith.addi %mul3A_2109, %add3A_2114 : i32
        %get3A_2116 = arith.constant 1 : i32
        %get3A_2117 = arith.index_cast %get3A_2116 : i32 to index
        %get3A_2118 = arith.index_cast %add3A_2115 : i32 to index
        %get3A_2119 = arith.constant 0 : index
        %get3A_2120 = tpu.vector_load %arg12[%get3A_2117, %get3A_2118, %get3A_2119] {strides = array<i32>} : memref<2x208x128xf32, #tpu.memory_space<vmem>>, vector<16xf32>,
        %mul3A_2121 = vector.broadcast %squeeze3A_2113 : f32 to vector<16xf32>
        %mul3A_2122 = arith.mulf %mul3A_2121, %get3A_2120 : vector<16xf32>
        %add3A_2123 = arith.addf %scan3A_2101, %mul3A_2122 : vector<16xf32>
        %add3A_2124 = arith.constant 0 : i32
        %add3A_2125 = arith.addi %mul3A_2109, %add3A_2124 : i32
        %get3A_2126 = arith.constant 1 : i32
        %get3A_2127 = arith.index_cast %get3A_2126 : i32 to index
        %get3A_2128 = arith.index_cast %add3A_2125 : i32 to index
        %get3A_2129 = arith.constant 16 : index
        %get3A_2130 = tpu.vector_load %arg12[%get3A_2127, %get3A_2128, %get3A_2129] {strides = array<i32>} : memref<2x208x128xf32, #tpu.memory_space<vmem>>, vector<16xf32>,
        %mul3A_2131 = vector.broadcast %squeeze3A_2113 : f32 to vector<16xf32>
        %mul3A_2132 = arith.mulf %mul3A_2131, %get3A_2130 : vector<16xf32>
        %add3A_2133 = arith.addf %scan3A_2102, %mul3A_2132 : vector<16xf32>
        %add3A_2134 = arith.constant 0 : i32
        %add3A_2135 = arith.addi %mul3A_2109, %add3A_2134 : i32
        %get3A_2136 = arith.constant 1 : i32
        %get3A_2137 = arith.index_cast %get3A_2136 : i32 to index
        %get3A_2138 = arith.index_cast %add3A_2135 : i32 to index
        %get3A_2139 = arith.constant 32 : index
        %get3A_2140 = tpu.vector_load %arg12[%get3A_2137, %get3A_2138, %get3A_2139] {strides = array<i32>} : memref<2x208x128xf32, #tpu.memory_space<vmem>>, vector<16xf32>,
        %mul3A_2141 = vector.broadcast %squeeze3A_2113 : f32 to vector<16xf32>
        %mul3A_2142 = arith.mulf %mul3A_2141, %get3A_2140 : vector<16xf32>
        %add3A_2143 = arith.addf %scan3A_2103, %mul3A_2142 : vector<16xf32>
        %add3A_2144 = arith.constant 0 : i32
        %add3A_2145 = arith.addi %mul3A_2109, %add3A_2144 : i32
        %get3A_2146 = arith.constant 1 : i32
        %get3A_2147 = arith.index_cast %get3A_2146 : i32 to index
        %get3A_2148 = arith.index_cast %add3A_2145 : i32 to index
        %get3A_2149 = arith.constant 48 : index
        %get3A_2150 = tpu.vector_load %arg12[%get3A_2147, %get3A_2148, %get3A_2149] {strides = array<i32>} : memref<2x208x128xf32, #tpu.memory_space<vmem>>, vector<16xf32>,
        %mul3A_2151 = vector.broadcast %squeeze3A_2113 : f32 to vector<16xf32>
        %mul3A_2152 = arith.mulf %mul3A_2151, %get3A_2150 : vector<16xf32>
        %add3A_2153 = arith.addf %scan3A_2104, %mul3A_2152 : vector<16xf32>
        %add3A_2154 = arith.constant 0 : i32
        %add3A_2155 = arith.addi %mul3A_2109, %add3A_2154 : i32
        %get3A_2156 = arith.constant 1 : i32
        %get3A_2157 = arith.index_cast %get3A_2156 : i32 to index
        %get3A_2158 = arith.index_cast %add3A_2155 : i32 to index
        %get3A_2159 = arith.constant 64 : index
        %get3A_2160 = tpu.vector_load %arg12[%get3A_2157, %get3A_2158, %get3A_2159] {strides = array<i32>} : memref<2x208x128xf32, #tpu.memory_space<vmem>>, vector<16xf32>,
        %mul3A_2161 = vector.broadcast %squeeze3A_2113 : f32 to vector<16xf32>
        %mul3A_2162 = arith.mulf %mul3A_2161, %get3A_2160 : vector<16xf32>
        %add3A_2163 = arith.addf %scan3A_2105, %mul3A_2162 : vector<16xf32>
        %add3A_2164 = arith.constant 0 : i32
        %add3A_2165 = arith.addi %mul3A_2109, %add3A_2164 : i32
        %get3A_2166 = arith.constant 1 : i32
        %get3A_2167 = arith.index_cast %get3A_2166 : i32 to index
        %get3A_2168 = arith.index_cast %add3A_2165 : i32 to index
        %get3A_2169 = arith.constant 80 : index
        %get3A_2170 = tpu.vector_load %arg12[%get3A_2167, %get3A_2168, %get3A_2169] {strides = array<i32>} : memref<2x208x128xf32, #tpu.memory_space<vmem>>, vector<16xf32>,
        %mul3A_2171 = vector.broadcast %squeeze3A_2113 : f32 to vector<16xf32>
        %mul3A_2172 = arith.mulf %mul3A_2171, %get3A_2170 : vector<16xf32>
        %add3A_2173 = arith.addf %scan3A_2106, %mul3A_2172 : vector<16xf32>
        %add3A_2174 = arith.constant 0 : i32
        %add3A_2175 = arith.addi %mul3A_2109, %add3A_2174 : i32
        %get3A_2176 = arith.constant 1 : i32
        %get3A_2177 = arith.index_cast %get3A_2176 : i32 to index
        %get3A_2178 = arith.index_cast %add3A_2175 : i32 to index
        %get3A_2179 = arith.constant 84 : index
        %get3A_2180 = tpu.vector_load %arg12[%get3A_2177, %get3A_2178, %get3A_2179] {strides = array<i32>} : memref<2x208x128xf32, #tpu.memory_space<vmem>>, vector<16xf32>,
        %mul3A_2181 = vector.broadcast %squeeze3A_2113 : f32 to vector<16xf32>
        %mul3A_2182 = arith.mulf %mul3A_2181, %get3A_2180 : vector<16xf32>
        %add3A_2183 = arith.addf %scan3A_2107, %mul3A_2182 : vector<16xf32>
        %slice3A_2184 = vector.extract_strided_slice %get3A_2111 {offsets = [1], sizes = [1], strides = [1]} : vector<16xf32> to vector<1xf32>
        %squeeze3A_2185 = vector.extract %slice3A_2184[0] : f32 from vector<1xf32>
        %add3A_2186 = arith.constant 1 : i32
        %add3A_2187 = arith.addi %mul3A_2109, %add3A_2186 : i32
        %get3A_2188 = arith.constant 1 : i32
        %get3A_2189 = arith.index_cast %get3A_2188 : i32 to index
        %get3A_2190 = arith.index_cast %add3A_2187 : i32 to index
        %get3A_2191 = arith.constant 0 : index
        %get3A_2192 = tpu.vector_load %arg12[%get3A_2189, %get3A_2190, %get3A_2191] {strides = array<i32>} : memref<2x208x128xf32, #tpu.memory_space<vmem>>, vector<16xf32>,
        %mul3A_2193 = vector.broadcast %squeeze3A_2185 : f32 to vector<16xf32>
        %mul3A_2194 = arith.mulf %mul3A_2193, %get3A_2192 : vector<16xf32>
        %add3A_2195 = arith.addf %add3A_2123, %mul3A_2194 : vector<16xf32>
        %add3A_2196 = arith.constant 1 : i32
        %add3A_2197 = arith.addi %mul3A_2109, %add3A_2196 : i32
        %get3A_2198 = arith.constant 1 : i32
        %get3A_2199 = arith.index_cast %get3A_2198 : i32 to index
        %get3A_2200 = arith.index_cast %add3A_2197 : i32 to index
        %get3A_2201 = arith.constant 16 : index
        %get3A_2202 = tpu.vector_load %arg12[%get3A_2199, %get3A_2200, %get3A_2201] {strides = array<i32>} : memref<2x208x128xf32, #tpu.memory_space<vmem>>, vector<16xf32>,
        %mul3A_2203 = vector.broadcast %squeeze3A_2185 : f32 to vector<16xf32>
        %mul3A_2204 = arith.mulf %mul3A_2203, %get3A_2202 : vector<16xf32>
        %add3A_2205 = arith.addf %add3A_2133, %mul3A_2204 : vector<16xf32>
        %add3A_2206 = arith.constant 1 : i32
        %add3A_2207 = arith.addi %mul3A_2109, %add3A_2206 : i32
        %get3A_2208 = arith.constant 1 : i32
        %get3A_2209 = arith.index_cast %get3A_2208 : i32 to index
        %get3A_2210 = arith.index_cast %add3A_2207 : i32 to index
        %get3A_2211 = arith.constant 32 : index
        %get3A_2212 = tpu.vector_load %arg12[%get3A_2209, %get3A_2210, %get3A_2211] {strides = array<i32>} : memref<2x208x128xf32, #tpu.memory_space<vmem>>, vector<16xf32>,
        %mul3A_2213 = vector.broadcast %squeeze3A_2185 : f32 to vector<16xf32>
        %mul3A_2214 = arith.mulf %mul3A_2213, %get3A_2212 : vector<16xf32>
        %add3A_2215 = arith.addf %add3A_2143, %mul3A_2214 : vector<16xf32>
        %add3A_2216 = arith.constant 1 : i32
        %add3A_2217 = arith.addi %mul3A_2109, %add3A_2216 : i32
        %get3A_2218 = arith.constant 1 : i32
        %get3A_2219 = arith.index_cast %get3A_2218 : i32 to index
        %get3A_2220 = arith.index_cast %add3A_2217 : i32 to index
        %get3A_2221 = arith.constant 48 : index
        %get3A_2222 = tpu.vector_load %arg12[%get3A_2219, %get3A_2220, %get3A_2221] {strides = array<i32>} : memref<2x208x128xf32, #tpu.memory_space<vmem>>, vector<16xf32>,
        %mul3A_2223 = vector.broadcast %squeeze3A_2185 : f32 to vector<16xf32>
        %mul3A_2224 = arith.mulf %mul3A_2223, %get3A_2222 : vector<16xf32>
        %add3A_2225 = arith.addf %add3A_2153, %mul3A_2224 : vector<16xf32>
        %add3A_2226 = arith.constant 1 : i32
        %add3A_2227 = arith.addi %mul3A_2109, %add3A_2226 : i32
        %get3A_2228 = arith.constant 1 : i32
        %get3A_2229 = arith.index_cast %get3A_2228 : i32 to index
        %get3A_2230 = arith.index_cast %add3A_2227 : i32 to index
        %get3A_2231 = arith.constant 64 : index
        %get3A_2232 = tpu.vector_load %arg12[%get3A_2229, %get3A_2230, %get3A_2231] {strides = array<i32>} : memref<2x208x128xf32, #tpu.memory_space<vmem>>, vector<16xf32>,
        %mul3A_2233 = vector.broadcast %squeeze3A_2185 : f32 to vector<16xf32>
        %mul3A_2234 = arith.mulf %mul3A_2233, %get3A_2232 : vector<16xf32>
        %add3A_2235 = arith.addf %add3A_2163, %mul3A_2234 : vector<16xf32>
        %add3A_2236 = arith.constant 1 : i32
        %add3A_2237 = arith.addi %mul3A_2109, %add3A_2236 : i32
        %get3A_2238 = arith.constant 1 : i32
        %get3A_2239 = arith.index_cast %get3A_2238 : i32 to index
        %get3A_2240 = arith.index_cast %add3A_2237 : i32 to index
        %get3A_2241 = arith.constant 80 : index
        %get3A_2242 = tpu.vector_load %arg12[%get3A_2239, %get3A_2240, %get3A_2241] {strides = array<i32>} : memref<2x208x128xf32, #tpu.memory_space<vmem>>, vector<16xf32>,
        %mul3A_2243 = vector.broadcast %squeeze3A_2185 : f32 to vector<16xf32>
        %mul3A_2244 = arith.mulf %mul3A_2243, %get3A_2242 : vector<16xf32>
        %add3A_2245 = arith.addf %add3A_2173, %mul3A_2244 : vector<16xf32>
        %add3A_2246 = arith.constant 1 : i32
        %add3A_2247 = arith.addi %mul3A_2109, %add3A_2246 : i32
        %get3A_2248 = arith.constant 1 : i32
        %get3A_2249 = arith.index_cast %get3A_2248 : i32 to index
        %get3A_2250 = arith.index_cast %add3A_2247 : i32 to index
        %get3A_2251 = arith.constant 84 : index
        %get3A_2252 = tpu.vector_load %arg12[%get3A_2249, %get3A_2250, %get3A_2251] {strides = array<i32>} : memref<2x208x128xf32, #tpu.memory_space<vmem>>, vector<16xf32>,
        %mul3A_2253 = vector.broadcast %squeeze3A_2185 : f32 to vector<16xf32>
        %mul3A_2254 = arith.mulf %mul3A_2253, %get3A_2252 : vector<16xf32>
        %add3A_2255 = arith.addf %add3A_2183, %mul3A_2254 : vector<16xf32>
        %slice3A_2256 = vector.extract_strided_slice %get3A_2111 {offsets = [2], sizes = [1], strides = [1]} : vector<16xf32> to vector<1xf32>
        %squeeze3A_2257 = vector.extract %slice3A_2256[0] : f32 from vector<1xf32>
        %add3A_2258 = arith.constant 2 : i32
        %add3A_2259 = arith.addi %mul3A_2109, %add3A_2258 : i32
        %get3A_2260 = arith.constant 1 : i32
        %get3A_2261 = arith.index_cast %get3A_2260 : i32 to index
        %get3A_2262 = arith.index_cast %add3A_2259 : i32 to index
        %get3A_2263 = arith.constant 0 : index
        %get3A_2264 = tpu.vector_load %arg12[%get3A_2261, %get3A_2262, %get3A_2263] {strides = array<i32>} : memref<2x208x128xf32, #tpu.memory_space<vmem>>, vector<16xf32>,
        %mul3A_2265 = vector.broadcast %squeeze3A_2257 : f32 to vector<16xf32>
        %mul3A_2266 = arith.mulf %mul3A_2265, %get3A_2264 : vector<16xf32>
        %add3A_2267 = arith.addf %add3A_2195, %mul3A_2266 : vector<16xf32>
        %add3A_2268 = arith.constant 2 : i32
        %add3A_2269 = arith.addi %mul3A_2109, %add3A_2268 : i32
        %get3A_2270 = arith.constant 1 : i32
        %get3A_2271 = arith.index_cast %get3A_2270 : i32 to index
        %get3A_2272 = arith.index_cast %add3A_2269 : i32 to index
        %get3A_2273 = arith.constant 16 : index
        %get3A_2274 = tpu.vector_load %arg12[%get3A_2271, %get3A_2272, %get3A_2273] {strides = array<i32>} : memref<2x208x128xf32, #tpu.memory_space<vmem>>, vector<16xf32>,
        %mul3A_2275 = vector.broadcast %squeeze3A_2257 : f32 to vector<16xf32>
        %mul3A_2276 = arith.mulf %mul3A_2275, %get3A_2274 : vector<16xf32>
        %add3A_2277 = arith.addf %add3A_2205, %mul3A_2276 : vector<16xf32>
        %add3A_2278 = arith.constant 2 : i32
        %add3A_2279 = arith.addi %mul3A_2109, %add3A_2278 : i32
        %get3A_2280 = arith.constant 1 : i32
        %get3A_2281 = arith.index_cast %get3A_2280 : i32 to index
        %get3A_2282 = arith.index_cast %add3A_2279 : i32 to index
        %get3A_2283 = arith.constant 32 : index
        %get3A_2284 = tpu.vector_load %arg12[%get3A_2281, %get3A_2282, %get3A_2283] {strides = array<i32>} : memref<2x208x128xf32, #tpu.memory_space<vmem>>, vector<16xf32>,
        %mul3A_2285 = vector.broadcast %squeeze3A_2257 : f32 to vector<16xf32>
        %mul3A_2286 = arith.mulf %mul3A_2285, %get3A_2284 : vector<16xf32>
        %add3A_2287 = arith.addf %add3A_2215, %mul3A_2286 : vector<16xf32>
        %add3A_2288 = arith.constant 2 : i32
        %add3A_2289 = arith.addi %mul3A_2109, %add3A_2288 : i32
        %get3A_2290 = arith.constant 1 : i32
        %get3A_2291 = arith.index_cast %get3A_2290 : i32 to index
        %get3A_2292 = arith.index_cast %add3A_2289 : i32 to index
        %get3A_2293 = arith.constant 48 : index
        %get3A_2294 = tpu.vector_load %arg12[%get3A_2291, %get3A_2292, %get3A_2293] {strides = array<i32>} : memref<2x208x128xf32, #tpu.memory_space<vmem>>, vector<16xf32>,
        %mul3A_2295 = vector.broadcast %squeeze3A_2257 : f32 to vector<16xf32>
        %mul3A_2296 = arith.mulf %mul3A_2295, %get3A_2294 : vector<16xf32>
        %add3A_2297 = arith.addf %add3A_2225, %mul3A_2296 : vector<16xf32>
        %add3A_2298 = arith.constant 2 : i32
        %add3A_2299 = arith.addi %mul3A_2109, %add3A_2298 : i32
        %get3A_2300 = arith.constant 1 : i32
        %get3A_2301 = arith.index_cast %get3A_2300 : i32 to index
        %get3A_2302 = arith.index_cast %add3A_2299 : i32 to index
        %get3A_2303 = arith.constant 64 : index
        %get3A_2304 = tpu.vector_load %arg12[%get3A_2301, %get3A_2302, %get3A_2303] {strides = array<i32>} : memref<2x208x128xf32, #tpu.memory_space<vmem>>, vector<16xf32>,
        %mul3A_2305 = vector.broadcast %squeeze3A_2257 : f32 to vector<16xf32>
        %mul3A_2306 = arith.mulf %mul3A_2305, %get3A_2304 : vector<16xf32>
        %add3A_2307 = arith.addf %add3A_2235, %mul3A_2306 : vector<16xf32>
        %add3A_2308 = arith.constant 2 : i32
        %add3A_2309 = arith.addi %mul3A_2109, %add3A_2308 : i32
        %get3A_2310 = arith.constant 1 : i32
        %get3A_2311 = arith.index_cast %get3A_2310 : i32 to index
        %get3A_2312 = arith.index_cast %add3A_2309 : i32 to index
        %get3A_2313 = arith.constant 80 : index
        %get3A_2314 = tpu.vector_load %arg12[%get3A_2311, %get3A_2312, %get3A_2313] {strides = array<i32>} : memref<2x208x128xf32, #tpu.memory_space<vmem>>, vector<16xf32>,
        %mul3A_2315 = vector.broadcast %squeeze3A_2257 : f32 to vector<16xf32>
        %mul3A_2316 = arith.mulf %mul3A_2315, %get3A_2314 : vector<16xf32>
        %add3A_2317 = arith.addf %add3A_2245, %mul3A_2316 : vector<16xf32>
        %add3A_2318 = arith.constant 2 : i32
        %add3A_2319 = arith.addi %mul3A_2109, %add3A_2318 : i32
        %get3A_2320 = arith.constant 1 : i32
        %get3A_2321 = arith.index_cast %get3A_2320 : i32 to index
        %get3A_2322 = arith.index_cast %add3A_2319 : i32 to index
        %get3A_2323 = arith.constant 84 : index
        %get3A_2324 = tpu.vector_load %arg12[%get3A_2321, %get3A_2322, %get3A_2323] {strides = array<i32>} : memref<2x208x128xf32, #tpu.memory_space<vmem>>, vector<16xf32>,
        %mul3A_2325 = vector.broadcast %squeeze3A_2257 : f32 to vector<16xf32>
        %mul3A_2326 = arith.mulf %mul3A_2325, %get3A_2324 : vector<16xf32>
        %add3A_2327 = arith.addf %add3A_2255, %mul3A_2326 : vector<16xf32>
        %slice3A_2328 = vector.extract_strided_slice %get3A_2111 {offsets = [3], sizes = [1], strides = [1]} : vector<16xf32> to vector<1xf32>
        %squeeze3A_2329 = vector.extract %slice3A_2328[0] : f32 from vector<1xf32>
        %add3A_2330 = arith.constant 3 : i32
        %add3A_2331 = arith.addi %mul3A_2109, %add3A_2330 : i32
        %get3A_2332 = arith.constant 1 : i32
        %get3A_2333 = arith.index_cast %get3A_2332 : i32 to index
        %get3A_2334 = arith.index_cast %add3A_2331 : i32 to index
        %get3A_2335 = arith.constant 0 : index
        %get3A_2336 = tpu.vector_load %arg12[%get3A_2333, %get3A_2334, %get3A_2335] {strides = array<i32>} : memref<2x208x128xf32, #tpu.memory_space<vmem>>, vector<16xf32>,
        %mul3A_2337 = vector.broadcast %squeeze3A_2329 : f32 to vector<16xf32>
        %mul3A_2338 = arith.mulf %mul3A_2337, %get3A_2336 : vector<16xf32>
        %add3A_2339 = arith.addf %add3A_2267, %mul3A_2338 : vector<16xf32>
        %add3A_2340 = arith.constant 3 : i32
        %add3A_2341 = arith.addi %mul3A_2109, %add3A_2340 : i32
        %get3A_2342 = arith.constant 1 : i32
        %get3A_2343 = arith.index_cast %get3A_2342 : i32 to index
        %get3A_2344 = arith.index_cast %add3A_2341 : i32 to index
        %get3A_2345 = arith.constant 16 : index
        %get3A_2346 = tpu.vector_load %arg12[%get3A_2343, %get3A_2344, %get3A_2345] {strides = array<i32>} : memref<2x208x128xf32, #tpu.memory_space<vmem>>, vector<16xf32>,
        %mul3A_2347 = vector.broadcast %squeeze3A_2329 : f32 to vector<16xf32>
        %mul3A_2348 = arith.mulf %mul3A_2347, %get3A_2346 : vector<16xf32>
        %add3A_2349 = arith.addf %add3A_2277, %mul3A_2348 : vector<16xf32>
        %add3A_2350 = arith.constant 3 : i32
        %add3A_2351 = arith.addi %mul3A_2109, %add3A_2350 : i32
        %get3A_2352 = arith.constant 1 : i32
        %get3A_2353 = arith.index_cast %get3A_2352 : i32 to index
        %get3A_2354 = arith.index_cast %add3A_2351 : i32 to index
        %get3A_2355 = arith.constant 32 : index
        %get3A_2356 = tpu.vector_load %arg12[%get3A_2353, %get3A_2354, %get3A_2355] {strides = array<i32>} : memref<2x208x128xf32, #tpu.memory_space<vmem>>, vector<16xf32>,
        %mul3A_2357 = vector.broadcast %squeeze3A_2329 : f32 to vector<16xf32>
        %mul3A_2358 = arith.mulf %mul3A_2357, %get3A_2356 : vector<16xf32>
        %add3A_2359 = arith.addf %add3A_2287, %mul3A_2358 : vector<16xf32>
        %add3A_2360 = arith.constant 3 : i32
        %add3A_2361 = arith.addi %mul3A_2109, %add3A_2360 : i32
        %get3A_2362 = arith.constant 1 : i32
        %get3A_2363 = arith.index_cast %get3A_2362 : i32 to index
        %get3A_2364 = arith.index_cast %add3A_2361 : i32 to index
        %get3A_2365 = arith.constant 48 : index
        %get3A_2366 = tpu.vector_load %arg12[%get3A_2363, %get3A_2364, %get3A_2365] {strides = array<i32>} : memref<2x208x128xf32, #tpu.memory_space<vmem>>, vector<16xf32>,
        %mul3A_2367 = vector.broadcast %squeeze3A_2329 : f32 to vector<16xf32>
        %mul3A_2368 = arith.mulf %mul3A_2367, %get3A_2366 : vector<16xf32>
        %add3A_2369 = arith.addf %add3A_2297, %mul3A_2368 : vector<16xf32>
        %add3A_2370 = arith.constant 3 : i32
        %add3A_2371 = arith.addi %mul3A_2109, %add3A_2370 : i32
        %get3A_2372 = arith.constant 1 : i32
        %get3A_2373 = arith.index_cast %get3A_2372 : i32 to index
        %get3A_2374 = arith.index_cast %add3A_2371 : i32 to index
        %get3A_2375 = arith.constant 64 : index
        %get3A_2376 = tpu.vector_load %arg12[%get3A_2373, %get3A_2374, %get3A_2375] {strides = array<i32>} : memref<2x208x128xf32, #tpu.memory_space<vmem>>, vector<16xf32>,
        %mul3A_2377 = vector.broadcast %squeeze3A_2329 : f32 to vector<16xf32>
        %mul3A_2378 = arith.mulf %mul3A_2377, %get3A_2376 : vector<16xf32>
        %add3A_2379 = arith.addf %add3A_2307, %mul3A_2378 : vector<16xf32>
        %add3A_2380 = arith.constant 3 : i32
        %add3A_2381 = arith.addi %mul3A_2109, %add3A_2380 : i32
        %get3A_2382 = arith.constant 1 : i32
        %get3A_2383 = arith.index_cast %get3A_2382 : i32 to index
        %get3A_2384 = arith.index_cast %add3A_2381 : i32 to index
        %get3A_2385 = arith.constant 80 : index
        %get3A_2386 = tpu.vector_load %arg12[%get3A_2383, %get3A_2384, %get3A_2385] {strides = array<i32>} : memref<2x208x128xf32, #tpu.memory_space<vmem>>, vector<16xf32>,
        %mul3A_2387 = vector.broadcast %squeeze3A_2329 : f32 to vector<16xf32>
        %mul3A_2388 = arith.mulf %mul3A_2387, %get3A_2386 : vector<16xf32>
        %add3A_2389 = arith.addf %add3A_2317, %mul3A_2388 : vector<16xf32>
        %add3A_2390 = arith.constant 3 : i32
        %add3A_2391 = arith.addi %mul3A_2109, %add3A_2390 : i32
        %get3A_2392 = arith.constant 1 : i32
        %get3A_2393 = arith.index_cast %get3A_2392 : i32 to index
        %get3A_2394 = arith.index_cast %add3A_2391 : i32 to index
        %get3A_2395 = arith.constant 84 : index
        %get3A_2396 = tpu.vector_load %arg12[%get3A_2393, %get3A_2394, %get3A_2395] {strides = array<i32>} : memref<2x208x128xf32, #tpu.memory_space<vmem>>, vector<16xf32>,
        %mul3A_2397 = vector.broadcast %squeeze3A_2329 : f32 to vector<16xf32>
        %mul3A_2398 = arith.mulf %mul3A_2397, %get3A_2396 : vector<16xf32>
        %add3A_2399 = arith.addf %add3A_2327, %mul3A_2398 : vector<16xf32>
        %slice3A_2400 = vector.extract_strided_slice %get3A_2111 {offsets = [4], sizes = [1], strides = [1]} : vector<16xf32> to vector<1xf32>
        %squeeze3A_2401 = vector.extract %slice3A_2400[0] : f32 from vector<1xf32>
        %add3A_2402 = arith.constant 4 : i32
        %add3A_2403 = arith.addi %mul3A_2109, %add3A_2402 : i32
        %get3A_2404 = arith.constant 1 : i32
        %get3A_2405 = arith.index_cast %get3A_2404 : i32 to index
        %get3A_2406 = arith.index_cast %add3A_2403 : i32 to index
        %get3A_2407 = arith.constant 0 : index
        %get3A_2408 = tpu.vector_load %arg12[%get3A_2405, %get3A_2406, %get3A_2407] {strides = array<i32>} : memref<2x208x128xf32, #tpu.memory_space<vmem>>, vector<16xf32>,
        %mul3A_2409 = vector.broadcast %squeeze3A_2401 : f32 to vector<16xf32>
        %mul3A_2410 = arith.mulf %mul3A_2409, %get3A_2408 : vector<16xf32>
        %add3A_2411 = arith.addf %add3A_2339, %mul3A_2410 : vector<16xf32>
        %add3A_2412 = arith.constant 4 : i32
        %add3A_2413 = arith.addi %mul3A_2109, %add3A_2412 : i32
        %get3A_2414 = arith.constant 1 : i32
        %get3A_2415 = arith.index_cast %get3A_2414 : i32 to index
        %get3A_2416 = arith.index_cast %add3A_2413 : i32 to index
        %get3A_2417 = arith.constant 16 : index
        %get3A_2418 = tpu.vector_load %arg12[%get3A_2415, %get3A_2416, %get3A_2417] {strides = array<i32>} : memref<2x208x128xf32, #tpu.memory_space<vmem>>, vector<16xf32>,
        %mul3A_2419 = vector.broadcast %squeeze3A_2401 : f32 to vector<16xf32>
        %mul3A_2420 = arith.mulf %mul3A_2419, %get3A_2418 : vector<16xf32>
        %add3A_2421 = arith.addf %add3A_2349, %mul3A_2420 : vector<16xf32>
        %add3A_2422 = arith.constant 4 : i32
        %add3A_2423 = arith.addi %mul3A_2109, %add3A_2422 : i32
        %get3A_2424 = arith.constant 1 : i32
        %get3A_2425 = arith.index_cast %get3A_2424 : i32 to index
        %get3A_2426 = arith.index_cast %add3A_2423 : i32 to index
        %get3A_2427 = arith.constant 32 : index
        %get3A_2428 = tpu.vector_load %arg12[%get3A_2425, %get3A_2426, %get3A_2427] {strides = array<i32>} : memref<2x208x128xf32, #tpu.memory_space<vmem>>, vector<16xf32>,
        %mul3A_2429 = vector.broadcast %squeeze3A_2401 : f32 to vector<16xf32>
        %mul3A_2430 = arith.mulf %mul3A_2429, %get3A_2428 : vector<16xf32>
        %add3A_2431 = arith.addf %add3A_2359, %mul3A_2430 : vector<16xf32>
        %add3A_2432 = arith.constant 4 : i32
        %add3A_2433 = arith.addi %mul3A_2109, %add3A_2432 : i32
        %get3A_2434 = arith.constant 1 : i32
        %get3A_2435 = arith.index_cast %get3A_2434 : i32 to index
        %get3A_2436 = arith.index_cast %add3A_2433 : i32 to index
        %get3A_2437 = arith.constant 48 : index
        %get3A_2438 = tpu.vector_load %arg12[%get3A_2435, %get3A_2436, %get3A_2437] {strides = array<i32>} : memref<2x208x128xf32, #tpu.memory_space<vmem>>, vector<16xf32>,
        %mul3A_2439 = vector.broadcast %squeeze3A_2401 : f32 to vector<16xf32>
        %mul3A_2440 = arith.mulf %mul3A_2439, %get3A_2438 : vector<16xf32>
        %add3A_2441 = arith.addf %add3A_2369, %mul3A_2440 : vector<16xf32>
        %add3A_2442 = arith.constant 4 : i32
        %add3A_2443 = arith.addi %mul3A_2109, %add3A_2442 : i32
        %get3A_2444 = arith.constant 1 : i32
        %get3A_2445 = arith.index_cast %get3A_2444 : i32 to index
        %get3A_2446 = arith.index_cast %add3A_2443 : i32 to index
        %get3A_2447 = arith.constant 64 : index
        %get3A_2448 = tpu.vector_load %arg12[%get3A_2445, %get3A_2446, %get3A_2447] {strides = array<i32>} : memref<2x208x128xf32, #tpu.memory_space<vmem>>, vector<16xf32>,
        %mul3A_2449 = vector.broadcast %squeeze3A_2401 : f32 to vector<16xf32>
        %mul3A_2450 = arith.mulf %mul3A_2449, %get3A_2448 : vector<16xf32>
        %add3A_2451 = arith.addf %add3A_2379, %mul3A_2450 : vector<16xf32>
        %add3A_2452 = arith.constant 4 : i32
        %add3A_2453 = arith.addi %mul3A_2109, %add3A_2452 : i32
        %get3A_2454 = arith.constant 1 : i32
        %get3A_2455 = arith.index_cast %get3A_2454 : i32 to index
        %get3A_2456 = arith.index_cast %add3A_2453 : i32 to index
        %get3A_2457 = arith.constant 80 : index
        %get3A_2458 = tpu.vector_load %arg12[%get3A_2455, %get3A_2456, %get3A_2457] {strides = array<i32>} : memref<2x208x128xf32, #tpu.memory_space<vmem>>, vector<16xf32>,
        %mul3A_2459 = vector.broadcast %squeeze3A_2401 : f32 to vector<16xf32>
        %mul3A_2460 = arith.mulf %mul3A_2459, %get3A_2458 : vector<16xf32>
        %add3A_2461 = arith.addf %add3A_2389, %mul3A_2460 : vector<16xf32>
        %add3A_2462 = arith.constant 4 : i32
        %add3A_2463 = arith.addi %mul3A_2109, %add3A_2462 : i32
        %get3A_2464 = arith.constant 1 : i32
        %get3A_2465 = arith.index_cast %get3A_2464 : i32 to index
        %get3A_2466 = arith.index_cast %add3A_2463 : i32 to index
        %get3A_2467 = arith.constant 84 : index
        %get3A_2468 = tpu.vector_load %arg12[%get3A_2465, %get3A_2466, %get3A_2467] {strides = array<i32>} : memref<2x208x128xf32, #tpu.memory_space<vmem>>, vector<16xf32>,
        %mul3A_2469 = vector.broadcast %squeeze3A_2401 : f32 to vector<16xf32>
        %mul3A_2470 = arith.mulf %mul3A_2469, %get3A_2468 : vector<16xf32>
        %add3A_2471 = arith.addf %add3A_2399, %mul3A_2470 : vector<16xf32>
        %slice3A_2472 = vector.extract_strided_slice %get3A_2111 {offsets = [5], sizes = [1], strides = [1]} : vector<16xf32> to vector<1xf32>
        %squeeze3A_2473 = vector.extract %slice3A_2472[0] : f32 from vector<1xf32>
        %add3A_2474 = arith.constant 5 : i32
        %add3A_2475 = arith.addi %mul3A_2109, %add3A_2474 : i32
        %get3A_2476 = arith.constant 1 : i32
        %get3A_2477 = arith.index_cast %get3A_2476 : i32 to index
        %get3A_2478 = arith.index_cast %add3A_2475 : i32 to index
        %get3A_2479 = arith.constant 0 : index
        %get3A_2480 = tpu.vector_load %arg12[%get3A_2477, %get3A_2478, %get3A_2479] {strides = array<i32>} : memref<2x208x128xf32, #tpu.memory_space<vmem>>, vector<16xf32>,
        %mul3A_2481 = vector.broadcast %squeeze3A_2473 : f32 to vector<16xf32>
        %mul3A_2482 = arith.mulf %mul3A_2481, %get3A_2480 : vector<16xf32>
        %add3A_2483 = arith.addf %add3A_2411, %mul3A_2482 : vector<16xf32>
        %add3A_2484 = arith.constant 5 : i32
        %add3A_2485 = arith.addi %mul3A_2109, %add3A_2484 : i32
        %get3A_2486 = arith.constant 1 : i32
        %get3A_2487 = arith.index_cast %get3A_2486 : i32 to index
        %get3A_2488 = arith.index_cast %add3A_2485 : i32 to index
        %get3A_2489 = arith.constant 16 : index
        %get3A_2490 = tpu.vector_load %arg12[%get3A_2487, %get3A_2488, %get3A_2489] {strides = array<i32>} : memref<2x208x128xf32, #tpu.memory_space<vmem>>, vector<16xf32>,
        %mul3A_2491 = vector.broadcast %squeeze3A_2473 : f32 to vector<16xf32>
        %mul3A_2492 = arith.mulf %mul3A_2491, %get3A_2490 : vector<16xf32>
        %add3A_2493 = arith.addf %add3A_2421, %mul3A_2492 : vector<16xf32>
        %add3A_2494 = arith.constant 5 : i32
        %add3A_2495 = arith.addi %mul3A_2109, %add3A_2494 : i32
        %get3A_2496 = arith.constant 1 : i32
        %get3A_2497 = arith.index_cast %get3A_2496 : i32 to index
        %get3A_2498 = arith.index_cast %add3A_2495 : i32 to index
        %get3A_2499 = arith.constant 32 : index
        %get3A_2500 = tpu.vector_load %arg12[%get3A_2497, %get3A_2498, %get3A_2499] {strides = array<i32>} : memref<2x208x128xf32, #tpu.memory_space<vmem>>, vector<16xf32>,
        %mul3A_2501 = vector.broadcast %squeeze3A_2473 : f32 to vector<16xf32>
        %mul3A_2502 = arith.mulf %mul3A_2501, %get3A_2500 : vector<16xf32>
        %add3A_2503 = arith.addf %add3A_2431, %mul3A_2502 : vector<16xf32>
        %add3A_2504 = arith.constant 5 : i32
        %add3A_2505 = arith.addi %mul3A_2109, %add3A_2504 : i32
        %get3A_2506 = arith.constant 1 : i32
        %get3A_2507 = arith.index_cast %get3A_2506 : i32 to index
        %get3A_2508 = arith.index_cast %add3A_2505 : i32 to index
        %get3A_2509 = arith.constant 48 : index
        %get3A_2510 = tpu.vector_load %arg12[%get3A_2507, %get3A_2508, %get3A_2509] {strides = array<i32>} : memref<2x208x128xf32, #tpu.memory_space<vmem>>, vector<16xf32>,
        %mul3A_2511 = vector.broadcast %squeeze3A_2473 : f32 to vector<16xf32>
        %mul3A_2512 = arith.mulf %mul3A_2511, %get3A_2510 : vector<16xf32>
        %add3A_2513 = arith.addf %add3A_2441, %mul3A_2512 : vector<16xf32>
        %add3A_2514 = arith.constant 5 : i32
        %add3A_2515 = arith.addi %mul3A_2109, %add3A_2514 : i32
        %get3A_2516 = arith.constant 1 : i32
        %get3A_2517 = arith.index_cast %get3A_2516 : i32 to index
        %get3A_2518 = arith.index_cast %add3A_2515 : i32 to index
        %get3A_2519 = arith.constant 64 : index
        %get3A_2520 = tpu.vector_load %arg12[%get3A_2517, %get3A_2518, %get3A_2519] {strides = array<i32>} : memref<2x208x128xf32, #tpu.memory_space<vmem>>, vector<16xf32>,
        %mul3A_2521 = vector.broadcast %squeeze3A_2473 : f32 to vector<16xf32>
        %mul3A_2522 = arith.mulf %mul3A_2521, %get3A_2520 : vector<16xf32>
        %add3A_2523 = arith.addf %add3A_2451, %mul3A_2522 : vector<16xf32>
        %add3A_2524 = arith.constant 5 : i32
        %add3A_2525 = arith.addi %mul3A_2109, %add3A_2524 : i32
        %get3A_2526 = arith.constant 1 : i32
        %get3A_2527 = arith.index_cast %get3A_2526 : i32 to index
        %get3A_2528 = arith.index_cast %add3A_2525 : i32 to index
        %get3A_2529 = arith.constant 80 : index
        %get3A_2530 = tpu.vector_load %arg12[%get3A_2527, %get3A_2528, %get3A_2529] {strides = array<i32>} : memref<2x208x128xf32, #tpu.memory_space<vmem>>, vector<16xf32>,
        %mul3A_2531 = vector.broadcast %squeeze3A_2473 : f32 to vector<16xf32>
        %mul3A_2532 = arith.mulf %mul3A_2531, %get3A_2530 : vector<16xf32>
        %add3A_2533 = arith.addf %add3A_2461, %mul3A_2532 : vector<16xf32>
        %add3A_2534 = arith.constant 5 : i32
        %add3A_2535 = arith.addi %mul3A_2109, %add3A_2534 : i32
        %get3A_2536 = arith.constant 1 : i32
        %get3A_2537 = arith.index_cast %get3A_2536 : i32 to index
        %get3A_2538 = arith.index_cast %add3A_2535 : i32 to index
        %get3A_2539 = arith.constant 84 : index
        %get3A_2540 = tpu.vector_load %arg12[%get3A_2537, %get3A_2538, %get3A_2539] {strides = array<i32>} : memref<2x208x128xf32, #tpu.memory_space<vmem>>, vector<16xf32>,
        %mul3A_2541 = vector.broadcast %squeeze3A_2473 : f32 to vector<16xf32>
        %mul3A_2542 = arith.mulf %mul3A_2541, %get3A_2540 : vector<16xf32>
        %add3A_2543 = arith.addf %add3A_2471, %mul3A_2542 : vector<16xf32>
        %slice3A_2544 = vector.extract_strided_slice %get3A_2111 {offsets = [6], sizes = [1], strides = [1]} : vector<16xf32> to vector<1xf32>
        %squeeze3A_2545 = vector.extract %slice3A_2544[0] : f32 from vector<1xf32>
        %add3A_2546 = arith.constant 6 : i32
        %add3A_2547 = arith.addi %mul3A_2109, %add3A_2546 : i32
        %get3A_2548 = arith.constant 1 : i32
        %get3A_2549 = arith.index_cast %get3A_2548 : i32 to index
        %get3A_2550 = arith.index_cast %add3A_2547 : i32 to index
        %get3A_2551 = arith.constant 0 : index
        %get3A_2552 = tpu.vector_load %arg12[%get3A_2549, %get3A_2550, %get3A_2551] {strides = array<i32>} : memref<2x208x128xf32, #tpu.memory_space<vmem>>, vector<16xf32>,
        %mul3A_2553 = vector.broadcast %squeeze3A_2545 : f32 to vector<16xf32>
        %mul3A_2554 = arith.mulf %mul3A_2553, %get3A_2552 : vector<16xf32>
        %add3A_2555 = arith.addf %add3A_2483, %mul3A_2554 : vector<16xf32>
        %add3A_2556 = arith.constant 6 : i32
        %add3A_2557 = arith.addi %mul3A_2109, %add3A_2556 : i32
        %get3A_2558 = arith.constant 1 : i32
        %get3A_2559 = arith.index_cast %get3A_2558 : i32 to index
        %get3A_2560 = arith.index_cast %add3A_2557 : i32 to index
        %get3A_2561 = arith.constant 16 : index
        %get3A_2562 = tpu.vector_load %arg12[%get3A_2559, %get3A_2560, %get3A_2561] {strides = array<i32>} : memref<2x208x128xf32, #tpu.memory_space<vmem>>, vector<16xf32>,
        %mul3A_2563 = vector.broadcast %squeeze3A_2545 : f32 to vector<16xf32>
        %mul3A_2564 = arith.mulf %mul3A_2563, %get3A_2562 : vector<16xf32>
        %add3A_2565 = arith.addf %add3A_2493, %mul3A_2564 : vector<16xf32>
        %add3A_2566 = arith.constant 6 : i32
        %add3A_2567 = arith.addi %mul3A_2109, %add3A_2566 : i32
        %get3A_2568 = arith.constant 1 : i32
        %get3A_2569 = arith.index_cast %get3A_2568 : i32 to index
        %get3A_2570 = arith.index_cast %add3A_2567 : i32 to index
        %get3A_2571 = arith.constant 32 : index
        %get3A_2572 = tpu.vector_load %arg12[%get3A_2569, %get3A_2570, %get3A_2571] {strides = array<i32>} : memref<2x208x128xf32, #tpu.memory_space<vmem>>, vector<16xf32>,
        %mul3A_2573 = vector.broadcast %squeeze3A_2545 : f32 to vector<16xf32>
        %mul3A_2574 = arith.mulf %mul3A_2573, %get3A_2572 : vector<16xf32>
        %add3A_2575 = arith.addf %add3A_2503, %mul3A_2574 : vector<16xf32>
        %add3A_2576 = arith.constant 6 : i32
        %add3A_2577 = arith.addi %mul3A_2109, %add3A_2576 : i32
        %get3A_2578 = arith.constant 1 : i32
        %get3A_2579 = arith.index_cast %get3A_2578 : i32 to index
        %get3A_2580 = arith.index_cast %add3A_2577 : i32 to index
        %get3A_2581 = arith.constant 48 : index
        %get3A_2582 = tpu.vector_load %arg12[%get3A_2579, %get3A_2580, %get3A_2581] {strides = array<i32>} : memref<2x208x128xf32, #tpu.memory_space<vmem>>, vector<16xf32>,
        %mul3A_2583 = vector.broadcast %squeeze3A_2545 : f32 to vector<16xf32>
        %mul3A_2584 = arith.mulf %mul3A_2583, %get3A_2582 : vector<16xf32>
        %add3A_2585 = arith.addf %add3A_2513, %mul3A_2584 : vector<16xf32>
        %add3A_2586 = arith.constant 6 : i32
        %add3A_2587 = arith.addi %mul3A_2109, %add3A_2586 : i32
        %get3A_2588 = arith.constant 1 : i32
        %get3A_2589 = arith.index_cast %get3A_2588 : i32 to index
        %get3A_2590 = arith.index_cast %add3A_2587 : i32 to index
        %get3A_2591 = arith.constant 64 : index
        %get3A_2592 = tpu.vector_load %arg12[%get3A_2589, %get3A_2590, %get3A_2591] {strides = array<i32>} : memref<2x208x128xf32, #tpu.memory_space<vmem>>, vector<16xf32>,
        %mul3A_2593 = vector.broadcast %squeeze3A_2545 : f32 to vector<16xf32>
        %mul3A_2594 = arith.mulf %mul3A_2593, %get3A_2592 : vector<16xf32>
        %add3A_2595 = arith.addf %add3A_2523, %mul3A_2594 : vector<16xf32>
        %add3A_2596 = arith.constant 6 : i32
        %add3A_2597 = arith.addi %mul3A_2109, %add3A_2596 : i32
        %get3A_2598 = arith.constant 1 : i32
        %get3A_2599 = arith.index_cast %get3A_2598 : i32 to index
        %get3A_2600 = arith.index_cast %add3A_2597 : i32 to index
        %get3A_2601 = arith.constant 80 : index
        %get3A_2602 = tpu.vector_load %arg12[%get3A_2599, %get3A_2600, %get3A_2601] {strides = array<i32>} : memref<2x208x128xf32, #tpu.memory_space<vmem>>, vector<16xf32>,
        %mul3A_2603 = vector.broadcast %squeeze3A_2545 : f32 to vector<16xf32>
        %mul3A_2604 = arith.mulf %mul3A_2603, %get3A_2602 : vector<16xf32>
        %add3A_2605 = arith.addf %add3A_2533, %mul3A_2604 : vector<16xf32>
        %add3A_2606 = arith.constant 6 : i32
        %add3A_2607 = arith.addi %mul3A_2109, %add3A_2606 : i32
        %get3A_2608 = arith.constant 1 : i32
        %get3A_2609 = arith.index_cast %get3A_2608 : i32 to index
        %get3A_2610 = arith.index_cast %add3A_2607 : i32 to index
        %get3A_2611 = arith.constant 84 : index
        %get3A_2612 = tpu.vector_load %arg12[%get3A_2609, %get3A_2610, %get3A_2611] {strides = array<i32>} : memref<2x208x128xf32, #tpu.memory_space<vmem>>, vector<16xf32>,
        %mul3A_2613 = vector.broadcast %squeeze3A_2545 : f32 to vector<16xf32>
        %mul3A_2614 = arith.mulf %mul3A_2613, %get3A_2612 : vector<16xf32>
        %add3A_2615 = arith.addf %add3A_2543, %mul3A_2614 : vector<16xf32>
        %slice3A_2616 = vector.extract_strided_slice %get3A_2111 {offsets = [7], sizes = [1], strides = [1]} : vector<16xf32> to vector<1xf32>
        %squeeze3A_2617 = vector.extract %slice3A_2616[0] : f32 from vector<1xf32>
        %add3A_2618 = arith.constant 7 : i32
        %add3A_2619 = arith.addi %mul3A_2109, %add3A_2618 : i32
        %get3A_2620 = arith.constant 1 : i32
        %get3A_2621 = arith.index_cast %get3A_2620 : i32 to index
        %get3A_2622 = arith.index_cast %add3A_2619 : i32 to index
        %get3A_2623 = arith.constant 0 : index
        %get3A_2624 = tpu.vector_load %arg12[%get3A_2621, %get3A_2622, %get3A_2623] {strides = array<i32>} : memref<2x208x128xf32, #tpu.memory_space<vmem>>, vector<16xf32>,
        %mul3A_2625 = vector.broadcast %squeeze3A_2617 : f32 to vector<16xf32>
        %mul3A_2626 = arith.mulf %mul3A_2625, %get3A_2624 : vector<16xf32>
        %add3A_2627 = arith.addf %add3A_2555, %mul3A_2626 : vector<16xf32>
        %add3A_2628 = arith.constant 7 : i32
        %add3A_2629 = arith.addi %mul3A_2109, %add3A_2628 : i32
        %get3A_2630 = arith.constant 1 : i32
        %get3A_2631 = arith.index_cast %get3A_2630 : i32 to index
        %get3A_2632 = arith.index_cast %add3A_2629 : i32 to index
        %get3A_2633 = arith.constant 16 : index
        %get3A_2634 = tpu.vector_load %arg12[%get3A_2631, %get3A_2632, %get3A_2633] {strides = array<i32>} : memref<2x208x128xf32, #tpu.memory_space<vmem>>, vector<16xf32>,
        %mul3A_2635 = vector.broadcast %squeeze3A_2617 : f32 to vector<16xf32>
        %mul3A_2636 = arith.mulf %mul3A_2635, %get3A_2634 : vector<16xf32>
        %add3A_2637 = arith.addf %add3A_2565, %mul3A_2636 : vector<16xf32>
        %add3A_2638 = arith.constant 7 : i32
        %add3A_2639 = arith.addi %mul3A_2109, %add3A_2638 : i32
        %get3A_2640 = arith.constant 1 : i32
        %get3A_2641 = arith.index_cast %get3A_2640 : i32 to index
        %get3A_2642 = arith.index_cast %add3A_2639 : i32 to index
        %get3A_2643 = arith.constant 32 : index
        %get3A_2644 = tpu.vector_load %arg12[%get3A_2641, %get3A_2642, %get3A_2643] {strides = array<i32>} : memref<2x208x128xf32, #tpu.memory_space<vmem>>, vector<16xf32>,
        %mul3A_2645 = vector.broadcast %squeeze3A_2617 : f32 to vector<16xf32>
        %mul3A_2646 = arith.mulf %mul3A_2645, %get3A_2644 : vector<16xf32>
        %add3A_2647 = arith.addf %add3A_2575, %mul3A_2646 : vector<16xf32>
        %add3A_2648 = arith.constant 7 : i32
        %add3A_2649 = arith.addi %mul3A_2109, %add3A_2648 : i32
        %get3A_2650 = arith.constant 1 : i32
        %get3A_2651 = arith.index_cast %get3A_2650 : i32 to index
        %get3A_2652 = arith.index_cast %add3A_2649 : i32 to index
        %get3A_2653 = arith.constant 48 : index
        %get3A_2654 = tpu.vector_load %arg12[%get3A_2651, %get3A_2652, %get3A_2653] {strides = array<i32>} : memref<2x208x128xf32, #tpu.memory_space<vmem>>, vector<16xf32>,
        %mul3A_2655 = vector.broadcast %squeeze3A_2617 : f32 to vector<16xf32>
        %mul3A_2656 = arith.mulf %mul3A_2655, %get3A_2654 : vector<16xf32>
        %add3A_2657 = arith.addf %add3A_2585, %mul3A_2656 : vector<16xf32>
        %add3A_2658 = arith.constant 7 : i32
        %add3A_2659 = arith.addi %mul3A_2109, %add3A_2658 : i32
        %get3A_2660 = arith.constant 1 : i32
        %get3A_2661 = arith.index_cast %get3A_2660 : i32 to index
        %get3A_2662 = arith.index_cast %add3A_2659 : i32 to index
        %get3A_2663 = arith.constant 64 : index
        %get3A_2664 = tpu.vector_load %arg12[%get3A_2661, %get3A_2662, %get3A_2663] {strides = array<i32>} : memref<2x208x128xf32, #tpu.memory_space<vmem>>, vector<16xf32>,
        %mul3A_2665 = vector.broadcast %squeeze3A_2617 : f32 to vector<16xf32>
        %mul3A_2666 = arith.mulf %mul3A_2665, %get3A_2664 : vector<16xf32>
        %add3A_2667 = arith.addf %add3A_2595, %mul3A_2666 : vector<16xf32>
        %add3A_2668 = arith.constant 7 : i32
        %add3A_2669 = arith.addi %mul3A_2109, %add3A_2668 : i32
        %get3A_2670 = arith.constant 1 : i32
        %get3A_2671 = arith.index_cast %get3A_2670 : i32 to index
        %get3A_2672 = arith.index_cast %add3A_2669 : i32 to index
        %get3A_2673 = arith.constant 80 : index
        %get3A_2674 = tpu.vector_load %arg12[%get3A_2671, %get3A_2672, %get3A_2673] {strides = array<i32>} : memref<2x208x128xf32, #tpu.memory_space<vmem>>, vector<16xf32>,
        %mul3A_2675 = vector.broadcast %squeeze3A_2617 : f32 to vector<16xf32>
        %mul3A_2676 = arith.mulf %mul3A_2675, %get3A_2674 : vector<16xf32>
        %add3A_2677 = arith.addf %add3A_2605, %mul3A_2676 : vector<16xf32>
        %add3A_2678 = arith.constant 7 : i32
        %add3A_2679 = arith.addi %mul3A_2109, %add3A_2678 : i32
        %get3A_2680 = arith.constant 1 : i32
        %get3A_2681 = arith.index_cast %get3A_2680 : i32 to index
        %get3A_2682 = arith.index_cast %add3A_2679 : i32 to index
        %get3A_2683 = arith.constant 84 : index
        %get3A_2684 = tpu.vector_load %arg12[%get3A_2681, %get3A_2682, %get3A_2683] {strides = array<i32>} : memref<2x208x128xf32, #tpu.memory_space<vmem>>, vector<16xf32>,
        %mul3A_2685 = vector.broadcast %squeeze3A_2617 : f32 to vector<16xf32>
        %mul3A_2686 = arith.mulf %mul3A_2685, %get3A_2684 : vector<16xf32>
        %add3A_2687 = arith.addf %add3A_2615, %mul3A_2686 : vector<16xf32>
        %slice3A_2688 = vector.extract_strided_slice %get3A_2111 {offsets = [8], sizes = [1], strides = [1]} : vector<16xf32> to vector<1xf32>
        %squeeze3A_2689 = vector.extract %slice3A_2688[0] : f32 from vector<1xf32>
        %add3A_2690 = arith.constant 8 : i32
        %add3A_2691 = arith.addi %mul3A_2109, %add3A_2690 : i32
        %get3A_2692 = arith.constant 1 : i32
        %get3A_2693 = arith.index_cast %get3A_2692 : i32 to index
        %get3A_2694 = arith.index_cast %add3A_2691 : i32 to index
        %get3A_2695 = arith.constant 0 : index
        %get3A_2696 = tpu.vector_load %arg12[%get3A_2693, %get3A_2694, %get3A_2695] {strides = array<i32>} : memref<2x208x128xf32, #tpu.memory_space<vmem>>, vector<16xf32>,
        %mul3A_2697 = vector.broadcast %squeeze3A_2689 : f32 to vector<16xf32>
        %mul3A_2698 = arith.mulf %mul3A_2697, %get3A_2696 : vector<16xf32>
        %add3A_2699 = arith.addf %add3A_2627, %mul3A_2698 : vector<16xf32>
        %add3A_2700 = arith.constant 8 : i32
        %add3A_2701 = arith.addi %mul3A_2109, %add3A_2700 : i32
        %get3A_2702 = arith.constant 1 : i32
        %get3A_2703 = arith.index_cast %get3A_2702 : i32 to index
        %get3A_2704 = arith.index_cast %add3A_2701 : i32 to index
        %get3A_2705 = arith.constant 16 : index
        %get3A_2706 = tpu.vector_load %arg12[%get3A_2703, %get3A_2704, %get3A_2705] {strides = array<i32>} : memref<2x208x128xf32, #tpu.memory_space<vmem>>, vector<16xf32>,
        %mul3A_2707 = vector.broadcast %squeeze3A_2689 : f32 to vector<16xf32>
        %mul3A_2708 = arith.mulf %mul3A_2707, %get3A_2706 : vector<16xf32>
        %add3A_2709 = arith.addf %add3A_2637, %mul3A_2708 : vector<16xf32>
        %add3A_2710 = arith.constant 8 : i32
        %add3A_2711 = arith.addi %mul3A_2109, %add3A_2710 : i32
        %get3A_2712 = arith.constant 1 : i32
        %get3A_2713 = arith.index_cast %get3A_2712 : i32 to index
        %get3A_2714 = arith.index_cast %add3A_2711 : i32 to index
        %get3A_2715 = arith.constant 32 : index
        %get3A_2716 = tpu.vector_load %arg12[%get3A_2713, %get3A_2714, %get3A_2715] {strides = array<i32>} : memref<2x208x128xf32, #tpu.memory_space<vmem>>, vector<16xf32>,
        %mul3A_2717 = vector.broadcast %squeeze3A_2689 : f32 to vector<16xf32>
        %mul3A_2718 = arith.mulf %mul3A_2717, %get3A_2716 : vector<16xf32>
        %add3A_2719 = arith.addf %add3A_2647, %mul3A_2718 : vector<16xf32>
        %add3A_2720 = arith.constant 8 : i32
        %add3A_2721 = arith.addi %mul3A_2109, %add3A_2720 : i32
        %get3A_2722 = arith.constant 1 : i32
        %get3A_2723 = arith.index_cast %get3A_2722 : i32 to index
        %get3A_2724 = arith.index_cast %add3A_2721 : i32 to index
        %get3A_2725 = arith.constant 48 : index
        %get3A_2726 = tpu.vector_load %arg12[%get3A_2723, %get3A_2724, %get3A_2725] {strides = array<i32>} : memref<2x208x128xf32, #tpu.memory_space<vmem>>, vector<16xf32>,
        %mul3A_2727 = vector.broadcast %squeeze3A_2689 : f32 to vector<16xf32>
        %mul3A_2728 = arith.mulf %mul3A_2727, %get3A_2726 : vector<16xf32>
        %add3A_2729 = arith.addf %add3A_2657, %mul3A_2728 : vector<16xf32>
        %add3A_2730 = arith.constant 8 : i32
        %add3A_2731 = arith.addi %mul3A_2109, %add3A_2730 : i32
        %get3A_2732 = arith.constant 1 : i32
        %get3A_2733 = arith.index_cast %get3A_2732 : i32 to index
        %get3A_2734 = arith.index_cast %add3A_2731 : i32 to index
        %get3A_2735 = arith.constant 64 : index
        %get3A_2736 = tpu.vector_load %arg12[%get3A_2733, %get3A_2734, %get3A_2735] {strides = array<i32>} : memref<2x208x128xf32, #tpu.memory_space<vmem>>, vector<16xf32>,
        %mul3A_2737 = vector.broadcast %squeeze3A_2689 : f32 to vector<16xf32>
        %mul3A_2738 = arith.mulf %mul3A_2737, %get3A_2736 : vector<16xf32>
        %add3A_2739 = arith.addf %add3A_2667, %mul3A_2738 : vector<16xf32>
        %add3A_2740 = arith.constant 8 : i32
        %add3A_2741 = arith.addi %mul3A_2109, %add3A_2740 : i32
        %get3A_2742 = arith.constant 1 : i32
        %get3A_2743 = arith.index_cast %get3A_2742 : i32 to index
        %get3A_2744 = arith.index_cast %add3A_2741 : i32 to index
        %get3A_2745 = arith.constant 80 : index
        %get3A_2746 = tpu.vector_load %arg12[%get3A_2743, %get3A_2744, %get3A_2745] {strides = array<i32>} : memref<2x208x128xf32, #tpu.memory_space<vmem>>, vector<16xf32>,
        %mul3A_2747 = vector.broadcast %squeeze3A_2689 : f32 to vector<16xf32>
        %mul3A_2748 = arith.mulf %mul3A_2747, %get3A_2746 : vector<16xf32>
        %add3A_2749 = arith.addf %add3A_2677, %mul3A_2748 : vector<16xf32>
        %add3A_2750 = arith.constant 8 : i32
        %add3A_2751 = arith.addi %mul3A_2109, %add3A_2750 : i32
        %get3A_2752 = arith.constant 1 : i32
        %get3A_2753 = arith.index_cast %get3A_2752 : i32 to index
        %get3A_2754 = arith.index_cast %add3A_2751 : i32 to index
        %get3A_2755 = arith.constant 84 : index
        %get3A_2756 = tpu.vector_load %arg12[%get3A_2753, %get3A_2754, %get3A_2755] {strides = array<i32>} : memref<2x208x128xf32, #tpu.memory_space<vmem>>, vector<16xf32>,
        %mul3A_2757 = vector.broadcast %squeeze3A_2689 : f32 to vector<16xf32>
        %mul3A_2758 = arith.mulf %mul3A_2757, %get3A_2756 : vector<16xf32>
        %add3A_2759 = arith.addf %add3A_2687, %mul3A_2758 : vector<16xf32>
        %slice3A_2760 = vector.extract_strided_slice %get3A_2111 {offsets = [9], sizes = [1], strides = [1]} : vector<16xf32> to vector<1xf32>
        %squeeze3A_2761 = vector.extract %slice3A_2760[0] : f32 from vector<1xf32>
        %add3A_2762 = arith.constant 9 : i32
        %add3A_2763 = arith.addi %mul3A_2109, %add3A_2762 : i32
        %get3A_2764 = arith.constant 1 : i32
        %get3A_2765 = arith.index_cast %get3A_2764 : i32 to index
        %get3A_2766 = arith.index_cast %add3A_2763 : i32 to index
        %get3A_2767 = arith.constant 0 : index
        %get3A_2768 = tpu.vector_load %arg12[%get3A_2765, %get3A_2766, %get3A_2767] {strides = array<i32>} : memref<2x208x128xf32, #tpu.memory_space<vmem>>, vector<16xf32>,
        %mul3A_2769 = vector.broadcast %squeeze3A_2761 : f32 to vector<16xf32>
        %mul3A_2770 = arith.mulf %mul3A_2769, %get3A_2768 : vector<16xf32>
        %add3A_2771 = arith.addf %add3A_2699, %mul3A_2770 : vector<16xf32>
        %add3A_2772 = arith.constant 9 : i32
        %add3A_2773 = arith.addi %mul3A_2109, %add3A_2772 : i32
        %get3A_2774 = arith.constant 1 : i32
        %get3A_2775 = arith.index_cast %get3A_2774 : i32 to index
        %get3A_2776 = arith.index_cast %add3A_2773 : i32 to index
        %get3A_2777 = arith.constant 16 : index
        %get3A_2778 = tpu.vector_load %arg12[%get3A_2775, %get3A_2776, %get3A_2777] {strides = array<i32>} : memref<2x208x128xf32, #tpu.memory_space<vmem>>, vector<16xf32>,
        %mul3A_2779 = vector.broadcast %squeeze3A_2761 : f32 to vector<16xf32>
        %mul3A_2780 = arith.mulf %mul3A_2779, %get3A_2778 : vector<16xf32>
        %add3A_2781 = arith.addf %add3A_2709, %mul3A_2780 : vector<16xf32>
        %add3A_2782 = arith.constant 9 : i32
        %add3A_2783 = arith.addi %mul3A_2109, %add3A_2782 : i32
        %get3A_2784 = arith.constant 1 : i32
        %get3A_2785 = arith.index_cast %get3A_2784 : i32 to index
        %get3A_2786 = arith.index_cast %add3A_2783 : i32 to index
        %get3A_2787 = arith.constant 32 : index
        %get3A_2788 = tpu.vector_load %arg12[%get3A_2785, %get3A_2786, %get3A_2787] {strides = array<i32>} : memref<2x208x128xf32, #tpu.memory_space<vmem>>, vector<16xf32>,
        %mul3A_2789 = vector.broadcast %squeeze3A_2761 : f32 to vector<16xf32>
        %mul3A_2790 = arith.mulf %mul3A_2789, %get3A_2788 : vector<16xf32>
        %add3A_2791 = arith.addf %add3A_2719, %mul3A_2790 : vector<16xf32>
        %add3A_2792 = arith.constant 9 : i32
        %add3A_2793 = arith.addi %mul3A_2109, %add3A_2792 : i32
        %get3A_2794 = arith.constant 1 : i32
        %get3A_2795 = arith.index_cast %get3A_2794 : i32 to index
        %get3A_2796 = arith.index_cast %add3A_2793 : i32 to index
        %get3A_2797 = arith.constant 48 : index
        %get3A_2798 = tpu.vector_load %arg12[%get3A_2795, %get3A_2796, %get3A_2797] {strides = array<i32>} : memref<2x208x128xf32, #tpu.memory_space<vmem>>, vector<16xf32>,
        %mul3A_2799 = vector.broadcast %squeeze3A_2761 : f32 to vector<16xf32>
        %mul3A_2800 = arith.mulf %mul3A_2799, %get3A_2798 : vector<16xf32>
        %add3A_2801 = arith.addf %add3A_2729, %mul3A_2800 : vector<16xf32>
        %add3A_2802 = arith.constant 9 : i32
        %add3A_2803 = arith.addi %mul3A_2109, %add3A_2802 : i32
        %get3A_2804 = arith.constant 1 : i32
        %get3A_2805 = arith.index_cast %get3A_2804 : i32 to index
        %get3A_2806 = arith.index_cast %add3A_2803 : i32 to index
        %get3A_2807 = arith.constant 64 : index
        %get3A_2808 = tpu.vector_load %arg12[%get3A_2805, %get3A_2806, %get3A_2807] {strides = array<i32>} : memref<2x208x128xf32, #tpu.memory_space<vmem>>, vector<16xf32>,
        %mul3A_2809 = vector.broadcast %squeeze3A_2761 : f32 to vector<16xf32>
        %mul3A_2810 = arith.mulf %mul3A_2809, %get3A_2808 : vector<16xf32>
        %add3A_2811 = arith.addf %add3A_2739, %mul3A_2810 : vector<16xf32>
        %add3A_2812 = arith.constant 9 : i32
        %add3A_2813 = arith.addi %mul3A_2109, %add3A_2812 : i32
        %get3A_2814 = arith.constant 1 : i32
        %get3A_2815 = arith.index_cast %get3A_2814 : i32 to index
        %get3A_2816 = arith.index_cast %add3A_2813 : i32 to index
        %get3A_2817 = arith.constant 80 : index
        %get3A_2818 = tpu.vector_load %arg12[%get3A_2815, %get3A_2816, %get3A_2817] {strides = array<i32>} : memref<2x208x128xf32, #tpu.memory_space<vmem>>, vector<16xf32>,
        %mul3A_2819 = vector.broadcast %squeeze3A_2761 : f32 to vector<16xf32>
        %mul3A_2820 = arith.mulf %mul3A_2819, %get3A_2818 : vector<16xf32>
        %add3A_2821 = arith.addf %add3A_2749, %mul3A_2820 : vector<16xf32>
        %add3A_2822 = arith.constant 9 : i32
        %add3A_2823 = arith.addi %mul3A_2109, %add3A_2822 : i32
        %get3A_2824 = arith.constant 1 : i32
        %get3A_2825 = arith.index_cast %get3A_2824 : i32 to index
        %get3A_2826 = arith.index_cast %add3A_2823 : i32 to index
        %get3A_2827 = arith.constant 84 : index
        %get3A_2828 = tpu.vector_load %arg12[%get3A_2825, %get3A_2826, %get3A_2827] {strides = array<i32>} : memref<2x208x128xf32, #tpu.memory_space<vmem>>, vector<16xf32>,
        %mul3A_2829 = vector.broadcast %squeeze3A_2761 : f32 to vector<16xf32>
        %mul3A_2830 = arith.mulf %mul3A_2829, %get3A_2828 : vector<16xf32>
        %add3A_2831 = arith.addf %add3A_2759, %mul3A_2830 : vector<16xf32>
        %slice3A_2832 = vector.extract_strided_slice %get3A_2111 {offsets = [10], sizes = [1], strides = [1]} : vector<16xf32> to vector<1xf32>
        %squeeze3A_2833 = vector.extract %slice3A_2832[0] : f32 from vector<1xf32>
        %add3A_2834 = arith.constant 10 : i32
        %add3A_2835 = arith.addi %mul3A_2109, %add3A_2834 : i32
        %get3A_2836 = arith.constant 1 : i32
        %get3A_2837 = arith.index_cast %get3A_2836 : i32 to index
        %get3A_2838 = arith.index_cast %add3A_2835 : i32 to index
        %get3A_2839 = arith.constant 0 : index
        %get3A_2840 = tpu.vector_load %arg12[%get3A_2837, %get3A_2838, %get3A_2839] {strides = array<i32>} : memref<2x208x128xf32, #tpu.memory_space<vmem>>, vector<16xf32>,
        %mul3A_2841 = vector.broadcast %squeeze3A_2833 : f32 to vector<16xf32>
        %mul3A_2842 = arith.mulf %mul3A_2841, %get3A_2840 : vector<16xf32>
        %add3A_2843 = arith.addf %add3A_2771, %mul3A_2842 : vector<16xf32>
        %add3A_2844 = arith.constant 10 : i32
        %add3A_2845 = arith.addi %mul3A_2109, %add3A_2844 : i32
        %get3A_2846 = arith.constant 1 : i32
        %get3A_2847 = arith.index_cast %get3A_2846 : i32 to index
        %get3A_2848 = arith.index_cast %add3A_2845 : i32 to index
        %get3A_2849 = arith.constant 16 : index
        %get3A_2850 = tpu.vector_load %arg12[%get3A_2847, %get3A_2848, %get3A_2849] {strides = array<i32>} : memref<2x208x128xf32, #tpu.memory_space<vmem>>, vector<16xf32>,
        %mul3A_2851 = vector.broadcast %squeeze3A_2833 : f32 to vector<16xf32>
        %mul3A_2852 = arith.mulf %mul3A_2851, %get3A_2850 : vector<16xf32>
        %add3A_2853 = arith.addf %add3A_2781, %mul3A_2852 : vector<16xf32>
        %add3A_2854 = arith.constant 10 : i32
        %add3A_2855 = arith.addi %mul3A_2109, %add3A_2854 : i32
        %get3A_2856 = arith.constant 1 : i32
        %get3A_2857 = arith.index_cast %get3A_2856 : i32 to index
        %get3A_2858 = arith.index_cast %add3A_2855 : i32 to index
        %get3A_2859 = arith.constant 32 : index
        %get3A_2860 = tpu.vector_load %arg12[%get3A_2857, %get3A_2858, %get3A_2859] {strides = array<i32>} : memref<2x208x128xf32, #tpu.memory_space<vmem>>, vector<16xf32>,
        %mul3A_2861 = vector.broadcast %squeeze3A_2833 : f32 to vector<16xf32>
        %mul3A_2862 = arith.mulf %mul3A_2861, %get3A_2860 : vector<16xf32>
        %add3A_2863 = arith.addf %add3A_2791, %mul3A_2862 : vector<16xf32>
        %add3A_2864 = arith.constant 10 : i32
        %add3A_2865 = arith.addi %mul3A_2109, %add3A_2864 : i32
        %get3A_2866 = arith.constant 1 : i32
        %get3A_2867 = arith.index_cast %get3A_2866 : i32 to index
        %get3A_2868 = arith.index_cast %add3A_2865 : i32 to index
        %get3A_2869 = arith.constant 48 : index
        %get3A_2870 = tpu.vector_load %arg12[%get3A_2867, %get3A_2868, %get3A_2869] {strides = array<i32>} : memref<2x208x128xf32, #tpu.memory_space<vmem>>, vector<16xf32>,
        %mul3A_2871 = vector.broadcast %squeeze3A_2833 : f32 to vector<16xf32>
        %mul3A_2872 = arith.mulf %mul3A_2871, %get3A_2870 : vector<16xf32>
        %add3A_2873 = arith.addf %add3A_2801, %mul3A_2872 : vector<16xf32>
        %add3A_2874 = arith.constant 10 : i32
        %add3A_2875 = arith.addi %mul3A_2109, %add3A_2874 : i32
        %get3A_2876 = arith.constant 1 : i32
        %get3A_2877 = arith.index_cast %get3A_2876 : i32 to index
        %get3A_2878 = arith.index_cast %add3A_2875 : i32 to index
        %get3A_2879 = arith.constant 64 : index
        %get3A_2880 = tpu.vector_load %arg12[%get3A_2877, %get3A_2878, %get3A_2879] {strides = array<i32>} : memref<2x208x128xf32, #tpu.memory_space<vmem>>, vector<16xf32>,
        %mul3A_2881 = vector.broadcast %squeeze3A_2833 : f32 to vector<16xf32>
        %mul3A_2882 = arith.mulf %mul3A_2881, %get3A_2880 : vector<16xf32>
        %add3A_2883 = arith.addf %add3A_2811, %mul3A_2882 : vector<16xf32>
        %add3A_2884 = arith.constant 10 : i32
        %add3A_2885 = arith.addi %mul3A_2109, %add3A_2884 : i32
        %get3A_2886 = arith.constant 1 : i32
        %get3A_2887 = arith.index_cast %get3A_2886 : i32 to index
        %get3A_2888 = arith.index_cast %add3A_2885 : i32 to index
        %get3A_2889 = arith.constant 80 : index
        %get3A_2890 = tpu.vector_load %arg12[%get3A_2887, %get3A_2888, %get3A_2889] {strides = array<i32>} : memref<2x208x128xf32, #tpu.memory_space<vmem>>, vector<16xf32>,
        %mul3A_2891 = vector.broadcast %squeeze3A_2833 : f32 to vector<16xf32>
        %mul3A_2892 = arith.mulf %mul3A_2891, %get3A_2890 : vector<16xf32>
        %add3A_2893 = arith.addf %add3A_2821, %mul3A_2892 : vector<16xf32>
        %add3A_2894 = arith.constant 10 : i32
        %add3A_2895 = arith.addi %mul3A_2109, %add3A_2894 : i32
        %get3A_2896 = arith.constant 1 : i32
        %get3A_2897 = arith.index_cast %get3A_2896 : i32 to index
        %get3A_2898 = arith.index_cast %add3A_2895 : i32 to index
        %get3A_2899 = arith.constant 84 : index
        %get3A_2900 = tpu.vector_load %arg12[%get3A_2897, %get3A_2898, %get3A_2899] {strides = array<i32>} : memref<2x208x128xf32, #tpu.memory_space<vmem>>, vector<16xf32>,
        %mul3A_2901 = vector.broadcast %squeeze3A_2833 : f32 to vector<16xf32>
        %mul3A_2902 = arith.mulf %mul3A_2901, %get3A_2900 : vector<16xf32>
        %add3A_2903 = arith.addf %add3A_2831, %mul3A_2902 : vector<16xf32>
        %slice3A_2904 = vector.extract_strided_slice %get3A_2111 {offsets = [11], sizes = [1], strides = [1]} : vector<16xf32> to vector<1xf32>
        %squeeze3A_2905 = vector.extract %slice3A_2904[0] : f32 from vector<1xf32>
        %add3A_2906 = arith.constant 11 : i32
        %add3A_2907 = arith.addi %mul3A_2109, %add3A_2906 : i32
        %get3A_2908 = arith.constant 1 : i32
        %get3A_2909 = arith.index_cast %get3A_2908 : i32 to index
        %get3A_2910 = arith.index_cast %add3A_2907 : i32 to index
        %get3A_2911 = arith.constant 0 : index
        %get3A_2912 = tpu.vector_load %arg12[%get3A_2909, %get3A_2910, %get3A_2911] {strides = array<i32>} : memref<2x208x128xf32, #tpu.memory_space<vmem>>, vector<16xf32>,
        %mul3A_2913 = vector.broadcast %squeeze3A_2905 : f32 to vector<16xf32>
        %mul3A_2914 = arith.mulf %mul3A_2913, %get3A_2912 : vector<16xf32>
        %add3A_2915 = arith.addf %add3A_2843, %mul3A_2914 : vector<16xf32>
        %add3A_2916 = arith.constant 11 : i32
        %add3A_2917 = arith.addi %mul3A_2109, %add3A_2916 : i32
        %get3A_2918 = arith.constant 1 : i32
        %get3A_2919 = arith.index_cast %get3A_2918 : i32 to index
        %get3A_2920 = arith.index_cast %add3A_2917 : i32 to index
        %get3A_2921 = arith.constant 16 : index
        %get3A_2922 = tpu.vector_load %arg12[%get3A_2919, %get3A_2920, %get3A_2921] {strides = array<i32>} : memref<2x208x128xf32, #tpu.memory_space<vmem>>, vector<16xf32>,
        %mul3A_2923 = vector.broadcast %squeeze3A_2905 : f32 to vector<16xf32>
        %mul3A_2924 = arith.mulf %mul3A_2923, %get3A_2922 : vector<16xf32>
        %add3A_2925 = arith.addf %add3A_2853, %mul3A_2924 : vector<16xf32>
        %add3A_2926 = arith.constant 11 : i32
        %add3A_2927 = arith.addi %mul3A_2109, %add3A_2926 : i32
        %get3A_2928 = arith.constant 1 : i32
        %get3A_2929 = arith.index_cast %get3A_2928 : i32 to index
        %get3A_2930 = arith.index_cast %add3A_2927 : i32 to index
        %get3A_2931 = arith.constant 32 : index
        %get3A_2932 = tpu.vector_load %arg12[%get3A_2929, %get3A_2930, %get3A_2931] {strides = array<i32>} : memref<2x208x128xf32, #tpu.memory_space<vmem>>, vector<16xf32>,
        %mul3A_2933 = vector.broadcast %squeeze3A_2905 : f32 to vector<16xf32>
        %mul3A_2934 = arith.mulf %mul3A_2933, %get3A_2932 : vector<16xf32>
        %add3A_2935 = arith.addf %add3A_2863, %mul3A_2934 : vector<16xf32>
        %add3A_2936 = arith.constant 11 : i32
        %add3A_2937 = arith.addi %mul3A_2109, %add3A_2936 : i32
        %get3A_2938 = arith.constant 1 : i32
        %get3A_2939 = arith.index_cast %get3A_2938 : i32 to index
        %get3A_2940 = arith.index_cast %add3A_2937 : i32 to index
        %get3A_2941 = arith.constant 48 : index
        %get3A_2942 = tpu.vector_load %arg12[%get3A_2939, %get3A_2940, %get3A_2941] {strides = array<i32>} : memref<2x208x128xf32, #tpu.memory_space<vmem>>, vector<16xf32>,
        %mul3A_2943 = vector.broadcast %squeeze3A_2905 : f32 to vector<16xf32>
        %mul3A_2944 = arith.mulf %mul3A_2943, %get3A_2942 : vector<16xf32>
        %add3A_2945 = arith.addf %add3A_2873, %mul3A_2944 : vector<16xf32>
        %add3A_2946 = arith.constant 11 : i32
        %add3A_2947 = arith.addi %mul3A_2109, %add3A_2946 : i32
        %get3A_2948 = arith.constant 1 : i32
        %get3A_2949 = arith.index_cast %get3A_2948 : i32 to index
        %get3A_2950 = arith.index_cast %add3A_2947 : i32 to index
        %get3A_2951 = arith.constant 64 : index
        %get3A_2952 = tpu.vector_load %arg12[%get3A_2949, %get3A_2950, %get3A_2951] {strides = array<i32>} : memref<2x208x128xf32, #tpu.memory_space<vmem>>, vector<16xf32>,
        %mul3A_2953 = vector.broadcast %squeeze3A_2905 : f32 to vector<16xf32>
        %mul3A_2954 = arith.mulf %mul3A_2953, %get3A_2952 : vector<16xf32>
        %add3A_2955 = arith.addf %add3A_2883, %mul3A_2954 : vector<16xf32>
        %add3A_2956 = arith.constant 11 : i32
        %add3A_2957 = arith.addi %mul3A_2109, %add3A_2956 : i32
        %get3A_2958 = arith.constant 1 : i32
        %get3A_2959 = arith.index_cast %get3A_2958 : i32 to index
        %get3A_2960 = arith.index_cast %add3A_2957 : i32 to index
        %get3A_2961 = arith.constant 80 : index
        %get3A_2962 = tpu.vector_load %arg12[%get3A_2959, %get3A_2960, %get3A_2961] {strides = array<i32>} : memref<2x208x128xf32, #tpu.memory_space<vmem>>, vector<16xf32>,
        %mul3A_2963 = vector.broadcast %squeeze3A_2905 : f32 to vector<16xf32>
        %mul3A_2964 = arith.mulf %mul3A_2963, %get3A_2962 : vector<16xf32>
        %add3A_2965 = arith.addf %add3A_2893, %mul3A_2964 : vector<16xf32>
        %add3A_2966 = arith.constant 11 : i32
        %add3A_2967 = arith.addi %mul3A_2109, %add3A_2966 : i32
        %get3A_2968 = arith.constant 1 : i32
        %get3A_2969 = arith.index_cast %get3A_2968 : i32 to index
        %get3A_2970 = arith.index_cast %add3A_2967 : i32 to index
        %get3A_2971 = arith.constant 84 : index
        %get3A_2972 = tpu.vector_load %arg12[%get3A_2969, %get3A_2970, %get3A_2971] {strides = array<i32>} : memref<2x208x128xf32, #tpu.memory_space<vmem>>, vector<16xf32>,
        %mul3A_2973 = vector.broadcast %squeeze3A_2905 : f32 to vector<16xf32>
        %mul3A_2974 = arith.mulf %mul3A_2973, %get3A_2972 : vector<16xf32>
        %add3A_2975 = arith.addf %add3A_2903, %mul3A_2974 : vector<16xf32>
        %slice3A_2976 = vector.extract_strided_slice %get3A_2111 {offsets = [12], sizes = [1], strides = [1]} : vector<16xf32> to vector<1xf32>
        %squeeze3A_2977 = vector.extract %slice3A_2976[0] : f32 from vector<1xf32>
        %add3A_2978 = arith.constant 12 : i32
        %add3A_2979 = arith.addi %mul3A_2109, %add3A_2978 : i32
        %get3A_2980 = arith.constant 1 : i32
        %get3A_2981 = arith.index_cast %get3A_2980 : i32 to index
        %get3A_2982 = arith.index_cast %add3A_2979 : i32 to index
        %get3A_2983 = arith.constant 0 : index
        %get3A_2984 = tpu.vector_load %arg12[%get3A_2981, %get3A_2982, %get3A_2983] {strides = array<i32>} : memref<2x208x128xf32, #tpu.memory_space<vmem>>, vector<16xf32>,
        %mul3A_2985 = vector.broadcast %squeeze3A_2977 : f32 to vector<16xf32>
        %mul3A_2986 = arith.mulf %mul3A_2985, %get3A_2984 : vector<16xf32>
        %add3A_2987 = arith.addf %add3A_2915, %mul3A_2986 : vector<16xf32>
        %add3A_2988 = arith.constant 12 : i32
        %add3A_2989 = arith.addi %mul3A_2109, %add3A_2988 : i32
        %get3A_2990 = arith.constant 1 : i32
        %get3A_2991 = arith.index_cast %get3A_2990 : i32 to index
        %get3A_2992 = arith.index_cast %add3A_2989 : i32 to index
        %get3A_2993 = arith.constant 16 : index
        %get3A_2994 = tpu.vector_load %arg12[%get3A_2991, %get3A_2992, %get3A_2993] {strides = array<i32>} : memref<2x208x128xf32, #tpu.memory_space<vmem>>, vector<16xf32>,
        %mul3A_2995 = vector.broadcast %squeeze3A_2977 : f32 to vector<16xf32>
        %mul3A_2996 = arith.mulf %mul3A_2995, %get3A_2994 : vector<16xf32>
        %add3A_2997 = arith.addf %add3A_2925, %mul3A_2996 : vector<16xf32>
        %add3A_2998 = arith.constant 12 : i32
        %add3A_2999 = arith.addi %mul3A_2109, %add3A_2998 : i32
        %get3A_3000 = arith.constant 1 : i32
        %get3A_3001 = arith.index_cast %get3A_3000 : i32 to index
        %get3A_3002 = arith.index_cast %add3A_2999 : i32 to index
        %get3A_3003 = arith.constant 32 : index
        %get3A_3004 = tpu.vector_load %arg12[%get3A_3001, %get3A_3002, %get3A_3003] {strides = array<i32>} : memref<2x208x128xf32, #tpu.memory_space<vmem>>, vector<16xf32>,
        %mul3A_3005 = vector.broadcast %squeeze3A_2977 : f32 to vector<16xf32>
        %mul3A_3006 = arith.mulf %mul3A_3005, %get3A_3004 : vector<16xf32>
        %add3A_3007 = arith.addf %add3A_2935, %mul3A_3006 : vector<16xf32>
        %add3A_3008 = arith.constant 12 : i32
        %add3A_3009 = arith.addi %mul3A_2109, %add3A_3008 : i32
        %get3A_3010 = arith.constant 1 : i32
        %get3A_3011 = arith.index_cast %get3A_3010 : i32 to index
        %get3A_3012 = arith.index_cast %add3A_3009 : i32 to index
        %get3A_3013 = arith.constant 48 : index
        %get3A_3014 = tpu.vector_load %arg12[%get3A_3011, %get3A_3012, %get3A_3013] {strides = array<i32>} : memref<2x208x128xf32, #tpu.memory_space<vmem>>, vector<16xf32>,
        %mul3A_3015 = vector.broadcast %squeeze3A_2977 : f32 to vector<16xf32>
        %mul3A_3016 = arith.mulf %mul3A_3015, %get3A_3014 : vector<16xf32>
        %add3A_3017 = arith.addf %add3A_2945, %mul3A_3016 : vector<16xf32>
        %add3A_3018 = arith.constant 12 : i32
        %add3A_3019 = arith.addi %mul3A_2109, %add3A_3018 : i32
        %get3A_3020 = arith.constant 1 : i32
        %get3A_3021 = arith.index_cast %get3A_3020 : i32 to index
        %get3A_3022 = arith.index_cast %add3A_3019 : i32 to index
        %get3A_3023 = arith.constant 64 : index
        %get3A_3024 = tpu.vector_load %arg12[%get3A_3021, %get3A_3022, %get3A_3023] {strides = array<i32>} : memref<2x208x128xf32, #tpu.memory_space<vmem>>, vector<16xf32>,
        %mul3A_3025 = vector.broadcast %squeeze3A_2977 : f32 to vector<16xf32>
        %mul3A_3026 = arith.mulf %mul3A_3025, %get3A_3024 : vector<16xf32>
        %add3A_3027 = arith.addf %add3A_2955, %mul3A_3026 : vector<16xf32>
        %add3A_3028 = arith.constant 12 : i32
        %add3A_3029 = arith.addi %mul3A_2109, %add3A_3028 : i32
        %get3A_3030 = arith.constant 1 : i32
        %get3A_3031 = arith.index_cast %get3A_3030 : i32 to index
        %get3A_3032 = arith.index_cast %add3A_3029 : i32 to index
        %get3A_3033 = arith.constant 80 : index
        %get3A_3034 = tpu.vector_load %arg12[%get3A_3031, %get3A_3032, %get3A_3033] {strides = array<i32>} : memref<2x208x128xf32, #tpu.memory_space<vmem>>, vector<16xf32>,
        %mul3A_3035 = vector.broadcast %squeeze3A_2977 : f32 to vector<16xf32>
        %mul3A_3036 = arith.mulf %mul3A_3035, %get3A_3034 : vector<16xf32>
        %add3A_3037 = arith.addf %add3A_2965, %mul3A_3036 : vector<16xf32>
        %add3A_3038 = arith.constant 12 : i32
        %add3A_3039 = arith.addi %mul3A_2109, %add3A_3038 : i32
        %get3A_3040 = arith.constant 1 : i32
        %get3A_3041 = arith.index_cast %get3A_3040 : i32 to index
        %get3A_3042 = arith.index_cast %add3A_3039 : i32 to index
        %get3A_3043 = arith.constant 84 : index
        %get3A_3044 = tpu.vector_load %arg12[%get3A_3041, %get3A_3042, %get3A_3043] {strides = array<i32>} : memref<2x208x128xf32, #tpu.memory_space<vmem>>, vector<16xf32>,
        %mul3A_3045 = vector.broadcast %squeeze3A_2977 : f32 to vector<16xf32>
        %mul3A_3046 = arith.mulf %mul3A_3045, %get3A_3044 : vector<16xf32>
        %add3A_3047 = arith.addf %add3A_2975, %mul3A_3046 : vector<16xf32>
        %slice3A_3048 = vector.extract_strided_slice %get3A_2111 {offsets = [13], sizes = [1], strides = [1]} : vector<16xf32> to vector<1xf32>
        %squeeze3A_3049 = vector.extract %slice3A_3048[0] : f32 from vector<1xf32>
        %add3A_3050 = arith.constant 13 : i32
        %add3A_3051 = arith.addi %mul3A_2109, %add3A_3050 : i32
        %get3A_3052 = arith.constant 1 : i32
        %get3A_3053 = arith.index_cast %get3A_3052 : i32 to index
        %get3A_3054 = arith.index_cast %add3A_3051 : i32 to index
        %get3A_3055 = arith.constant 0 : index
        %get3A_3056 = tpu.vector_load %arg12[%get3A_3053, %get3A_3054, %get3A_3055] {strides = array<i32>} : memref<2x208x128xf32, #tpu.memory_space<vmem>>, vector<16xf32>,
        %mul3A_3057 = vector.broadcast %squeeze3A_3049 : f32 to vector<16xf32>
        %mul3A_3058 = arith.mulf %mul3A_3057, %get3A_3056 : vector<16xf32>
        %add3A_3059 = arith.addf %add3A_2987, %mul3A_3058 : vector<16xf32>
        %add3A_3060 = arith.constant 13 : i32
        %add3A_3061 = arith.addi %mul3A_2109, %add3A_3060 : i32
        %get3A_3062 = arith.constant 1 : i32
        %get3A_3063 = arith.index_cast %get3A_3062 : i32 to index
        %get3A_3064 = arith.index_cast %add3A_3061 : i32 to index
        %get3A_3065 = arith.constant 16 : index
        %get3A_3066 = tpu.vector_load %arg12[%get3A_3063, %get3A_3064, %get3A_3065] {strides = array<i32>} : memref<2x208x128xf32, #tpu.memory_space<vmem>>, vector<16xf32>,
        %mul3A_3067 = vector.broadcast %squeeze3A_3049 : f32 to vector<16xf32>
        %mul3A_3068 = arith.mulf %mul3A_3067, %get3A_3066 : vector<16xf32>
        %add3A_3069 = arith.addf %add3A_2997, %mul3A_3068 : vector<16xf32>
        %add3A_3070 = arith.constant 13 : i32
        %add3A_3071 = arith.addi %mul3A_2109, %add3A_3070 : i32
        %get3A_3072 = arith.constant 1 : i32
        %get3A_3073 = arith.index_cast %get3A_3072 : i32 to index
        %get3A_3074 = arith.index_cast %add3A_3071 : i32 to index
        %get3A_3075 = arith.constant 32 : index
        %get3A_3076 = tpu.vector_load %arg12[%get3A_3073, %get3A_3074, %get3A_3075] {strides = array<i32>} : memref<2x208x128xf32, #tpu.memory_space<vmem>>, vector<16xf32>,
        %mul3A_3077 = vector.broadcast %squeeze3A_3049 : f32 to vector<16xf32>
        %mul3A_3078 = arith.mulf %mul3A_3077, %get3A_3076 : vector<16xf32>
        %add3A_3079 = arith.addf %add3A_3007, %mul3A_3078 : vector<16xf32>
        %add3A_3080 = arith.constant 13 : i32
        %add3A_3081 = arith.addi %mul3A_2109, %add3A_3080 : i32
        %get3A_3082 = arith.constant 1 : i32
        %get3A_3083 = arith.index_cast %get3A_3082 : i32 to index
        %get3A_3084 = arith.index_cast %add3A_3081 : i32 to index
        %get3A_3085 = arith.constant 48 : index
        %get3A_3086 = tpu.vector_load %arg12[%get3A_3083, %get3A_3084, %get3A_3085] {strides = array<i32>} : memref<2x208x128xf32, #tpu.memory_space<vmem>>, vector<16xf32>,
        %mul3A_3087 = vector.broadcast %squeeze3A_3049 : f32 to vector<16xf32>
        %mul3A_3088 = arith.mulf %mul3A_3087, %get3A_3086 : vector<16xf32>
        %add3A_3089 = arith.addf %add3A_3017, %mul3A_3088 : vector<16xf32>
        %add3A_3090 = arith.constant 13 : i32
        %add3A_3091 = arith.addi %mul3A_2109, %add3A_3090 : i32
        %get3A_3092 = arith.constant 1 : i32
        %get3A_3093 = arith.index_cast %get3A_3092 : i32 to index
        %get3A_3094 = arith.index_cast %add3A_3091 : i32 to index
        %get3A_3095 = arith.constant 64 : index
        %get3A_3096 = tpu.vector_load %arg12[%get3A_3093, %get3A_3094, %get3A_3095] {strides = array<i32>} : memref<2x208x128xf32, #tpu.memory_space<vmem>>, vector<16xf32>,
        %mul3A_3097 = vector.broadcast %squeeze3A_3049 : f32 to vector<16xf32>
        %mul3A_3098 = arith.mulf %mul3A_3097, %get3A_3096 : vector<16xf32>
        %add3A_3099 = arith.addf %add3A_3027, %mul3A_3098 : vector<16xf32>
        %add3A_3100 = arith.constant 13 : i32
        %add3A_3101 = arith.addi %mul3A_2109, %add3A_3100 : i32
        %get3A_3102 = arith.constant 1 : i32
        %get3A_3103 = arith.index_cast %get3A_3102 : i32 to index
        %get3A_3104 = arith.index_cast %add3A_3101 : i32 to index
        %get3A_3105 = arith.constant 80 : index
        %get3A_3106 = tpu.vector_load %arg12[%get3A_3103, %get3A_3104, %get3A_3105] {strides = array<i32>} : memref<2x208x128xf32, #tpu.memory_space<vmem>>, vector<16xf32>,
        %mul3A_3107 = vector.broadcast %squeeze3A_3049 : f32 to vector<16xf32>
        %mul3A_3108 = arith.mulf %mul3A_3107, %get3A_3106 : vector<16xf32>
        %add3A_3109 = arith.addf %add3A_3037, %mul3A_3108 : vector<16xf32>
        %add3A_3110 = arith.constant 13 : i32
        %add3A_3111 = arith.addi %mul3A_2109, %add3A_3110 : i32
        %get3A_3112 = arith.constant 1 : i32
        %get3A_3113 = arith.index_cast %get3A_3112 : i32 to index
        %get3A_3114 = arith.index_cast %add3A_3111 : i32 to index
        %get3A_3115 = arith.constant 84 : index
        %get3A_3116 = tpu.vector_load %arg12[%get3A_3113, %get3A_3114, %get3A_3115] {strides = array<i32>} : memref<2x208x128xf32, #tpu.memory_space<vmem>>, vector<16xf32>,
        %mul3A_3117 = vector.broadcast %squeeze3A_3049 : f32 to vector<16xf32>
        %mul3A_3118 = arith.mulf %mul3A_3117, %get3A_3116 : vector<16xf32>
        %add3A_3119 = arith.addf %add3A_3047, %mul3A_3118 : vector<16xf32>
        %slice3A_3120 = vector.extract_strided_slice %get3A_2111 {offsets = [14], sizes = [1], strides = [1]} : vector<16xf32> to vector<1xf32>
        %squeeze3A_3121 = vector.extract %slice3A_3120[0] : f32 from vector<1xf32>
        %add3A_3122 = arith.constant 14 : i32
        %add3A_3123 = arith.addi %mul3A_2109, %add3A_3122 : i32
        %get3A_3124 = arith.constant 1 : i32
        %get3A_3125 = arith.index_cast %get3A_3124 : i32 to index
        %get3A_3126 = arith.index_cast %add3A_3123 : i32 to index
        %get3A_3127 = arith.constant 0 : index
        %get3A_3128 = tpu.vector_load %arg12[%get3A_3125, %get3A_3126, %get3A_3127] {strides = array<i32>} : memref<2x208x128xf32, #tpu.memory_space<vmem>>, vector<16xf32>,
        %mul3A_3129 = vector.broadcast %squeeze3A_3121 : f32 to vector<16xf32>
        %mul3A_3130 = arith.mulf %mul3A_3129, %get3A_3128 : vector<16xf32>
        %add3A_3131 = arith.addf %add3A_3059, %mul3A_3130 : vector<16xf32>
        %add3A_3132 = arith.constant 14 : i32
        %add3A_3133 = arith.addi %mul3A_2109, %add3A_3132 : i32
        %get3A_3134 = arith.constant 1 : i32
        %get3A_3135 = arith.index_cast %get3A_3134 : i32 to index
        %get3A_3136 = arith.index_cast %add3A_3133 : i32 to index
        %get3A_3137 = arith.constant 16 : index
        %get3A_3138 = tpu.vector_load %arg12[%get3A_3135, %get3A_3136, %get3A_3137] {strides = array<i32>} : memref<2x208x128xf32, #tpu.memory_space<vmem>>, vector<16xf32>,
        %mul3A_3139 = vector.broadcast %squeeze3A_3121 : f32 to vector<16xf32>
        %mul3A_3140 = arith.mulf %mul3A_3139, %get3A_3138 : vector<16xf32>
        %add3A_3141 = arith.addf %add3A_3069, %mul3A_3140 : vector<16xf32>
        %add3A_3142 = arith.constant 14 : i32
        %add3A_3143 = arith.addi %mul3A_2109, %add3A_3142 : i32
        %get3A_3144 = arith.constant 1 : i32
        %get3A_3145 = arith.index_cast %get3A_3144 : i32 to index
        %get3A_3146 = arith.index_cast %add3A_3143 : i32 to index
        %get3A_3147 = arith.constant 32 : index
        %get3A_3148 = tpu.vector_load %arg12[%get3A_3145, %get3A_3146, %get3A_3147] {strides = array<i32>} : memref<2x208x128xf32, #tpu.memory_space<vmem>>, vector<16xf32>,
        %mul3A_3149 = vector.broadcast %squeeze3A_3121 : f32 to vector<16xf32>
        %mul3A_3150 = arith.mulf %mul3A_3149, %get3A_3148 : vector<16xf32>
        %add3A_3151 = arith.addf %add3A_3079, %mul3A_3150 : vector<16xf32>
        %add3A_3152 = arith.constant 14 : i32
        %add3A_3153 = arith.addi %mul3A_2109, %add3A_3152 : i32
        %get3A_3154 = arith.constant 1 : i32
        %get3A_3155 = arith.index_cast %get3A_3154 : i32 to index
        %get3A_3156 = arith.index_cast %add3A_3153 : i32 to index
        %get3A_3157 = arith.constant 48 : index
        %get3A_3158 = tpu.vector_load %arg12[%get3A_3155, %get3A_3156, %get3A_3157] {strides = array<i32>} : memref<2x208x128xf32, #tpu.memory_space<vmem>>, vector<16xf32>,
        %mul3A_3159 = vector.broadcast %squeeze3A_3121 : f32 to vector<16xf32>
        %mul3A_3160 = arith.mulf %mul3A_3159, %get3A_3158 : vector<16xf32>
        %add3A_3161 = arith.addf %add3A_3089, %mul3A_3160 : vector<16xf32>
        %add3A_3162 = arith.constant 14 : i32
        %add3A_3163 = arith.addi %mul3A_2109, %add3A_3162 : i32
        %get3A_3164 = arith.constant 1 : i32
        %get3A_3165 = arith.index_cast %get3A_3164 : i32 to index
        %get3A_3166 = arith.index_cast %add3A_3163 : i32 to index
        %get3A_3167 = arith.constant 64 : index
        %get3A_3168 = tpu.vector_load %arg12[%get3A_3165, %get3A_3166, %get3A_3167] {strides = array<i32>} : memref<2x208x128xf32, #tpu.memory_space<vmem>>, vector<16xf32>,
        %mul3A_3169 = vector.broadcast %squeeze3A_3121 : f32 to vector<16xf32>
        %mul3A_3170 = arith.mulf %mul3A_3169, %get3A_3168 : vector<16xf32>
        %add3A_3171 = arith.addf %add3A_3099, %mul3A_3170 : vector<16xf32>
        %add3A_3172 = arith.constant 14 : i32
        %add3A_3173 = arith.addi %mul3A_2109, %add3A_3172 : i32
        %get3A_3174 = arith.constant 1 : i32
        %get3A_3175 = arith.index_cast %get3A_3174 : i32 to index
        %get3A_3176 = arith.index_cast %add3A_3173 : i32 to index
        %get3A_3177 = arith.constant 80 : index
        %get3A_3178 = tpu.vector_load %arg12[%get3A_3175, %get3A_3176, %get3A_3177] {strides = array<i32>} : memref<2x208x128xf32, #tpu.memory_space<vmem>>, vector<16xf32>,
        %mul3A_3179 = vector.broadcast %squeeze3A_3121 : f32 to vector<16xf32>
        %mul3A_3180 = arith.mulf %mul3A_3179, %get3A_3178 : vector<16xf32>
        %add3A_3181 = arith.addf %add3A_3109, %mul3A_3180 : vector<16xf32>
        %add3A_3182 = arith.constant 14 : i32
        %add3A_3183 = arith.addi %mul3A_2109, %add3A_3182 : i32
        %get3A_3184 = arith.constant 1 : i32
        %get3A_3185 = arith.index_cast %get3A_3184 : i32 to index
        %get3A_3186 = arith.index_cast %add3A_3183 : i32 to index
        %get3A_3187 = arith.constant 84 : index
        %get3A_3188 = tpu.vector_load %arg12[%get3A_3185, %get3A_3186, %get3A_3187] {strides = array<i32>} : memref<2x208x128xf32, #tpu.memory_space<vmem>>, vector<16xf32>,
        %mul3A_3189 = vector.broadcast %squeeze3A_3121 : f32 to vector<16xf32>
        %mul3A_3190 = arith.mulf %mul3A_3189, %get3A_3188 : vector<16xf32>
        %add3A_3191 = arith.addf %add3A_3119, %mul3A_3190 : vector<16xf32>
        %slice3A_3192 = vector.extract_strided_slice %get3A_2111 {offsets = [15], sizes = [1], strides = [1]} : vector<16xf32> to vector<1xf32>
        %squeeze3A_3193 = vector.extract %slice3A_3192[0] : f32 from vector<1xf32>
        %add3A_3194 = arith.constant 15 : i32
        %add3A_3195 = arith.addi %mul3A_2109, %add3A_3194 : i32
        %get3A_3196 = arith.constant 1 : i32
        %get3A_3197 = arith.index_cast %get3A_3196 : i32 to index
        %get3A_3198 = arith.index_cast %add3A_3195 : i32 to index
        %get3A_3199 = arith.constant 0 : index
        %get3A_3200 = tpu.vector_load %arg12[%get3A_3197, %get3A_3198, %get3A_3199] {strides = array<i32>} : memref<2x208x128xf32, #tpu.memory_space<vmem>>, vector<16xf32>,
        %mul3A_3201 = vector.broadcast %squeeze3A_3193 : f32 to vector<16xf32>
        %mul3A_3202 = arith.mulf %mul3A_3201, %get3A_3200 : vector<16xf32>
        %add3A_3203 = arith.addf %add3A_3131, %mul3A_3202 : vector<16xf32>
        %add3A_3204 = arith.constant 15 : i32
        %add3A_3205 = arith.addi %mul3A_2109, %add3A_3204 : i32
        %get3A_3206 = arith.constant 1 : i32
        %get3A_3207 = arith.index_cast %get3A_3206 : i32 to index
        %get3A_3208 = arith.index_cast %add3A_3205 : i32 to index
        %get3A_3209 = arith.constant 16 : index
        %get3A_3210 = tpu.vector_load %arg12[%get3A_3207, %get3A_3208, %get3A_3209] {strides = array<i32>} : memref<2x208x128xf32, #tpu.memory_space<vmem>>, vector<16xf32>,
        %mul3A_3211 = vector.broadcast %squeeze3A_3193 : f32 to vector<16xf32>
        %mul3A_3212 = arith.mulf %mul3A_3211, %get3A_3210 : vector<16xf32>
        %add3A_3213 = arith.addf %add3A_3141, %mul3A_3212 : vector<16xf32>
        %add3A_3214 = arith.constant 15 : i32
        %add3A_3215 = arith.addi %mul3A_2109, %add3A_3214 : i32
        %get3A_3216 = arith.constant 1 : i32
        %get3A_3217 = arith.index_cast %get3A_3216 : i32 to index
        %get3A_3218 = arith.index_cast %add3A_3215 : i32 to index
        %get3A_3219 = arith.constant 32 : index
        %get3A_3220 = tpu.vector_load %arg12[%get3A_3217, %get3A_3218, %get3A_3219] {strides = array<i32>} : memref<2x208x128xf32, #tpu.memory_space<vmem>>, vector<16xf32>,
        %mul3A_3221 = vector.broadcast %squeeze3A_3193 : f32 to vector<16xf32>
        %mul3A_3222 = arith.mulf %mul3A_3221, %get3A_3220 : vector<16xf32>
        %add3A_3223 = arith.addf %add3A_3151, %mul3A_3222 : vector<16xf32>
        %add3A_3224 = arith.constant 15 : i32
        %add3A_3225 = arith.addi %mul3A_2109, %add3A_3224 : i32
        %get3A_3226 = arith.constant 1 : i32
        %get3A_3227 = arith.index_cast %get3A_3226 : i32 to index
        %get3A_3228 = arith.index_cast %add3A_3225 : i32 to index
        %get3A_3229 = arith.constant 48 : index
        %get3A_3230 = tpu.vector_load %arg12[%get3A_3227, %get3A_3228, %get3A_3229] {strides = array<i32>} : memref<2x208x128xf32, #tpu.memory_space<vmem>>, vector<16xf32>,
        %mul3A_3231 = vector.broadcast %squeeze3A_3193 : f32 to vector<16xf32>
        %mul3A_3232 = arith.mulf %mul3A_3231, %get3A_3230 : vector<16xf32>
        %add3A_3233 = arith.addf %add3A_3161, %mul3A_3232 : vector<16xf32>
        %add3A_3234 = arith.constant 15 : i32
        %add3A_3235 = arith.addi %mul3A_2109, %add3A_3234 : i32
        %get3A_3236 = arith.constant 1 : i32
        %get3A_3237 = arith.index_cast %get3A_3236 : i32 to index
        %get3A_3238 = arith.index_cast %add3A_3235 : i32 to index
        %get3A_3239 = arith.constant 64 : index
        %get3A_3240 = tpu.vector_load %arg12[%get3A_3237, %get3A_3238, %get3A_3239] {strides = array<i32>} : memref<2x208x128xf32, #tpu.memory_space<vmem>>, vector<16xf32>,
        %mul3A_3241 = vector.broadcast %squeeze3A_3193 : f32 to vector<16xf32>
        %mul3A_3242 = arith.mulf %mul3A_3241, %get3A_3240 : vector<16xf32>
        %add3A_3243 = arith.addf %add3A_3171, %mul3A_3242 : vector<16xf32>
        %add3A_3244 = arith.constant 15 : i32
        %add3A_3245 = arith.addi %mul3A_2109, %add3A_3244 : i32
        %get3A_3246 = arith.constant 1 : i32
        %get3A_3247 = arith.index_cast %get3A_3246 : i32 to index
        %get3A_3248 = arith.index_cast %add3A_3245 : i32 to index
        %get3A_3249 = arith.constant 80 : index
        %get3A_3250 = tpu.vector_load %arg12[%get3A_3247, %get3A_3248, %get3A_3249] {strides = array<i32>} : memref<2x208x128xf32, #tpu.memory_space<vmem>>, vector<16xf32>,
        %mul3A_3251 = vector.broadcast %squeeze3A_3193 : f32 to vector<16xf32>
        %mul3A_3252 = arith.mulf %mul3A_3251, %get3A_3250 : vector<16xf32>
        %add3A_3253 = arith.addf %add3A_3181, %mul3A_3252 : vector<16xf32>
        %add3A_3254 = arith.constant 15 : i32
        %add3A_3255 = arith.addi %mul3A_2109, %add3A_3254 : i32
        %get3A_3256 = arith.constant 1 : i32
        %get3A_3257 = arith.index_cast %get3A_3256 : i32 to index
        %get3A_3258 = arith.index_cast %add3A_3255 : i32 to index
        %get3A_3259 = arith.constant 84 : index
        %get3A_3260 = tpu.vector_load %arg12[%get3A_3257, %get3A_3258, %get3A_3259] {strides = array<i32>} : memref<2x208x128xf32, #tpu.memory_space<vmem>>, vector<16xf32>,
        %mul3A_3261 = vector.broadcast %squeeze3A_3193 : f32 to vector<16xf32>
        %mul3A_3262 = arith.mulf %mul3A_3261, %get3A_3260 : vector<16xf32>
        %add3A_3263 = arith.addf %add3A_3191, %mul3A_3262 : vector<16xf32>
        scf.yield %add3A_3203, %add3A_3213, %add3A_3223, %add3A_3233, %add3A_3243, %add3A_3253, %add3A_3263 : vector<16xf32>, vector<16xf32>, vector<16xf32>, vector<16xf32>, vector<16xf32>, vector<16xf32>, vector<16xf32>
      }
      %scan3A_1994 = arith.constant 13 : i32
      %broadcast_in_dim3A_1995 = arith.constant 0.000000e+00 : f32
      %broadcast_in_dim3A_1996 = vector.broadcast %broadcast_in_dim3A_1995 : f32 to vector<16xf32>
      %mul3A_1997 = arith.mulf %scan3A_1993#0, %scan3A_1993#0 : vector<16xf32>
      %add3A_1998 = arith.addf %broadcast_in_dim3A_1996, %mul3A_1997 : vector<16xf32>
      %mul3A_1999 = arith.mulf %scan3A_1993#1, %scan3A_1993#1 : vector<16xf32>
      %add3A_2000 = arith.addf %add3A_1998, %mul3A_1999 : vector<16xf32>
      %mul3A_2001 = arith.mulf %scan3A_1993#2, %scan3A_1993#2 : vector<16xf32>
      %add3A_2002 = arith.addf %add3A_2000, %mul3A_2001 : vector<16xf32>
      %mul3A_2003 = arith.mulf %scan3A_1993#3, %scan3A_1993#3 : vector<16xf32>
      %add3A_2004 = arith.addf %add3A_2002, %mul3A_2003 : vector<16xf32>
      %mul3A_2005 = arith.mulf %scan3A_1993#4, %scan3A_1993#4 : vector<16xf32>
      %add3A_2006 = arith.addf %add3A_2004, %mul3A_2005 : vector<16xf32>
      %mul3A_2007 = arith.mulf %scan3A_1993#5, %scan3A_1993#5 : vector<16xf32>
      %add3A_2008 = arith.addf %add3A_2006, %mul3A_2007 : vector<16xf32>
      %ge3A_2009 = arith.constant 12 : i32
      %ge3A_2010 = vector.broadcast %ge3A_2009 : i32 to vector<16xi32>
      %ge3A_2011 = arith.cmpi sge, %iota3A, %ge3A_2010 : vector<16xi32>
      %mul3A_2012 = arith.mulf %scan3A_1993#6, %scan3A_1993#6 : vector<16xf32>
      %jit3A_2013 = arith.constant 0.000000e+00 : f32
      %broadcast_in_dim3A_2014 = vector.broadcast %jit3A_2013 : f32 to vector<16xf32>
      %select_n3A_2015 = arith.select %ge3A_2011, %mul3A_2012, %broadcast_in_dim3A_2014 : vector<16xi1>, vector<16xf32>
      %add3A_2016 = arith.addf %add3A_2008, %select_n3A_2015 : vector<16xf32>
      %reduce_sum3A_2017 = arith.constant true
      %reduce_sum3A_2018 = vector.broadcast %reduce_sum3A_2017 : i1 to vector<16xi1>
      %reduce_sum3A_2019 = tpu.scan <sum>, %add3A_2016 masked %reduce_sum3A_2018 : vector<16xf32>, vector<16xi1> -> vector<16xf32>
      %reduce_sum3A_2020 = vector.extract %reduce_sum3A_2019[15] : f32 from vector<16xf32>
      %max3A_2021 = arith.constant 1.000000e-30 : f32
      %max3A_2022 = arith.maximumf %reduce_sum3A_2020, %max3A_2021 : f32
      %bitcast_convert_type3A_2023 = arith.bitcast %max3A_2022 : f32 to i32
      %shift_right_arithmetic3A_2024 = arith.constant 1 : i32
      %shift_right_arithmetic3A_2025 = arith.shrsi %bitcast_convert_type3A_2023, %shift_right_arithmetic3A_2024 : i32
      %sub3A_2026 = arith.constant 1597463007 : i32
      %sub3A_2027 = arith.subi %sub3A_2026, %shift_right_arithmetic3A_2025 : i32
      %bitcast_convert_type3A_2028 = arith.bitcast %sub3A_2027 : i32 to f32
      %mul3A_2029 = arith.constant 5.000000e-01 : f32
      %mul3A_2030 = arith.mulf %mul3A_2029, %max3A_2022 : f32
      %mul3A_2031 = arith.mulf %mul3A_2030, %bitcast_convert_type3A_2028 : f32
      %mul3A_2032 = arith.mulf %mul3A_2031, %bitcast_convert_type3A_2028 : f32
      %sub3A_2033 = arith.constant 1.500000e+00 : f32
      %sub3A_2034 = arith.subf %sub3A_2033, %mul3A_2032 : f32
      %mul3A_2035 = arith.mulf %bitcast_convert_type3A_2028, %sub3A_2034 : f32
      %mul3A_2036 = arith.constant 5.000000e-01 : f32
      %mul3A_2037 = arith.mulf %mul3A_2036, %max3A_2022 : f32
      %mul3A_2038 = arith.mulf %mul3A_2037, %mul3A_2035 : f32
      %mul3A_2039 = arith.mulf %mul3A_2038, %mul3A_2035 : f32
      %sub3A_2040 = arith.constant 1.500000e+00 : f32
      %sub3A_2041 = arith.subf %sub3A_2040, %mul3A_2039 : f32
      %mul3A_2042 = arith.mulf %mul3A_2035, %sub3A_2041 : f32
      %mul3A_2043 = arith.constant 5.000000e-01 : f32
      %mul3A_2044 = arith.mulf %mul3A_2043, %max3A_2022 : f32
      %mul3A_2045 = arith.mulf %mul3A_2044, %mul3A_2042 : f32
      %mul3A_2046 = arith.mulf %mul3A_2045, %mul3A_2042 : f32
      %sub3A_2047 = arith.constant 1.500000e+00 : f32
      %sub3A_2048 = arith.subf %sub3A_2047, %mul3A_2046 : f32
      %mul3A_2049 = arith.mulf %mul3A_2042, %sub3A_2048 : f32
      %mul3A_2050 = arith.constant 5.000000e-01 : f32
      %mul3A_2051 = arith.mulf %mul3A_2050, %max3A_2022 : f32
      %mul3A_2052 = arith.mulf %mul3A_2051, %mul3A_2049 : f32
      %mul3A_2053 = arith.mulf %mul3A_2052, %mul3A_2049 : f32
      %sub3A_2054 = arith.constant 1.500000e+00 : f32
      %sub3A_2055 = arith.subf %sub3A_2054, %mul3A_2053 : f32
      %mul3A_2056 = arith.mulf %mul3A_2049, %sub3A_2055 : f32
      %mul3A_2057 = arith.mulf %max3A_2022, %mul3A_2056 : f32
      %mul3A_2058 = arith.constant 9.99999974E-5 : f32
      %mul3A_2059 = arith.mulf %mul3A_2058, %reduce_sum3A_1986 : f32
      %add3A_2060 = arith.addf %mul3A_2057, %mul3A_2059 : f32
      %broadcast_in_dim3A_2061 = vector.broadcast %add3A_2060 : f32 to vector<16xf32>
      %div3A_2062 = arith.constant 1.000000e+00 : f32
      %div3A_2063 = vector.broadcast %div3A_2062 : f32 to vector<16xf32>
      %div3A_2064 = arith.divf %div3A_2063, %broadcast_in_dim3A_2061 : vector<16xf32>
      %mul3A_2065 = arith.mulf %scan3A_1993#0, %div3A_2064 : vector<16xf32>
      %add3A_2066 = arith.addf %mul3A_2065, %get3A_3 : vector<16xf32>
      %swap3A_2067 = arith.index_cast %add3A_1356 : i32 to index
      %swap3A_2068 = arith.constant 0 : index
      %swap3A_2069 = tpu.vector_load %arg16[%swap3A_2067, %swap3A_2068] {strides = array<i32>} : memref<32x128xf32, #tpu.memory_space<vmem>>, vector<16xf32>,
      tpu.vector_store %arg16[%swap3A_2067, %swap3A_2068], %add3A_2066 {strides = array<i32>} : memref<32x128xf32, #tpu.memory_space<vmem>>, vector<16xf32>,
      %mul3A_2070 = arith.mulf %scan3A_1993#1, %div3A_2064 : vector<16xf32>
      %add3A_2071 = arith.addf %mul3A_2070, %get3A_5 : vector<16xf32>
      %swap3A_2072 = arith.index_cast %add3A_1356 : i32 to index
      %swap3A_2073 = arith.constant 16 : index
      %swap3A_2074 = tpu.vector_load %arg16[%swap3A_2072, %swap3A_2073] {strides = array<i32>} : memref<32x128xf32, #tpu.memory_space<vmem>>, vector<16xf32>,
      tpu.vector_store %arg16[%swap3A_2072, %swap3A_2073], %add3A_2071 {strides = array<i32>} : memref<32x128xf32, #tpu.memory_space<vmem>>, vector<16xf32>,
      %mul3A_2075 = arith.mulf %scan3A_1993#2, %div3A_2064 : vector<16xf32>
      %add3A_2076 = arith.addf %mul3A_2075, %get3A_7 : vector<16xf32>
      %swap3A_2077 = arith.index_cast %add3A_1356 : i32 to index
      %swap3A_2078 = arith.constant 32 : index
      %swap3A_2079 = tpu.vector_load %arg16[%swap3A_2077, %swap3A_2078] {strides = array<i32>} : memref<32x128xf32, #tpu.memory_space<vmem>>, vector<16xf32>,
      tpu.vector_store %arg16[%swap3A_2077, %swap3A_2078], %add3A_2076 {strides = array<i32>} : memref<32x128xf32, #tpu.memory_space<vmem>>, vector<16xf32>,
      %mul3A_2080 = arith.mulf %scan3A_1993#3, %div3A_2064 : vector<16xf32>
      %add3A_2081 = arith.addf %mul3A_2080, %get3A_9 : vector<16xf32>
      %swap3A_2082 = arith.index_cast %add3A_1356 : i32 to index
      %swap3A_2083 = arith.constant 48 : index
      %swap3A_2084 = tpu.vector_load %arg16[%swap3A_2082, %swap3A_2083] {strides = array<i32>} : memref<32x128xf32, #tpu.memory_space<vmem>>, vector<16xf32>,
      tpu.vector_store %arg16[%swap3A_2082, %swap3A_2083], %add3A_2081 {strides = array<i32>} : memref<32x128xf32, #tpu.memory_space<vmem>>, vector<16xf32>,
      %mul3A_2085 = arith.mulf %scan3A_1993#4, %div3A_2064 : vector<16xf32>
      %add3A_2086 = arith.addf %mul3A_2085, %get3A_11 : vector<16xf32>
      %swap3A_2087 = arith.index_cast %add3A_1356 : i32 to index
      %swap3A_2088 = arith.constant 64 : index
      %swap3A_2089 = tpu.vector_load %arg16[%swap3A_2087, %swap3A_2088] {strides = array<i32>} : memref<32x128xf32, #tpu.memory_space<vmem>>, vector<16xf32>,
      tpu.vector_store %arg16[%swap3A_2087, %swap3A_2088], %add3A_2086 {strides = array<i32>} : memref<32x128xf32, #tpu.memory_space<vmem>>, vector<16xf32>,
      %mul3A_2090 = arith.mulf %scan3A_1993#5, %div3A_2064 : vector<16xf32>
      %add3A_2091 = arith.addf %mul3A_2090, %get3A_13 : vector<16xf32>
      %swap3A_2092 = arith.index_cast %add3A_1356 : i32 to index
      %swap3A_2093 = arith.constant 80 : index
      %swap3A_2094 = tpu.vector_load %arg16[%swap3A_2092, %swap3A_2093] {strides = array<i32>} : memref<32x128xf32, #tpu.memory_space<vmem>>, vector<16xf32>,
      tpu.vector_store %arg16[%swap3A_2092, %swap3A_2093], %add3A_2091 {strides = array<i32>} : memref<32x128xf32, #tpu.memory_space<vmem>>, vector<16xf32>,
      %mul3A_2095 = arith.mulf %scan3A_1993#6, %div3A_2064 : vector<16xf32>
      %add3A_2096 = arith.addf %mul3A_2095, %get3A_15 : vector<16xf32>
      %swap3A_2097 = arith.index_cast %add3A_1356 : i32 to index
      %swap3A_2098 = arith.constant 84 : index
      %swap3A_2099 = tpu.vector_load %arg16[%swap3A_2097, %swap3A_2098] {strides = array<i32>} : memref<32x128xf32, #tpu.memory_space<vmem>>, vector<16xf32>,
      tpu.vector_store %arg16[%swap3A_2097, %swap3A_2098], %add3A_2096 {strides = array<i32>} : memref<32x128xf32, #tpu.memory_space<vmem>>, vector<16xf32>,
    }
    %scan3A_537 = arith.constant 16 : i32
    %dma_wait3A_538 = arith.constant 2 : i32
    %dma_wait3A_539 = arith.constant 1 : i32
    %dma_wait3A_540 = arith.constant 1 : i32
    %dma_wait3A_541 = arith.constant 0 : i32
    %dma_wait3A_542 = tpu.memref_slice %arg10[%dma_wait3A_539, %dma_wait3A_541] : memref<2x104xi32, #tpu.memory_space<vmem>> -> memref<1x104xi32, #tpu.memory_space<vmem>>
    %dma_wait3A_543 = tpu.memref_squeeze %dma_wait3A_542 : memref<1x104xi32, #tpu.memory_space<vmem>> -> memref<104xi32, #tpu.memory_space<vmem>>
    %dma_wait3A_544 = arith.constant 0 : i32
    %dma_wait3A_545 = tpu.memref_slice %arg9[%dma_wait3A_538, %dma_wait3A_544] : memref<4x104xi32, #tpu.memory_space<vmem>> -> memref<1x104xi32, #tpu.memory_space<vmem>>
    %dma_wait3A_546 = tpu.memref_squeeze %dma_wait3A_545 : memref<1x104xi32, #tpu.memory_space<vmem>> -> memref<104xi32, #tpu.memory_space<vmem>>
    %dma_wait3A_547 = arith.constant 0 : i32
    %dma_wait3A_548 = tpu.memref_slice %arg2[%dma_wait3A_547] : memref<204800xi32, #tpu.memory_space<hbm>> -> memref<204800xi32, #tpu.memory_space<hbm>>
    %dma_wait3A_549 = tpu.memref_slice %arg17[%dma_wait3A_540] : memref<2x!tpu.dma_semaphore, #tpu.memory_space<semaphore_mem>> -> memref<1x!tpu.dma_semaphore, #tpu.memory_space<semaphore_mem>>
    %dma_wait3A_550 = tpu.memref_squeeze %dma_wait3A_549 : memref<1x!tpu.dma_semaphore, #tpu.memory_space<semaphore_mem>> -> memref<!tpu.dma_semaphore, #tpu.memory_space<semaphore_mem>>
    tpu.wait_indirect_dma semaphore(%dma_wait3A_550 : memref<!tpu.dma_semaphore, #tpu.memory_space<semaphore_mem>>) src(%dma_wait3A_548 : memref<204800xi32, #tpu.memory_space<hbm>>) dst(%dma_wait3A_543 : memref<104xi32, #tpu.memory_space<vmem>>)
    %dma_wait3A_551 = arith.constant 3 : i32
    %dma_wait3A_552 = arith.constant 1 : i32
    %dma_wait3A_553 = arith.constant 1 : i32
    %dma_wait3A_554 = arith.constant 0 : i32
    %dma_wait3A_555 = tpu.memref_slice %arg11[%dma_wait3A_552, %dma_wait3A_554] : memref<2x104xi32, #tpu.memory_space<vmem>> -> memref<1x104xi32, #tpu.memory_space<vmem>>
    %dma_wait3A_556 = tpu.memref_squeeze %dma_wait3A_555 : memref<1x104xi32, #tpu.memory_space<vmem>> -> memref<104xi32, #tpu.memory_space<vmem>>
    %dma_wait3A_557 = arith.constant 0 : i32
    %dma_wait3A_558 = tpu.memref_slice %arg9[%dma_wait3A_551, %dma_wait3A_557] : memref<4x104xi32, #tpu.memory_space<vmem>> -> memref<1x104xi32, #tpu.memory_space<vmem>>
    %dma_wait3A_559 = tpu.memref_squeeze %dma_wait3A_558 : memref<1x104xi32, #tpu.memory_space<vmem>> -> memref<104xi32, #tpu.memory_space<vmem>>
    %dma_wait3A_560 = arith.constant 0 : i32
    %dma_wait3A_561 = tpu.memref_slice %arg2[%dma_wait3A_560] : memref<204800xi32, #tpu.memory_space<hbm>> -> memref<204800xi32, #tpu.memory_space<hbm>>
    %dma_wait3A_562 = tpu.memref_slice %arg17[%dma_wait3A_553] : memref<2x!tpu.dma_semaphore, #tpu.memory_space<semaphore_mem>> -> memref<1x!tpu.dma_semaphore, #tpu.memory_space<semaphore_mem>>
    %dma_wait3A_563 = tpu.memref_squeeze %dma_wait3A_562 : memref<1x!tpu.dma_semaphore, #tpu.memory_space<semaphore_mem>> -> memref<!tpu.dma_semaphore, #tpu.memory_space<semaphore_mem>>
    tpu.wait_indirect_dma semaphore(%dma_wait3A_563 : memref<!tpu.dma_semaphore, #tpu.memory_space<semaphore_mem>>) src(%dma_wait3A_561 : memref<204800xi32, #tpu.memory_space<hbm>>) dst(%dma_wait3A_556 : memref<104xi32, #tpu.memory_space<vmem>>)
    %dma_wait3A_564 = arith.constant 0 : i32
    %dma_wait3A_565 = arith.constant 0 : i32
    %dma_wait3A_566 = arith.constant 0 : i32
    %dma_wait3A_567 = arith.constant 0 : i32
    %dma_wait3A_568 = tpu.memref_slice %arg13[%dma_wait3A_565, %dma_wait3A_567] : memref<2x208xf32, #tpu.memory_space<vmem>> -> memref<1x104xf32, #tpu.memory_space<vmem>>
    %dma_wait3A_569 = tpu.memref_squeeze %dma_wait3A_568 : memref<1x104xf32, #tpu.memory_space<vmem>> -> memref<104xf32, #tpu.memory_space<vmem>>
    %dma_wait3A_570 = arith.constant 0 : i32
    %dma_wait3A_571 = tpu.memref_slice %arg10[%dma_wait3A_564, %dma_wait3A_570] : memref<2x104xi32, #tpu.memory_space<vmem>> -> memref<1x104xi32, #tpu.memory_space<vmem>>
    %dma_wait3A_572 = tpu.memref_squeeze %dma_wait3A_571 : memref<1x104xi32, #tpu.memory_space<vmem>> -> memref<104xi32, #tpu.memory_space<vmem>>
    %dma_wait3A_573 = arith.constant 0 : i32
    %dma_wait3A_574 = tpu.memref_slice %arg5[%dma_wait3A_573] : memref<100000xf32, #tpu.memory_space<hbm>> -> memref<100000xf32, #tpu.memory_space<hbm>>
    %dma_wait3A_575 = tpu.memref_slice %arg18[%dma_wait3A_566] : memref<2x!tpu.dma_semaphore, #tpu.memory_space<semaphore_mem>> -> memref<1x!tpu.dma_semaphore, #tpu.memory_space<semaphore_mem>>
    %dma_wait3A_576 = tpu.memref_squeeze %dma_wait3A_575 : memref<1x!tpu.dma_semaphore, #tpu.memory_space<semaphore_mem>> -> memref<!tpu.dma_semaphore, #tpu.memory_space<semaphore_mem>>
    tpu.wait_indirect_dma semaphore(%dma_wait3A_576 : memref<!tpu.dma_semaphore, #tpu.memory_space<semaphore_mem>>) src(%dma_wait3A_574 : memref<100000xf32, #tpu.memory_space<hbm>>) dst(%dma_wait3A_569 : memref<104xf32, #tpu.memory_space<vmem>>)
    %dma_wait3A_577 = arith.constant 0 : i32
    %dma_wait3A_578 = arith.constant 0 : i32
    %dma_wait3A_579 = arith.constant 0 : i32
    %dma_wait3A_580 = arith.constant 104 : i32
    %dma_wait3A_581 = tpu.memref_slice %arg13[%dma_wait3A_578, %dma_wait3A_580] : memref<2x208xf32, #tpu.memory_space<vmem>> -> memref<1x104xf32, #tpu.memory_space<vmem>>
    %dma_wait3A_582 = tpu.memref_squeeze %dma_wait3A_581 : memref<1x104xf32, #tpu.memory_space<vmem>> -> memref<104xf32, #tpu.memory_space<vmem>>
    %dma_wait3A_583 = arith.constant 0 : i32
    %dma_wait3A_584 = tpu.memref_slice %arg11[%dma_wait3A_577, %dma_wait3A_583] : memref<2x104xi32, #tpu.memory_space<vmem>> -> memref<1x104xi32, #tpu.memory_space<vmem>>
    %dma_wait3A_585 = tpu.memref_squeeze %dma_wait3A_584 : memref<1x104xi32, #tpu.memory_space<vmem>> -> memref<104xi32, #tpu.memory_space<vmem>>
    %dma_wait3A_586 = arith.constant 0 : i32
    %dma_wait3A_587 = tpu.memref_slice %arg5[%dma_wait3A_586] : memref<100000xf32, #tpu.memory_space<hbm>> -> memref<100000xf32, #tpu.memory_space<hbm>>
    %dma_wait3A_588 = tpu.memref_slice %arg18[%dma_wait3A_579] : memref<2x!tpu.dma_semaphore, #tpu.memory_space<semaphore_mem>> -> memref<1x!tpu.dma_semaphore, #tpu.memory_space<semaphore_mem>>
    %dma_wait3A_589 = tpu.memref_squeeze %dma_wait3A_588 : memref<1x!tpu.dma_semaphore, #tpu.memory_space<semaphore_mem>> -> memref<!tpu.dma_semaphore, #tpu.memory_space<semaphore_mem>>
    tpu.wait_indirect_dma semaphore(%dma_wait3A_589 : memref<!tpu.dma_semaphore, #tpu.memory_space<semaphore_mem>>) src(%dma_wait3A_587 : memref<100000xf32, #tpu.memory_space<hbm>>) dst(%dma_wait3A_582 : memref<104xf32, #tpu.memory_space<vmem>>)
    %dma_wait3A_590 = arith.constant 0 : i32
    %dma_wait3A_591 = arith.constant 0 : i32
    %dma_wait3A_592 = arith.constant 0 : i32
    %dma_wait3A_593 = arith.constant 0 : i32
    %dma_wait3A_594 = arith.constant 0 : i32
    %dma_wait3A_595 = tpu.memref_slice %arg12[%dma_wait3A_591, %dma_wait3A_593, %dma_wait3A_594] : memref<2x208x128xf32, #tpu.memory_space<vmem>> -> memref<1x104x128xf32, #tpu.memory_space<vmem>>
    %dma_wait3A_596 = tpu.memref_squeeze %dma_wait3A_595 : memref<1x104x128xf32, #tpu.memory_space<vmem>> -> memref<104x128xf32, #tpu.memory_space<vmem>>
    %dma_wait3A_597 = arith.constant 0 : i32
    %dma_wait3A_598 = tpu.memref_slice %arg10[%dma_wait3A_590, %dma_wait3A_597] : memref<2x104xi32, #tpu.memory_space<vmem>> -> memref<1x104xi32, #tpu.memory_space<vmem>>
    %dma_wait3A_599 = tpu.memref_squeeze %dma_wait3A_598 : memref<1x104xi32, #tpu.memory_space<vmem>> -> memref<104xi32, #tpu.memory_space<vmem>>
    %dma_wait3A_600 = arith.constant 0 : i32
    %dma_wait3A_601 = arith.constant 0 : i32
    %dma_wait3A_602 = tpu.memref_slice %arg4[%dma_wait3A_600, %dma_wait3A_601] : memref<100000x128xf32, #tpu.memory_space<hbm>> -> memref<100000x128xf32, #tpu.memory_space<hbm>>
    %dma_wait3A_603 = tpu.memref_slice %arg18[%dma_wait3A_592] : memref<2x!tpu.dma_semaphore, #tpu.memory_space<semaphore_mem>> -> memref<1x!tpu.dma_semaphore, #tpu.memory_space<semaphore_mem>>
    %dma_wait3A_604 = tpu.memref_squeeze %dma_wait3A_603 : memref<1x!tpu.dma_semaphore, #tpu.memory_space<semaphore_mem>> -> memref<!tpu.dma_semaphore, #tpu.memory_space<semaphore_mem>>
    tpu.wait_indirect_dma semaphore(%dma_wait3A_604 : memref<!tpu.dma_semaphore, #tpu.memory_space<semaphore_mem>>) src(%dma_wait3A_602 : memref<100000x128xf32, #tpu.memory_space<hbm>>) dst(%dma_wait3A_596 : memref<104x128xf32, #tpu.memory_space<vmem>>)
    %dma_wait3A_605 = arith.constant 0 : i32
    %dma_wait3A_606 = arith.constant 0 : i32
    %dma_wait3A_607 = arith.constant 0 : i32
    %dma_wait3A_608 = arith.constant 104 : i32
    %dma_wait3A_609 = arith.constant 0 : i32
    %dma_wait3A_610 = tpu.memref_slice %arg12[%dma_wait3A_606, %dma_wait3A_608, %dma_wait3A_609] : memref<2x208x128xf32, #tpu.memory_space<vmem>> -> memref<1x104x128xf32, #tpu.memory_space<vmem>>
    %dma_wait3A_611 = tpu.memref_squeeze %dma_wait3A_610 : memref<1x104x128xf32, #tpu.memory_space<vmem>> -> memref<104x128xf32, #tpu.memory_space<vmem>>
    %dma_wait3A_612 = arith.constant 0 : i32
    %dma_wait3A_613 = tpu.memref_slice %arg11[%dma_wait3A_605, %dma_wait3A_612] : memref<2x104xi32, #tpu.memory_space<vmem>> -> memref<1x104xi32, #tpu.memory_space<vmem>>
    %dma_wait3A_614 = tpu.memref_squeeze %dma_wait3A_613 : memref<1x104xi32, #tpu.memory_space<vmem>> -> memref<104xi32, #tpu.memory_space<vmem>>
    %dma_wait3A_615 = arith.constant 0 : i32
    %dma_wait3A_616 = arith.constant 0 : i32
    %dma_wait3A_617 = tpu.memref_slice %arg4[%dma_wait3A_615, %dma_wait3A_616] : memref<100000x128xf32, #tpu.memory_space<hbm>> -> memref<100000x128xf32, #tpu.memory_space<hbm>>
    %dma_wait3A_618 = tpu.memref_slice %arg18[%dma_wait3A_607] : memref<2x!tpu.dma_semaphore, #tpu.memory_space<semaphore_mem>> -> memref<1x!tpu.dma_semaphore, #tpu.memory_space<semaphore_mem>>
    %dma_wait3A_619 = tpu.memref_squeeze %dma_wait3A_618 : memref<1x!tpu.dma_semaphore, #tpu.memory_space<semaphore_mem>> -> memref<!tpu.dma_semaphore, #tpu.memory_space<semaphore_mem>>
    tpu.wait_indirect_dma semaphore(%dma_wait3A_619 : memref<!tpu.dma_semaphore, #tpu.memory_space<semaphore_mem>>) src(%dma_wait3A_617 : memref<100000x128xf32, #tpu.memory_space<hbm>>) dst(%dma_wait3A_611 : memref<104x128xf32, #tpu.memory_space<vmem>>)
    "tpu.region"() ({
      %run_scoped3A = tpu.sem_alloc : memref<!tpu.dma_semaphore, #tpu.memory_space<semaphore_mem>>
      %dma_start3A_620 = arith.constant 0 : i32
      %dma_start3A_621 = tpu.memref_slice %arg7[%mul3A_2, %dma_start3A_620] : memref<1024x128xf32, #tpu.memory_space<hbm>> -> memref<32x128xf32, #tpu.memory_space<hbm>>
      %dma_start3A_622 = arith.constant 0 : i32
      %dma_start3A_623 = tpu.memref_slice %arg7[%mul3A_2, %dma_start3A_622] : memref<1024x128xf32, #tpu.memory_space<hbm>> -> memref<32x128xf32, #tpu.memory_space<hbm>>
      tpu.enqueue_dma source(%arg16 : memref<32x128xf32, #tpu.memory_space<vmem>>) target(%dma_start3A_623 : memref<32x128xf32, #tpu.memory_space<hbm>>) target_semaphore(%run_scoped3A : memref<!tpu.dma_semaphore, #tpu.memory_space<semaphore_mem>>)
      %dma_wait3A_624 = arith.constant 0 : i32
      %dma_wait3A_625 = tpu.memref_slice %arg7[%mul3A_2, %dma_wait3A_624] : memref<1024x128xf32, #tpu.memory_space<hbm>> -> memref<32x128xf32, #tpu.memory_space<hbm>>
      %dma_wait3A_626 = arith.constant 0 : i32
      %dma_wait3A_627 = tpu.memref_slice %arg7[%mul3A_2, %dma_wait3A_626] : memref<1024x128xf32, #tpu.memory_space<hbm>> -> memref<32x128xf32, #tpu.memory_space<hbm>>
      tpu.wait_dma2 semaphore(%run_scoped3A : memref<!tpu.dma_semaphore, #tpu.memory_space<semaphore_mem>>) src(%arg16 : memref<32x128xf32, #tpu.memory_space<vmem>>) dst(%dma_wait3A_627 : memref<32x128xf32, #tpu.memory_space<hbm>>)
      tpu.yield
    }) : () -> ()
    return
  }
}

</mosaic_0001>

<sc_bundles>
// kernel: _encode.3.cloned.1.call-start
scs
__scs_entry_jumppad:
0x0: {  	(pc) =	sbr.rel $0x88, $3  }
0x1: {  	(tag) =	ssettag $0x0;
	lr =	simm.s32 $0x1  }
0x2: {  	[smem:$0x3F9C] =	sst lr;
	_ =	strace $0xD0000000  }
0x3: {  	_ = 	snop  }
0x4: {  	_ = 	snop  }
0x5: {  	_ = 	snop  }
0x6: {  	_ = 	snop  }
0x7: {  	_ = 	snop  }
__scs_overlays_trampoline_lowered:
0x8: {  	[smem:$0x3FAB] =	sst s0  }
0x9: {  	[smem:$0x3FAC] =	sst s1  }
0xa: {  	[smem:$0x3FAD] =	sst s2  }
0xb: {  	[smem:$0x3FAE] =	sst s3  }
0xc: {  	[smem:$0x3FAF] =	sst s4  }
0xd: {  	[smem:$0x3FB0] =	sst s5  }
0xe: {  	[smem:$0x3FB1] =	sst s6  }
0xf: {  	[smem:$0x3FB2] =	sst s7  }
0x10: {  	[smem:$0x3FB3] =	sst s8  }
0x11: {  	[smem:$0x3FB4] =	sst s9;
	s0 =	simm.s32 @!p0 $0x0  }
0x12: {  	s1 =	sld [smem:$0x3F9A];
	s0 =	simm.s32 @p0 $0x1  }
0x13: {  	[smem:$0x3FB5] =	sst s0;
	s0 =	simm.s32 @!p1 $0x0  }
0x14: {  	s2 =	sld [smem:$0x3F99];
	s0 =	simm.s32 @p1 $0x1  }
0x15: {  	[smem:$0x3FB6] =	sst s0;
	s0 =	simm.s32 @!p2 $0x0  }
0x16: {  	s3 =	sld [smem:$0x3FDB];
	s0 =	simm.s32 @p2 $0x1  }
0x17: {  	s4 =	simm.s32 $0x1BF5;
	[smem:$0x3FB8] =	sst s0  }
0x18: {  	s0 =	sld [smem:$0x3F9B];
	_ =	swait.ge [sflag:s4], $0x0  }
0x19: {  	s7 =	sld [smem:$0x3F9C]  }
0x1a: {  	s8 =	sadd.s32 $0xFFFFE003, lr  }
0x1b: {  	s9 =	sadd.s32 $0xFFFFFEF7, lr;
	s5 =	simm.s32 $0xFFFFFFFF;
	p2 =	slt.u32 s8, $0xFFFFF086  }
0x1c: {  	p1 =	slt.u32 s9, $0xF7A;
	s5 =	simm.s32 @!p2 $0x0  }
0x1d: {  	s5 =	simm.s32 @p1 $0x1;
	p0 =	seq.s32 s7, s2  }
0x1e: {  	s7 =	smul.u32 @!p0 $0xF7A, s2;
	p2 =	seq.s32 @!p0 s5, $0x0  }
0x1f: {  	s9 =	smul.u32 $0xF7A, s1;
	s8 =	simm.s32 @!p0 $0x1BF5;
	p2 =	por !p2, p0  }
0x20: {  	[sflag:s8] =	ssyncset.s32 @!p0 $0xFFFFF086;
	s6 =	sadd.s32 @!p0 s3, s7;
	s7 =	simm.s32 @!p0 $0x108  }
0x21: {  	s3 =	sadd.s32 s3, s9;
	s6 =	sadd.s32 @!p0 $0x88, s6;
	s7 =	simm.s32 @p2 $0x1082  }
0x22: {  	[simem:s7], [sflag:s8] =	dma.local @!p0 [hbm:s6], $0xF7A  }
0x23: {  	s9 =	sor.u32 $0xD0000000, s2;
	s6 =	simm.s32 $0x108;
	_ =	swait.ge @!p0 [sflag:s8], $0x0  }
0x24: {  	s3 =	sadd.s32 $0x88, s3;
	s6 =	simm.s32 @!p1 $0x1082;
	[sflag:s4] =	ssyncset.s32 $0xFFFFF086  }
0x25: {  	[simem:s6], [sflag:s4] =	dma.local [hbm:s3], $0xF7A  }
0x26: {  	[smem:$0x3F9C] =	sst s1;
	(tag) =	ssettag s2;
	_ =	strace s9  }
0x27: {  	s1 =	sld [smem:$0x3FAC]  }
0x28: {  	s2 =	sld [smem:$0x3FAD]  }
0x29: {  	s4 =	sld [smem:$0x3FAF]  }
0x2a: {  	p0 =	seq.s32 s5, $0x0;
	s5 =	sld [smem:$0x3FB0]  }
0x2b: {  	s6 =	sld [smem:$0x3FB1]  }
0x2c: {  	s7 =	sld [smem:$0x3FB2]  }
0x2d: {  	s3 =	simm.s32 $0x108;
	s8 =	sld [smem:$0x3FB3]  }
0x2e: {  	s3 =	simm.s32 @!p0 $0x1082;
	s9 =	sld [smem:$0x3FB4]  }
0x2f: {  	lr =	sadd.s32 s0, s3;
	s0 =	sld [smem:$0x3FAB]  }
0x30: {  	s3 =	sld [smem:$0x3FAE]  }
0x31: {  	[smem:$0x3FB7] =	sst s10  }
0x32: {  	s10 =	sld [smem:$0x3FB5];
	_ =	sdelay $0x3  }
0x33: {  	p0 =	seq.s32 s10, $0x1;
	s10 =	sld [smem:$0x3FB7];
	_ =	sdelay $0x3  }
0x34: {  	[smem:$0x3FB7] =	sst s10  }
0x35: {  	s10 =	sld [smem:$0x3FB6];
	_ =	sdelay $0x3  }
0x36: {  	p1 =	seq.s32 s10, $0x1;
	s10 =	sld [smem:$0x3FB7];
	_ =	sdelay $0x3  }
0x37: {  	[smem:$0x3FB7] =	sst s10  }
0x38: {  	s10 =	sld [smem:$0x3FB8]  }
0x39: {  	_ = 	snop;
	(pc) =	sbr.ind lr, $3  }
0x3a: {  	_ = 	snop  }
0x3b: {  	_ = 	snop  }
0x3c: {  	p2 =	seq.s32 s10, $0x1;
	s10 =	sld [smem:$0x3FB7]  }
0x3d: {  	_ =	shalt  }
0x3e: {  	_ =	shalt  }
0x3f: {  	_ =	shalt  }
0x40: {  	_ =	shalt  }
0x41: {  	_ =	shalt  }
0x42: {  	_ =	shalt  }
0x43: {  	_ =	shalt  }
0x44: {  	_ =	shalt  }
0x45: {  	_ =	shalt  }
0x46: {  	_ =	shalt  }
0x47: {  	_ =	shalt  }
0x48: {  	_ =	shalt  }
0x49: {  	_ =	shalt  }
0x4a: {  	_ =	shalt  }
0x4b: {  	_ =	shalt  }
0x4c: {  	_ =	shalt  }
0x4d: {  	_ =	shalt  }
0x4e: {  	_ =	shalt  }
0x4f: {  	_ =	shalt  }
0x50: {  	_ =	shalt  }
0x51: {  	_ =	shalt  }
0x52: {  	_ =	shalt  }
0x53: {  	_ =	shalt  }
0x54: {  	_ =	shalt  }
0x55: {  	_ =	shalt  }
0x56: {  	_ =	shalt  }
0x57: {  	_ =	shalt  }
0x58: {  	_ =	shalt  }
0x59: {  	_ =	shalt  }
0x5a: {  	_ =	shalt  }
0x5b: {  	_ =	shalt  }
0x5c: {  	_ =	shalt  }
0x5d: {  	_ =	shalt  }
0x5e: {  	_ =	shalt  }
0x5f: {  	_ =	shalt  }
0x60: {  	_ =	shalt  }
0x61: {  	_ =	shalt  }
0x62: {  	_ =	shalt  }
0x63: {  	_ =	shalt  }
0x64: {  	_ =	shalt  }
0x65: {  	_ =	shalt  }
0x66: {  	_ =	shalt  }
0x67: {  	_ =	shalt  }
0x68: {  	_ =	shalt  }
0x69: {  	_ =	shalt  }
0x6a: {  	_ =	shalt  }
0x6b: {  	_ =	shalt  }
0x6c: {  	_ =	shalt  }
0x6d: {  	_ =	shalt  }
0x6e: {  	_ =	shalt  }
0x6f: {  	_ =	shalt  }
0x70: {  	_ =	shalt  }
0x71: {  	_ =	shalt  }
0x72: {  	_ =	shalt  }
0x73: {  	_ =	shalt  }
0x74: {  	_ =	shalt  }
0x75: {  	_ =	shalt  }
0x76: {  	_ =	shalt  }
0x77: {  	_ =	shalt  }
0x78: {  	_ =	shalt  }
0x79: {  	_ =	shalt  }
0x7a: {  	_ =	shalt  }
0x7b: {  	_ =	shalt  }
0x7c: {  	_ =	shalt  }
0x7d: {  	_ =	shalt  }
0x7e: {  	_ =	shalt  }
0x7f: {  	_ =	shalt  }
0x80: {  	_ =	shalt  }
0x81: {  	_ =	shalt  }
0x82: {  	_ =	shalt  }
0x83: {  	_ =	shalt  }
0x84: {  	_ =	shalt  }
0x85: {  	_ =	shalt  }
0x86: {  	_ =	shalt  }
0x87: {  	_ =	shalt  }
.Lfunc_end0:
.L_simem_size_0:
called_computation_lowered:
.L_overlay_start_0:
0x88: {  	s2 =	sld [smem:$0x3FD9]  }
0x89: {  	s3 =	sld [smem:$0x3FFE];
	_ =	sdelay $0x1  }
0x8a: {  	s1 =	srdreg.scid  }
0x8b: {  	s0 =	sand.u32 $0x1, s1  }
0x8c: {  	s17 =	sshll.u32 s0, $0xA;
	s2 =	sadd.s32 s3, s2  }
0x8d: {  	s2 =	sadd.s32 s2, s17  }
0x8e: {  	[smem:$0x3FC3] =	sst s2  }
0x8f: {  	_ = 	snop  }
0x90: {  	s2 =	sld [smem:$0x3FC9]  }
0x91: {  	s18 =	sld [smem:$0x3FC8]  }
0x92: {  	s4 =	sld [smem:$0x3FC7]  }
0x93: {  	s5 =	sld [smem:$0x3FC6]  }
0x94: {  	s6 =	sld [smem:$0x3FC5];
	(tm) =	ssettm $0x1  }
0x95: {  	s7 =	sld [smem:$0x3FFB];
	_ =	sdelay $0x3  }
0x96: {  	_ =	strace s7  }
0x97: {  	s7 =	sld [smem:$0x3FFC];
	_ =	sdelay $0x3  }
0x98: {  	_ =	strace s7  }
0x99: {  	s7 =	sld [smem:$0x3FFD];
	_ =	sdelay $0x3  }
0x9a: {  	_ =	strace s7  }
0x9b: {  	_ =	strace $0x8FFFFFFF  }
0x9c: {  	s19 =	sld [smem:$0x3FDB];
	_ =	sdelay $0x1  }
0x9d: {  	s8 =	simm.s32 $_scs_section_size  }
0x9e: {  	s9 =	simm.s32 $_size__tile_overlayer_lowered;
	s10 =	simm.s32 $_tile_overlayer_lowered  }
0x9f: {  	s22 =	simm.s32 $0x1BFF;
	s21 =	sshll.u32 s10, $0x1;
	s7 =	sadd.s32 s8, s19  }
0xa0: {  	s11 =	simm.s32 $0x0;
	s20 =	sshll.u32 s9, $0x1;
	s9 =	sadd.s32 s21, s7  }
0xa1: {  	[timem:s11], [sflag:s22] =	dma.local [hbm:s9], s20  }
0xa2: {  	_ =	swait.ge [sflag:s22], s20  }
0xa3: {  	s8 =	ssub.s32 $0x0, s20;
	[sflag:s22] =	ssyncset.done $0x0  }
0xa4: {  	[sflag:s22] =	ssyncadd.s32 s8;
	_ =	sdelay $0x1  }
0xa5: {  	s23 =	simm.s32 $0x1B8B  }
0xa6: {  	_ =	swait.ge [sflag:s23], $0x1  }
0xa7: {  	[sflag:s23] =	ssyncset.done $0x0  }
0xa8: {  	s25 =	simm.s32 $0x1B8E;
	s24 =	sld [smem:$0x3FFE];
	[sflag:s23] =	ssyncadd.s32 $0xFFFFFFFF  }
0xa9: {  	s26 =	simm.s32 $execute0_lowered;
	[smem:$0x3FD2] =	sst s25  }
0xaa: {  	s9 =	sshll.u32 s26, $0x1;
	_ =	strace $0x80000046;
	[dreg:$0x1] =	wrdreg $0xFFFFFFFF  }
0xab: {  	s28 =	simm.s32 $_size_execute0_lowered;
	s7 =	sadd.s32 s7, s9;
	[dreg:$0x0] =	wrdreg $0x0  }
0xac: {  	s9 =	sshll.u32 s28, $0x1;
	[dreg:$0x2] =	wrdreg s7  }
0xad: {  	[dreg:$0x3] =	wrdreg s9  }
0xae: {  	[dreg:$0x4] =	wrdreg $0xC0  }
0xaf: {  	_ =	task [dreg:s11], $0x5FFFF  }
0xb0: {  	[dreg:$0x1] =	wrdreg $0xFFFFFFFF  }
0xb1: {  	[dreg:$0x0] =	wrdreg $0x60  }
0xb2: {  	[dreg:$0x2] =	wrdreg s2  }
0xb3: {  	[dreg:$0x3] =	wrdreg s18  }
0xb4: {  	[dreg:$0x4] =	wrdreg s4  }
0xb5: {  	[dreg:$0x5] =	wrdreg s5  }
0xb6: {  	[dreg:$0x6] =	wrdreg s6  }
0xb7: {  	[dreg:$0x7] =	wrdreg s24  }
0xb8: {  	[dreg:$0x8] =	wrdreg $0x9  }
0xb9: {  	_ =	task.clear_ibuf [dreg:s11], $0x9FFFF;
	_ =	strace $0x90000046  }
0xba: {  	s29 =	simm.s32 $0x9;
	_ =	strace $0x80000048  }
0xbb: {  	_ =	swait.ge [sflag:s29], $0x1  }
0xbc: {  	[sflag:s29] =	ssyncadd.s32 $0xFFFFFFFF  }
0xbd: {  	_ =	strace $0x90000048  }
0xbe: {  	_ =	sfence  }
0xbf: {  	s30 =	sld [smem:$0x0];
	_ =	sdelay $0x2  }
0xc0: {  	s31 =	sshll.u32 s1, $0xD;
	s1 =	sshrl.u32 s1, $0x2  }
0xc1: {  	s3 =	sand.u32 $0x4000, s31;
	s1 =	sadd.s32 s1, s30  }
0xc2: {  	s0 =	sor.u32 s3, s0;
	s1 =	sshll.u32 s1, $0x11  }
0xc3: {  	s0 =	sor.u32 s1, s0  }
0xc4: {  	s0 =	sadd.s32 $0x8F2B, s0  }
0xc5: {  	[sflag:s0] =	ssyncadd.remote.s32 $0x1  }
0xc6: {  	_ =	sfence.sel $0xFFFF  }
0xc7: {  	[dreg:$0x0] =	wrdreg $0xFFFFFFFF;
	(pc) =	sbr.abs _section_cstart, $3  }
0xc8: {  	[dreg:$0x1] =	wrdreg $0xFFFFFFFF  }
0xc9: {  	_ =	task.clear_ibuf [dreg:s11], $0x2FFFF;
	_ =	strace $0x9FFFFFFF  }
0xca: {  	(tm) =	ssettm $0x7FFFFFFF  }
0xcb: {  	_ =	shalt  }
tec
execute0_lowered:
.L_overlay_start_1:
0x0: {  	(tag) =	ssettag $0x1  }
0x1: {  	s1 =	rddreg [dreg:$0x0]  }
0x2: {  	s0 =	rddreg [dreg:$0x1]  }
0x3: {  	s2 =	rddreg [dreg:$0x2]  }
0x4: {  	s3 =	rddreg [dreg:$0x3];
	v0 =	vlaneseq.u32  }
0x5: {  	s4 =	rddreg [dreg:$0x5];
	s9 =	simm.s32 $0x0;
	v1 =	vmul.u32 $0x400, v0  }
0x6: {  	[smem:$0x7FF] =	sst s9  }
0x7: {  	s5 =	srdreg.scid;
	s6 =	stileid.u32;
	_ =	strace $0x80000047;
	v0 =	vadd.s32 $0x1A000, v1;
	[tilespmem:$0x1FFD0] =	vst v1  }
0x8: {  	s12 =	simm.s32 $0x68;
	s13 =	simm.s32 $0x30;
	s14 =	simm.s32 $0x1D0;
	v54 =	vor.u32 $0x4000, v1;
	[tilespmem:$0x1FF20] =	vst v0  }
0x9: {  	s15 =	simm.s32 $0x98;
	s16 =	simm.s32 $0x2A0;
	s17 =	simm.s32 $0x1;
	v55 =	vadd.s32 $0x1E000, v1;
	[tilespmem:$0x1FF30] =	vst v54  }
0xa: {  	s18 =	simm.s32 $0xD370;
	s19 =	simm.s32 $0xD3D8;
	s20 =	simm.s32 $0x370;
	v56 =	vor.u32 $0x8000, v1;
	[tilespmem:$0x1FF40] =	vst v55  }
0xb: {  	s21 =	simm.s32 $0x3770;
	s22 =	simm.s32 $0x100;
	s23 =	simm.s32 $0x238;
	v57 =	vadd.s32 $0x22000, v1;
	[tilespmem:$0x1FF50] =	vst v56  }
0xc: {  	v59 =	vimm.s32 $0x31C00;
	vm0 =	vcmask $0x300;
	s24 =	simm.s32 $0x168;
	s28 =	simm.s32 $0xD440;
	s5 =	sand.u32 $0x1, s5;
	v58 =	vor.u32 $0xC000, v1;
	[tilespmem:$0x1FF60] =	vst v57  }
0xd: {  	s29 =	simm.s32 $0xD4A8;
	s6 =	sshll.u32 s6, $0x6;
	s7 =	sshll.u32 s5, $0x5;
	v2 =	vadd.s32 $0x26000, v1;
	[tilespmem:$0x1FF70] =	vst v58;
	v0 =	vsel vm0, $0x30000, v59;
	vm0 =	vcmask $0x704  }
0xe: {  	s30 =	simm.s32 $0x6B70;
	s5 =	ssub.s32 $0x2, s5;
	s6 =	sor.u32 s7, s6;
	v60 =	vor.u32 $0x10000, v1;
	[tilespmem:$0x1FF80] =	vst v2;
	v0 =	vsel vm0, $0x30400, v0;
	vm0 =	vcmask $0xB08  }
0xf: {  	s31 =	simm.s32 $0x9F70;
	s8 =	sshrl.u32 s5, $0x1;
	v61 =	vadd.s32 $0x2A000, v1;
	s7 =	sshll.u32 s6, $0x4;
	[tilespmem:$0x1FF90] =	vst v60;
	v0 =	vsel vm0, $0x30800, v0;
	vm0 =	vcmask $0xF0C  }
0x10: {  	v62 =	vor.u32 $0x14000, v1;
	s6 =	sshrl.u32 s6, $0x3;
	s5 =	ssub.s32 s5, s8;
	[tilespmem:$0x1FFA0] =	vst v61;
	s4 =	sadd.s32 s7, s4;
	v0 =	vsel vm0, $0x30C00, v0;
	vm0 =	vcmask $0x1310  }
0x11: {  	v63 =	vadd.s32 $0x2E000, v1;
	[tilespmem:$0x1FFB0] =	vst v62;
	s0 =	sadd.s32 s0, s6;
	s26 =	smax.u32 s5, $0x1;
	s6 =	simm.s32 $0x5;
	v0 =	vsel vm0, $0x31000, v0;
	vm0 =	vcmask $0x1714  }
0x12: {  	v1 =	vadd.s32 $0x16000, v1;
	[tilespmem:$0x1FFC0] =	vst v63;
	s5 =	simm.s32 $0x4;
	s7 =	simm.s32 $0x0;
	[dreg:$0x7] =	wrdreg s0;
	v0 =	vsel vm0, $0x31400, v0;
	vm0 =	vcmask $0x1B18  }
0x13: {  	[tilespmem:$0x1FFE0] =	vst v1;
	s25 =	sadd.s32 $0x400, s4;
	[dreg:$0x9] =	wrdreg s26;
	s26 =	simm.s32 $0x2;
	v0 =	vsel vm0, $0x31800, v0  }
0x14: {  	vm1 =	vmmov $0xfff;
	s0 =	simm.s32 $0x3;
	[dreg:$0x8] =	wrdreg s25;
	s25 =	simm.s32 $0x308;
	vm0 =	vmmov $0xff;
	[tilespmem:$0x1FFF0] =	vst v0  }
.LBB2_1:
0x15: {  	[dreg:$0xa] =	wrdreg s7  }
0x16: {  	s4 =	rddreg [dreg:$0x7]  }
0x17: {  	[tilespmem:s9], [sflag:$0x5] =	stream.linear.gather [hbm4b:s4+s9], $0x20, $0x38;
	[tilespmem:$0xE648] =	vst v63  }
0x18: {  	_ =	swait.ge [sflag:s6], $0x20  }
0x19: {  	[sflag:s6] =	ssyncset.done $0x0  }
0x1a: {  	[sflag:s6] =	ssyncadd.s32 $0xFFFFFFE0  }
0x1b: {  	s11 =	simm.s32 $0xD5E0;
	s10 =	rddreg [dreg:$0x4]  }
0x1c: {  	[tilespmem:s11], [sflag:$0x5] =	stream.linear.gather [hbm4b:s10+s9], $0x68, $0x38;
	[tilespmem:$0xE648] =	vst v63  }
0x1d: {  	_ =	swait.ge [sflag:s6], $0x68  }
0x1e: {  	[sflag:s6] =	ssyncset.done $0x0  }
0x1f: {  	v2 =	vld [tilespmem:$0x1FFD0];
	[sflag:s6] =	ssyncadd.s32 $0xFFFFFF98  }
0x20: {  	v0 =	vld.msk [tilespmem:$0x0 ss:$0x0], $0xffff  }
0x21: {  	v10 =	vld [tilespmem:$0xD5E0]  }
0x22: {  	v11 =	vld [tilespmem:$0xD5F0]  }
0x23: {  	v12 =	vld [tilespmem:$0xD600]  }
0x24: {  	v13 =	vld [tilespmem:$0xD610]  }
0x25: {  	v14 =	vld [tilespmem:$0xD620]  }
0x26: {  	v15 =	vld [tilespmem:$0xD630];
	[tilespmem:$0x1FEB0] =	vst v10  }
0x27: {  	v3 =	vld [tilespmem:$0x1FF20];
	[tilespmem:$0x1FEC0] =	vst v11  }
0x28: {  	v4 =	vld [tilespmem:$0x1FF30];
	[tilespmem:$0x1FED0] =	vst v12  }
0x29: {  	v5 =	vld [tilespmem:$0x1FF40];
	[tilespmem:$0x1FEE0] =	vst v13  }
0x2a: {  	v6 =	vld [tilespmem:$0x1FF50];
	[tilespmem:$0x1FEF0] =	vst v14  }
0x2b: {  	v7 =	vld [tilespmem:$0x1FF60];
	v1 =	vadd.s32 v2, v0;
	[tilespmem:$0x1FF00] =	vst v15  }
0x2c: {  	v8 =	vld [tilespmem:$0x1FF70];
	v31 =	vadd.s32 v3, v0;
	[tilespmem:$0x30] =	vst v1  }
0x2d: {  	v9 =	vld [tilespmem:$0x1FF80];
	v32 =	vadd.s32 v4, v0;
	[tilespmem:$0x98] =	vst v31  }
0x2e: {  	v38 =	vld [tilespmem:$0x1FF90];
	v33 =	vadd.s32 v5, v0;
	[tilespmem:$0x40] =	vst v32  }
0x2f: {  	v40 =	vld [tilespmem:$0x1FFA0];
	v34 =	vadd.s32 v6, v0;
	[tilespmem:$0xA8] =	vst v33  }
0x30: {  	v42 =	vld [tilespmem:$0x1FFB0];
	v35 =	vadd.s32 v7, v0;
	[tilespmem:$0x50] =	vst v34  }
0x31: {  	v44 =	vld [tilespmem:$0x1FFC0];
	v36 =	vadd.s32 v8, v0;
	[tilespmem:$0xB8] =	vst v35  }
0x32: {  	v46 =	vld [tilespmem:$0x1FFE0];
	v37 =	vadd.s32 v9, v0;
	[tilespmem:$0x60] =	vst v36  }
0x33: {  	v48 =	vld [tilespmem:$0x1FFF0];
	v39 =	vadd.s32 v38, v0;
	[tilespmem:$0xC8] =	vst v37  }
0x34: {  	v41 =	vadd.s32 v40, v0;
	[tilespmem:$0x70] =	vst v39  }
0x35: {  	v43 =	vadd.s32 v42, v0;
	[tilespmem:$0xD8] =	vst v41  }
0x36: {  	v49 =	vld [tilespmem:$0xD634];
	v45 =	vadd.s32 v44, v0;
	[tilespmem:$0x80] =	vst v43  }
0x37: {  	v47 =	vadd.s32 v46, v0;
	[tilespmem:$0xE8] =	vst v45  }
0x38: {  	v0 =	vadd.s32 v48, v0;
	[tilespmem:$0x88] =	vst v47  }
0x39: {  	[tilespmem:$0xF0] =	vst v0  }
0x3a: {  	[tilespmem:s14], [sflag:$0x1] =	stream.indirect.gather [hbm4b:s1+s12], $0x1, s13, s12, $0xb8;
	[tilespmem:$0xE648] =	vst v63  }
0x3b: {  	[tilespmem:$0x1FF10] =	vst v49  }
0x3c: {  	[tilespmem:s16], [sflag:$0x1] =	stream.indirect.gather [hbm4b:s1+s12], $0x1, s15, s12, $0xb8;
	[tilespmem:$0xE648] =	vst v63  }
0x3d: {  	_ =	swait.ge [sflag:s17], $0x68  }
0x3e: {  	[sflag:s17] =	ssyncset.done $0x0  }
0x3f: {  	[sflag:s17] =	ssyncadd.s32 $0xFFFFFF98  }
0x40: {  	_ =	swait.ge [sflag:s17], $0x68  }
0x41: {  	[sflag:s17] =	ssyncset.done $0x0  }
0x42: {  	[sflag:s17] =	ssyncadd.s32 $0xFFFFFF98  }
0x43: {  	[tilespmem:s18], [sflag:$0x3] =	stream.indirect.gather [hbm4b:s3+s12], $0x1, s14, s12, $0xb8;
	[tilespmem:$0xE648] =	vst v63  }
0x44: {  	_ = 	snop  }
0x45: {  	[tilespmem:s19], [sflag:$0x3] =	stream.indirect.gather [hbm4b:s3+s12], $0x1, s16, s12, $0xb8;
	[tilespmem:$0xE648] =	vst v63  }
0x46: {  	_ = 	snop  }
0x47: {  	[tilespmem:s20], [sflag:$0x3] =	stream.indirect.gather [hbm4b:s2+s12], $0x80, s14, s12, $0xb8;
	[tilespmem:$0xE648] =	vst v63  }
0x48: {  	_ = 	snop  }
0x49: {  	[tilespmem:s21], [sflag:$0x3] =	stream.indirect.gather [hbm4b:s2+s12], $0x80, s16, s12, $0xb8;
	[tilespmem:$0xE648] =	vst v63  }
0x4a: {  	v50 =	vld.msk [tilespmem:$0x1 ss:$0x0], $0xffff;
	_ =	sdelay $0x4  }
0x4b: {  	v51 =	vadd.s32 v2, v50  }
0x4c: {  	v52 =	vadd.s32 v3, v50;
	[tilespmem:$0x100] =	vst v51  }
0x4d: {  	v53 =	vadd.s32 v4, v50;
	[tilespmem:$0x168] =	vst v52  }
0x4e: {  	v54 =	vadd.s32 v5, v50;
	[tilespmem:$0x110] =	vst v53  }
0x4f: {  	v55 =	vadd.s32 v6, v50;
	[tilespmem:$0x178] =	vst v54  }
0x50: {  	v56 =	vadd.s32 v7, v50;
	[tilespmem:$0x120] =	vst v55  }
0x51: {  	v57 =	vadd.s32 v8, v50;
	[tilespmem:$0x188] =	vst v56  }
0x52: {  	v58 =	vadd.s32 v9, v50;
	[tilespmem:$0x130] =	vst v57  }
0x53: {  	v59 =	vadd.s32 v38, v50;
	[tilespmem:$0x198] =	vst v58  }
0x54: {  	v60 =	vadd.s32 v40, v50;
	[tilespmem:$0x140] =	vst v59  }
0x55: {  	v61 =	vadd.s32 v42, v50;
	[tilespmem:$0x1A8] =	vst v60  }
0x56: {  	v62 =	vadd.s32 v44, v50;
	[tilespmem:$0x150] =	vst v61  }
0x57: {  	v63 =	vadd.s32 v46, v50;
	[tilespmem:$0x1B8] =	vst v62  }
0x58: {  	v0 =	vadd.s32 v48, v50;
	[tilespmem:$0x158] =	vst v63  }
0x59: {  	[tilespmem:$0x1C0] =	vst v0  }
0x5a: {  	[tilespmem:s23], [sflag:$0x2] =	stream.indirect.gather [hbm4b:s1+s12], $0x1, s22, s12, $0xb8;
	[tilespmem:$0xE648] =	vst v63  }
0x5b: {  	s4 =	simm.s32 $0x0  }
0x5c: {  	[tilespmem:s25], [sflag:$0x2] =	stream.indirect.gather [hbm4b:s1+s12], $0x1, s24, s12, $0xb8;
	[tilespmem:$0xE648] =	vst v63  }
.LBB2_2:
0x5d: {  	_ =	swait.ge [sflag:s26], $0x68  }
0x5e: {  	[sflag:s26] =	ssyncset.done $0x0  }
0x5f: {  	[sflag:s26] =	ssyncadd.s32 $0xFFFFFF98  }
0x60: {  	_ =	swait.ge [sflag:s26], $0x68  }
0x61: {  	[sflag:s26] =	ssyncset.done $0x0  }
0x62: {  	[sflag:s26] =	ssyncadd.s32 $0xFFFFFF98  }
0x63: {  	[tilespmem:s28], [sflag:$0x4] =	stream.indirect.gather [hbm4b:s3+s12], $0x1, s23, s12, $0xb8;
	[tilespmem:$0xE648] =	vst v63  }
0x64: {  	_ = 	snop  }
0x65: {  	[tilespmem:s29], [sflag:$0x4] =	stream.indirect.gather [hbm4b:s3+s12], $0x1, s25, s12, $0xb8;
	[tilespmem:$0xE648] =	vst v63  }
0x66: {  	_ = 	snop  }
0x67: {  	[tilespmem:s30], [sflag:$0x4] =	stream.indirect.gather [hbm4b:s2+s12], $0x80, s23, s12, $0xb8;
	[tilespmem:$0xE648] =	vst v63  }
0x68: {  	_ = 	snop  }
0x69: {  	[tilespmem:s31], [sflag:$0x4] =	stream.indirect.gather [hbm4b:s2+s12], $0x80, s25, s12, $0xb8;
	[tilespmem:$0xE648] =	vst v63  }
0x6a: {  	_ =	swait.ge [sflag:s0], $0x68  }
0x6b: {  	[sflag:s0] =	ssyncset.done $0x0  }
0x6c: {  	[sflag:s0] =	ssyncadd.s32 $0xFFFFFF98  }
0x6d: {  	_ =	swait.ge [sflag:s0], $0x68  }
0x6e: {  	[sflag:s0] =	ssyncset.done $0x0  }
0x6f: {  	[sflag:s0] =	ssyncadd.s32 $0xFFFFFF98  }
0x70: {  	_ =	swait.ge [sflag:s0], $0x3400  }
0x71: {  	[sflag:s0] =	ssyncset.done $0x0  }
0x72: {  	[sflag:s0] =	ssyncadd.s32 $0xFFFFCC00  }
0x73: {  	_ =	swait.ge [sflag:s0], $0x3400  }
0x74: {  	s8 =	sshll.u32 s4, $0x1;
	[sflag:s0] =	ssyncset.done $0x0  }
0x75: {  	s6 =	smin.u32 s8, $0x1D;
	v1 =	vld [tilespmem:$0x1FFD0];
	[sflag:s0] =	ssyncadd.s32 $0xFFFFCC00  }
0x76: {  	v0 =	vld.msk [tilespmem:s6+$0x2 ss:$0x0], $0xffff  }
0x77: {  	v43 =	vld [tilespmem:$0x1FF20]  }
0x78: {  	v44 =	vld [tilespmem:$0x1FF30]  }
0x79: {  	v45 =	vld [tilespmem:$0x1FF40]  }
0x7a: {  	v46 =	vld [tilespmem:$0x1FF50]  }
0x7b: {  	v47 =	vld [tilespmem:$0x1FF60];
	v1 =	vadd.s32 v1, v0  }
0x7c: {  	v48 =	vld [tilespmem:$0x1FF70];
	[tilespmem:$0x30] =	vst v1;
	v1 =	vadd.s32 v43, v0  }
0x7d: {  	v49 =	vld [tilespmem:$0x1FF80];
	[tilespmem:$0x98] =	vst v1;
	v1 =	vadd.s32 v44, v0  }
0x7e: {  	v50 =	vld [tilespmem:$0x1FF90];
	[tilespmem:$0x40] =	vst v1;
	v1 =	vadd.s32 v45, v0  }
0x7f: {  	v51 =	vld [tilespmem:$0x1FFA0];
	[tilespmem:$0xA8] =	vst v1;
	v1 =	vadd.s32 v46, v0  }
0x80: {  	v52 =	vld [tilespmem:$0x1FFB0];
	[tilespmem:$0x50] =	vst v1;
	v1 =	vadd.s32 v47, v0  }
0x81: {  	v53 =	vld [tilespmem:$0x1FFC0];
	[tilespmem:$0xB8] =	vst v1;
	v1 =	vadd.s32 v48, v0  }
0x82: {  	v54 =	vld [tilespmem:$0x1FFE0];
	[tilespmem:$0x60] =	vst v1;
	v1 =	vadd.s32 v49, v0  }
0x83: {  	v55 =	vld [tilespmem:$0x1FFF0];
	[tilespmem:$0xC8] =	vst v1;
	v1 =	vadd.s32 v50, v0  }
0x84: {  	[tilespmem:$0x70] =	vst v1;
	v1 =	vadd.s32 v51, v0  }
0x85: {  	[tilespmem:$0xD8] =	vst v1;
	v1 =	vadd.s32 v52, v0  }
0x86: {  	[tilespmem:$0x80] =	vst v1;
	v1 =	vadd.s32 v53, v0  }
0x87: {  	[tilespmem:$0xE8] =	vst v1;
	v1 =	vadd.s32 v54, v0  }
0x88: {  	v0 =	vadd.s32 v55, v0;
	[tilespmem:$0x88] =	vst v1  }
0x89: {  	[tilespmem:$0xF0] =	vst v0  }
0x8a: {  	[tilespmem:s14], [sflag:$0x1] =	stream.indirect.gather [hbm4b:s1+s12], $0x1, s13, s12, $0xb8;
	[tilespmem:$0xE648] =	vst v63  }
0x8b: {  	_ = 	snop  }
0x8c: {  	[tilespmem:s16], [sflag:$0x1] =	stream.indirect.gather [hbm4b:s1+s12], $0x1, s15, s12, $0xb8;
	[tilespmem:$0xE648] =	vst v63  }
0x8d: {  	v56 =	vld [tilespmem:$0xD370]  }
0x8e: {  	v57 =	vld [tilespmem:$0xD380]  }
0x8f: {  	v2 =	vld [tilespmem:$0xD390]  }
0x90: {  	v3 =	vld [tilespmem:$0xD3A0]  }
0x91: {  	v4 =	vld [tilespmem:$0xD3B0]  }
0x92: {  	v5 =	vld [tilespmem:$0xD3C0]  }
0x93: {  	v6 =	vld [tilespmem:$0xD3D0]  }
0x94: {  	v7 =	vld [tilespmem:$0xD3E0];
	v8 =	vmax.f32 v56, v57  }
0x95: {  	v9 =	vld [tilespmem:$0xD3F0];
	v8 =	vmax.f32 v8, v2  }
0x96: {  	v10 =	vld [tilespmem:$0xD400];
	v8 =	vmax.f32 v8, v3  }
0x97: {  	v11 =	vld [tilespmem:$0xD410];
	v8 =	vmax.f32 v8, v4  }
0x98: {  	v12 =	vld [tilespmem:$0xD420];
	v8 =	vmax.f32 v8, v5  }
0x99: {  	v13 =	vld [tilespmem:$0xD430];
	v8 =	vmax.f32 v8, v6  }
0x9a: {  	v8 =	vmax.f32 v8, v7  }
0x9b: {  	v8 =	vmax.f32 v8, v9  }
0x9c: {  	v8 =	vmax.f32 v8, v10  }
0x9d: {  	v8 =	vmax.f32 v8, v11  }
0x9e: {  	v13 =	vnsel vm0, $0xF149F2CA, v13;
	v8 =	vmax.f32 v8, v12  }
0x9f: {  	v8 =	vmax.f32 v8, v13  }
0xa0: {  	(xrf0) =	vmax.scan.msk.f32 $0xffff, v8;
	_ =	sdelay $0x5  }
0xa1: {  	v8, _, _ =	vpop (xrf0)  }
0xa2: {  	v8 =	vbroadcast v8, $0xF;
	_ =	sdelay $0x1  }
0xa3: {  	v0 =	vsub.f32 v56, v8  }
0xa4: {  	v1 =	vsub.f32 v57, v8;
	v2 =	vsub.f32 v2, v8  }
0xa5: {  	v3 =	vsub.f32 v3, v8;
	v0 =	vmul.f32 $1.442695020e+00, v0  }
0xa6: {  	v59 =	vsub.f32 v4, v8;
	v1 =	vmul.f32 $1.442695020e+00, v1;
	v58 =	vmul.f32 $1.442695020e+00, v2  }
0xa7: {  	v60 =	vmul.f32 $1.442695020e+00, v3;
	v3 =	vsub.f32 v5, v8;
	(erf) = vpow2.f32 v0  }
0xa8: {  	v62 =	vsub.f32 v6, v8;
	v61 =	vmul.f32 $1.442695020e+00, v59;
	(erf) = vpow2.f32 v1  }
0xa9: {  	v63 =	vmul.f32 $1.442695020e+00, v3;
	v3 =	vsub.f32 v7, v8;
	(erf) = vpow2.f32 v58  }
0xaa: {  	v33 =	vsub.f32 v9, v8;
	v32 =	vmul.f32 $1.442695020e+00, v62;
	(erf) = vpow2.f32 v60  }
0xab: {  	v34 =	vmul.f32 $1.442695020e+00, v3;
	v3 =	vsub.f32 v10, v8;
	(erf) = vpow2.f32 v61  }
0xac: {  	v36 =	vsub.f32 v11, v8;
	v35 =	vmul.f32 $1.442695020e+00, v33;
	(erf) = vpow2.f32 v63  }
0xad: {  	v37 =	vmul.f32 $1.442695020e+00, v3;
	v3 =	vsub.f32 v12, v8;
	(erf) = vpow2.f32 v32  }
0xae: {  	(erf) = vpow2.f32 v34  }
0xaf: {  	v39 =	vsub.f32 v13, v8;
	v38 =	vmul.f32 $1.442695020e+00, v36;
	(erf) = vpow2.f32 v35  }
0xb0: {  	v40 =	vmul.f32 $1.442695020e+00, v3;
	v4 =	vpop (erf);
	(erf) = vpow2.f32 v37  }
0xb1: {  	v41 =	vmul.f32 $1.442695020e+00, v39;
	[tilespmem:$0xD510] =	vst v4;
	v3 =	vpop (erf);
	(erf) = vpow2.f32 v38  }
0xb2: {  	[tilespmem:$0xD520] =	vst v3;
	v42 =	vpop (erf);
	(erf) = vpow2.f32 v40  }
0xb3: {  	[tilespmem:$0xD530] =	vst v42;
	v43 =	vpop (erf);
	(erf) = vpow2.f32 v41  }
0xb4: {  	v44 =	vpop (erf);
	[tilespmem:$0xD540] =	vst v43  }
0xb5: {  	v45 =	vpop (erf);
	[tilespmem:$0xD550] =	vst v44  }
0xb6: {  	v46 =	vpop (erf);
	[tilespmem:$0xD560] =	vst v45  }
0xb7: {  	v47 =	vpop (erf);
	[tilespmem:$0xD570] =	vst v46  }
0xb8: {  	v48 =	vpop (erf);
	[tilespmem:$0xD580] =	vst v47  }
0xb9: {  	v49 =	vpop (erf);
	[tilespmem:$0xD590] =	vst v48  }
0xba: {  	v50 =	vpop (erf);
	[tilespmem:$0xD5A0] =	vst v49  }
0xbb: {  	v51 =	vpop (erf);
	[tilespmem:$0xD5B0] =	vst v50  }
0xbc: {  	[tilespmem:$0xD5C0] =	vst v51;
	v52 =	vpop (erf)  }
0xbd: {  	s7 =	simm.s32 $0x770;
	[tilespmem:$0xD5D0] =	vst v52  }
0xbe: {  	v1 =	vld [tilespmem:s7+$0x380]  }
0xbf: {  	v2 =	vld [tilespmem:s7+$0x390]  }
0xc0: {  	v5 =	vld [tilespmem:s7+$0x3A0]  }
0xc1: {  	v6 =	vld [tilespmem:s7+$0x3B0]  }
0xc2: {  	v7 =	vld [tilespmem:s7+$0x3C0]  }
0xc3: {  	v13 =	vld [tilespmem:s7+$0x300]  }
0xc4: {  	v14 =	vld [tilespmem:s7+$0x310]  }
0xc5: {  	v15 =	vld [tilespmem:s7+$0x320]  }
0xc6: {  	v18 =	vld [tilespmem:s7+$0x330]  }
0xc7: {  	v20 =	vld [tilespmem:s7+$0x340]  }
0xc8: {  	v22 =	vld [tilespmem:s7+$0x280]  }
0xc9: {  	v27 =	vld [tilespmem:s7+$0x290]  }
0xca: {  	v28 =	vld [tilespmem:s7+$0x2A0]  }
0xcb: {  	v29 =	vld [tilespmem:s7+$0x2B0]  }
0xcc: {  	v30 =	vld [tilespmem:s7+$0x2C0]  }
0xcd: {  	v31 =	vld [tilespmem:s7+$0x200]  }
0xce: {  	v32 =	vld [tilespmem:s7+$0x210]  }
0xcf: {  	v33 =	vld [tilespmem:s7+$0x220]  }
0xd0: {  	v25 =	vld [tilespmem:s7+$0x230]  }
0xd1: {  	v23 =	vld [tilespmem:s7+$0x240]  }
0xd2: {  	v21 =	vld [tilespmem:s7+$0x180]  }
0xd3: {  	v16 =	vld [tilespmem:s7+$0x190]  }
0xd4: {  	v12 =	vld [tilespmem:s7+$0x1A0]  }
0xd5: {  	v11 =	vld [tilespmem:s7+$0x1B0]  }
0xd6: {  	[tilespmem:$0x1FD40] =	vst v4;
	v4 =	vld [tilespmem:s7+$0x1C0]  }
0xd7: {  	s11 =	simm.s32 $0x0;
	v10 =	vld [tilespmem:s7+$0x100]  }
0xd8: {  	v38 =	vld [tilespmem:s11+$0xD510]  }
0xd9: {  	v8 =	vld [tilespmem:s7+$0x110]  }
0xda: {  	v9 =	vld [tilespmem:s7+$0x120]  }
0xdb: {  	v61 =	vld [tilespmem:s7+$0x130]  }
0xdc: {  	v0 =	vld [tilespmem:s7+$0x140]  }
0xdd: {  	v26 =	vld [tilespmem:s7+$0x80]  }
0xde: {  	[tilespmem:$0x1FD50] =	vst v3;
	v24 =	vld [tilespmem:s7+$0x90]  }
0xdf: {  	[tilespmem:$0x1FD60] =	vst v42;
	v39 =	vld [tilespmem:s7+$0xFFFFFC80]  }
0xe0: {  	[tilespmem:$0x1FD70] =	vst v43;
	v42 =	vld [tilespmem:s7+$0xFFFFFC00];
	v35 =	vbroadcast v38, $0xE  }
0xe1: {  	[tilespmem:$0x1FD80] =	vst v44;
	v43 =	vld [tilespmem:s7+$0xFFFFFC10];
	v34 =	vbroadcast v38, $0xF;
	v37 =	vbroadcast v38, $0xC  }
0xe2: {  	[tilespmem:$0x1FD90] =	vst v45;
	v44 =	vld [tilespmem:s7+$0xFFFFFC20];
	v36 =	vbroadcast v38, $0xD;
	v41 =	vbroadcast v38, $0xA  }
0xe3: {  	[tilespmem:$0x1FDA0] =	vst v46;
	v45 =	vld [tilespmem:s7+$0xFFFFFC90];
	v62 =	vbroadcast v38, $0x0;
	v40 =	vbroadcast v38, $0xB  }
0xe4: {  	[tilespmem:$0x1FDD0] =	vst v49;
	v57 =	vld [tilespmem:s7+$0xA0];
	v59 =	vbroadcast v38, $0x1;
	v49 =	vbroadcast v38, $0x6  }
0xe5: {  	[tilespmem:$0x1FDC0] =	vst v48;
	v19 =	vld [tilespmem:s7+$0xB0];
	v48 =	vbroadcast v38, $0x7;
	v54 =	vbroadcast v38, $0x4  }
0xe6: {  	[tilespmem:$0x1FE00] =	vst v52;
	v46 =	vld [tilespmem:s7+$0xFFFFFCA0];
	v52 =	vbroadcast v38, $0x5;
	v58 =	vbroadcast v38, $0x2  }
0xe7: {  	[tilespmem:$0x1FDB0] =	vst v47;
	v17 =	vld [tilespmem:s7+$0xC0];
	v56 =	vbroadcast v38, $0x3;
	v42 =	vmul.f32 v42, v62  }
0xe8: {  	v53 =	vimm.f32 $0.0e+00;
	[tilespmem:$0x1FDE0] =	vst v50;
	v55 =	vld [tilespmem:s7+$0xFFFFFD10];
	v43 =	vmul.f32 v43, v62;
	v47 =	vmul.f32 v44, v62  }
0xe9: {  	v3 =	vimm.f32 $0.0e+00;
	[tilespmem:$0x1FDF0] =	vst v51;
	v51 =	vld [tilespmem:s7+$0xFFFFFD00];
	v39 =	vmul.f32 v39, v59;
	v50 =	vmul.f32 v45, v59  }
0xea: {  	v60 =	vld [tilespmem:s7+$0xFFFFFD80];
	v45 =	vbroadcast v38, $0x8;
	v42 =	vadd.f32 v42, v3;
	v43 =	vadd.f32 v43, v3  }
0xeb: {  	[tilespmem:$0x1FE10] =	vst v53;
	v46 =	vmul.f32 v46, v59;
	v53 =	vmul.f32 v2, v34;
	v2 =	vld [tilespmem:s7+$0xFFFFFF00];
	v63 =	vadd.f32 v47, v3  }
0xec: {  	v39 =	vadd.f32 v39, v42;
	v42 =	vld [tilespmem:s7+$0xFFFFFD20];
	v43 =	vadd.f32 v50, v43;
	v50 =	vmul.f32 v1, v34  }
0xed: {  	v44 =	vbroadcast v38, $0x9;
	[tilespmem:$0x1FE30] =	vst v53;
	v38 =	vadd.f32 v46, v63;
	v63 =	vmul.f32 v55, v58;
	v55 =	vld [tilespmem:s7+$0xFFFFFE00]  }
0xee: {  	v47 =	vld [tilespmem:s7+$0xFFFFFD90];
	v53 =	vmul.f32 v5, v34;
	[tilespmem:$0x1FE20] =	vst v50;
	v50 =	vmul.f32 v51, v58  }
0xef: {  	v21 =	vmul.f32 v21, v40;
	v61 =	vmul.f32 v61, v41;
	v51 =	vld [tilespmem:s7+$0xFFFFFDA0]  }
0xf0: {  	[tilespmem:$0x1FE40] =	vst v53;
	v53 =	vmul.f32 v6, v34;
	v6 =	vmul.f32 v60, v56;
	v46 =	vld [tilespmem:s7+$0xFFFFFE20];
	v39 =	vadd.f32 v50, v39  }
0xf1: {  	v60 =	vmul.f32 v14, v35;
	v1 =	vld [tilespmem:s7+$0xFFFFFEA0];
	v43 =	vadd.f32 v63, v43;
	v5 =	vmul.f32 v42, v58  }
0xf2: {  	v63 =	vmul.f32 v7, v34;
	v42 =	vld [tilespmem:s7+$0xFFFFFE10];
	v14 =	vmul.f32 v55, v54;
	v39 =	vadd.f32 v6, v39  }
0xf3: {  	v50 =	vld [tilespmem:s7+$0xFFFFFE90];
	v6 =	vmul.f32 v27, v36;
	v38 =	vadd.f32 v5, v38;
	v5 =	vmul.f32 v13, v35  }
0xf4: {  	v13 =	vmul.f32 v47, v56;
	v47 =	vld [tilespmem:s7+$0xFFFFFE80];
	v7 =	vmul.f32 v51, v56  }
0xf5: {  	v39 =	vadd.f32 v14, v39;
	v14 =	vmul.f32 v46, v54;
	v46 =	vmul.f32 v20, v35;
	v20 =	vld [tilespmem:s7+$0xFFFFFF20]  }
0xf6: {  	[tilespmem:$0x1FE50] =	vst v60;
	v60 =	vld [tilespmem:s7+$0xFFFFFFA0];
	v27 =	vmul.f32 v1, v52;
	v38 =	vadd.f32 v7, v38;
	v7 =	vmul.f32 v15, v35  }
0xf7: {  	v13 =	vadd.f32 v13, v43;
	v43 =	vmul.f32 v18, v35;
	v18 =	vld [tilespmem:s7+$0xFFFFFF10];
	v15 =	vmul.f32 v42, v54  }
0xf8: {  	v51 =	vld [tilespmem:s7+$0xFFFFFF90];
	v42 =	vmul.f32 v30, v36;
	v38 =	vadd.f32 v14, v38;
	v14 =	vmul.f32 v22, v36  }
0xf9: {  	v22 =	vmul.f32 v50, v52;
	v50 =	vld [tilespmem:s7+$0xFFFFFF80];
	v15 =	vadd.f32 v15, v13;
	v13 =	vmul.f32 v47, v52  }
0xfa: {  	v3 =	vld [tilespmem:s7+$0x40];
	v47 =	vmul.f32 v29, v36;
	v27 =	vadd.f32 v27, v38;
	v20 =	vmul.f32 v20, v49  }
0xfb: {  	v38 =	vld [tilespmem:s7+$0x0];
	v22 =	vadd.f32 v22, v15;
	v15 =	vmul.f32 v28, v36;
	v28 =	vmul.f32 v2, v49  }
0xfc: {  	v39 =	vadd.f32 v13, v39;
	v29 =	vmul.f32 v18, v49;
	v18 =	vmul.f32 v31, v37;
	v31 =	vld [tilespmem:s7+$0x10]  }
0xfd: {  	v60 =	vmul.f32 v60, v48;
	v30 =	vld [tilespmem:s7+$0x20];
	v51 =	vmul.f32 v51, v48;
	v27 =	vadd.f32 v20, v27  }
0xfe: {  	[tilespmem:$0x1FE60] =	vst v42;
	v42 =	vld [tilespmem:s7+$0xFFFFFEC0];
	v28 =	vadd.f32 v28, v39;
	v29 =	vadd.f32 v29, v22;
	v22 =	vmul.f32 v50, v48  }
0xff: {  	v20 =	vmul.f32 v32, v37;
	v32 =	vld [tilespmem:s7+$0xFFFFFFB0];
	v50 =	vmul.f32 v25, v37  }
0x100: {  	[tilespmem:$0x1FE70] =	vst v0;
	v39 =	vld [tilespmem:s7+$0x30];
	v27 =	vadd.f32 v60, v27;
	v28 =	vadd.f32 v22, v28;
	v25 =	vmul.f32 v38, v45  }
0x101: {  	v60 =	vld [tilespmem:$0x1FE70];
	v29 =	vadd.f32 v51, v29;
	v51 =	vmul.f32 v23, v37;
	v23 =	vmul.f32 v31, v45  }
0x102: {  	v22 =	vmul.f32 v33, v37;
	v33 =	vld [tilespmem:s7+$0xFFFFFF30];
	v25 =	vadd.f32 v25, v28;
	v28 =	vmul.f32 v30, v45  }
0x103: {  	v38 =	vmul.f32 v16, v40;
	v16 =	vmul.f32 v26, v44;
	v26 =	vld [tilespmem:s7+$0xFFFFFF40];
	v23 =	vadd.f32 v23, v29  }
0x104: {  	v31 =	vld [tilespmem:s7+$0xFFFFFFC0];
	v27 =	vadd.f32 v28, v27;
	v28 =	vmul.f32 v12, v40;
	v12 =	vmul.f32 v24, v44  }
0x105: {  	v55 =	vmul.f32 v11, v40;
	v11 =	vmul.f32 v57, v44;
	v24 =	vld [tilespmem:s7+$0xFFFFFEB0]  }
0x106: {  	v30 =	vld [tilespmem:s7+$0xFFFFFD30];
	v16 =	vadd.f32 v16, v25;
	v12 =	vadd.f32 v12, v23;
	v23 =	vmul.f32 v10, v41  }
0x107: {  	v57 =	vmul.f32 v4, v40;
	v29 =	vld [tilespmem:s7+$0xFFFFFDC0];
	v4 =	vadd.f32 v11, v27;
	v11 =	vmul.f32 v8, v41  }
0x108: {  	v25 =	vmul.f32 v9, v41;
	v60 =	vmul.f32 v60, v41;
	v9 =	vld [tilespmem:s7+$0xFFFFFDB0];
	v23 =	vadd.f32 v23, v16  }
0x109: {  	v10 =	vld [tilespmem:s7+$0xFFFFFE30];
	v27 =	vadd.f32 v11, v12;
	v11 =	vmul.f32 v19, v44;
	v16 =	vmul.f32 v39, v45  }
0x10a: {  	v8 =	vld [tilespmem:s7+$0xFFFFFE40];
	v4 =	vadd.f32 v25, v4;
	v19 =	vmul.f32 v31, v48;
	v25 =	vmul.f32 v24, v52  }
0x10b: {  	v31 =	vld [tilespmem:s7+$0xFFFFFD40];
	v24 =	vmul.f32 v26, v49;
	v26 =	vmul.f32 v42, v52;
	v42 =	vimm.f32 $0.0e+00  }
0x10c: {  	v39 =	vadd.f32 v21, v23;
	v21 =	vmul.f32 v32, v48;
	v32 =	vld [tilespmem:s7+$0xFFFFFCB0];
	[tilespmem:$0x1FE80] =	vst v42;
	v42 =	vimm.f32 $0.0e+00  }
0x10d: {  	v12 =	vmul.f32 v17, v44;
	v23 =	vmul.f32 v33, v49;
	v33 =	vld [tilespmem:s7+$0xFFFFFCC0];
	[tilespmem:$0x1FE90] =	vst v42;
	v42 =	vimm.f32 $0.0e+00  }
0x10e: {  	s9 =	simm.s32 $0x40;
	v17 =	vmul.f32 v3, v45;
	v27 =	vadd.f32 v38, v27;
	v28 =	vadd.f32 v28, v4;
	v38 =	vld [tilespmem:s7+$0xFFFFFC30];
	[tilespmem:$0x1FEA0] =	vst v42  }
.LBB2_3:
0x10f: {  	v42 =	vld [tilespmem:s7+$0xFFFFFC40]  }
0x110: {  	v0 =	vld [tilespmem:$0x1FE50]  }
0x111: {  	v18 =	vadd.f32 v18, v39;
	v39 =	vld [tilespmem:s7+$0xFFFFFC50]  }
0x112: {  	v20 =	vadd.f32 v20, v27;
	v22 =	vadd.f32 v22, v28;
	v27 =	vld [tilespmem:s7+$0xFFFFFC54]  }
0x113: {  	v3 =	vld [tilespmem:$0x1FE90];
	v14 =	vadd.f32 v14, v18  }
0x114: {  	v4 =	vld [tilespmem:$0x1FEA0];
	v15 =	vadd.f32 v15, v22  }
0x115: {  	v18 =	vld [tilespmem:s7+$0xFFFFFCD0];
	v13 =	vadd.f32 v6, v20;
	v5 =	vadd.f32 v5, v14  }
0x116: {  	v14 =	vmul.f32 v38, v62;
	v7 =	vadd.f32 v7, v15;
	v15 =	vmul.f32 v39, v62;
	v39 =	vld [tilespmem:$0x1FE20]  }
0x117: {  	v6 =	vadd.f32 v0, v13;
	v13 =	vmul.f32 v42, v62;
	v1 =	vmul.f32 v27, v62;
	v62 =	vld [tilespmem:$0x1FE10]  }
0x118: {  	v20 =	vmul.f32 v32, v59;
	v32 =	vld [tilespmem:s7+$0xFFFFFCD4]  }
0x119: {  	v38 =	vld [tilespmem:$0x1FE30]  }
0x11a: {  	v22 =	vmul.f32 v33, v59;
	v33 =	vld [tilespmem:s7+$0xFFFFFD50]  }
0x11b: {  	v28 =	vmul.f32 v30, v58;
	v30 =	vmul.f32 v29, v56;
	v29 =	vadd.f32 v39, v5;
	v39 =	vld [tilespmem:$0x1FE40]  }
0x11c: {  	v2 =	vadd.f32 v14, v62;
	v62 =	vld [tilespmem:$0x1FE80]  }
0x11d: {  	v5 =	vld [tilespmem:s7+$0xFFFFFDD0]  }
0x11e: {  	v3 =	vadd.f32 v15, v3;
	v38 =	vadd.f32 v38, v6;
	v6 =	vmul.f32 v18, v59  }
0x11f: {  	v10 =	vmul.f32 v10, v54;
	v42 =	vld [tilespmem:s7+$0xFFFFFD54];
	v1 =	vadd.f32 v1, v4;
	v2 =	vadd.f32 v20, v2  }
0x120: {  	v14 =	vmul.f32 v33, v58;
	v3 =	vadd.f32 v6, v3;
	v39 =	vadd.f32 v39, v7;
	v7 =	vld [tilespmem:s7+$0xFFFFFDD4]  }
0x121: {  	v9 =	vmul.f32 v9, v56;
	v2 =	vadd.f32 v28, v2;
	v0 =	vadd.f32 v13, v62;
	v13 =	vld [tilespmem:s7+$0xFFFFFE50]  }
0x122: {  	v15 =	vld [tilespmem:s7+$0xFFFFFE54];
	v4 =	vmul.f32 v32, v59;
	v3 =	vadd.f32 v14, v3;
	v5 =	vmul.f32 v5, v56  }
0x123: {  	v31 =	vmul.f32 v31, v58;
	v18 =	vld [tilespmem:s7+$0xFFFFFED4];
	v2 =	vadd.f32 v9, v2;
	v0 =	vadd.f32 v22, v0  }
0x124: {  	v1 =	vadd.f32 v4, v1;
	v4 =	vmul.f32 v42, v58;
	v6 =	vld [tilespmem:s7+$0xFFFFFED0];
	v3 =	vadd.f32 v5, v3  }
0x125: {  	v5 =	vld [tilespmem:s7+$0xFFFFFFD0];
	v2 =	vadd.f32 v10, v2;
	v0 =	vadd.f32 v31, v0  }
0x126: {  	v1 =	vadd.f32 v4, v1;
	v4 =	vmul.f32 v7, v56;
	v7 =	vld [tilespmem:s7+$0xFFFFFF50];
	v9 =	vmul.f32 v13, v54  }
0x127: {  	v8 =	vmul.f32 v8, v54;
	v13 =	vld [tilespmem:s7+$0xFFFFFF54];
	v2 =	vadd.f32 v25, v2;
	v0 =	vadd.f32 v30, v0  }
0x128: {  	v1 =	vadd.f32 v4, v1;
	v4 =	vmul.f32 v15, v54;
	v3 =	vadd.f32 v9, v3;
	v9 =	vld [tilespmem:s7+$0x50]  }
0x129: {  	v6 =	vmul.f32 v6, v52;
	v2 =	vadd.f32 v23, v2;
	v0 =	vadd.f32 v8, v0;
	v8 =	vld [tilespmem:s7+$0xFFFFFFD4]  }
0x12a: {  	v10 =	vld [tilespmem:s7+$0x54];
	v1 =	vadd.f32 v4, v1;
	v4 =	vmul.f32 v18, v52  }
0x12b: {  	v3 =	vadd.f32 v6, v3;
	v6 =	vld [tilespmem:s7+$0xD0];
	v2 =	vadd.f32 v21, v2;
	v7 =	vmul.f32 v7, v49  }
0x12c: {  	v1 =	vadd.f32 v4, v1;
	v4 =	vmul.f32 v13, v49;
	v13 =	vld [tilespmem:s7+$0xD4]  }
0x12d: {  	v5 =	vmul.f32 v5, v48;
	v2 =	vadd.f32 v16, v2;
	v3 =	vadd.f32 v7, v3;
	v7 =	vld [tilespmem:s7+$0x150]  }
0x12e: {  	v1 =	vadd.f32 v4, v1;
	v4 =	vmul.f32 v8, v48;
	v8 =	vmul.f32 v9, v45;
	v9 =	vld [tilespmem:s7+$0x154]  }
0x12f: {  	v2 =	vadd.f32 v11, v2;
	v11 =	vld [tilespmem:s7+$0x254];
	v3 =	vadd.f32 v5, v3  }
0x130: {  	v5 =	vld [tilespmem:s7+$0x1D0];
	v1 =	vadd.f32 v4, v1;
	v4 =	vmul.f32 v10, v45  }
0x131: {  	v6 =	vmul.f32 v6, v44;
	v10 =	vld [tilespmem:s7+$0x1D4];
	v3 =	vadd.f32 v8, v3  }
0x132: {  	v8 =	vld [tilespmem:s7+$0x250];
	v1 =	vadd.f32 v4, v1;
	v4 =	vmul.f32 v13, v44  }
0x133: {  	v7 =	vmul.f32 v7, v41;
	v3 =	vadd.f32 v6, v3;
	v6 =	vld [tilespmem:s7+$0x2D0]  }
0x134: {  	v1 =	vadd.f32 v4, v1;
	v4 =	vmul.f32 v9, v41;
	v9 =	vld [tilespmem:s7+$0x2D4]  }
0x135: {  	v5 =	vmul.f32 v5, v40;
	v3 =	vadd.f32 v7, v3;
	v7 =	vld [tilespmem:s7+$0x350]  }
0x136: {  	v1 =	vadd.f32 v4, v1;
	v4 =	vmul.f32 v10, v40;
	v10 =	vld [tilespmem:s7+$0x354]  }
0x137: {  	v3 =	vadd.f32 v5, v3;
	v5 =	vld [tilespmem:s7+$0x3D0]  }
0x138: {  	v8 =	vmul.f32 v8, v37;
	v1 =	vadd.f32 v4, v1;
	v4 =	vmul.f32 v11, v37;
	v11 =	vld [tilespmem:s7+$0x3D4];
	s7 =	sadd.s32 $0x800, s7  }
0x139: {  	v13 =	vld [tilespmem:s7+$0x380]  }
0x13a: {  	v0 =	vadd.f32 v26, v0;
	v3 =	vadd.f32 v8, v3;
	v8 =	vld [tilespmem:s7+$0x390]  }
0x13b: {  	v14 =	vld [tilespmem:s7+$0x310]  }
0x13c: {  	v0 =	vadd.f32 v24, v0;
	v15 =	vld [tilespmem:s7+$0x320]  }
0x13d: {  	v18 =	vld [tilespmem:s7+$0x330]  }
0x13e: {  	v0 =	vadd.f32 v19, v0;
	v20 =	vld [tilespmem:s7+$0x340]  }
0x13f: {  	v22 =	vld [tilespmem:s7+$0x280]  }
0x140: {  	v0 =	vadd.f32 v17, v0;
	v26 =	vld [tilespmem:s7+$0x290]  }
0x141: {  	v27 =	vld [tilespmem:s7+$0x2A0]  }
0x142: {  	v0 =	vadd.f32 v12, v0;
	v28 =	vld [tilespmem:s7+$0x2B0]  }
0x143: {  	v30 =	vld [tilespmem:s7+$0x2C0]  }
0x144: {  	v0 =	vadd.f32 v60, v0;
	v31 =	vld [tilespmem:s7+$0x200]  }
0x145: {  	v2 =	vadd.f32 v61, v2;
	v32 =	vld [tilespmem:s7+$0x210]  }
0x146: {  	v0 =	vadd.f32 v57, v0;
	v33 =	vld [tilespmem:s7+$0x220]  }
0x147: {  	v2 =	vadd.f32 v55, v2;
	v42 =	vld [tilespmem:s7+$0x230]  }
0x148: {  	v0 =	vadd.f32 v51, v0;
	v51 =	vld [tilespmem:s7+$0x240]  }
0x149: {  	v2 =	vadd.f32 v50, v2;
	v55 =	vld [tilespmem:s7+$0x180]  }
0x14a: {  	v57 =	vld [tilespmem:s7+$0x190]  }
0x14b: {  	v2 =	vadd.f32 v47, v2;
	v60 =	vld [tilespmem:s7+$0x1A0]  }
0x14c: {  	v61 =	vld [tilespmem:s7+$0x1B0]  }
0x14d: {  	v2 =	vadd.f32 v43, v2;
	v43 =	vld [tilespmem:s7+$0x1C0]  }
0x14e: {  	v47 =	vld [tilespmem:s7+$0x110]  }
0x14f: {  	v50 =	vld [tilespmem:s7+$0x120];
	v1 =	vadd.f32 v4, v1;
	v4 =	vmul.f32 v9, v36  }
0x150: {  	v12 =	vld [tilespmem:s7+$0xA0]  }
0x151: {  	v16 =	vld [tilespmem:s7+$0xB0];
	v1 =	vadd.f32 v4, v1;
	v4 =	vmul.f32 v10, v35  }
0x152: {  	v17 =	vld [tilespmem:s7+$0xC0]  }
0x153: {  	v6 =	vmul.f32 v6, v36;
	v23 =	vld [tilespmem:s7+$0x0];
	v1 =	vadd.f32 v4, v1;
	v4 =	vmul.f32 v11, v34  }
0x154: {  	s6 =	sshra.s32 s9, $0x2;
	v25 =	vld [tilespmem:s7+$0x10]  }
0x155: {  	v7 =	vmul.f32 v7, v35;
	v3 =	vadd.f32 v6, v3;
	v41 =	vadd.f32 v4, v1;
	v1 =	vld [tilespmem:s6+$0xD510]  }
0x156: {  	v24 =	vld [tilespmem:s7+$0x20]  }
0x157: {  	v9 =	vld [tilespmem:$0x1FE60];
	v5 =	vmul.f32 v5, v34;
	v3 =	vadd.f32 v7, v3  }
0x158: {  	v21 =	vld [tilespmem:s7+$0x30]  }
0x159: {  	v19 =	vld [tilespmem:s7+$0x40];
	v40 =	vadd.f32 v5, v3  }
0x15a: {  	v2 =	vadd.f32 v53, v2;
	v53 =	vld [tilespmem:s7+$0x130];
	v35 =	vbroadcast v1, $0xE;
	v34 =	vbroadcast v1, $0xF  }
0x15b: {  	v6 =	vld [tilespmem:s7+$0x3B0];
	[tilespmem:$0x1FE90] =	vst v40;
	v37 =	vbroadcast v1, $0xC;
	v36 =	vbroadcast v1, $0xD  }
0x15c: {  	v10 =	vld [tilespmem:s7+$0x3C0];
	v0 =	vadd.f32 v9, v0;
	[tilespmem:$0x1FEA0] =	vst v41;
	v41 =	vbroadcast v1, $0xA;
	v40 =	vbroadcast v1, $0xB  }
0x15d: {  	v7 =	vld [tilespmem:s7+$0x300];
	v45 =	vbroadcast v1, $0x8;
	v44 =	vbroadcast v1, $0x9  }
0x15e: {  	[tilespmem:$0x1FE10] =	vst v2;
	v2 =	vld [tilespmem:s7+$0x80];
	v0 =	vadd.f32 v46, v0;
	v49 =	vbroadcast v1, $0x6;
	v48 =	vbroadcast v1, $0x7  }
0x15f: {  	v11 =	vld [tilespmem:s7+$0x90];
	v54 =	vbroadcast v1, $0x4;
	v52 =	vbroadcast v1, $0x5  }
0x160: {  	v9 =	vld [tilespmem:s7+$0x3A0];
	v0 =	vadd.f32 v63, v0;
	v58 =	vbroadcast v1, $0x2;
	v56 =	vbroadcast v1, $0x3  }
0x161: {  	v63 =	vld [tilespmem:s7+$0x140];
	v62 =	vbroadcast v1, $0x0;
	v59 =	vbroadcast v1, $0x1  }
0x162: {  	v3 =	vld [tilespmem:s7+$0xFFFFFD80];
	[tilespmem:$0x1FE80] =	vst v0;
	v0 =	vmul.f32 v13, v34;
	v13 =	vmul.f32 v7, v35  }
0x163: {  	v46 =	vld [tilespmem:s7+$0x100];
	v5 =	vmul.f32 v10, v34;
	v1 =	vmul.f32 v14, v35  }
0x164: {  	v10 =	vld [tilespmem:s7+$0xFFFFFE80];
	v14 =	vmul.f32 v22, v36;
	v4 =	vmul.f32 v28, v36  }
0x165: {  	v22 =	vmul.f32 v33, v37;
	v7 =	vmul.f32 v42, v37;
	v33 =	vld [tilespmem:s7+$0xFFFFFC20]  }
0x166: {  	v28 =	vmul.f32 v60, v40;
	v42 =	vld [tilespmem:s7+$0xFFFFFC90];
	v60 =	vmul.f32 v63, v41;
	[tilespmem:$0x1FE20] =	vst v0  }
0x167: {  	v63 =	vld [tilespmem:s7+$0xFFFFFD90];
	v0 =	vmul.f32 v8, v34;
	[tilespmem:$0x1FE50] =	vst v1;
	v1 =	vmul.f32 v15, v35  }
0x168: {  	v8 =	vld [tilespmem:s7+$0xFFFFFF80];
	v15 =	vmul.f32 v27, v36;
	[tilespmem:$0x1FD00] =	vst v4;
	v27 =	vmul.f32 v57, v40  }
0x169: {  	v4 =	vld [tilespmem:s7+$0xFFFFFD00];
	v57 =	vmul.f32 v43, v40;
	[tilespmem:$0x1FD10] =	vst v1;
	v1 =	vmul.f32 v18, v35  }
0x16a: {  	[tilespmem:$0x1FE30] =	vst v0;
	v0 =	vmul.f32 v9, v34;
	v18 =	vmul.f32 v31, v37;
	v31 =	vld [tilespmem:s7+$0xFFFFFC00]  }
0x16b: {  	v43 =	vld [tilespmem:s7+$0xFFFFFCA0];
	[tilespmem:$0x1FD20] =	vst v1;
	v1 =	vmul.f32 v20, v35;
	v20 =	vmul.f32 v30, v36  }
0x16c: {  	[tilespmem:$0x1FE40] =	vst v0;
	v30 =	vld [tilespmem:s7+$0xFFFFFC80]  }
0x16d: {  	v0 =	vmul.f32 v6, v34;
	[tilespmem:$0x1FE60] =	vst v20;
	v20 =	vmul.f32 v32, v37;
	v32 =	vld [tilespmem:s7+$0xFFFFFC10]  }
0x16e: {  	v9 =	vld [tilespmem:s7+$0xFFFFFF00];
	v6 =	vmul.f32 v26, v36;
	v26 =	vmul.f32 v51, v37  }
0x16f: {  	v33 =	vmul.f32 v33, v62;
	v51 =	vld [tilespmem:s7+$0xFFFFFD10];
	[tilespmem:$0x1FCF0] =	vst v1;
	v31 =	vmul.f32 v31, v62  }
0x170: {  	v1 =	vld [tilespmem:s7+$0xFFFFFE00];
	[tilespmem:$0x1FD30] =	vst v26;
	v26 =	vmul.f32 v55, v40;
	v55 =	vmul.f32 v61, v40  }
0x171: {  	v61 =	vmul.f32 v53, v41;
	v53 =	vld [tilespmem:s7+$0xFFFFFD20];
	v29 =	vadd.f32 v31, v29;
	v30 =	vmul.f32 v30, v59  }
0x172: {  	v33 =	vadd.f32 v33, v39;
	v39 =	vld [tilespmem:s7+$0xFFFFFE10];
	v32 =	vmul.f32 v32, v62  }
0x173: {  	v4 =	vmul.f32 v4, v58;
	v31 =	vmul.f32 v42, v59;
	v42 =	vld [tilespmem:s7+$0xFFFFFDA0];
	v29 =	vadd.f32 v30, v29  }
0x174: {  	v30 =	vmul.f32 v51, v58;
	v51 =	vld [tilespmem:s7+$0xFFFFFEA0];
	v32 =	vadd.f32 v32, v38;
	v38 =	vmul.f32 v43, v59  }
0x175: {  	v3 =	vmul.f32 v3, v56;
	v1 =	vmul.f32 v1, v54;
	v43 =	vld [tilespmem:s7+$0xFFFFFE20];
	v4 =	vadd.f32 v4, v29  }
0x176: {  	v31 =	vadd.f32 v31, v32;
	v32 =	vadd.f32 v38, v33;
	v33 =	vmul.f32 v53, v58;
	v38 =	vld [tilespmem:s7+$0xFFFFFE90]  }
0x177: {  	v29 =	vmul.f32 v63, v56;
	v3 =	vadd.f32 v3, v4;
	v4 =	vmul.f32 v39, v54;
	v39 =	vld [tilespmem:s7+$0xFFFFFF20]  }
0x178: {  	v42 =	vmul.f32 v42, v56;
	v30 =	vadd.f32 v30, v31;
	v31 =	vadd.f32 v33, v32;
	v33 =	vld [tilespmem:s7+$0xFFFFFF10]  }
0x179: {  	v32 =	vld [tilespmem:s7+$0xFFFFFF90];
	v1 =	vadd.f32 v1, v3;
	v3 =	vmul.f32 v10, v52  }
0x17a: {  	v29 =	vadd.f32 v29, v30;
	v30 =	vadd.f32 v42, v31;
	v42 =	vld [tilespmem:s7+$0xFFFFFFB0]  }
0x17b: {  	v31 =	vmul.f32 v43, v54;
	v1 =	vadd.f32 v3, v1;
	v3 =	vmul.f32 v9, v49;
	v43 =	vld [tilespmem:s7+$0xFFFFFEB0]  }
0x17c: {  	v10 =	vmul.f32 v38, v52;
	v38 =	vld [tilespmem:s7+$0xFFFFFFA0]  }
0x17d: {  	v46 =	vmul.f32 v46, v41;
	v1 =	vadd.f32 v3, v1;
	v3 =	vld [tilespmem:s7+$0xFFFFFF40]  }
0x17e: {  	v4 =	vadd.f32 v4, v29;
	v29 =	vadd.f32 v31, v30;
	v30 =	vmul.f32 v51, v52;
	v51 =	vld [tilespmem:s7+$0xFFFFFEC0]  }
0x17f: {  	v8 =	vmul.f32 v8, v48;
	v9 =	vmul.f32 v33, v49;
	v33 =	vld [tilespmem:s7+$0xFFFFFFC0]  }
0x180: {  	v4 =	vadd.f32 v10, v4;
	v10 =	vadd.f32 v30, v29;
	v29 =	vmul.f32 v39, v49;
	v39 =	vld [tilespmem:s7+$0xFFFFFF30]  }
0x181: {  	v23 =	vmul.f32 v23, v45;
	v30 =	vmul.f32 v32, v48;
	v1 =	vadd.f32 v8, v1;
	v8 =	vld [tilespmem:s7+$0xFFFFFE40]  }
0x182: {  	v32 =	vld [tilespmem:s7+$0xFFFFFCB0];
	v4 =	vadd.f32 v9, v4;
	v9 =	vadd.f32 v29, v10;
	v29 =	vmul.f32 v38, v48  }
0x183: {  	v2 =	vmul.f32 v2, v44;
	v25 =	vmul.f32 v25, v45;
	v10 =	vld [tilespmem:s7+$0xFFFFFE30]  }
0x184: {  	v24 =	vmul.f32 v24, v45;
	v1 =	vadd.f32 v23, v1;
	v29 =	vadd.f32 v29, v9;
	v9 =	vld [tilespmem:s7+$0xFFFFFDB0]  }
0x185: {  	v31 =	vmul.f32 v12, v44;
	v12 =	vmul.f32 v17, v44;
	v4 =	vadd.f32 v30, v4;
	v30 =	vld [tilespmem:s7+$0xFFFFFD30]  }
0x186: {  	v17 =	vmul.f32 v19, v45;
	v1 =	vadd.f32 v2, v1;
	v19 =	vmul.f32 v33, v48;
	v33 =	vld [tilespmem:s7+$0xFFFFFCC0]  }
0x187: {  	v24 =	vadd.f32 v24, v29;
	v29 =	vld [tilespmem:s7+$0xFFFFFDC0]  }
0x188: {  	v23 =	vmul.f32 v11, v44;
	v4 =	vadd.f32 v25, v4;
	v1 =	vadd.f32 v46, v1;
	v46 =	vld [tilespmem:$0x1FCF0]  }
0x189: {  	p0 =	sne.s32 s9, $0x300;
	v50 =	vmul.f32 v50, v41;
	v25 =	vmul.f32 v43, v52;
	v43 =	vld [tilespmem:$0x1FD20]  }
.Ltmp0:
0x18a: {  	v47 =	vmul.f32 v47, v41;
	v38 =	vadd.f32 v23, v4;
	v4 =	vadd.f32 v31, v24;
	v31 =	vld [tilespmem:s7+$0xFFFFFD40];
	(pc) =	sbr.rel @p0 .LBB2_3-.Ltmp0, $4  }
0x18b: {  	v23 =	vmul.f32 v39, v49;
	v39 =	vadd.f32 v26, v1;
	v26 =	vmul.f32 v51, v52;
	v51 =	vld [tilespmem:$0x1FD30]  }
0x18c: {  	v11 =	vmul.f32 v16, v44;
	v2 =	vadd.f32 v47, v38;
	v47 =	vld [tilespmem:$0x1FD00];
	v4 =	vadd.f32 v50, v4  }
0x18d: {  	v63 =	vmovc v5;
	v5 =	vmovc v13;
	v16 =	vmul.f32 v21, v45;
	v21 =	vmul.f32 v42, v48;
	v50 =	vmov v7;
	v7 =	vld [tilespmem:$0x1FD10]  }
0x18e: {  	s9 =	sadd.s32 $0x40, s9;
	v53 =	vmovc v0;
	v24 =	vmul.f32 v3, v49;
	v38 =	vld [tilespmem:s7+$0xFFFFFC30];
	v27 =	vadd.f32 v27, v2;
	v28 =	vadd.f32 v28, v4  }
0x18f: {  	v1 =	vadd.f32 v18, v39;
	v2 =	vld [tilespmem:s7+$0xFFFFFC40]  }
0x190: {  	v18 =	vld [tilespmem:s7+$0xFFFFFC50]  }
0x191: {  	v1 =	vadd.f32 v14, v1;
	v14 =	vld [tilespmem:s7+$0xFFFFFC54]  }
0x192: {  	v3 =	vadd.f32 v20, v27  }
0x193: {  	v13 =	vld [tilespmem:s7+$0xFFFFFCD0];
	v4 =	vadd.f32 v22, v28  }
0x194: {  	v0 =	vld [tilespmem:$0x1FE50];
	v3 =	vadd.f32 v6, v3  }
0x195: {  	v42 =	vld [tilespmem:$0x1FE20];
	v4 =	vadd.f32 v15, v4;
	v6 =	vmul.f32 v38, v62;
	v15 =	vmul.f32 v2, v62  }
0x196: {  	v18 =	vmul.f32 v18, v62;
	v14 =	vmul.f32 v14, v62;
	v62 =	vld [tilespmem:$0x1FE30]  }
0x197: {  	v20 =	vld [tilespmem:$0x1FE90]  }
0x198: {  	v1 =	vadd.f32 v5, v1;
	v38 =	vld [tilespmem:$0x1FE40]  }
0x199: {  	v3 =	vadd.f32 v0, v3;
	v4 =	vadd.f32 v7, v4;
	v7 =	vld [tilespmem:s7+$0xFFFFFCD4]  }
0x19a: {  	v1 =	vadd.f32 v42, v1;
	v42 =	vld [tilespmem:$0x1FE10]  }
0x19b: {  	v5 =	vadd.f32 v62, v3;
	v62 =	vld [tilespmem:$0x1FE80]  }
0x19c: {  	v18 =	vadd.f32 v18, v20;
	v20 =	vld [tilespmem:$0x1FEA0]  }
0x19d: {  	v3 =	vld [tilespmem:s7+$0xFFFFFD50];
	_ =	sdelay $0x1  }
0x19e: {  	v39 =	vadd.f32 v38, v4  }
0x19f: {  	v13 =	vmul.f32 v13, v59;
	v4 =	vadd.f32 v6, v42;
	v0 =	vadd.f32 v15, v62;
	v15 =	vld [tilespmem:s7+$0xFFFFFD54]  }
0x1a0: {  	v6 =	vmul.f32 v32, v59;
	v14 =	vadd.f32 v14, v20;
	v20 =	vmul.f32 v33, v59  }
0x1a1: {  	v22 =	vld [tilespmem:s7+$0xFFFFFDD0];
	v13 =	vadd.f32 v13, v18;
	v7 =	vmul.f32 v7, v59;
	v3 =	vmul.f32 v3, v58  }
0x1a2: {  	v27 =	vmul.f32 v31, v58;
	v4 =	vadd.f32 v6, v4;
	v6 =	vld [tilespmem:s7+$0xFFFFFDD4];
	v0 =	vadd.f32 v20, v0  }
0x1a3: {  	v7 =	vadd.f32 v7, v14;
	v14 =	vld [tilespmem:s7+$0xFFFFFE50];
	v20 =	vmul.f32 v30, v58;
	v3 =	vadd.f32 v3, v13  }
0x1a4: {  	v18 =	vld [tilespmem:s7+$0xFFFFFE54];
	v13 =	vmul.f32 v29, v56;
	v0 =	vadd.f32 v27, v0;
	v15 =	vmul.f32 v15, v58  }
0x1a5: {  	v9 =	vmul.f32 v9, v56;
	v8 =	vmul.f32 v8, v54;
	v4 =	vadd.f32 v20, v4;
	v20 =	vld [tilespmem:s7+$0xFFFFFED0]  }
0x1a6: {  	v0 =	vadd.f32 v13, v0;
	v7 =	vadd.f32 v15, v7;
	v15 =	vmul.f32 v22, v56;
	v22 =	vld [tilespmem:s7+$0xFFFFFED4]  }
0x1a7: {  	v6 =	vmul.f32 v6, v56;
	v4 =	vadd.f32 v9, v4;
	v9 =	vld [tilespmem:s7+$0xFFFFFF50]  }
0x1a8: {  	v10 =	vmul.f32 v10, v54;
	v13 =	vmul.f32 v14, v54;
	v14 =	vld [tilespmem:s7+$0xFFFFFF54];
	v0 =	vadd.f32 v8, v0  }
0x1a9: {  	v3 =	vadd.f32 v15, v3;
	v6 =	vadd.f32 v6, v7;
	v7 =	vmul.f32 v18, v54;
	v15 =	vld [tilespmem:s7+$0xFFFFFFD0]  }
0x1aa: {  	v4 =	vadd.f32 v10, v4;
	v10 =	vld [tilespmem:s7+$0xFFFFFFD4];
	v8 =	vmul.f32 v20, v52;
	v0 =	vadd.f32 v26, v0  }
0x1ab: {  	v3 =	vadd.f32 v13, v3;
	v6 =	vadd.f32 v7, v6;
	v13 =	vld [tilespmem:s7+$0x50];
	v7 =	vmul.f32 v22, v52  }
0x1ac: {  	v18 =	vld [tilespmem:s7+$0x54];
	v9 =	vmul.f32 v9, v49;
	v0 =	vadd.f32 v24, v0  }
0x1ad: {  	v3 =	vadd.f32 v8, v3;
	v8 =	vld [tilespmem:s7+$0xD0];
	v6 =	vadd.f32 v7, v6;
	v7 =	vmul.f32 v14, v49  }
0x1ae: {  	v14 =	vmul.f32 v15, v48;
	v15 =	vld [tilespmem:s7+$0xD4];
	v0 =	vadd.f32 v19, v0  }
0x1af: {  	v3 =	vadd.f32 v9, v3;
	v6 =	vadd.f32 v7, v6;
	v7 =	vmul.f32 v10, v48  }
0x1b0: {  	v4 =	vadd.f32 v25, v4;
	v10 =	vmul.f32 v13, v45;
	v13 =	vld [tilespmem:s7+$0x154];
	v0 =	vadd.f32 v17, v0  }
0x1b1: {  	v3 =	vadd.f32 v14, v3;
	v6 =	vadd.f32 v7, v6;
	v7 =	vmul.f32 v18, v45  }
0x1b2: {  	v4 =	vadd.f32 v23, v4;
	v8 =	vmul.f32 v8, v44;
	v0 =	vadd.f32 v12, v0  }
0x1b3: {  	v12 =	vld [tilespmem:$0x1FD40];
	v3 =	vadd.f32 v10, v3;
	v6 =	vadd.f32 v7, v6;
	v7 =	vmul.f32 v15, v44  }
0x1b4: {  	v4 =	vadd.f32 v21, v4;
	v9 =	vld [tilespmem:s7+$0x150]  }
0x1b5: {  	v3 =	vadd.f32 v8, v3;
	v8 =	vmul.f32 v13, v41;
	v13 =	vld [tilespmem:$0x1FD50];
	v6 =	vadd.f32 v7, v6  }
0x1b6: {  	v4 =	vadd.f32 v16, v4;
	v10 =	vld [tilespmem:s7+$0x1D0]  }
0x1b7: {  	v6 =	vadd.f32 v8, v6;
	v8 =	vld [tilespmem:$0x1FD60]  }
0x1b8: {  	v4 =	vadd.f32 v11, v4;
	v11 =	vld [tilespmem:s7+$0x1D4];
	v12 =	vadd.f32 $0.0e+00, v12  }
0x1b9: {  	v9 =	vmul.f32 v9, v41  }
0x1ba: {  	v7 =	vld [tilespmem:s7+$0x254];
	v12 =	vadd.f32 v12, v13  }
0x1bb: {  	v3 =	vadd.f32 v9, v3;
	v10 =	vmul.f32 v10, v40  }
0x1bc: {  	v8 =	vadd.f32 v12, v8;
	v12 =	vld [tilespmem:s7+$0x2D4]  }
0x1bd: {  	v11 =	vmul.f32 v11, v40;
	v3 =	vadd.f32 v10, v3;
	v10 =	vld [tilespmem:$0x1FD70]  }
0x1be: {  	v14 =	vld [tilespmem:s7+$0x250]  }
0x1bf: {  	v6 =	vadd.f32 v11, v6;
	v11 =	vld [tilespmem:$0x1FD80];
	v7 =	vmul.f32 v7, v37;
	_ =	sdelay $0x1  }
0x1c0: {  	v6 =	vadd.f32 v7, v6;
	v7 =	vmul.f32 v12, v36;
	v12 =	vld [tilespmem:$0x1FD90]  }
0x1c1: {  	v4 =	vadd.f32 v61, v4;
	v9 =	vld [tilespmem:s7+$0x2D0];
	v8 =	vadd.f32 v8, v10  }
0x1c2: {  	v13 =	vmul.f32 v14, v37;
	v6 =	vadd.f32 v7, v6;
	v7 =	vld [tilespmem:$0x1FDA0]  }
0x1c3: {  	v4 =	vadd.f32 v55, v4;
	v10 =	vld [tilespmem:s7+$0x350];
	v8 =	vadd.f32 v8, v11  }
0x1c4: {  	v0 =	vadd.f32 v60, v0;
	v3 =	vadd.f32 v13, v3;
	v13 =	vld [tilespmem:$0x1FE60]  }
0x1c5: {  	v4 =	vadd.f32 v50, v4;
	v11 =	vld [tilespmem:s7+$0x354];
	v8 =	vadd.f32 v8, v12  }
0x1c6: {  	v0 =	vadd.f32 v57, v0;
	v9 =	vmul.f32 v9, v36  }
0x1c7: {  	v4 =	vadd.f32 v47, v4;
	v7 =	vadd.f32 v8, v7;
	v8 =	vld [tilespmem:s7+$0x3D4]  }
0x1c8: {  	v0 =	vadd.f32 v51, v0;
	v14 =	vld [tilespmem:$0x1FDB0];
	v3 =	vadd.f32 v9, v3;
	v9 =	vmul.f32 v10, v35  }
0x1c9: {  	v4 =	vadd.f32 v43, v4;
	v12 =	vld [tilespmem:s7+$0x3D0]  }
0x1ca: {  	v0 =	vadd.f32 v13, v0;
	v11 =	vmul.f32 v11, v35;
	v3 =	vadd.f32 v9, v3;
	v9 =	vld [tilespmem:$0x1FDC0]  }
0x1cb: {  	v4 =	vadd.f32 v53, v4;
	v13 =	vmul.f32 v5, v5;
	v10 =	vmul.f32 v1, v1  }
0x1cc: {  	v0 =	vadd.f32 v46, v0;
	v6 =	vadd.f32 v11, v6;
	v11 =	vld [tilespmem:$0x1FDD0];
	v8 =	vmul.f32 v8, v34  }
0x1cd: {  	v10 =	vadd.f32 v13, v10;
	v13 =	vmul.f32 v39, v39;
	v7 =	vadd.f32 v7, v14  }
0x1ce: {  	v0 =	vadd.f32 v63, v0;
	v12 =	vmul.f32 v12, v34;
	v6 =	vadd.f32 v8, v6;
	v8 =	vld [tilespmem:$0x1FDE0]  }
0x1cf: {  	v7 =	vadd.f32 v7, v9;
	v9 =	vadd.f32 v13, v10;
	v10 =	vmul.f32 v4, v4  }
0x1d0: {  	v3 =	vadd.f32 v12, v3  }
0x1d1: {  	v7 =	vadd.f32 v7, v11;
	v9 =	vadd.f32 v10, v9;
	v10 =	vmul.f32 v0, v0;
	_ =	sdelay $0x1  }
0x1d2: {  	v7 =	vadd.f32 v7, v8;
	v8 =	vadd.f32 v10, v9;
	v9 =	vmul.f32 v3, v3;
	v10 =	vld [tilespmem:$0x1FDF0];
	_ =	sdelay $0x1  }
0x1d3: {  	v8 =	vadd.f32 v9, v8;
	v9 =	vld [tilespmem:$0x1FE00];
	_ =	sdelay $0x2  }
0x1d4: {  	v7 =	vadd.f32 v7, v10;
	v10 =	vmul.f32 v6, v6;
	_ =	sdelay $0x1  }
0x1d5: {  	v7 =	vadd.f32 v7, v9;
	v9 =	vsel vm1, $0x0, v10  }
0x1d6: {  	v8 =	vadd.f32 v9, v8  }
0x1d7: {  	(xrf2) =	vadd.scan.msk.f32 $0xffff, v7  }
0x1d8: {  	(xrf2) =	vadd.scan.msk.f32 $0xffff, v8;
	_ =	sdelay $0x8  }
0x1d9: {  	v7, _, _ =	vpop (xrf2)  }
0x1da: {  	(v2sf) =	vpush v7, $0xF;
	v7, _, _ =	vpop (xrf2)  }
0x1db: {  	(v2sf) =	vpush v7, $0xF;
	_ =	sdelay $0xd  }
0x1dc: {  	s6 =	spop (v2sf)  }
0x1dd: {  	s9 =	spop (v2sf)  }
0x1de: {  	s7 =	smax.f32 s9, $1.000000000e-30  }
0x1df: {  	s9 =	sshra.s32 s7, $0x1;
	s10 =	smul.f32 $5.000000000e-01, s7  }
0x1e0: {  	s9 =	ssub.s32 $0x5F3759DF, s9  }
0x1e1: {  	s11 =	smul.f32 s9, s10;
	_ =	sdelay $0x1  }
0x1e2: {  	s11 =	smul.f32 s9, s11;
	_ =	sdelay $0x1  }
0x1e3: {  	s11 =	ssub.f32 $1.500000000e+00, s11;
	_ =	sdelay $0x1  }
0x1e4: {  	s9 =	smul.f32 s9, s11;
	_ =	sdelay $0x1  }
0x1e5: {  	s11 =	smul.f32 s9, s10;
	_ =	sdelay $0x1  }
0x1e6: {  	s11 =	smul.f32 s11, s9;
	_ =	sdelay $0x1  }
0x1e7: {  	s11 =	ssub.f32 $1.500000000e+00, s11;
	_ =	sdelay $0x1  }
0x1e8: {  	s9 =	smul.f32 s11, s9;
	_ =	sdelay $0x1  }
0x1e9: {  	s11 =	smul.f32 s9, s10;
	_ =	sdelay $0x1  }
0x1ea: {  	s11 =	smul.f32 s11, s9;
	_ =	sdelay $0x1  }
0x1eb: {  	s11 =	ssub.f32 $1.500000000e+00, s11;
	_ =	sdelay $0x1  }
0x1ec: {  	s9 =	smul.f32 s11, s9;
	_ =	sdelay $0x1  }
0x1ed: {  	s10 =	smul.f32 s9, s10;
	_ =	sdelay $0x1  }
0x1ee: {  	s10 =	smul.f32 s10, s9;
	_ =	sdelay $0x1  }
0x1ef: {  	s10 =	ssub.f32 $1.500000000e+00, s10;
	_ =	sdelay $0x1  }
0x1f0: {  	s9 =	smul.f32 s10, s9  }
0x1f1: {  	s6 =	smul.f32 $9.999999740e-05, s6  }
0x1f2: {  	s7 =	smul.f32 s9, s7;
	_ =	sdelay $0x1  }
0x1f3: {  	s6 =	sadd.f32 s7, s6;
	_ =	sdelay $0x1  }
0x1f4: {  	v7 =	vmov s6  }
0x1f5: {  	(erf) = vrcp.f32 v7;
	_ =	sdelay $0x5  }
0x1f6: {  	v32 =	vld [tilespmem:$0x1FED0]  }
0x1f7: {  	v8 =	vld [tilespmem:$0x1FEB0]  }
0x1f8: {  	v34 =	vld [tilespmem:$0x1FEF0]  }
0x1f9: {  	v33 =	vld [tilespmem:$0x1FEE0];
	v7 =	vpop (erf)  }
0x1fa: {  	v1 =	vmul.f32 v7, v1  }
0x1fb: {  	v36 =	vld [tilespmem:$0x1FF00];
	v0 =	vmul.f32 v7, v0  }
0x1fc: {  	s10 =	sshll.u32 s4, $0x8;
	v2 =	vmul.f32 v7, v39;
	v4 =	vmul.f32 v7, v4;
	v1 =	vadd.f32 v1, v8;
	v8 =	vld [tilespmem:$0x1FEC0]  }
0x1fd: {  	v37 =	vld [tilespmem:$0x1FF10];
	s7 =	sand.u32 $0x3FFFFF00, s10;
	v0 =	vadd.f32 v0, v34  }
0x1fe: {  	v3 =	vmul.f32 v7, v3;
	[tilespmem:s7+$0xD648] =	vst v1;
	v1 =	vadd.f32 v2, v32;
	v2 =	vadd.f32 v4, v33  }
0x1ff: {  	v5 =	vmul.f32 v7, v5;
	[tilespmem:s7+$0xD688] =	vst v0  }
0x200: {  	v35 =	vmul.f32 v7, v6;
	[tilespmem:s7+$0xD678] =	vst v2;
	v2 =	vadd.f32 v3, v36  }
0x201: {  	[tilespmem:s7+$0xD668] =	vst v1;
	v5 =	vadd.f32 v5, v8  }
0x202: {  	v0 =	vadd.f32 v35, v37;
	[tilespmem:s7+$0xD698] =	vst v2  }
0x203: {  	[tilespmem:s7+$0xD658] =	vst v5  }
0x204: {  	[tilespmem:s7+$0xD69C] =	vst v0  }
0x205: {  	_ =	swait.ge [sflag:s17], $0x68  }
0x206: {  	[sflag:s17] =	ssyncset.done $0x0  }
0x207: {  	[sflag:s17] =	ssyncadd.s32 $0xFFFFFF98  }
0x208: {  	_ =	swait.ge [sflag:s17], $0x68  }
0x209: {  	[sflag:s17] =	ssyncset.done $0x0  }
0x20a: {  	[sflag:s17] =	ssyncadd.s32 $0xFFFFFF98  }
0x20b: {  	[tilespmem:s18], [sflag:$0x3] =	stream.indirect.gather [hbm4b:s3+s12], $0x1, s14, s12, $0xb8;
	[tilespmem:$0xE648] =	vst v63  }
0x20c: {  	_ = 	snop  }
0x20d: {  	[tilespmem:s19], [sflag:$0x3] =	stream.indirect.gather [hbm4b:s3+s12], $0x1, s16, s12, $0xb8;
	[tilespmem:$0xE648] =	vst v63  }
0x20e: {  	_ = 	snop  }
0x20f: {  	[tilespmem:s20], [sflag:$0x3] =	stream.indirect.gather [hbm4b:s2+s12], $0x80, s14, s12, $0xb8;
	[tilespmem:$0xE648] =	vst v63  }
0x210: {  	_ = 	snop  }
0x211: {  	[tilespmem:s21], [sflag:$0x3] =	stream.indirect.gather [hbm4b:s2+s12], $0x80, s16, s12, $0xb8;
	[tilespmem:$0xE648] =	vst v63  }
0x212: {  	_ =	swait.ge [sflag:s5], $0x68  }
0x213: {  	[sflag:s5] =	ssyncset.done $0x0  }
0x214: {  	[sflag:s5] =	ssyncadd.s32 $0xFFFFFF98  }
0x215: {  	_ =	swait.ge [sflag:s5], $0x68  }
0x216: {  	[sflag:s5] =	ssyncset.done $0x0  }
0x217: {  	[sflag:s5] =	ssyncadd.s32 $0xFFFFFF98  }
0x218: {  	_ =	swait.ge [sflag:s5], $0x3400  }
0x219: {  	[sflag:s5] =	ssyncset.done $0x0  }
0x21a: {  	[sflag:s5] =	ssyncadd.s32 $0xFFFFCC00  }
0x21b: {  	_ =	swait.ge [sflag:s5], $0x3400  }
0x21c: {  	[sflag:s5] =	ssyncset.done $0x0  }
0x21d: {  	s11 =	smin.u32 s8, $0x1C;
	v39 =	vld [tilespmem:$0x1FFD0];
	[sflag:s5] =	ssyncadd.s32 $0xFFFFCC00  }
0x21e: {  	v38 =	vld.msk [tilespmem:s11+$0x3 ss:$0x0], $0xffff  }
0x21f: {  	v40 =	vld [tilespmem:$0x1FF20]  }
0x220: {  	v41 =	vld [tilespmem:$0x1FF30]  }
0x221: {  	v42 =	vld [tilespmem:$0x1FF40]  }
0x222: {  	v43 =	vld [tilespmem:$0x1FF50]  }
0x223: {  	v44 =	vld [tilespmem:$0x1FF60];
	v1 =	vadd.s32 v39, v38  }
0x224: {  	v45 =	vld [tilespmem:$0x1FF70];
	[tilespmem:$0x100] =	vst v1;
	v1 =	vadd.s32 v40, v38  }
0x225: {  	v46 =	vld [tilespmem:$0x1FF80];
	[tilespmem:$0x168] =	vst v1;
	v1 =	vadd.s32 v41, v38  }
0x226: {  	v47 =	vld [tilespmem:$0x1FF90];
	[tilespmem:$0x110] =	vst v1;
	v1 =	vadd.s32 v42, v38  }
0x227: {  	v48 =	vld [tilespmem:$0x1FFA0];
	[tilespmem:$0x178] =	vst v1;
	v1 =	vadd.s32 v43, v38  }
0x228: {  	v49 =	vld [tilespmem:$0x1FFB0];
	[tilespmem:$0x120] =	vst v1;
	v1 =	vadd.s32 v44, v38  }
0x229: {  	v50 =	vld [tilespmem:$0x1FFC0];
	[tilespmem:$0x188] =	vst v1;
	v1 =	vadd.s32 v45, v38  }
0x22a: {  	v51 =	vld [tilespmem:$0x1FFE0];
	[tilespmem:$0x130] =	vst v1;
	v1 =	vadd.s32 v46, v38  }
0x22b: {  	v52 =	vld [tilespmem:$0x1FFF0];
	[tilespmem:$0x198] =	vst v1;
	v1 =	vadd.s32 v47, v38  }
0x22c: {  	[tilespmem:$0x140] =	vst v1;
	v1 =	vadd.s32 v48, v38  }
0x22d: {  	[tilespmem:$0x1A8] =	vst v1;
	v1 =	vadd.s32 v49, v38  }
0x22e: {  	[tilespmem:$0x150] =	vst v1;
	v1 =	vadd.s32 v50, v38  }
0x22f: {  	[tilespmem:$0x1B8] =	vst v1;
	v1 =	vadd.s32 v51, v38  }
0x230: {  	v0 =	vadd.s32 v52, v38;
	[tilespmem:$0x158] =	vst v1  }
0x231: {  	[tilespmem:$0x1C0] =	vst v0  }
0x232: {  	[tilespmem:s23], [sflag:$0x2] =	stream.indirect.gather [hbm4b:s1+s12], $0x1, s22, s12, $0xb8;
	[tilespmem:$0xE648] =	vst v63  }
0x233: {  	_ = 	snop  }
0x234: {  	[tilespmem:s25], [sflag:$0x2] =	stream.indirect.gather [hbm4b:s1+s12], $0x1, s24, s12, $0xb8;
	[tilespmem:$0xE648] =	vst v63  }
0x235: {  	v53 =	vld [tilespmem:$0xD440]  }
0x236: {  	v54 =	vld [tilespmem:$0xD450]  }
0x237: {  	v55 =	vld [tilespmem:$0xD460]  }
0x238: {  	v3 =	vld [tilespmem:$0xD470]  }
0x239: {  	v4 =	vld [tilespmem:$0xD480]  }
0x23a: {  	v5 =	vld [tilespmem:$0xD490]  }
0x23b: {  	v6 =	vld [tilespmem:$0xD4A0]  }
0x23c: {  	v7 =	vld [tilespmem:$0xD4B0];
	v8 =	vmax.f32 v53, v54  }
0x23d: {  	v9 =	vld [tilespmem:$0xD4C0];
	v8 =	vmax.f32 v8, v55  }
0x23e: {  	v10 =	vld [tilespmem:$0xD4D0];
	v8 =	vmax.f32 v8, v3  }
0x23f: {  	v11 =	vld [tilespmem:$0xD4E0];
	v8 =	vmax.f32 v8, v4  }
0x240: {  	v12 =	vld [tilespmem:$0xD4F0];
	v8 =	vmax.f32 v8, v5  }
0x241: {  	v13 =	vld [tilespmem:$0xD500];
	v8 =	vmax.f32 v8, v6  }
0x242: {  	v8 =	vmax.f32 v8, v7  }
0x243: {  	v8 =	vmax.f32 v8, v9  }
0x244: {  	v8 =	vmax.f32 v8, v10  }
0x245: {  	v8 =	vmax.f32 v8, v11  }
0x246: {  	v13 =	vnsel vm0, $0xF149F2CA, v13;
	v8 =	vmax.f32 v8, v12  }
0x247: {  	v8 =	vmax.f32 v8, v13  }
0x248: {  	(xrf0) =	vmax.scan.msk.f32 $0xffff, v8;
	_ =	sdelay $0x5  }
0x249: {  	v8, _, _ =	vpop (xrf0)  }
0x24a: {  	v8 =	vbroadcast v8, $0xF;
	_ =	sdelay $0x1  }
0x24b: {  	v0 =	vsub.f32 v53, v8  }
0x24c: {  	v1 =	vsub.f32 v54, v8;
	v2 =	vsub.f32 v55, v8  }
0x24d: {  	v3 =	vsub.f32 v3, v8;
	v0 =	vmul.f32 $1.442695020e+00, v0  }
0x24e: {  	v57 =	vsub.f32 v4, v8;
	v1 =	vmul.f32 $1.442695020e+00, v1;
	v56 =	vmul.f32 $1.442695020e+00, v2  }
0x24f: {  	v58 =	vmul.f32 $1.442695020e+00, v3;
	v3 =	vsub.f32 v5, v8;
	(erf) = vpow2.f32 v0  }
0x250: {  	v60 =	vsub.f32 v6, v8;
	v59 =	vmul.f32 $1.442695020e+00, v57;
	(erf) = vpow2.f32 v1  }
0x251: {  	v61 =	vmul.f32 $1.442695020e+00, v3;
	v3 =	vsub.f32 v7, v8;
	(erf) = vpow2.f32 v56  }
0x252: {  	v63 =	vsub.f32 v9, v8;
	v62 =	vmul.f32 $1.442695020e+00, v60;
	(erf) = vpow2.f32 v58  }
0x253: {  	v32 =	vmul.f32 $1.442695020e+00, v3;
	v3 =	vsub.f32 v10, v8;
	(erf) = vpow2.f32 v59  }
0x254: {  	v34 =	vsub.f32 v11, v8;
	v33 =	vmul.f32 $1.442695020e+00, v63;
	(erf) = vpow2.f32 v61  }
0x255: {  	v35 =	vmul.f32 $1.442695020e+00, v3;
	v3 =	vsub.f32 v12, v8;
	(erf) = vpow2.f32 v62  }
0x256: {  	(erf) = vpow2.f32 v32  }
0x257: {  	v37 =	vsub.f32 v13, v8;
	v36 =	vmul.f32 $1.442695020e+00, v34;
	(erf) = vpow2.f32 v33  }
0x258: {  	v38 =	vmul.f32 $1.442695020e+00, v3;
	v4 =	vpop (erf);
	(erf) = vpow2.f32 v35  }
0x259: {  	v39 =	vmul.f32 $1.442695020e+00, v37;
	[tilespmem:$0xD510] =	vst v4;
	v3 =	vpop (erf);
	(erf) = vpow2.f32 v36  }
0x25a: {  	[tilespmem:$0xD520] =	vst v3;
	v40 =	vpop (erf);
	(erf) = vpow2.f32 v38  }
0x25b: {  	[tilespmem:$0xD530] =	vst v40;
	v41 =	vpop (erf);
	(erf) = vpow2.f32 v39  }
0x25c: {  	v42 =	vpop (erf);
	[tilespmem:$0xD540] =	vst v41  }
0x25d: {  	v43 =	vpop (erf);
	[tilespmem:$0xD550] =	vst v42  }
0x25e: {  	v44 =	vpop (erf);
	[tilespmem:$0xD560] =	vst v43  }
0x25f: {  	v45 =	vpop (erf);
	[tilespmem:$0xD570] =	vst v44  }
0x260: {  	v46 =	vpop (erf);
	[tilespmem:$0xD580] =	vst v45  }
0x261: {  	v47 =	vpop (erf);
	[tilespmem:$0xD590] =	vst v46  }
0x262: {  	v48 =	vpop (erf);
	[tilespmem:$0xD5A0] =	vst v47  }
0x263: {  	v49 =	vpop (erf);
	[tilespmem:$0xD5B0] =	vst v48  }
0x264: {  	[tilespmem:$0xD5C0] =	vst v49;
	v50 =	vpop (erf)  }
0x265: {  	s8 =	simm.s32 $0x0;
	[tilespmem:$0xD5D0] =	vst v50  }
0x266: {  	v1 =	vld [tilespmem:s8+$0x72F0]  }
0x267: {  	v5 =	vld [tilespmem:s8+$0x7300]  }
0x268: {  	v6 =	vld [tilespmem:s8+$0x7310]  }
0x269: {  	v7 =	vld [tilespmem:s8+$0x7320]  }
0x26a: {  	v13 =	vld [tilespmem:s8+$0x7330]  }
0x26b: {  	v14 =	vld [tilespmem:s8+$0x7270]  }
0x26c: {  	v15 =	vld [tilespmem:s8+$0x7280]  }
0x26d: {  	v18 =	vld [tilespmem:s8+$0x7290]  }
0x26e: {  	v21 =	vld [tilespmem:s8+$0x72A0]  }
0x26f: {  	v26 =	vld [tilespmem:s8+$0x72B0]  }
0x270: {  	v27 =	vld [tilespmem:s8+$0x71F0]  }
0x271: {  	v28 =	vld [tilespmem:s8+$0x7200]  }
0x272: {  	v29 =	vld [tilespmem:s8+$0x7210]  }
0x273: {  	v30 =	vld [tilespmem:s8+$0x7220]  }
0x274: {  	v31 =	vld [tilespmem:s8+$0x7230]  }
0x275: {  	v32 =	vld [tilespmem:s8+$0x7170]  }
0x276: {  	v33 =	vld [tilespmem:s8+$0x7180]  }
0x277: {  	v38 =	vld [tilespmem:s8+$0x7190]  }
0x278: {  	v24 =	vld [tilespmem:s8+$0x71A0]  }
0x279: {  	v22 =	vld [tilespmem:s8+$0x71B0]  }
0x27a: {  	v20 =	vld [tilespmem:s8+$0x70F0]  }
0x27b: {  	v16 =	vld [tilespmem:s8+$0x7100]  }
0x27c: {  	v12 =	vld [tilespmem:s8+$0x7110]  }
0x27d: {  	v52 =	vld [tilespmem:s8+$0x7120]  }
0x27e: {  	[tilespmem:$0x1FB60] =	vst v4;
	v4 =	vld [tilespmem:s8+$0x7130]  }
0x27f: {  	s9 =	simm.s32 $0xD510;
	v10 =	vld [tilespmem:s8+$0x7070]  }
0x280: {  	v2 =	vld [tilespmem:s9+$0x0]  }
0x281: {  	v8 =	vld [tilespmem:s8+$0x7080]  }
0x282: {  	v0 =	vld [tilespmem:s8+$0x7090]  }
0x283: {  	[tilespmem:$0x1FB70] =	vst v3;
	v3 =	vld [tilespmem:s8+$0x70A0]  }
0x284: {  	v25 =	vld [tilespmem:s8+$0x6FF0]  }
0x285: {  	v23 =	vld [tilespmem:s8+$0x7000]  }
0x286: {  	[tilespmem:$0x1FB80] =	vst v40;
	v51 =	vld [tilespmem:s8+$0x6BF0]  }
0x287: {  	[tilespmem:$0x1FBA0] =	vst v42;
	v42 =	vld [tilespmem:s8+$0x6B70]  }
0x288: {  	[tilespmem:$0x1FB90] =	vst v41;
	v53 =	vld [tilespmem:s8+$0x6B80]  }
0x289: {  	[tilespmem:$0x1FBB0] =	vst v43;
	v54 =	vld [tilespmem:s8+$0x6B90];
	v35 =	vbroadcast v2, $0xE  }
0x28a: {  	[tilespmem:$0x1FBC0] =	vst v44;
	v55 =	vld [tilespmem:s8+$0x6C00];
	v34 =	vbroadcast v2, $0xF;
	v37 =	vbroadcast v2, $0xC  }
0x28b: {  	[tilespmem:$0x1FBD0] =	vst v45;
	v57 =	vld [tilespmem:s8+$0x7010];
	v36 =	vbroadcast v2, $0xD;
	v41 =	vbroadcast v2, $0xA  }
0x28c: {  	[tilespmem:$0x1FBE0] =	vst v46;
	v19 =	vld [tilespmem:s8+$0x7020];
	v60 =	vbroadcast v2, $0x0;
	v40 =	vbroadcast v2, $0xB  }
0x28d: {  	[tilespmem:$0x1FCA0] =	vst v3;
	v3 =	vld [tilespmem:s8+$0x70B0];
	v59 =	vbroadcast v2, $0x1;
	v45 =	vbroadcast v2, $0x8  }
0x28e: {  	[tilespmem:$0x1FC10] =	vst v49;
	v17 =	vld [tilespmem:s8+$0x7030];
	v44 =	vbroadcast v2, $0x9;
	v49 =	vbroadcast v2, $0x6  }
0x28f: {  	[tilespmem:$0x1FC00] =	vst v48;
	v46 =	vld [tilespmem:s8+$0x6C10];
	v48 =	vbroadcast v2, $0x7;
	v58 =	vbroadcast v2, $0x2  }
0x290: {  	[tilespmem:$0x1FBF0] =	vst v47;
	v56 =	vld [tilespmem:s8+$0x6C80];
	v42 =	vmul.f32 v42, v60;
	v43 =	vmul.f32 v53, v60  }
0x291: {  	v62 =	vimm.f32 $0.0e+00;
	[tilespmem:$0x1FC20] =	vst v50;
	v47 =	vmul.f32 v54, v60;
	v39 =	vmul.f32 v51, v59;
	v51 =	vld [tilespmem:s8+$0x6C70]  }
0x292: {  	v61 =	vld [tilespmem:s8+$0x6CF0];
	v50 =	vmul.f32 v55, v59;
	v54 =	vbroadcast v2, $0x4;
	[tilespmem:$0x1FCB0] =	vst v3;
	v3 =	vimm.f32 $0.0e+00  }
0x293: {  	[tilespmem:$0x1FC30] =	vst v62;
	v62 =	vld [tilespmem:s8+$0x6D00];
	v53 =	vbroadcast v2, $0x5;
	v55 =	vbroadcast v2, $0x3;
	v42 =	vadd.f32 v42, v3  }
0x294: {  	v9 =	vld [tilespmem:s8+$0x6FA0];
	v46 =	vmul.f32 v46, v59;
	v1 =	vmul.f32 v1, v34;
	v43 =	vadd.f32 v43, v3  }
0x295: {  	v11 =	vmul.f32 v28, v36;
	v47 =	vadd.f32 v47, v3;
	v39 =	vadd.f32 v39, v42;
	v42 =	vld [tilespmem:s8+$0x6C90]  }
0x296: {  	v63 =	vmul.f32 v51, v58;
	v51 =	vmul.f32 v5, v34;
	v43 =	vadd.f32 v50, v43;
	v50 =	vld [tilespmem:s8+$0x6D10]  }
0x297: {  	v5 =	vmul.f32 v56, v58;
	v56 =	vmul.f32 v15, v35;
	v46 =	vadd.f32 v46, v47;
	v47 =	vld [tilespmem:s8+$0x6D70]  }
0x298: {  	[tilespmem:$0x1FC50] =	vst v51;
	v51 =	vmul.f32 v7, v34;
	v7 =	vmul.f32 v61, v55;
	v61 =	vld [tilespmem:s8+$0x6E10]  }
0x299: {  	v20 =	vmul.f32 v20, v40;
	[tilespmem:$0x1FC80] =	vst v56;
	v56 =	vld [tilespmem:s8+$0x6EF0];
	v39 =	vadd.f32 v63, v39;
	v63 =	vmul.f32 v6, v34  }
0x29a: {  	v2 =	vld [tilespmem:s8+$0x6E80];
	v10 =	vmul.f32 v10, v41;
	v43 =	vadd.f32 v5, v43;
	v5 =	vmul.f32 v14, v35;
	[tilespmem:$0x1FC70] =	vst v51  }
0x29b: {  	v51 =	vld [tilespmem:s8+$0x6D90];
	[tilespmem:$0x1FC60] =	vst v63;
	v63 =	vmul.f32 v13, v34;
	v6 =	vmul.f32 v42, v58  }
0x29c: {  	v39 =	vadd.f32 v7, v39;
	v42 =	vld [tilespmem:s8+$0x6D80];
	v7 =	vmul.f32 v50, v55;
	v15 =	vmul.f32 v47, v54  }
0x29d: {  	v14 =	vld [tilespmem:s8+$0x6DF0];
	v47 =	vmul.f32 v31, v36;
	v28 =	vmul.f32 v61, v53  }
0x29e: {  	v13 =	vld [tilespmem:s8+$0x6E00];
	v31 =	vmul.f32 v56, v48;
	v56 =	vmul.f32 v52, v40;
	v46 =	vadd.f32 v6, v46  }
0x29f: {  	v50 =	vld [tilespmem:s8+$0x6E70];
	v6 =	vmul.f32 v62, v55;
	v15 =	vadd.f32 v15, v39;
	v62 =	vmul.f32 v21, v35  }
0x2a0: {  	v61 =	vld [tilespmem:s8+$0x6F00];
	v39 =	vmul.f32 v12, v40;
	v21 =	vmul.f32 v51, v54;
	v46 =	vadd.f32 v7, v46  }
0x2a1: {  	v43 =	vadd.f32 v6, v43;
	v7 =	vmul.f32 v18, v35;
	v18 =	vmul.f32 v42, v54;
	v42 =	vld [tilespmem:s8+$0x6E90]  }
0x2a2: {  	v52 =	vld [tilespmem:$0x1FCA0];
	v12 =	vmul.f32 v23, v44;
	v21 =	vadd.f32 v21, v46;
	v46 =	vmul.f32 v30, v36  }
0x2a3: {  	v30 =	vld [tilespmem:s8+$0x6F70];
	v18 =	vadd.f32 v18, v43;
	v43 =	vmul.f32 v26, v35;
	v26 =	vmul.f32 v14, v53  }
0x2a4: {  	v23 =	vld [tilespmem:s8+$0x6E20];
	v14 =	vmul.f32 v27, v36;
	v27 =	vmul.f32 v13, v53;
	v21 =	vadd.f32 v28, v21  }
0x2a5: {  	v28 =	vmul.f32 v2, v49;
	v26 =	vadd.f32 v26, v15;
	v15 =	vmul.f32 v29, v36;
	v29 =	vld [tilespmem:s8+$0x6F10]  }
0x2a6: {  	[tilespmem:$0x1FC40] =	vst v1;
	v18 =	vadd.f32 v27, v18;
	v27 =	vmul.f32 v50, v49;
	v1 =	vmul.f32 v42, v49;
	v42 =	vld [tilespmem:s8+$0x6F80]  }
0x2a7: {  	[tilespmem:$0x1FC90] =	vst v62;
	v62 =	vld [tilespmem:s8+$0x6F90];
	v2 =	vmul.f32 v32, v37;
	v50 =	vmul.f32 v24, v37  }
0x2a8: {  	v26 =	vadd.f32 v27, v26;
	v28 =	vadd.f32 v28, v18;
	v24 =	vmul.f32 v30, v45;
	v30 =	vld [tilespmem:s8+$0x6F20]  }
0x2a9: {  	v18 =	vmul.f32 v33, v37;
	v33 =	vld [tilespmem:s8+$0x6EA0];
	v32 =	vadd.f32 v1, v21;
	v1 =	vmul.f32 v61, v48  }
0x2aa: {  	v51 =	vmul.f32 v22, v37;
	v27 =	vld [tilespmem:s8+$0x6EB0];
	v21 =	vmul.f32 v38, v37;
	v26 =	vadd.f32 v31, v26  }
0x2ab: {  	v38 =	vld [tilespmem:s8+$0x6F30];
	v29 =	vmul.f32 v29, v48;
	v28 =	vadd.f32 v1, v28;
	v22 =	vmul.f32 v42, v45  }
0x2ac: {  	v61 =	vld [tilespmem:$0x1FCB0];
	v24 =	vadd.f32 v24, v26;
	v26 =	vmul.f32 v62, v45;
	v42 =	vmul.f32 v8, v41  }
0x2ad: {  	v31 =	vld [tilespmem:s8+$0x6FB0];
	v62 =	vmul.f32 v52, v41;
	v52 =	vmul.f32 v19, v44;
	v29 =	vadd.f32 v29, v32  }
0x2ae: {  	v8 =	vld [tilespmem:s8+$0x6D20];
	v22 =	vadd.f32 v22, v28;
	v28 =	vmul.f32 v16, v40;
	v16 =	vmul.f32 v25, v44  }
0x2af: {  	v32 =	vmul.f32 v57, v44;
	v57 =	vmul.f32 v4, v40;
	v4 =	vld [tilespmem:s8+$0x6DA0]  }
0x2b0: {  	v19 =	vmul.f32 v30, v48;
	v30 =	vld [tilespmem:s8+$0x6C20];
	v26 =	vadd.f32 v26, v29;
	v16 =	vadd.f32 v16, v24  }
0x2b1: {  	v25 =	vld [tilespmem:s8+$0x6E30];
	v61 =	vmul.f32 v61, v41;
	v12 =	vadd.f32 v12, v22;
	v24 =	vmul.f32 v0, v41  }
0x2b2: {  	v29 =	vld [tilespmem:s8+$0x6CB0];
	v22 =	vadd.f32 v32, v26;
	v26 =	vadd.f32 v10, v16;
	v16 =	vmul.f32 v9, v45  }
0x2b3: {  	v32 =	vld [tilespmem:s8+$0x6DB0];
	v42 =	vadd.f32 v42, v12;
	v12 =	vmul.f32 v17, v44;
	v17 =	vmul.f32 v31, v45  }
0x2b4: {  	v9 =	vld [tilespmem:s8+$0x6D30];
	v3 =	vadd.f32 v24, v22;
	v22 =	vmul.f32 v33, v49;
	v26 =	vadd.f32 v20, v26  }
0x2b5: {  	v10 =	vld [tilespmem:s8+$0x6CA0];
	v20 =	vmul.f32 v38, v48;
	v38 =	vadd.f32 v28, v42;
	v42 =	vimm.f32 $0.0e+00  }
0x2b6: {  	v31 =	vld [tilespmem:s8+$0x6C30];
	v24 =	vmul.f32 v23, v53;
	v23 =	vmul.f32 v27, v49;
	[tilespmem:$0x1FCC0] =	vst v42;
	v42 =	vimm.f32 $0.0e+00  }
0x2b7: {  	v25 =	vmul.f32 v25, v53;
	v33 =	vld [tilespmem:s8+$0x6BA0];
	v28 =	vmul.f32 v4, v54;
	[tilespmem:$0x1FCD0] =	vst v42;
	v42 =	vimm.f32 $0.0e+00  }
0x2b8: {  	s6 =	simm.s32 $0x2000;
	v39 =	vadd.f32 v39, v3;
	v26 =	vadd.f32 v2, v26;
	v27 =	vmul.f32 v32, v54;
	v32 =	vld [tilespmem:s8+$0x6BB0];
	[tilespmem:$0x1FCE0] =	vst v42  }
.LBB2_5:
0x2b9: {  	v0 =	vld [tilespmem:$0x1FC80]  }
0x2ba: {  	v18 =	vadd.f32 v18, v38;
	v38 =	vld [tilespmem:s8+$0x6BC4]  }
0x2bb: {  	v42 =	vld [tilespmem:s8+$0x6BC0]  }
0x2bc: {  	v3 =	vld [tilespmem:$0x1FCD0];
	v13 =	vadd.f32 v11, v18  }
0x2bd: {  	v4 =	vld [tilespmem:$0x1FCE0]  }
0x2be: {  	v21 =	vadd.f32 v21, v39;
	v6 =	vadd.f32 v0, v13;
	v13 =	vmul.f32 v32, v60;
	v32 =	vld [tilespmem:$0x1FC40]  }
0x2bf: {  	v39 =	vmul.f32 v10, v58;
	v10 =	vadd.f32 v14, v26;
	v2 =	vmul.f32 v38, v60;
	v38 =	vld [tilespmem:$0x1FC60]  }
0x2c0: {  	v15 =	vadd.f32 v15, v21;
	v11 =	vld [tilespmem:s8+$0x7244]  }
0x2c1: {  	v14 =	vld [tilespmem:s8+$0x6C40];
	v5 =	vadd.f32 v5, v10  }
0x2c2: {  	v33 =	vmul.f32 v33, v60;
	v7 =	vadd.f32 v7, v15;
	v15 =	vmul.f32 v42, v60;
	v60 =	vld [tilespmem:$0x1FC30]  }
0x2c3: {  	v10 =	vadd.f32 v32, v5;
	v32 =	vld [tilespmem:$0x1FC50]  }
0x2c4: {  	v18 =	vmul.f32 v30, v59;
	v30 =	vadd.f32 v38, v7;
	v38 =	vld [tilespmem:$0x1FCC0]  }
0x2c5: {  	v21 =	vmul.f32 v31, v59;
	v31 =	vld [tilespmem:s8+$0x6C44]  }
0x2c6: {  	v26 =	vmul.f32 v29, v58;
	v29 =	vld [tilespmem:s8+$0x6CC0]  }
0x2c7: {  	v8 =	vmul.f32 v8, v55;
	v42 =	vld [tilespmem:s8+$0x6CC4]  }
0x2c8: {  	v9 =	vmul.f32 v9, v55;
	v3 =	vadd.f32 v15, v3;
	v5 =	vld [tilespmem:s8+$0x6D40];
	v1 =	vadd.f32 v33, v60  }
0x2c9: {  	v7 =	vld [tilespmem:s8+$0x6D44];
	v32 =	vadd.f32 v32, v6;
	v6 =	vmul.f32 v14, v59;
	v0 =	vadd.f32 v13, v38  }
0x2ca: {  	v2 =	vadd.f32 v2, v4;
	v4 =	vmul.f32 v31, v59;
	v1 =	vadd.f32 v18, v1;
	v13 =	vld [tilespmem:s8+$0x6DC0]  }
0x2cb: {  	v15 =	vld [tilespmem:s8+$0x6DC4];
	v14 =	vmul.f32 v29, v58;
	v3 =	vadd.f32 v6, v3;
	v0 =	vadd.f32 v21, v0  }
0x2cc: {  	v2 =	vadd.f32 v4, v2;
	v4 =	vmul.f32 v42, v58;
	v1 =	vadd.f32 v39, v1;
	v6 =	vld [tilespmem:s8+$0x6E40]  }
0x2cd: {  	v18 =	vld [tilespmem:s8+$0x6E44];
	v5 =	vmul.f32 v5, v55;
	v3 =	vadd.f32 v14, v3;
	v0 =	vadd.f32 v26, v0  }
0x2ce: {  	v2 =	vadd.f32 v4, v2;
	v4 =	vmul.f32 v7, v55;
	v7 =	vld [tilespmem:s8+$0x6EC0];
	v1 =	vadd.f32 v8, v1  }
0x2cf: {  	v8 =	vmul.f32 v13, v54;
	v3 =	vadd.f32 v5, v3;
	v0 =	vadd.f32 v9, v0;
	v9 =	vld [tilespmem:s8+$0x6EC4]  }
0x2d0: {  	v2 =	vadd.f32 v4, v2;
	v4 =	vmul.f32 v15, v54;
	v5 =	vld [tilespmem:s8+$0x6F40]  }
0x2d1: {  	v13 =	vld [tilespmem:s8+$0x6F44];
	v6 =	vmul.f32 v6, v53;
	v3 =	vadd.f32 v8, v3  }
0x2d2: {  	v2 =	vadd.f32 v4, v2;
	v4 =	vmul.f32 v18, v53;
	v8 =	vld [tilespmem:s8+$0x6FC0]  }
0x2d3: {  	v14 =	vld [tilespmem:s8+$0x6FC4];
	v7 =	vmul.f32 v7, v49;
	v0 =	vadd.f32 v27, v0;
	v3 =	vadd.f32 v6, v3  }
0x2d4: {  	v2 =	vadd.f32 v4, v2;
	v6 =	vld [tilespmem:s8+$0x7040];
	v4 =	vmul.f32 v9, v49  }
0x2d5: {  	v0 =	vadd.f32 v25, v0;
	v5 =	vmul.f32 v5, v48;
	v9 =	vld [tilespmem:s8+$0x7044];
	v3 =	vadd.f32 v7, v3  }
0x2d6: {  	v7 =	vld [tilespmem:s8+$0x70C0];
	v2 =	vadd.f32 v4, v2;
	v4 =	vmul.f32 v13, v48  }
0x2d7: {  	v0 =	vadd.f32 v23, v0;
	v8 =	vmul.f32 v8, v45;
	v13 =	vld [tilespmem:s8+$0x70C4];
	v3 =	vadd.f32 v5, v3  }
0x2d8: {  	v5 =	vld [tilespmem:s8+$0x7140];
	v2 =	vadd.f32 v4, v2;
	v4 =	vmul.f32 v14, v45  }
0x2d9: {  	v0 =	vadd.f32 v20, v0;
	v6 =	vmul.f32 v6, v44;
	v14 =	vld [tilespmem:s8+$0x7144];
	v3 =	vadd.f32 v8, v3  }
0x2da: {  	v8 =	vld [tilespmem:s8+$0x71C0];
	v2 =	vadd.f32 v4, v2;
	v4 =	vmul.f32 v9, v44  }
0x2db: {  	v0 =	vadd.f32 v17, v0;
	v7 =	vmul.f32 v7, v41;
	v9 =	vld [tilespmem:s8+$0x71C4];
	v3 =	vadd.f32 v6, v3  }
0x2dc: {  	v6 =	vld [tilespmem:s8+$0x7240];
	v2 =	vadd.f32 v4, v2;
	v4 =	vmul.f32 v13, v41  }
0x2dd: {  	v0 =	vadd.f32 v12, v0;
	v5 =	vmul.f32 v5, v40;
	v12 =	vld [tilespmem:s8+$0x72C4];
	v3 =	vadd.f32 v7, v3  }
0x2de: {  	v7 =	vld [tilespmem:s8+$0x72C0];
	v2 =	vadd.f32 v4, v2;
	v4 =	vmul.f32 v14, v40  }
0x2df: {  	v3 =	vadd.f32 v5, v3;
	v5 =	vld [tilespmem:s8+$0x7340]  }
0x2e0: {  	v8 =	vmul.f32 v8, v37;
	v2 =	vadd.f32 v4, v2;
	v4 =	vmul.f32 v9, v37;
	v9 =	vld [tilespmem:s8+$0x7344];
	s8 =	sshra.s32 s6, $0x2  }
0x2e1: {  	v13 =	vld [tilespmem:s8+$0x72F0]  }
0x2e2: {  	v3 =	vadd.f32 v8, v3;
	v8 =	vld [tilespmem:s8+$0x7300]  }
0x2e3: {  	v14 =	vld [tilespmem:s8+$0x7310]  }
0x2e4: {  	v1 =	vadd.f32 v28, v1;
	v15 =	vld [tilespmem:s8+$0x7330]  }
0x2e5: {  	v18 =	vld [tilespmem:s8+$0x7290]  }
0x2e6: {  	v1 =	vadd.f32 v24, v1;
	v21 =	vld [tilespmem:s8+$0x72A0]  }
0x2e7: {  	v25 =	vld [tilespmem:s8+$0x72B0]  }
0x2e8: {  	v1 =	vadd.f32 v22, v1;
	v26 =	vld [tilespmem:s8+$0x71F0]  }
0x2e9: {  	v27 =	vld [tilespmem:s8+$0x7200]  }
0x2ea: {  	v1 =	vadd.f32 v19, v1;
	v28 =	vld [tilespmem:s8+$0x7210]  }
0x2eb: {  	v29 =	vld [tilespmem:s8+$0x7220]  }
0x2ec: {  	v1 =	vadd.f32 v16, v1;
	v31 =	vld [tilespmem:s8+$0x7230]  }
0x2ed: {  	v0 =	vadd.f32 v61, v0;
	v33 =	vld [tilespmem:s8+$0x7170]  }
0x2ee: {  	v1 =	vadd.f32 v52, v1;
	v38 =	vld [tilespmem:s8+$0x7180]  }
0x2ef: {  	v0 =	vadd.f32 v57, v0;
	v39 =	vld [tilespmem:s8+$0x7190]  }
0x2f0: {  	v1 =	vadd.f32 v62, v1;
	v42 =	vld [tilespmem:s8+$0x71A0]  }
0x2f1: {  	v0 =	vadd.f32 v51, v0;
	v51 =	vld [tilespmem:s8+$0x71B0]  }
0x2f2: {  	v1 =	vadd.f32 v56, v1;
	v56 =	vld [tilespmem:s8+$0x70F0];
	v2 =	vadd.f32 v4, v2;
	v4 =	vmul.f32 v11, v36  }
0x2f3: {  	v57 =	vld [tilespmem:s8+$0x7100]  }
0x2f4: {  	v11 =	vld [tilespmem:$0x1FC90];
	v2 =	vadd.f32 v4, v2;
	v4 =	vmul.f32 v12, v35  }
0x2f5: {  	v1 =	vadd.f32 v50, v1;
	v61 =	vld [tilespmem:s8+$0x7110]  }
0x2f6: {  	v2 =	vadd.f32 v4, v2;
	v4 =	vmul.f32 v9, v34;
	v9 =	vld [tilespmem:$0x1FC70]  }
0x2f7: {  	v1 =	vadd.f32 v46, v1;
	v62 =	vld [tilespmem:s8+$0x7120]  }
0x2f8: {  	v46 =	vld [tilespmem:s8+$0x7070]  }
0x2f9: {  	v50 =	vld [tilespmem:s8+$0x7090];
	v1 =	vadd.f32 v11, v1  }
0x2fa: {  	v52 =	vld [tilespmem:s8+$0x70A0]  }
0x2fb: {  	v60 =	vld [tilespmem:s8+$0x7000];
	v1 =	vadd.f32 v9, v1  }
0x2fc: {  	s9 =	sadd.s32 $0x10, s9;
	v16 =	vld [tilespmem:s8+$0x7020]  }
0x2fd: {  	[tilespmem:$0x1FC30] =	vst v1;
	v1 =	vld [tilespmem:s9+$0x0]  }
0x2fe: {  	v17 =	vld [tilespmem:s8+$0x7030]  }
0x2ff: {  	v22 =	vld [tilespmem:s8+$0x6F70]  }
0x300: {  	v6 =	vmul.f32 v6, v36;
	v24 =	vld [tilespmem:s8+$0x6F80]  }
0x301: {  	v7 =	vmul.f32 v7, v35;
	v23 =	vld [tilespmem:s8+$0x6F90]  }
0x302: {  	v20 =	vld [tilespmem:s8+$0x6FA0];
	v3 =	vadd.f32 v6, v3;
	v5 =	vmul.f32 v5, v34;
	v35 =	vbroadcast v1, $0xE  }
0x303: {  	v19 =	vld [tilespmem:s8+$0x6FB0];
	v0 =	vadd.f32 v47, v0;
	v34 =	vbroadcast v1, $0xF;
	v37 =	vbroadcast v1, $0xC  }
0x304: {  	v6 =	vld [tilespmem:s8+$0x7320];
	v3 =	vadd.f32 v7, v3;
	v36 =	vbroadcast v1, $0xD;
	v41 =	vbroadcast v1, $0xA  }
0x305: {  	v47 =	vld [tilespmem:s8+$0x7080];
	v0 =	vadd.f32 v43, v0;
	v40 =	vbroadcast v1, $0xB;
	v45 =	vbroadcast v1, $0x8  }
0x306: {  	v7 =	vld [tilespmem:s8+$0x7270];
	v58 =	vadd.f32 v5, v3;
	v44 =	vbroadcast v1, $0x9;
	v49 =	vbroadcast v1, $0x6  }
0x307: {  	[tilespmem:$0x1FB10] =	vst v60;
	v0 =	vadd.f32 v63, v0;
	v9 =	vld [tilespmem:s8+$0x7280];
	v48 =	vbroadcast v1, $0x7;
	v54 =	vbroadcast v1, $0x4  }
0x308: {  	v12 =	vld [tilespmem:s8+$0x7010];
	[tilespmem:$0x1FCD0] =	vst v58;
	v59 =	vadd.f32 v4, v2;
	v53 =	vbroadcast v1, $0x5;
	v58 =	vbroadcast v1, $0x2  }
0x309: {  	v43 =	vld [tilespmem:s8+$0x7130];
	[tilespmem:$0x1FCC0] =	vst v0;
	v55 =	vbroadcast v1, $0x3;
	v0 =	vmul.f32 v13, v34  }
0x30a: {  	v63 =	vld [tilespmem:s8+$0x70B0];
	[tilespmem:$0x1FCE0] =	vst v59;
	v60 =	vbroadcast v1, $0x0;
	v59 =	vbroadcast v1, $0x1  }
0x30b: {  	v2 =	vld [tilespmem:s8+$0x6FF0];
	v5 =	vmul.f32 v15, v34;
	[tilespmem:$0x1FC40] =	vst v0;
	v0 =	vmul.f32 v8, v34  }
0x30c: {  	v4 =	vld [tilespmem:s8+$0x6CF0];
	v3 =	vmul.f32 v9, v35;
	v11 =	vmul.f32 v27, v36  }
0x30d: {  	v1 =	vld [tilespmem:s8+$0x6E70];
	v15 =	vmul.f32 v28, v36;
	[tilespmem:$0x1FC50] =	vst v0;
	v0 =	vmul.f32 v14, v34  }
0x30e: {  	v9 =	vld [tilespmem:s8+$0x6DF0];
	v33 =	vmul.f32 v33, v37;
	v27 =	vmul.f32 v57, v40  }
0x30f: {  	v57 =	vmul.f32 v43, v40;
	v43 =	vld [tilespmem:s8+$0x6C10];
	[tilespmem:$0x1FC60] =	vst v0;
	v0 =	vmul.f32 v6, v34  }
0x310: {  	v13 =	vmul.f32 v51, v37;
	v28 =	vmul.f32 v61, v40;
	v51 =	vld [tilespmem:s8+$0x6C80]  }
0x311: {  	v61 =	vmul.f32 v63, v41;
	v63 =	vld [tilespmem:s8+$0x6D00];
	[tilespmem:$0x1FC70] =	vst v0;
	v0 =	vmul.f32 v25, v35  }
0x312: {  	v8 =	vld [tilespmem:s8+$0x6EF0];
	[tilespmem:$0x1FB50] =	vst v33  }
0x313: {  	v33 =	vmul.f32 v31, v36;
	v31 =	vld [tilespmem:s8+$0x6BF0];
	[tilespmem:$0x1FB40] =	vst v0;
	v0 =	vmul.f32 v29, v36  }
0x314: {  	[tilespmem:$0x1FC80] =	vst v3;
	v3 =	vmul.f32 v21, v35;
	v21 =	vmul.f32 v39, v37;
	v39 =	vld [tilespmem:s8+$0x6B90]  }
0x315: {  	v6 =	vmul.f32 v7, v35;
	[tilespmem:$0x1FB20] =	vst v0;
	v0 =	vld [tilespmem:s8+$0x6B70]  }
0x316: {  	v7 =	vmul.f32 v18, v35;
	v18 =	vmul.f32 v38, v37;
	v38 =	vld [tilespmem:s8+$0x6B80]  }
0x317: {  	v14 =	vmul.f32 v26, v36;
	v25 =	vmul.f32 v42, v37;
	v42 =	vld [tilespmem:s8+$0x6C00]  }
0x318: {  	v26 =	vmul.f32 v56, v40;
	v56 =	vmul.f32 v62, v40;
	v29 =	vld [tilespmem:s8+$0x6C70]  }
0x319: {  	[tilespmem:$0x1FC90] =	vst v3;
	v62 =	vmul.f32 v52, v41;
	v52 =	vld [tilespmem:s8+$0x6C90];
	v39 =	vmul.f32 v39, v60  }
0x31a: {  	v3 =	vld [tilespmem:s8+$0x6D70];
	[tilespmem:$0x1FB30] =	vst v33;
	v33 =	vmul.f32 v0, v60  }
0x31b: {  	v31 =	vmul.f32 v31, v59;
	v30 =	vadd.f32 v39, v30;
	v39 =	vld [tilespmem:s8+$0x6D80];
	v38 =	vmul.f32 v38, v60  }
0x31c: {  	v0 =	vmul.f32 v43, v59;
	v10 =	vadd.f32 v33, v10;
	v33 =	vmul.f32 v42, v59;
	v42 =	vld [tilespmem:s8+$0x6D10]  }
0x31d: {  	v50 =	vmul.f32 v50, v41;
	v32 =	vadd.f32 v38, v32;
	v38 =	vld [tilespmem:s8+$0x6E00];
	v29 =	vmul.f32 v29, v58  }
0x31e: {  	v43 =	vld [tilespmem:s8+$0x6D90];
	v30 =	vadd.f32 v0, v30;
	v0 =	vmul.f32 v52, v58;
	v10 =	vadd.f32 v31, v10  }
0x31f: {  	v2 =	vmul.f32 v2, v44;
	v31 =	vmul.f32 v51, v58;
	v32 =	vadd.f32 v33, v32;
	v51 =	vld [tilespmem:s8+$0x6E10]  }
0x320: {  	v4 =	vmul.f32 v4, v55;
	v30 =	vadd.f32 v0, v30;
	v33 =	vld [tilespmem:s8+$0x6E80];
	v10 =	vadd.f32 v29, v10  }
0x321: {  	v29 =	vmul.f32 v63, v55;
	v31 =	vadd.f32 v31, v32;
	v32 =	vld [tilespmem:s8+$0x6E20];
	v52 =	vmul.f32 v42, v55  }
0x322: {  	v3 =	vmul.f32 v3, v54;
	v4 =	vadd.f32 v4, v10;
	v10 =	vmul.f32 v39, v54;
	v39 =	vld [tilespmem:s8+$0x6E90]  }
0x323: {  	v42 =	vld [tilespmem:s8+$0x6F00];
	v29 =	vadd.f32 v29, v31;
	v31 =	vmul.f32 v43, v54;
	v30 =	vadd.f32 v52, v30  }
0x324: {  	v43 =	vld [tilespmem:s8+$0x6F10];
	v3 =	vadd.f32 v3, v4;
	v4 =	vmul.f32 v9, v53;
	v9 =	vmul.f32 v38, v53  }
0x325: {  	v52 =	vld [tilespmem:$0x1FB10];
	v10 =	vadd.f32 v10, v29;
	v29 =	vadd.f32 v31, v30;
	v30 =	vmul.f32 v51, v53  }
0x326: {  	v1 =	vmul.f32 v1, v49;
	v38 =	vld [tilespmem:s8+$0x6E30];
	v3 =	vadd.f32 v4, v3;
	v4 =	vmul.f32 v33, v49  }
0x327: {  	v31 =	vld [tilespmem:s8+$0x6F20];
	v9 =	vadd.f32 v9, v10;
	v10 =	vadd.f32 v30, v29;
	v29 =	vmul.f32 v39, v49  }
0x328: {  	v8 =	vmul.f32 v8, v48;
	v33 =	vld [tilespmem:s8+$0x6F30];
	v30 =	vmul.f32 v42, v48;
	v1 =	vadd.f32 v1, v3  }
0x329: {  	v39 =	vld [tilespmem:s8+$0x6EA0];
	v4 =	vadd.f32 v4, v9;
	v9 =	vadd.f32 v29, v10;
	v10 =	vmul.f32 v43, v48  }
0x32a: {  	v42 =	vld [tilespmem:s8+$0x6DA0];
	v1 =	vadd.f32 v8, v1;
	v8 =	vmul.f32 v22, v45;
	v22 =	vmul.f32 v24, v45  }
0x32b: {  	v3 =	vld [tilespmem:s8+$0x6EB0];
	v4 =	vadd.f32 v30, v4;
	v9 =	vadd.f32 v10, v9;
	v10 =	vmul.f32 v23, v45  }
0x32c: {  	v43 =	vld [tilespmem:s8+$0x6DB0];
	v24 =	vmul.f32 v12, v44;
	v12 =	vmul.f32 v17, v44;
	v1 =	vadd.f32 v8, v1  }
0x32d: {  	v29 =	vld [tilespmem:s8+$0x6CB0];
	v23 =	vmul.f32 v52, v44;
	v4 =	vadd.f32 v22, v4;
	v22 =	vadd.f32 v10, v9  }
0x32e: {  	v17 =	vmul.f32 v19, v45;
	v19 =	vmul.f32 v31, v48;
	v30 =	vld [tilespmem:s8+$0x6C20];
	v1 =	vadd.f32 v2, v1  }
0x32f: {  	v31 =	vld [tilespmem:s8+$0x6C30];
	v52 =	vmul.f32 v16, v44;
	v2 =	vadd.f32 v23, v4;
	v4 =	vadd.f32 v24, v22  }
0x330: {  	v16 =	vmul.f32 v20, v45;
	v20 =	vmul.f32 v33, v48;
	v33 =	vld [tilespmem:s8+$0x6BA0]  }
0x331: {  	v8 =	vld [tilespmem:s8+$0x6D20];
	v4 =	vadd.f32 v50, v4  }
0x332: {  	v46 =	vmul.f32 v46, v41;
	v9 =	vld [tilespmem:s8+$0x6D30]  }
0x333: {  	p0 =	sne.s32 s6, $0x18000;
	v22 =	vmul.f32 v39, v49;
	v39 =	vadd.f32 v28, v4;
	v28 =	vmul.f32 v42, v54;
	v42 =	vld [tilespmem:$0x1FB50]  }
.Ltmp1:
0x334: {  	v47 =	vmul.f32 v47, v41;
	v10 =	vld [tilespmem:s8+$0x6CA0];
	v1 =	vadd.f32 v46, v1;
	(pc) =	sbr.rel @p0 .LBB2_5-.Ltmp1, $4  }
0x335: {  	v24 =	vmul.f32 v32, v53;
	v32 =	vld [tilespmem:s8+$0x6BB0]  }
0x336: {  	v46 =	vld [tilespmem:$0x1FB20];
	v2 =	vadd.f32 v47, v2;
	v1 =	vadd.f32 v26, v1  }
0x337: {  	v63 =	vmovc v5;
	v5 =	vmovc v6;
	v23 =	vmul.f32 v3, v49;
	v47 =	vld [tilespmem:$0x1FB30];
	v50 =	vmov v25;
	v25 =	vmul.f32 v38, v53  }
0x338: {  	s6 =	sadd.s32 $0x2000, s6;
	v51 =	vmovc v13;
	v38 =	vadd.f32 v27, v2;
	v27 =	vmul.f32 v43, v54;
	v43 =	vld [tilespmem:$0x1FB40];
	v26 =	vadd.f32 v42, v1  }
0x339: {  	v4 =	vld [tilespmem:s8+$0x6BC0]  }
0x33a: {  	v13 =	vld [tilespmem:s8+$0x6BC4]  }
0x33b: {  	v0 =	vld [tilespmem:$0x1FC80]  }
0x33c: {  	v6 =	vld [tilespmem:s8+$0x6C40]  }
0x33d: {  	v2 =	vadd.f32 v21, v39;
	v39 =	vld [tilespmem:$0x1FC50]  }
0x33e: {  	v21 =	vld [tilespmem:$0x1FC30]  }
0x33f: {  	v3 =	vadd.f32 v14, v26;
	v26 =	vld [tilespmem:$0x1FC40]  }
0x340: {  	v14 =	vld [tilespmem:s8+$0x6C44]  }
0x341: {  	v1 =	vadd.f32 v18, v38;
	v38 =	vmul.f32 v33, v60;
	v18 =	vld [tilespmem:s8+$0x6CC0]  }
0x342: {  	v33 =	vmul.f32 v31, v59;
	v31 =	vld [tilespmem:s8+$0x6DC0];
	v2 =	vadd.f32 v15, v2;
	v3 =	vadd.f32 v5, v3  }
0x343: {  	v1 =	vadd.f32 v11, v1;
	v11 =	vld [tilespmem:$0x1FC60]  }
0x344: {  	v42 =	vmul.f32 v32, v60;
	v7 =	vadd.f32 v7, v2;
	v2 =	vadd.f32 v26, v3;
	v26 =	vld [tilespmem:$0x1FCC0]  }
0x345: {  	v32 =	vmul.f32 v30, v59;
	v4 =	vmul.f32 v4, v60;
	v3 =	vadd.f32 v38, v21;
	v38 =	vld [tilespmem:$0x1FCD0]  }
0x346: {  	v1 =	vadd.f32 v0, v1;
	v6 =	vmul.f32 v6, v59;
	v14 =	vmul.f32 v14, v59;
	v59 =	vld [tilespmem:s8+$0x6D44]  }
0x347: {  	v13 =	vmul.f32 v13, v60;
	v21 =	vmul.f32 v31, v54;
	v31 =	vld [tilespmem:s8+$0x6F44]  }
0x348: {  	v60 =	vmul.f32 v10, v58;
	v5 =	vadd.f32 v39, v1;
	v39 =	vld [tilespmem:$0x1FCE0];
	v3 =	vadd.f32 v32, v3  }
0x349: {  	v1 =	vadd.f32 v11, v7;
	v7 =	vld [tilespmem:s8+$0x6CC4]  }
0x34a: {  	v3 =	vadd.f32 v60, v3;
	v60 =	vld [tilespmem:s8+$0x6EC0]  }
0x34b: {  	v0 =	vadd.f32 v42, v26;
	v42 =	vld [tilespmem:s8+$0x6D40]  }
0x34c: {  	v4 =	vadd.f32 v4, v38;
	v26 =	vld [tilespmem:s8+$0x6EC4]  }
0x34d: {  	v30 =	vmul.f32 v29, v58;
	v38 =	vmul.f32 v8, v55;
	v13 =	vadd.f32 v13, v39;
	v39 =	vld [tilespmem:s8+$0x6E40]  }
0x34e: {  	v32 =	vmul.f32 v18, v58;
	v0 =	vadd.f32 v33, v0;
	v4 =	vadd.f32 v6, v4;
	v33 =	vld [tilespmem:s8+$0x6DC4]  }
0x34f: {  	v9 =	vmul.f32 v9, v55;
	v7 =	vmul.f32 v7, v58;
	v58 =	vld [tilespmem:s8+$0x6E44];
	v3 =	vadd.f32 v38, v3  }
0x350: {  	v38 =	vld [tilespmem:s8+$0x6FC4];
	v0 =	vadd.f32 v30, v0;
	v4 =	vadd.f32 v32, v4;
	v42 =	vmul.f32 v42, v55  }
0x351: {  	v59 =	vmul.f32 v59, v55;
	v13 =	vadd.f32 v14, v13;
	v3 =	vadd.f32 v28, v3;
	v30 =	vld [tilespmem:s8+$0x6F40]  }
0x352: {  	v6 =	vmul.f32 v60, v49;
	v28 =	vld [tilespmem:s8+$0x72C4];
	v0 =	vadd.f32 v9, v0;
	v4 =	vadd.f32 v42, v4  }
0x353: {  	v7 =	vadd.f32 v7, v13;
	v10 =	vmul.f32 v26, v49;
	v49 =	vld [tilespmem:s8+$0x70C0];
	v3 =	vadd.f32 v24, v3  }
0x354: {  	v55 =	vld [tilespmem:s8+$0x7140];
	v8 =	vmul.f32 v39, v53;
	v0 =	vadd.f32 v27, v0;
	v4 =	vadd.f32 v21, v4  }
0x355: {  	v39 =	vld [tilespmem:s8+$0x7040];
	v7 =	vadd.f32 v59, v7;
	v29 =	vmul.f32 v33, v54;
	v3 =	vadd.f32 v22, v3  }
0x356: {  	v33 =	vld [tilespmem:s8+$0x6FC0];
	v0 =	vadd.f32 v25, v0;
	v4 =	vadd.f32 v8, v4  }
0x357: {  	v32 =	vmul.f32 v58, v53;
	v42 =	vld [tilespmem:s8+$0x7044];
	v7 =	vadd.f32 v29, v7;
	v3 =	vadd.f32 v19, v3  }
0x358: {  	v15 =	vmul.f32 v30, v48;
	v21 =	vld [tilespmem:s8+$0x7244];
	v0 =	vadd.f32 v23, v0;
	v4 =	vadd.f32 v6, v4  }
0x359: {  	v19 =	vld [tilespmem:s8+$0x7240];
	v7 =	vadd.f32 v32, v7;
	v3 =	vadd.f32 v16, v3  }
0x35a: {  	v0 =	vadd.f32 v20, v0;
	v4 =	vadd.f32 v15, v4;
	v15 =	vld [tilespmem:$0x1FB60]  }
0x35b: {  	v9 =	vmul.f32 v31, v48;
	v53 =	vld [tilespmem:s8+$0x70C4];
	v8 =	vmul.f32 v38, v45;
	v7 =	vadd.f32 v10, v7  }
0x35c: {  	v14 =	vmul.f32 v33, v45;
	v3 =	vadd.f32 v52, v3;
	v0 =	vadd.f32 v17, v0;
	v17 =	vld [tilespmem:$0x1FB70]  }
0x35d: {  	v58 =	vld [tilespmem:s8+$0x7144];
	v33 =	vmul.f32 v2, v2;
	v26 =	vmul.f32 v21, v36;
	v7 =	vadd.f32 v9, v7  }
0x35e: {  	v20 =	vld [tilespmem:$0x1FB80];
	v25 =	vmul.f32 v19, v36;
	v36 =	vmul.f32 v5, v5;
	v3 =	vadd.f32 v62, v3  }
0x35f: {  	v22 =	vld [tilespmem:$0x1FB90];
	v6 =	vmul.f32 v42, v44;
	v7 =	vadd.f32 v8, v7;
	v10 =	vadd.f32 $0.0e+00, v15  }
0x360: {  	v54 =	vmul.f32 v39, v44;
	v16 =	vld [tilespmem:s8+$0x71C4];
	v4 =	vadd.f32 v14, v4;
	v39 =	vadd.f32 v36, v33  }
0x361: {  	v24 =	vld [tilespmem:$0x1FBA0];
	v60 =	vmul.f32 v53, v41;
	v6 =	vadd.f32 v6, v7;
	v8 =	vadd.f32 v10, v17  }
0x362: {  	v31 =	vld [tilespmem:$0x1FBC0];
	v0 =	vadd.f32 v12, v0;
	v3 =	vadd.f32 v56, v3  }
0x363: {  	v11 =	vmul.f32 v58, v40;
	v62 =	vld [tilespmem:s8+$0x71C0];
	v6 =	vadd.f32 v60, v6;
	v8 =	vadd.f32 v8, v20  }
0x364: {  	v27 =	vld [tilespmem:$0x1FBB0];
	v59 =	vmul.f32 v49, v41;
	v4 =	vadd.f32 v54, v4;
	v0 =	vadd.f32 v61, v0  }
0x365: {  	v30 =	vld [tilespmem:$0x1FC90];
	v7 =	vmul.f32 v16, v37;
	v6 =	vadd.f32 v11, v6;
	v8 =	vadd.f32 v8, v22  }
0x366: {  	v38 =	vld [tilespmem:$0x1FC70];
	v3 =	vadd.f32 v50, v3;
	v4 =	vadd.f32 v59, v4  }
0x367: {  	v18 =	vmul.f32 v55, v40;
	v23 =	vld [tilespmem:s8+$0x72C0];
	v6 =	vadd.f32 v7, v6;
	v7 =	vadd.f32 v8, v24  }
0x368: {  	v9 =	vmul.f32 v62, v37;
	v37 =	vld [tilespmem:$0x1FBD0];
	v0 =	vadd.f32 v57, v0;
	v3 =	vadd.f32 v46, v3  }
0x369: {  	v29 =	vld [tilespmem:s8+$0x7340];
	v4 =	vadd.f32 v18, v4;
	v7 =	vadd.f32 v7, v27  }
0x36a: {  	v41 =	vld [tilespmem:$0x1FBE0];
	v0 =	vadd.f32 v51, v0;
	v3 =	vadd.f32 v30, v3  }
0x36b: {  	v32 =	vld [tilespmem:s8+$0x7344];
	v4 =	vadd.f32 v9, v4;
	v7 =	vadd.f32 v7, v31  }
0x36c: {  	v40 =	vmul.f32 v1, v1;
	v44 =	vld [tilespmem:$0x1FBF0];
	v0 =	vadd.f32 v47, v0;
	v3 =	vadd.f32 v38, v3  }
0x36d: {  	v9 =	vmul.f32 v23, v35;
	v4 =	vadd.f32 v25, v4;
	v7 =	vadd.f32 v7, v37  }
0x36e: {  	v10 =	vmul.f32 v29, v34;
	v46 =	vld [tilespmem:$0x1FC00];
	v6 =	vadd.f32 v26, v6;
	v0 =	vadd.f32 v43, v0  }
0x36f: {  	v8 =	vmul.f32 v28, v35;
	v4 =	vadd.f32 v9, v4;
	v7 =	vadd.f32 v7, v41  }
0x370: {  	v49 =	vld [tilespmem:$0x1FC10];
	v42 =	vmul.f32 v3, v3;
	v9 =	vadd.f32 v40, v39;
	v0 =	vadd.f32 v63, v0  }
0x371: {  	v43 =	vmul.f32 v32, v34;
	v6 =	vadd.f32 v8, v6;
	v7 =	vadd.f32 v7, v44  }
0x372: {  	v51 =	vld [tilespmem:$0x1FC20];
	v4 =	vadd.f32 v10, v4;
	v9 =	vadd.f32 v42, v9;
	v45 =	vmul.f32 v0, v0  }
0x373: {  	v6 =	vadd.f32 v43, v6;
	v7 =	vadd.f32 v7, v46  }
0x374: {  	v48 =	vmul.f32 v4, v4;
	v47 =	vadd.f32 v45, v9  }
0x375: {  	v50 =	vmul.f32 v6, v6;
	v7 =	vadd.f32 v7, v49  }
0x376: {  	v8 =	vadd.f32 v48, v47  }
0x377: {  	v52 =	vsel vm1, $0x0, v50;
	v7 =	vadd.f32 v7, v51  }
0x378: {  	v8 =	vadd.f32 v52, v8  }
0x379: {  	(xrf2) =	vadd.scan.msk.f32 $0xffff, v7  }
0x37a: {  	(xrf2) =	vadd.scan.msk.f32 $0xffff, v8;
	_ =	sdelay $0x8  }
0x37b: {  	v7, _, _ =	vpop (xrf2)  }
0x37c: {  	(v2sf) =	vpush v7, $0xF;
	v53, _, _ =	vpop (xrf2)  }
0x37d: {  	(v2sf) =	vpush v53, $0xF;
	_ =	sdelay $0xd  }
0x37e: {  	s6 =	spop (v2sf)  }
0x37f: {  	s11 =	spop (v2sf)  }
0x380: {  	s8 =	smax.f32 s11, $1.000000000e-30  }
0x381: {  	s9 =	sshra.s32 s8, $0x1;
	s10 =	smul.f32 $5.000000000e-01, s8  }
0x382: {  	s9 =	ssub.s32 $0x5F3759DF, s9  }
0x383: {  	s11 =	smul.f32 s9, s10;
	_ =	sdelay $0x1  }
0x384: {  	s11 =	smul.f32 s9, s11;
	_ =	sdelay $0x1  }
0x385: {  	s11 =	ssub.f32 $1.500000000e+00, s11;
	_ =	sdelay $0x1  }
0x386: {  	s9 =	smul.f32 s9, s11;
	_ =	sdelay $0x1  }
0x387: {  	s11 =	smul.f32 s9, s10;
	_ =	sdelay $0x1  }
0x388: {  	s11 =	smul.f32 s11, s9;
	_ =	sdelay $0x1  }
0x389: {  	s11 =	ssub.f32 $1.500000000e+00, s11;
	_ =	sdelay $0x1  }
0x38a: {  	s9 =	smul.f32 s11, s9;
	_ =	sdelay $0x1  }
0x38b: {  	s11 =	smul.f32 s9, s10;
	_ =	sdelay $0x1  }
0x38c: {  	s11 =	smul.f32 s11, s9;
	_ =	sdelay $0x1  }
0x38d: {  	s11 =	ssub.f32 $1.500000000e+00, s11;
	_ =	sdelay $0x1  }
0x38e: {  	s9 =	smul.f32 s11, s9;
	_ =	sdelay $0x1  }
0x38f: {  	s10 =	smul.f32 s9, s10;
	_ =	sdelay $0x1  }
0x390: {  	s10 =	smul.f32 s10, s9;
	_ =	sdelay $0x1  }
0x391: {  	s10 =	ssub.f32 $1.500000000e+00, s10;
	_ =	sdelay $0x1  }
0x392: {  	s9 =	smul.f32 s10, s9  }
0x393: {  	s6 =	smul.f32 $9.999999740e-05, s6  }
0x394: {  	s8 =	smul.f32 s9, s8;
	_ =	sdelay $0x1  }
0x395: {  	s6 =	sadd.f32 s8, s6;
	_ =	sdelay $0x1  }
0x396: {  	v54 =	vmov s6  }
0x397: {  	(erf) = vrcp.f32 v54;
	_ =	sdelay $0x6  }
0x398: {  	v55 =	vld [tilespmem:$0x1FEB0]  }
0x399: {  	v56 =	vld [tilespmem:$0x1FEC0]  }
0x39a: {  	v57 =	vld [tilespmem:$0x1FED0];
	v7 =	vpop (erf)  }
0x39b: {  	v58 =	vld [tilespmem:$0x1FEE0];
	v2 =	vmul.f32 v7, v2  }
0x39c: {  	v61 =	vld [tilespmem:$0x1FEF0];
	v5 =	vmul.f32 v7, v5  }
0x39d: {  	v62 =	vld [tilespmem:$0x1FF00];
	v1 =	vmul.f32 v7, v1;
	v2 =	vadd.f32 v2, v55  }
0x39e: {  	v63 =	vld [tilespmem:$0x1FF10];
	v3 =	vmul.f32 v7, v3;
	v5 =	vadd.f32 v5, v56  }
0x39f: {  	s4 =	sadd.s32 $0x1, s4;
	v0 =	vmul.f32 v7, v0;
	v1 =	vadd.f32 v1, v57;
	[tilespmem:s7+$0xD6C8] =	vst v2  }
0x3a0: {  	p0 =	sne.s32 s4, $0x10;
	v59 =	vmul.f32 v7, v4;
	[tilespmem:s7+$0xD6D8] =	vst v5;
	v2 =	vadd.f32 v3, v58  }
.Ltmp2:
0x3a1: {  	v60 =	vmul.f32 v7, v6;
	v0 =	vadd.f32 v0, v61;
	[tilespmem:s7+$0xD6E8] =	vst v1;
	(pc) =	sbr.rel @p0 .LBB2_2-.Ltmp2, $4  }
0x3a2: {  	[tilespmem:s7+$0xD6F8] =	vst v2;
	v2 =	vadd.f32 v59, v62  }
0x3a3: {  	[tilespmem:s7+$0xD708] =	vst v0;
	v0 =	vadd.f32 v60, v63  }
0x3a4: {  	[tilespmem:s7+$0xD718] =	vst v2  }
0x3a5: {  	[tilespmem:s7+$0xD71C] =	vst v0  }
0x3a6: {  	_ =	swait.ge [sflag:s26], $0x68  }
0x3a7: {  	[sflag:s26] =	ssyncset.done $0x0  }
0x3a8: {  	[sflag:s26] =	ssyncadd.s32 $0xFFFFFF98  }
0x3a9: {  	_ =	swait.ge [sflag:s26], $0x68  }
0x3aa: {  	[sflag:s26] =	ssyncset.done $0x0  }
0x3ab: {  	[sflag:s26] =	ssyncadd.s32 $0xFFFFFF98  }
0x3ac: {  	_ =	swait.ge [sflag:s0], $0x68  }
0x3ad: {  	[sflag:s0] =	ssyncset.done $0x0  }
0x3ae: {  	[sflag:s0] =	ssyncadd.s32 $0xFFFFFF98  }
0x3af: {  	_ =	swait.ge [sflag:s0], $0x68  }
0x3b0: {  	[sflag:s0] =	ssyncset.done $0x0  }
0x3b1: {  	[sflag:s0] =	ssyncadd.s32 $0xFFFFFF98  }
0x3b2: {  	_ =	swait.ge [sflag:s0], $0x3400  }
0x3b3: {  	[sflag:s0] =	ssyncset.done $0x0  }
0x3b4: {  	[sflag:s0] =	ssyncadd.s32 $0xFFFFCC00  }
0x3b5: {  	_ =	swait.ge [sflag:s0], $0x3400  }
0x3b6: {  	s9 =	simm.s32 $0x0;
	[sflag:s0] =	ssyncset.done $0x0  }
0x3b7: {  	s6 =	simm.s32 $0xD648;
	s4 =	rddreg [dreg:$0x8];
	[sflag:s0] =	ssyncadd.s32 $0xFFFFCC00  }
0x3b8: {  	[hbm4b:s4+s9] =	stream.linear.scatter [tilespmem:s6], [sflag:$0x5], $0x1000, $0x38;
	[tilespmem:$0xE648] =	vst v63  }
0x3b9: {  	s6 =	simm.s32 $0x5  }
0x3ba: {  	_ =	swait.ge [sflag:s6], $0x1000  }
0x3bb: {  	s7 =	rddreg [dreg:$0xa]  }
0x3bc: {  	s11 =	rddreg [dreg:$0x9];
	s7 =	sadd.s32 $0x1, s7  }
0x3bd: {  	p0 =	sne.s32 s7, s11  }
.Ltmp3:
0x3be: {  	_ = 	snop;
	(pc) =	sbr.rel @p0 .LBB2_1-.Ltmp3, $3  }
0x3bf: {  	_ =	sdelay $0x1  }
0x3c0: {  	[sflag:s6] =	ssyncset.done $0x0  }
0x3c1: {  	[sflag:s6] =	ssyncadd.s32 $0xFFFFF000  }
0x3c2: {  	_ =	sfence.sel $0x180000  }
0x3c3: {  	[bflag:$0x0] =	sbarrier.arrive $0xFFFF  }
0x3c4: {  	_ =	strace $0x90000047  }
0x3c5: {  	s0 =	stileid.u32;
	[bflag:$0x2] =	sbarrier.arrive $0xFFFF  }
0x3c6: {  	p0 =	sne.s32 s0, $0x0;
	s0 =	rddreg [dreg:$0x6]  }
0x3c7: {  	s0 =	sadd.s32 @!p0 $0x100000, s0  }
0x3c8: {  	[sflag:s0] =	ssyncadd.tile.s32 @!p0 $0x1;
	_ =	shalt  }
.Lfunc_end2:
_tile_overlayer_lowered:
.L_overlay_start_2:
0x3c9: {  	(tag) =	ssettag $0x2  }
0x3ca: {  	s0 =	rddreg [dreg:$0x0];
	s2 =	stileid.u32  }
0x3cb: {  	s1 =	rddreg [dreg:$0x1];
	p0 =	sne.s32 s2, $0x0  }
0x3cc: {  	s3 =	rddreg [dreg:$0x2];
	[bflag:$0x3] =	sbarrier.arrive $0xFFFF;
	s2 =	simm.s32 @!p0 $0x1C05  }
0x3cd: {  	[timem:s3], [sflag:s2] =	dma.local @!p0 [hbm:s0], s1  }
0x3ce: {  	s0 =	simm.s32 @!p0 $0x5  }
0x3cf: {  	_ =	swait.ge @!p0 [sflag:s0], s1  }
0x3d0: {  	s1 =	ssub.s32 @!p0 $0x0, s1;
	[sflag:s0] =	ssyncset.done @!p0 $0x0  }
0x3d1: {  	[sflag:s0] =	ssyncadd.s32 @!p0 s1  }
0x3d2: {  	[bflag:$0x3] =	sbarrier.arrive $0xFFFF  }
0x3d3: {  	_ =	shalt  }

</sc_bundles>
